<compile_context>
chip_gen: v7x
topology: tpu7x:2x2x1
jax: 0.10.2.dev20260603
libtpu: 0.0.44.dev20260713+nightly
codegen_flags: <defaults>
</compile_context>

<pallas_src>
import functools

import jax
import jax.numpy as jnp
from jax import lax
from jax.experimental import pallas as pl
from jax.experimental.pallas import tpu as pltpu
from jax.experimental.pallas import tpu_sc as plsc

N = 100000
CH = 32
TAPS = 27
BASE = 66
TBL = 575488
DEFAULT = N
DUMP = 574992

TJ = 800
NT = N // TJ
NP = (NT + 1) * TJ

NW = 32
SH_PTS = 3200
NPC = NW * SH_PTS
CHUNK = 128
NCHUNK = SH_PTS // CHUNK
BC = 896
BCG = BC // CHUNK
AROWS = 136
ZROW = N * TAPS
SCAT_SLICES = 392
SCAT_PTS = SCAT_SLICES * 16
TSEG = TBL // 16
FILL = 4496


def _mm_body(f_ref, w_ref, br_ref, o_ref):
    i = pl.program_id(0)

    @pl.when(i < NT)
    def _():
        y = jnp.dot(f_ref[...], w_ref[...], preferred_element_type=jnp.float32)
        o_ref[...] = y + br_ref[0:1, :]

    @pl.when(i == NT)
    def _():
        o_ref[...] = jnp.zeros((TJ, TAPS * CH), jnp.float32)


def _tc_taps(feats, w_all, brow):
    return pl.pallas_call(
        _mm_body,
        grid=(NT + 1,),
        in_specs=[
            pl.BlockSpec((TJ, CH), lambda i: (jnp.minimum(i, NT - 1), 0)),
            pl.BlockSpec((CH, TAPS * CH), lambda i: (0, 0)),
            pl.BlockSpec((8, TAPS * CH), lambda i: (0, 0)),
        ],
        out_specs=pl.BlockSpec((TJ, TAPS * CH), lambda i: (i, 0)),
        out_shape=jax.ShapeDtypeStruct((NP, TAPS * CH), jnp.float32),
    )(feats, w_all, brow)


def _lin16(cb, p):
    b = cb[0, pl.ds(p, 16)]
    x = cb[1, pl.ds(p, 16)]
    y = cb[2, pl.ds(p, 16)]
    z = cb[3, pl.ds(p, 16)]
    return ((b * BASE + x + 1) * BASE + y + 1) * BASE + z + 1


def _xlane(x, idxv):
    dnums = lax.GatherDimensionNumbers(
        offset_dims=(), collapsed_slice_dims=(0,), start_index_map=(0,))
    return lax.gather(x, idxv[:, None], dnums, (1,),
                      mode=lax.GatherScatterMode.PROMISE_IN_BOUNDS)


def _sc_body(coords_hbm, yflat_hbm, out_hbm,
             table_sh, shacc, cb, linb, idxg, nidg, land, cidxf, cdstf, cdst,
             zbuf, fillb, sidx, sval, sem_a, sem_b):
    cid = lax.axis_index("c")
    tid = lax.axis_index("s")
    wid = tid * 2 + cid

    with jax.named_scope("p0_memset"):
        def fill_body(i, _):
            fillb[pl.ds(i * 16, 16)] = jnp.full((16,), DEFAULT, jnp.int32)
            return 0
        lax.fori_loop(0, FILL // 16, fill_body, 0)
        for i in range(TSEG // FILL):
            pltpu.sync_copy(fillb, table_sh.at[pl.ds(tid * TSEG + i * FILL, FILL)])
        plsc.subcore_barrier()

    with jax.named_scope("p1_scatter"):
        for c in range(4):
            pltpu.sync_copy(coords_hbm.at[c, pl.ds(tid * SCAT_PTS, SCAT_PTS)],
                            cb.at[c, pl.ds(0, SCAT_PTS)])
        lane = lax.iota(jnp.int32, 16)

        def scat_group(g, _):
            for jj in range(8):
                p = g * 128 + jj * 16
                lin = _lin16(cb, p)
                sj = tid * SCAT_SLICES + g * 8 + jj
                valid = sj * 16 < N
                sidx[pl.ds(jj * 16, 16)] = jnp.where(valid, lin, DUMP + lane)
                sval[pl.ds(jj * 16, 16)] = sj * 16 + lane
            pltpu.sync_copy(sval, table_sh.at[sidx])
            return 0
        lax.fori_loop(0, SCAT_SLICES // 8, scat_group, 0)
        plsc.subcore_barrier()

    base = wid * SH_PTS
    with jax.named_scope("p2_lin"):
        for c in range(4):
            pltpu.sync_copy(coords_hbm.at[c, pl.ds(base, SH_PTS)],
                            cb.at[c, pl.ds(0, SH_PTS)])

        def lin_body(s, _):
            linb[pl.ds(s * 16, 16)] = _lin16(cb, s * 16)
            return 0
        lax.fori_loop(0, SH_PTS // 16, lin_body, 0)

        def zb_body(r, _):
            zbuf[r, 0:16] = jnp.zeros((16,), jnp.float32)
            zbuf[r, 16:32] = jnp.zeros((16,), jnp.float32)
            return 0
        lax.fori_loop(0, AROWS, zb_body, 0)


    lane = lax.iota(jnp.int32, 16)
    dst_base = tid * AROWS
    dump_slot = dst_base + CHUNK

    def chunk_body(ch, _):
        p0 = ch * CHUNK

        with jax.named_scope("c_zero"):
            def pre_body(i, _):
                cidxf[pl.ds(i * 16, 16)] = jnp.full((16,), ZROW, jnp.int32)
                cdstf[pl.ds(i * 16, 16)] = jnp.full((16,), dump_slot, jnp.int32)
                return 0
            lax.fori_loop(0, BC // 16, pre_body, 0)
            pltpu.make_async_copy(
                zbuf, shacc.at[pl.ds(dst_base, AROWS)], sem_b).start()

        with jax.named_scope("c_keys"):
            def tap_keys(k, _):
                dk = ((k // 9 - 1) * BASE + (k // 3) % 3 - 1) * BASE + k % 3 - 1
                for jj in range(8):
                    lin = linb[pl.ds(p0 + jj * 16, 16)]
                    idxg[k, pl.ds(jj * 16, 16)] = lin + dk
                return 0
            lax.fori_loop(0, TAPS, tap_keys, 0)

        with jax.named_scope("c_nids"):
            def nid_start(k, _):
                pltpu.make_async_copy(table_sh.at[idxg.at[k]], nidg.at[k], sem_a).start()
                return 0
            lax.fori_loop(0, TAPS, nid_start, 0)

            def nid_wait(k, _):
                pltpu.make_async_copy(table_sh.at[idxg.at[k]], nidg.at[k], sem_a).wait()
                return 0
            lax.fori_loop(0, TAPS, nid_wait, 0)

        with jax.named_scope("c_compact"):
            def tap_compact(k, off_v):
                for jj in range(8):
                    nid = nidg[k, pl.ds(jj * 16, 16)]
                    found = nid < N
                    fi = jnp.where(found, jnp.full((16,), 1, jnp.int32), jnp.full((16,), 0, jnp.int32))
                    s = fi
                    for d in (1, 2, 4, 8):
                        sh = _xlane(s, jnp.maximum(lane - d, 0))
                        s = s + jnp.where(lane >= d, sh, 0)
                    excl = s - fi
                    total = _xlane(s, jnp.full((16,), 15, jnp.int32))
                    yrow = nid * TAPS + k
                    dst = dst_base + jj * 16 + lane
                    pos = jnp.where(found, off_v + excl, BC + lane)
                    plsc.store_scatter(cidxf, [pos], yrow)
                    plsc.store_scatter(cdstf, [pos], dst)
                    off_v = jnp.minimum(off_v + total, BC)
                return off_v
            lax.fori_loop(0, TAPS, tap_compact, jnp.zeros((16,), jnp.int32))

            for g in range(BCG):
                for u in range(8):
                    cdst[g, pl.ds(u * 16, 16)] = cdstf[pl.ds(g * 128 + u * 16, 16)]

        with jax.named_scope("c_gather"):
            for g in range(2 * BCG):
                pltpu.make_async_copy(
                    yflat_hbm.at[cidxf.at[pl.ds(g * 64, 64)]],
                    land.at[pl.ds(g * 64, 64)], sem_a).start()
            for g in range(2 * BCG):
                pltpu.make_async_copy(
                    yflat_hbm.at[cidxf.at[pl.ds(g * 64, 64)]],
                    land.at[pl.ds(g * 64, 64)], sem_a).wait()

        with jax.named_scope("c_scad"):
            pltpu.make_async_copy(
                zbuf, shacc.at[pl.ds(dst_base, AROWS)], sem_b).wait()
            for g in range(BCG):
                pltpu.make_async_copy(
                    land.at[pl.ds(g * 128, 128)],
                    shacc.at[cdst.at[g]], sem_a).start(add=True)
            for g in range(BCG):
                pltpu.make_async_copy(
                    land.at[pl.ds(g * 128, 128)],
                    shacc.at[cdst.at[g]], sem_a).wait()

        with jax.named_scope("c_out"):
            pltpu.sync_copy(shacc.at[pl.ds(dst_base, CHUNK)],
                            out_hbm.at[pl.ds(base + p0, CHUNK)])
        return 0
    lax.fori_loop(0, NCHUNK, chunk_body, 0)


@functools.partial(
    pl.kernel,
    out_type=jax.ShapeDtypeStruct((NPC, CH), jnp.float32),
    mesh=plsc.VectorSubcoreMesh(core_axis_name="c", subcore_axis_name="s"),
    compiler_params=pltpu.CompilerParams(use_tc_tiling_on_sc=False,
                                         needs_layout_passes=False),
    scratch_types=[
        pltpu.VMEM_SHARED((TBL,), jnp.int32),
        pltpu.VMEM_SHARED((16 * AROWS, CH), jnp.float32),
        pltpu.VMEM((4, SCAT_PTS), jnp.int32),
        pltpu.VMEM((SH_PTS,), jnp.int32),
        pltpu.VMEM((TAPS, CHUNK), jnp.int32),
        pltpu.VMEM((TAPS, CHUNK), jnp.int32),
        pltpu.VMEM((BC, CH), jnp.float32),
        pltpu.VMEM((BC + 16,), jnp.int32),
        pltpu.VMEM((BC + 16,), jnp.int32),
        pltpu.VMEM((BCG, CHUNK), jnp.int32),
        pltpu.VMEM((AROWS, CH), jnp.float32),
        pltpu.VMEM((FILL,), jnp.int32),
        pltpu.VMEM((CHUNK,), jnp.int32),
        pltpu.VMEM((CHUNK,), jnp.int32),
        pltpu.SemaphoreType.DMA,
        pltpu.SemaphoreType.DMA,
    ],
)
def _sc_conv(coords_hbm, yflat_hbm, out_hbm, *rest):
    _sc_body(coords_hbm, yflat_hbm, out_hbm, *rest)


def kernel(feats, coords, th, W_ch, b_ch, W_dw, b_dw):
    del th, W_dw, b_dw
    w_all = jnp.transpose(W_ch, (1, 0, 2)).reshape(CH, TAPS * CH)
    brow = jnp.zeros((8, TAPS * CH), jnp.float32).at[0, 13 * CH:14 * CH].set(b_ch)
    y = _tc_taps(feats, w_all, brow)
    yflat = y.reshape(NP * TAPS, CH)

    coords_t = coords.astype(jnp.int32).T
    coords_p = jnp.pad(coords_t, ((0, 0), (0, NPC - N)))
    out = _sc_conv(coords_p, yflat)
    return out[:N]

# --- scband reference (transcript-rebuilt; emitter-appended) ---
"""Pipeline reference for scband-sc-conv-82643760709696 (READ-ONLY COPY).

The authoritative reference and input builder live on the scoring server;
editing this copy changes nothing except your own understanding.
"""

import jax, jax.numpy as jnp
import numpy as np
import itertools

L = 64
B = 2
N_PER_B = 50000
IN_CH = 32
OUT_CH = 32
OFFSETS = np.array(list(itertools.product([-1, 0, 1], repeat=3)), dtype=np.int64)  # index 13 == (0,0,0) center, matching ME kernel indexing used by corrtran.kernel.data[13]=0

def encode(C):
    base = L + 2
    c = C.astype(jnp.int64)
    return ((c[:, 0] * base + (c[:, 1] + 1)) * base + (c[:, 2] + 1)) * base + (c[:, 3] + 1)

def sparse_conv3(C, F, W, bias=None, valid=None):
    # Minkowski-style sparse conv, kernel 3x3x3, stride 1: output coords == input coords.
    # Neighbor lookup via sorted voxel-key binary search (gather; missing neighbors contribute 0).
    N = C.shape[0]
    keys = encode(C)
    if valid is not None:
        sentinel = jnp.asarray(2 ** 30, dtype=keys.dtype)
        keys = jnp.where(valid, keys, sentinel)
    order = jnp.argsort(keys)
    skeys = keys[order]
    out = jnp.zeros((N, W.shape[2]), dtype=F.dtype)
    for k in range(27):
        off = jnp.asarray(np.concatenate([[0], OFFSETS[k]]))
        nkeys = encode(C + off)
        pos = jnp.clip(jnp.searchsorted(skeys, nkeys), 0, N - 1)
        found = skeys[pos] == nkeys
        src = order[pos]
        nf = jnp.where(found[:, None], F[src], 0.0)
        out = out + nf @ W[k]
    if bias is not None:
        out = out + bias
    return out

def setup_inputs(seed: int = 0):
    rng = np.random.default_rng(0)
    coords = []
    for b in range(B):
        lin = rng.choice(L ** 3, size=N_PER_B, replace=False)
        xs = lin // (L * L)
        ys = (lin // L) % L
        zs = lin % L
        coords.append(np.stack([np.full(N_PER_B, b), xs, ys, zs], axis=1))
    coords = jnp.asarray(np.concatenate(coords, axis=0).astype(np.int64))
    key = jax.random.key(seed)
    k1, k2, k3, k4, k5 = jax.random.split(key, 5)
    feats = jax.random.normal(k1, (B * N_PER_B, IN_CH), dtype=jnp.float32)
    W_ch = jax.random.normal(k2, (27, IN_CH, OUT_CH), dtype=jnp.float32) * 0.05
    b_ch = jax.random.normal(k3, (OUT_CH,), dtype=jnp.float32) * 0.05
    W_dw = jax.random.normal(k4, (27, OUT_CH, OUT_CH), dtype=jnp.float32) * 0.05
    b_dw = jax.random.normal(k5, (OUT_CH,), dtype=jnp.float32) * 0.05
    return {"feats": feats, "coords": coords, "th": 1.0, "W_ch": W_ch, "b_ch": b_ch, "W_dw": W_dw, "b_dw": b_dw}

def reference(feats, coords, th, W_ch, b_ch, W_dw, b_dw):
    # 1) channel_conv (Channel_code): dense-channel sparse conv with bias
    x_f = sparse_conv3(coords, feats, W_ch, b_ch)
    # 2) space_conv (Adaconv): faithfully computed below, BUT sc_conv.forward returns x
    #    (the original code has `return x` after `out = out + x`), so x_f is the module output.
    W_corr = jnp.ones((27, OUT_CH, 1), dtype=jnp.float32).at[13].set(0.0)  # all-ones kernel, center tap zeroed
    corr = sparse_conv3(coords, x_f, W_corr)
    corr_norm = jnp.sum(x_f * x_f, axis=1, keepdims=True)  # kernel-1 all-ones conv applied to x*x
    corr = corr / corr_norm
    corr_col = corr[:, 0]
    n_b = coords.shape[0] // B  # batches are contiguous blocks of N_PER_B rows by construction
    k_cut = jnp.floor(n_b * th / 3.21).astype(jnp.int32)
    mask_parts = []
    for b in range(B):
        cb = corr_col[b * n_b:(b + 1) * n_b]
        order_b = jnp.argsort(-cb, stable=True)
        ranks = jnp.zeros(n_b, dtype=jnp.int32).at[order_b].set(jnp.arange(n_b, dtype=jnp.int32))
        mask_parts.append(ranks < k_cut)
    mask = jnp.concatenate(mask_parts)
    strong_out = sparse_conv3(coords, x_f, W_dw, b_dw, valid=mask)  # dw conv restricted to strong-point coordinate set
    all_f = jnp.where(mask[:, None], strong_out, x_f)  # union of strong(conv) + untouched weak points (disjoint coords)
    out = all_f + x_f
    del out  # discarded by the original module
    return x_f

if __name__ == "__main__":
    import jax
    _d = setup_inputs()
    print(jax.jit(kernel)(*tuple(_d.values())))

</pallas_src>

<mosaic_0001>
#map = affine_map<(d0, d1) -> (0, 0)>
module attributes {stable_mosaic.version = 14 : i64} {
  func.func @_sc_conv(%arg0: i32, %arg1: i32, %arg2: memref<4x102400xi32, #tpu.memory_space<hbm>>, %arg3: memref<2721600x32xf32, #tpu.memory_space<hbm>>, %arg4: memref<102400x32xf32, #tpu.memory_space<hbm>>, %arg5: memref<575488xi32, #tpu.memory_space<vmem_shared>>, %arg6: memref<2176x32xf32, #tpu.memory_space<vmem_shared>>, %arg7: memref<4x6272xi32, #tpu.memory_space<vmem>>, %arg8: memref<3200xi32, #tpu.memory_space<vmem>>, %arg9: memref<27x128xi32, #tpu.memory_space<vmem>>, %arg10: memref<27x128xi32, #tpu.memory_space<vmem>>, %arg11: memref<896x32xf32, #tpu.memory_space<vmem>>, %arg12: memref<912xi32, #tpu.memory_space<vmem>>, %arg13: memref<912xi32, #tpu.memory_space<vmem>>, %arg14: memref<7x128xi32, #tpu.memory_space<vmem>>, %arg15: memref<136x32xf32, #tpu.memory_space<vmem>>, %arg16: memref<4496xi32, #tpu.memory_space<vmem>>, %arg17: memref<128xi32, #tpu.memory_space<vmem>>, %arg18: memref<128xi32, #tpu.memory_space<vmem>>, %arg19: memref<!tpu.dma_semaphore, #tpu.memory_space<semaphore_mem>>, %arg20: memref<!tpu.dma_semaphore, #tpu.memory_space<semaphore_mem>>) attributes {dimension_semantics = [#tpu.dimension_semantics<core_parallel>, #tpu.dimension_semantics<subcore_parallel>], iteration_bounds = array<i64: 2, 16>, scalar_prefetch = 0 : i64, scratch_operands = 16 : i64, tpu.core_type = #tpu.core_type<sc_vector_subcore>, window_params = [{transform_indices = #map}, {transform_indices = #map}, {transform_indices = #map}]} {
    %mul3A = arith.constant 2 : i32
    %mul3A_0 = arith.muli %arg1, %mul3A : i32
    %add3A = arith.addi %mul3A_0, %arg0 : i32
    "tpu.trace_start"() <{level = 10 : i32, message = "p0_memset"}> : () -> ()
    %scan3A = arith.constant 0 : i32
    %scan3A_1 = arith.constant 0 : i32
    %scan3A_2 = arith.constant 281 : i32
    %scan3A_3 = arith.addi %scan3A_1, %scan3A_2 : i32
    %scan3A_4 = arith.constant 1 : i32
    %scan3A_5 = scf.for %scan3A_98 = %scan3A_1 to %scan3A_3 step %scan3A_4 iter_args(%scan3A_99 = %scan3A) -> (i32)  : i32 {
      %broadcast_in_dim3A = arith.constant 100000 : i32
      %broadcast_in_dim3A_100 = vector.broadcast %broadcast_in_dim3A : i32 to vector<16xi32>
      %mul3A_101 = arith.constant 16 : i32
      %mul3A_102 = arith.muli %scan3A_98, %mul3A_101 : i32
      %swap3A = arith.index_cast %mul3A_102 : i32 to index
      %swap3A_103 = tpu.vector_load %arg16[%swap3A] {strides = array<i32>} : memref<4496xi32, #tpu.memory_space<vmem>>, vector<16xi32>,
      tpu.vector_store %arg16[%swap3A], %broadcast_in_dim3A_100 {strides = array<i32>} : memref<4496xi32, #tpu.memory_space<vmem>>, vector<16xi32>,
      %scan3A_104 = arith.constant 0 : i32
      scf.yield %scan3A_104 : i32
    }
    %scan3A_6 = arith.constant 281 : i32
    %mul3A_7 = arith.constant 35968 : i32
    %mul3A_8 = arith.muli %arg1, %mul3A_7 : i32
    %add3A_9 = arith.constant 0 : i32
    %add3A_10 = arith.addi %mul3A_8, %add3A_9 : i32
    "tpu.region"() ({
      %run_scoped3A_98 = tpu.sem_alloc : memref<!tpu.dma_semaphore, #tpu.memory_space<semaphore_mem>>
      %dma_start3A = tpu.memref_slice %arg5[%add3A_10] : memref<575488xi32, #tpu.memory_space<vmem_shared>> -> memref<4496xi32, #tpu.memory_space<vmem_shared>>
      %dma_start3A_99 = tpu.memref_slice %arg5[%add3A_10] : memref<575488xi32, #tpu.memory_space<vmem_shared>> -> memref<4496xi32, #tpu.memory_space<vmem_shared>>
      tpu.enqueue_dma source(%arg16 : memref<4496xi32, #tpu.memory_space<vmem>>) target(%dma_start3A_99 : memref<4496xi32, #tpu.memory_space<vmem_shared>>) target_semaphore(%run_scoped3A_98 : memref<!tpu.dma_semaphore, #tpu.memory_space<semaphore_mem>>)
      %dma_wait3A = tpu.memref_slice %arg5[%add3A_10] : memref<575488xi32, #tpu.memory_space<vmem_shared>> -> memref<4496xi32, #tpu.memory_space<vmem_shared>>
      %dma_wait3A_100 = tpu.memref_slice %arg5[%add3A_10] : memref<575488xi32, #tpu.memory_space<vmem_shared>> -> memref<4496xi32, #tpu.memory_space<vmem_shared>>
      tpu.wait_dma2 semaphore(%run_scoped3A_98 : memref<!tpu.dma_semaphore, #tpu.memory_space<semaphore_mem>>) src(%arg16 : memref<4496xi32, #tpu.memory_space<vmem>>) dst(%dma_wait3A_100 : memref<4496xi32, #tpu.memory_space<vmem_shared>>)
      tpu.yield
    }) : () -> ()
    %mul3A_11 = arith.constant 35968 : i32
    %mul3A_12 = arith.muli %arg1, %mul3A_11 : i32
    %add3A_13 = arith.constant 4496 : i32
    %add3A_14 = arith.addi %mul3A_12, %add3A_13 : i32
    "tpu.region"() ({
      %run_scoped3A_98 = tpu.sem_alloc : memref<!tpu.dma_semaphore, #tpu.memory_space<semaphore_mem>>
      %dma_start3A = tpu.memref_slice %arg5[%add3A_14] : memref<575488xi32, #tpu.memory_space<vmem_shared>> -> memref<4496xi32, #tpu.memory_space<vmem_shared>>
      %dma_start3A_99 = tpu.memref_slice %arg5[%add3A_14] : memref<575488xi32, #tpu.memory_space<vmem_shared>> -> memref<4496xi32, #tpu.memory_space<vmem_shared>>
      tpu.enqueue_dma source(%arg16 : memref<4496xi32, #tpu.memory_space<vmem>>) target(%dma_start3A_99 : memref<4496xi32, #tpu.memory_space<vmem_shared>>) target_semaphore(%run_scoped3A_98 : memref<!tpu.dma_semaphore, #tpu.memory_space<semaphore_mem>>)
      %dma_wait3A = tpu.memref_slice %arg5[%add3A_14] : memref<575488xi32, #tpu.memory_space<vmem_shared>> -> memref<4496xi32, #tpu.memory_space<vmem_shared>>
      %dma_wait3A_100 = tpu.memref_slice %arg5[%add3A_14] : memref<575488xi32, #tpu.memory_space<vmem_shared>> -> memref<4496xi32, #tpu.memory_space<vmem_shared>>
      tpu.wait_dma2 semaphore(%run_scoped3A_98 : memref<!tpu.dma_semaphore, #tpu.memory_space<semaphore_mem>>) src(%arg16 : memref<4496xi32, #tpu.memory_space<vmem>>) dst(%dma_wait3A_100 : memref<4496xi32, #tpu.memory_space<vmem_shared>>)
      tpu.yield
    }) : () -> ()
    %mul3A_15 = arith.constant 35968 : i32
    %mul3A_16 = arith.muli %arg1, %mul3A_15 : i32
    %add3A_17 = arith.constant 8992 : i32
    %add3A_18 = arith.addi %mul3A_16, %add3A_17 : i32
    "tpu.region"() ({
      %run_scoped3A_98 = tpu.sem_alloc : memref<!tpu.dma_semaphore, #tpu.memory_space<semaphore_mem>>
      %dma_start3A = tpu.memref_slice %arg5[%add3A_18] : memref<575488xi32, #tpu.memory_space<vmem_shared>> -> memref<4496xi32, #tpu.memory_space<vmem_shared>>
      %dma_start3A_99 = tpu.memref_slice %arg5[%add3A_18] : memref<575488xi32, #tpu.memory_space<vmem_shared>> -> memref<4496xi32, #tpu.memory_space<vmem_shared>>
      tpu.enqueue_dma source(%arg16 : memref<4496xi32, #tpu.memory_space<vmem>>) target(%dma_start3A_99 : memref<4496xi32, #tpu.memory_space<vmem_shared>>) target_semaphore(%run_scoped3A_98 : memref<!tpu.dma_semaphore, #tpu.memory_space<semaphore_mem>>)
      %dma_wait3A = tpu.memref_slice %arg5[%add3A_18] : memref<575488xi32, #tpu.memory_space<vmem_shared>> -> memref<4496xi32, #tpu.memory_space<vmem_shared>>
      %dma_wait3A_100 = tpu.memref_slice %arg5[%add3A_18] : memref<575488xi32, #tpu.memory_space<vmem_shared>> -> memref<4496xi32, #tpu.memory_space<vmem_shared>>
      tpu.wait_dma2 semaphore(%run_scoped3A_98 : memref<!tpu.dma_semaphore, #tpu.memory_space<semaphore_mem>>) src(%arg16 : memref<4496xi32, #tpu.memory_space<vmem>>) dst(%dma_wait3A_100 : memref<4496xi32, #tpu.memory_space<vmem_shared>>)
      tpu.yield
    }) : () -> ()
    %mul3A_19 = arith.constant 35968 : i32
    %mul3A_20 = arith.muli %arg1, %mul3A_19 : i32
    %add3A_21 = arith.constant 13488 : i32
    %add3A_22 = arith.addi %mul3A_20, %add3A_21 : i32
    "tpu.region"() ({
      %run_scoped3A_98 = tpu.sem_alloc : memref<!tpu.dma_semaphore, #tpu.memory_space<semaphore_mem>>
      %dma_start3A = tpu.memref_slice %arg5[%add3A_22] : memref<575488xi32, #tpu.memory_space<vmem_shared>> -> memref<4496xi32, #tpu.memory_space<vmem_shared>>
      %dma_start3A_99 = tpu.memref_slice %arg5[%add3A_22] : memref<575488xi32, #tpu.memory_space<vmem_shared>> -> memref<4496xi32, #tpu.memory_space<vmem_shared>>
      tpu.enqueue_dma source(%arg16 : memref<4496xi32, #tpu.memory_space<vmem>>) target(%dma_start3A_99 : memref<4496xi32, #tpu.memory_space<vmem_shared>>) target_semaphore(%run_scoped3A_98 : memref<!tpu.dma_semaphore, #tpu.memory_space<semaphore_mem>>)
      %dma_wait3A = tpu.memref_slice %arg5[%add3A_22] : memref<575488xi32, #tpu.memory_space<vmem_shared>> -> memref<4496xi32, #tpu.memory_space<vmem_shared>>
      %dma_wait3A_100 = tpu.memref_slice %arg5[%add3A_22] : memref<575488xi32, #tpu.memory_space<vmem_shared>> -> memref<4496xi32, #tpu.memory_space<vmem_shared>>
      tpu.wait_dma2 semaphore(%run_scoped3A_98 : memref<!tpu.dma_semaphore, #tpu.memory_space<semaphore_mem>>) src(%arg16 : memref<4496xi32, #tpu.memory_space<vmem>>) dst(%dma_wait3A_100 : memref<4496xi32, #tpu.memory_space<vmem_shared>>)
      tpu.yield
    }) : () -> ()
    %mul3A_23 = arith.constant 35968 : i32
    %mul3A_24 = arith.muli %arg1, %mul3A_23 : i32
    %add3A_25 = arith.constant 17984 : i32
    %add3A_26 = arith.addi %mul3A_24, %add3A_25 : i32
    "tpu.region"() ({
      %run_scoped3A_98 = tpu.sem_alloc : memref<!tpu.dma_semaphore, #tpu.memory_space<semaphore_mem>>
      %dma_start3A = tpu.memref_slice %arg5[%add3A_26] : memref<575488xi32, #tpu.memory_space<vmem_shared>> -> memref<4496xi32, #tpu.memory_space<vmem_shared>>
      %dma_start3A_99 = tpu.memref_slice %arg5[%add3A_26] : memref<575488xi32, #tpu.memory_space<vmem_shared>> -> memref<4496xi32, #tpu.memory_space<vmem_shared>>
      tpu.enqueue_dma source(%arg16 : memref<4496xi32, #tpu.memory_space<vmem>>) target(%dma_start3A_99 : memref<4496xi32, #tpu.memory_space<vmem_shared>>) target_semaphore(%run_scoped3A_98 : memref<!tpu.dma_semaphore, #tpu.memory_space<semaphore_mem>>)
      %dma_wait3A = tpu.memref_slice %arg5[%add3A_26] : memref<575488xi32, #tpu.memory_space<vmem_shared>> -> memref<4496xi32, #tpu.memory_space<vmem_shared>>
      %dma_wait3A_100 = tpu.memref_slice %arg5[%add3A_26] : memref<575488xi32, #tpu.memory_space<vmem_shared>> -> memref<4496xi32, #tpu.memory_space<vmem_shared>>
      tpu.wait_dma2 semaphore(%run_scoped3A_98 : memref<!tpu.dma_semaphore, #tpu.memory_space<semaphore_mem>>) src(%arg16 : memref<4496xi32, #tpu.memory_space<vmem>>) dst(%dma_wait3A_100 : memref<4496xi32, #tpu.memory_space<vmem_shared>>)
      tpu.yield
    }) : () -> ()
    %mul3A_27 = arith.constant 35968 : i32
    %mul3A_28 = arith.muli %arg1, %mul3A_27 : i32
    %add3A_29 = arith.constant 22480 : i32
    %add3A_30 = arith.addi %mul3A_28, %add3A_29 : i32
    "tpu.region"() ({
      %run_scoped3A_98 = tpu.sem_alloc : memref<!tpu.dma_semaphore, #tpu.memory_space<semaphore_mem>>
      %dma_start3A = tpu.memref_slice %arg5[%add3A_30] : memref<575488xi32, #tpu.memory_space<vmem_shared>> -> memref<4496xi32, #tpu.memory_space<vmem_shared>>
      %dma_start3A_99 = tpu.memref_slice %arg5[%add3A_30] : memref<575488xi32, #tpu.memory_space<vmem_shared>> -> memref<4496xi32, #tpu.memory_space<vmem_shared>>
      tpu.enqueue_dma source(%arg16 : memref<4496xi32, #tpu.memory_space<vmem>>) target(%dma_start3A_99 : memref<4496xi32, #tpu.memory_space<vmem_shared>>) target_semaphore(%run_scoped3A_98 : memref<!tpu.dma_semaphore, #tpu.memory_space<semaphore_mem>>)
      %dma_wait3A = tpu.memref_slice %arg5[%add3A_30] : memref<575488xi32, #tpu.memory_space<vmem_shared>> -> memref<4496xi32, #tpu.memory_space<vmem_shared>>
      %dma_wait3A_100 = tpu.memref_slice %arg5[%add3A_30] : memref<575488xi32, #tpu.memory_space<vmem_shared>> -> memref<4496xi32, #tpu.memory_space<vmem_shared>>
      tpu.wait_dma2 semaphore(%run_scoped3A_98 : memref<!tpu.dma_semaphore, #tpu.memory_space<semaphore_mem>>) src(%arg16 : memref<4496xi32, #tpu.memory_space<vmem>>) dst(%dma_wait3A_100 : memref<4496xi32, #tpu.memory_space<vmem_shared>>)
      tpu.yield
    }) : () -> ()
    %mul3A_31 = arith.constant 35968 : i32
    %mul3A_32 = arith.muli %arg1, %mul3A_31 : i32
    %add3A_33 = arith.constant 26976 : i32
    %add3A_34 = arith.addi %mul3A_32, %add3A_33 : i32
    "tpu.region"() ({
      %run_scoped3A_98 = tpu.sem_alloc : memref<!tpu.dma_semaphore, #tpu.memory_space<semaphore_mem>>
      %dma_start3A = tpu.memref_slice %arg5[%add3A_34] : memref<575488xi32, #tpu.memory_space<vmem_shared>> -> memref<4496xi32, #tpu.memory_space<vmem_shared>>
      %dma_start3A_99 = tpu.memref_slice %arg5[%add3A_34] : memref<575488xi32, #tpu.memory_space<vmem_shared>> -> memref<4496xi32, #tpu.memory_space<vmem_shared>>
      tpu.enqueue_dma source(%arg16 : memref<4496xi32, #tpu.memory_space<vmem>>) target(%dma_start3A_99 : memref<4496xi32, #tpu.memory_space<vmem_shared>>) target_semaphore(%run_scoped3A_98 : memref<!tpu.dma_semaphore, #tpu.memory_space<semaphore_mem>>)
      %dma_wait3A = tpu.memref_slice %arg5[%add3A_34] : memref<575488xi32, #tpu.memory_space<vmem_shared>> -> memref<4496xi32, #tpu.memory_space<vmem_shared>>
      %dma_wait3A_100 = tpu.memref_slice %arg5[%add3A_34] : memref<575488xi32, #tpu.memory_space<vmem_shared>> -> memref<4496xi32, #tpu.memory_space<vmem_shared>>
      tpu.wait_dma2 semaphore(%run_scoped3A_98 : memref<!tpu.dma_semaphore, #tpu.memory_space<semaphore_mem>>) src(%arg16 : memref<4496xi32, #tpu.memory_space<vmem>>) dst(%dma_wait3A_100 : memref<4496xi32, #tpu.memory_space<vmem_shared>>)
      tpu.yield
    }) : () -> ()
    %mul3A_35 = arith.constant 35968 : i32
    %mul3A_36 = arith.muli %arg1, %mul3A_35 : i32
    %add3A_37 = arith.constant 31472 : i32
    %add3A_38 = arith.addi %mul3A_36, %add3A_37 : i32
    "tpu.region"() ({
      %run_scoped3A_98 = tpu.sem_alloc : memref<!tpu.dma_semaphore, #tpu.memory_space<semaphore_mem>>
      %dma_start3A = tpu.memref_slice %arg5[%add3A_38] : memref<575488xi32, #tpu.memory_space<vmem_shared>> -> memref<4496xi32, #tpu.memory_space<vmem_shared>>
      %dma_start3A_99 = tpu.memref_slice %arg5[%add3A_38] : memref<575488xi32, #tpu.memory_space<vmem_shared>> -> memref<4496xi32, #tpu.memory_space<vmem_shared>>
      tpu.enqueue_dma source(%arg16 : memref<4496xi32, #tpu.memory_space<vmem>>) target(%dma_start3A_99 : memref<4496xi32, #tpu.memory_space<vmem_shared>>) target_semaphore(%run_scoped3A_98 : memref<!tpu.dma_semaphore, #tpu.memory_space<semaphore_mem>>)
      %dma_wait3A = tpu.memref_slice %arg5[%add3A_38] : memref<575488xi32, #tpu.memory_space<vmem_shared>> -> memref<4496xi32, #tpu.memory_space<vmem_shared>>
      %dma_wait3A_100 = tpu.memref_slice %arg5[%add3A_38] : memref<575488xi32, #tpu.memory_space<vmem_shared>> -> memref<4496xi32, #tpu.memory_space<vmem_shared>>
      tpu.wait_dma2 semaphore(%run_scoped3A_98 : memref<!tpu.dma_semaphore, #tpu.memory_space<semaphore_mem>>) src(%arg16 : memref<4496xi32, #tpu.memory_space<vmem>>) dst(%dma_wait3A_100 : memref<4496xi32, #tpu.memory_space<vmem_shared>>)
      tpu.yield
    }) : () -> ()
    %barrier3A = arith.constant 0 : index
    tpu.barrier barrier_id(%barrier3A)
    "tpu.trace_stop"() : () -> ()
    "tpu.trace_start"() <{level = 10 : i32, message = "p1_scatter"}> : () -> ()
    %mul3A_39 = arith.constant 6272 : i32
    %mul3A_40 = arith.muli %arg1, %mul3A_39 : i32
    %run_scoped3A = arith.constant 0 : i32
    %run_scoped3A_41 = arith.constant 0 : i32
    "tpu.region"() ({
      %run_scoped3A_98 = tpu.sem_alloc : memref<!tpu.dma_semaphore, #tpu.memory_space<semaphore_mem>>
      %dma_start3A = arith.constant 0 : i32
      %dma_start3A_99 = tpu.memref_slice %arg7[%run_scoped3A_41, %dma_start3A] : memref<4x6272xi32, #tpu.memory_space<vmem>> -> memref<1x6272xi32, #tpu.memory_space<vmem>>
      %dma_start3A_100 = tpu.memref_squeeze %dma_start3A_99 : memref<1x6272xi32, #tpu.memory_space<vmem>> -> memref<6272xi32, #tpu.memory_space<vmem>>
      %dma_start3A_101 = tpu.memref_slice %arg2[%run_scoped3A, %mul3A_40] : memref<4x102400xi32, #tpu.memory_space<hbm>> -> memref<1x6272xi32, #tpu.memory_space<hbm>>
      %dma_start3A_102 = tpu.memref_squeeze %dma_start3A_101 : memref<1x6272xi32, #tpu.memory_space<hbm>> -> memref<6272xi32, #tpu.memory_space<hbm>>
      %dma_start3A_103 = arith.constant 0 : i32
      %dma_start3A_104 = tpu.memref_slice %arg7[%run_scoped3A_41, %dma_start3A_103] : memref<4x6272xi32, #tpu.memory_space<vmem>> -> memref<1x6272xi32, #tpu.memory_space<vmem>>
      %dma_start3A_105 = tpu.memref_squeeze %dma_start3A_104 : memref<1x6272xi32, #tpu.memory_space<vmem>> -> memref<6272xi32, #tpu.memory_space<vmem>>
      %dma_start3A_106 = tpu.memref_slice %arg2[%run_scoped3A, %mul3A_40] : memref<4x102400xi32, #tpu.memory_space<hbm>> -> memref<1x6272xi32, #tpu.memory_space<hbm>>
      %dma_start3A_107 = tpu.memref_squeeze %dma_start3A_106 : memref<1x6272xi32, #tpu.memory_space<hbm>> -> memref<6272xi32, #tpu.memory_space<hbm>>
      tpu.enqueue_dma source(%dma_start3A_107 : memref<6272xi32, #tpu.memory_space<hbm>>) target(%dma_start3A_105 : memref<6272xi32, #tpu.memory_space<vmem>>) target_semaphore(%run_scoped3A_98 : memref<!tpu.dma_semaphore, #tpu.memory_space<semaphore_mem>>)
      %dma_wait3A = arith.constant 0 : i32
      %dma_wait3A_108 = tpu.memref_slice %arg7[%run_scoped3A_41, %dma_wait3A] : memref<4x6272xi32, #tpu.memory_space<vmem>> -> memref<1x6272xi32, #tpu.memory_space<vmem>>
      %dma_wait3A_109 = tpu.memref_squeeze %dma_wait3A_108 : memref<1x6272xi32, #tpu.memory_space<vmem>> -> memref<6272xi32, #tpu.memory_space<vmem>>
      %dma_wait3A_110 = tpu.memref_slice %arg2[%run_scoped3A, %mul3A_40] : memref<4x102400xi32, #tpu.memory_space<hbm>> -> memref<1x6272xi32, #tpu.memory_space<hbm>>
      %dma_wait3A_111 = tpu.memref_squeeze %dma_wait3A_110 : memref<1x6272xi32, #tpu.memory_space<hbm>> -> memref<6272xi32, #tpu.memory_space<hbm>>
      %dma_wait3A_112 = arith.constant 0 : i32
      %dma_wait3A_113 = tpu.memref_slice %arg7[%run_scoped3A_41, %dma_wait3A_112] : memref<4x6272xi32, #tpu.memory_space<vmem>> -> memref<1x6272xi32, #tpu.memory_space<vmem>>
      %dma_wait3A_114 = tpu.memref_squeeze %dma_wait3A_113 : memref<1x6272xi32, #tpu.memory_space<vmem>> -> memref<6272xi32, #tpu.memory_space<vmem>>
      %dma_wait3A_115 = tpu.memref_slice %arg2[%run_scoped3A, %mul3A_40] : memref<4x102400xi32, #tpu.memory_space<hbm>> -> memref<1x6272xi32, #tpu.memory_space<hbm>>
      %dma_wait3A_116 = tpu.memref_squeeze %dma_wait3A_115 : memref<1x6272xi32, #tpu.memory_space<hbm>> -> memref<6272xi32, #tpu.memory_space<hbm>>
      tpu.wait_dma2 semaphore(%run_scoped3A_98 : memref<!tpu.dma_semaphore, #tpu.memory_space<semaphore_mem>>) src(%dma_wait3A_116 : memref<6272xi32, #tpu.memory_space<hbm>>) dst(%dma_wait3A_114 : memref<6272xi32, #tpu.memory_space<vmem>>)
      tpu.yield
    }) : () -> ()
    %mul3A_42 = arith.constant 6272 : i32
    %mul3A_43 = arith.muli %arg1, %mul3A_42 : i32
    %run_scoped3A_44 = arith.constant 1 : i32
    %run_scoped3A_45 = arith.constant 1 : i32
    "tpu.region"() ({
      %run_scoped3A_98 = tpu.sem_alloc : memref<!tpu.dma_semaphore, #tpu.memory_space<semaphore_mem>>
      %dma_start3A = arith.constant 0 : i32
      %dma_start3A_99 = tpu.memref_slice %arg7[%run_scoped3A_45, %dma_start3A] : memref<4x6272xi32, #tpu.memory_space<vmem>> -> memref<1x6272xi32, #tpu.memory_space<vmem>>
      %dma_start3A_100 = tpu.memref_squeeze %dma_start3A_99 : memref<1x6272xi32, #tpu.memory_space<vmem>> -> memref<6272xi32, #tpu.memory_space<vmem>>
      %dma_start3A_101 = tpu.memref_slice %arg2[%run_scoped3A_44, %mul3A_43] : memref<4x102400xi32, #tpu.memory_space<hbm>> -> memref<1x6272xi32, #tpu.memory_space<hbm>>
      %dma_start3A_102 = tpu.memref_squeeze %dma_start3A_101 : memref<1x6272xi32, #tpu.memory_space<hbm>> -> memref<6272xi32, #tpu.memory_space<hbm>>
      %dma_start3A_103 = arith.constant 0 : i32
      %dma_start3A_104 = tpu.memref_slice %arg7[%run_scoped3A_45, %dma_start3A_103] : memref<4x6272xi32, #tpu.memory_space<vmem>> -> memref<1x6272xi32, #tpu.memory_space<vmem>>
      %dma_start3A_105 = tpu.memref_squeeze %dma_start3A_104 : memref<1x6272xi32, #tpu.memory_space<vmem>> -> memref<6272xi32, #tpu.memory_space<vmem>>
      %dma_start3A_106 = tpu.memref_slice %arg2[%run_scoped3A_44, %mul3A_43] : memref<4x102400xi32, #tpu.memory_space<hbm>> -> memref<1x6272xi32, #tpu.memory_space<hbm>>
      %dma_start3A_107 = tpu.memref_squeeze %dma_start3A_106 : memref<1x6272xi32, #tpu.memory_space<hbm>> -> memref<6272xi32, #tpu.memory_space<hbm>>
      tpu.enqueue_dma source(%dma_start3A_107 : memref<6272xi32, #tpu.memory_space<hbm>>) target(%dma_start3A_105 : memref<6272xi32, #tpu.memory_space<vmem>>) target_semaphore(%run_scoped3A_98 : memref<!tpu.dma_semaphore, #tpu.memory_space<semaphore_mem>>)
      %dma_wait3A = arith.constant 0 : i32
      %dma_wait3A_108 = tpu.memref_slice %arg7[%run_scoped3A_45, %dma_wait3A] : memref<4x6272xi32, #tpu.memory_space<vmem>> -> memref<1x6272xi32, #tpu.memory_space<vmem>>
      %dma_wait3A_109 = tpu.memref_squeeze %dma_wait3A_108 : memref<1x6272xi32, #tpu.memory_space<vmem>> -> memref<6272xi32, #tpu.memory_space<vmem>>
      %dma_wait3A_110 = tpu.memref_slice %arg2[%run_scoped3A_44, %mul3A_43] : memref<4x102400xi32, #tpu.memory_space<hbm>> -> memref<1x6272xi32, #tpu.memory_space<hbm>>
      %dma_wait3A_111 = tpu.memref_squeeze %dma_wait3A_110 : memref<1x6272xi32, #tpu.memory_space<hbm>> -> memref<6272xi32, #tpu.memory_space<hbm>>
      %dma_wait3A_112 = arith.constant 0 : i32
      %dma_wait3A_113 = tpu.memref_slice %arg7[%run_scoped3A_45, %dma_wait3A_112] : memref<4x6272xi32, #tpu.memory_space<vmem>> -> memref<1x6272xi32, #tpu.memory_space<vmem>>
      %dma_wait3A_114 = tpu.memref_squeeze %dma_wait3A_113 : memref<1x6272xi32, #tpu.memory_space<vmem>> -> memref<6272xi32, #tpu.memory_space<vmem>>
      %dma_wait3A_115 = tpu.memref_slice %arg2[%run_scoped3A_44, %mul3A_43] : memref<4x102400xi32, #tpu.memory_space<hbm>> -> memref<1x6272xi32, #tpu.memory_space<hbm>>
      %dma_wait3A_116 = tpu.memref_squeeze %dma_wait3A_115 : memref<1x6272xi32, #tpu.memory_space<hbm>> -> memref<6272xi32, #tpu.memory_space<hbm>>
      tpu.wait_dma2 semaphore(%run_scoped3A_98 : memref<!tpu.dma_semaphore, #tpu.memory_space<semaphore_mem>>) src(%dma_wait3A_116 : memref<6272xi32, #tpu.memory_space<hbm>>) dst(%dma_wait3A_114 : memref<6272xi32, #tpu.memory_space<vmem>>)
      tpu.yield
    }) : () -> ()
    %mul3A_46 = arith.constant 6272 : i32
    %mul3A_47 = arith.muli %arg1, %mul3A_46 : i32
    %run_scoped3A_48 = arith.constant 2 : i32
    %run_scoped3A_49 = arith.constant 2 : i32
    "tpu.region"() ({
      %run_scoped3A_98 = tpu.sem_alloc : memref<!tpu.dma_semaphore, #tpu.memory_space<semaphore_mem>>
      %dma_start3A = arith.constant 0 : i32
      %dma_start3A_99 = tpu.memref_slice %arg7[%run_scoped3A_49, %dma_start3A] : memref<4x6272xi32, #tpu.memory_space<vmem>> -> memref<1x6272xi32, #tpu.memory_space<vmem>>
      %dma_start3A_100 = tpu.memref_squeeze %dma_start3A_99 : memref<1x6272xi32, #tpu.memory_space<vmem>> -> memref<6272xi32, #tpu.memory_space<vmem>>
      %dma_start3A_101 = tpu.memref_slice %arg2[%run_scoped3A_48, %mul3A_47] : memref<4x102400xi32, #tpu.memory_space<hbm>> -> memref<1x6272xi32, #tpu.memory_space<hbm>>
      %dma_start3A_102 = tpu.memref_squeeze %dma_start3A_101 : memref<1x6272xi32, #tpu.memory_space<hbm>> -> memref<6272xi32, #tpu.memory_space<hbm>>
      %dma_start3A_103 = arith.constant 0 : i32
      %dma_start3A_104 = tpu.memref_slice %arg7[%run_scoped3A_49, %dma_start3A_103] : memref<4x6272xi32, #tpu.memory_space<vmem>> -> memref<1x6272xi32, #tpu.memory_space<vmem>>
      %dma_start3A_105 = tpu.memref_squeeze %dma_start3A_104 : memref<1x6272xi32, #tpu.memory_space<vmem>> -> memref<6272xi32, #tpu.memory_space<vmem>>
      %dma_start3A_106 = tpu.memref_slice %arg2[%run_scoped3A_48, %mul3A_47] : memref<4x102400xi32, #tpu.memory_space<hbm>> -> memref<1x6272xi32, #tpu.memory_space<hbm>>
      %dma_start3A_107 = tpu.memref_squeeze %dma_start3A_106 : memref<1x6272xi32, #tpu.memory_space<hbm>> -> memref<6272xi32, #tpu.memory_space<hbm>>
      tpu.enqueue_dma source(%dma_start3A_107 : memref<6272xi32, #tpu.memory_space<hbm>>) target(%dma_start3A_105 : memref<6272xi32, #tpu.memory_space<vmem>>) target_semaphore(%run_scoped3A_98 : memref<!tpu.dma_semaphore, #tpu.memory_space<semaphore_mem>>)
      %dma_wait3A = arith.constant 0 : i32
      %dma_wait3A_108 = tpu.memref_slice %arg7[%run_scoped3A_49, %dma_wait3A] : memref<4x6272xi32, #tpu.memory_space<vmem>> -> memref<1x6272xi32, #tpu.memory_space<vmem>>
      %dma_wait3A_109 = tpu.memref_squeeze %dma_wait3A_108 : memref<1x6272xi32, #tpu.memory_space<vmem>> -> memref<6272xi32, #tpu.memory_space<vmem>>
      %dma_wait3A_110 = tpu.memref_slice %arg2[%run_scoped3A_48, %mul3A_47] : memref<4x102400xi32, #tpu.memory_space<hbm>> -> memref<1x6272xi32, #tpu.memory_space<hbm>>
      %dma_wait3A_111 = tpu.memref_squeeze %dma_wait3A_110 : memref<1x6272xi32, #tpu.memory_space<hbm>> -> memref<6272xi32, #tpu.memory_space<hbm>>
      %dma_wait3A_112 = arith.constant 0 : i32
      %dma_wait3A_113 = tpu.memref_slice %arg7[%run_scoped3A_49, %dma_wait3A_112] : memref<4x6272xi32, #tpu.memory_space<vmem>> -> memref<1x6272xi32, #tpu.memory_space<vmem>>
      %dma_wait3A_114 = tpu.memref_squeeze %dma_wait3A_113 : memref<1x6272xi32, #tpu.memory_space<vmem>> -> memref<6272xi32, #tpu.memory_space<vmem>>
      %dma_wait3A_115 = tpu.memref_slice %arg2[%run_scoped3A_48, %mul3A_47] : memref<4x102400xi32, #tpu.memory_space<hbm>> -> memref<1x6272xi32, #tpu.memory_space<hbm>>
      %dma_wait3A_116 = tpu.memref_squeeze %dma_wait3A_115 : memref<1x6272xi32, #tpu.memory_space<hbm>> -> memref<6272xi32, #tpu.memory_space<hbm>>
      tpu.wait_dma2 semaphore(%run_scoped3A_98 : memref<!tpu.dma_semaphore, #tpu.memory_space<semaphore_mem>>) src(%dma_wait3A_116 : memref<6272xi32, #tpu.memory_space<hbm>>) dst(%dma_wait3A_114 : memref<6272xi32, #tpu.memory_space<vmem>>)
      tpu.yield
    }) : () -> ()
    %mul3A_50 = arith.constant 6272 : i32
    %mul3A_51 = arith.muli %arg1, %mul3A_50 : i32
    %run_scoped3A_52 = arith.constant 3 : i32
    %run_scoped3A_53 = arith.constant 3 : i32
    "tpu.region"() ({
      %run_scoped3A_98 = tpu.sem_alloc : memref<!tpu.dma_semaphore, #tpu.memory_space<semaphore_mem>>
      %dma_start3A = arith.constant 0 : i32
      %dma_start3A_99 = tpu.memref_slice %arg7[%run_scoped3A_53, %dma_start3A] : memref<4x6272xi32, #tpu.memory_space<vmem>> -> memref<1x6272xi32, #tpu.memory_space<vmem>>
      %dma_start3A_100 = tpu.memref_squeeze %dma_start3A_99 : memref<1x6272xi32, #tpu.memory_space<vmem>> -> memref<6272xi32, #tpu.memory_space<vmem>>
      %dma_start3A_101 = tpu.memref_slice %arg2[%run_scoped3A_52, %mul3A_51] : memref<4x102400xi32, #tpu.memory_space<hbm>> -> memref<1x6272xi32, #tpu.memory_space<hbm>>
      %dma_start3A_102 = tpu.memref_squeeze %dma_start3A_101 : memref<1x6272xi32, #tpu.memory_space<hbm>> -> memref<6272xi32, #tpu.memory_space<hbm>>
      %dma_start3A_103 = arith.constant 0 : i32
      %dma_start3A_104 = tpu.memref_slice %arg7[%run_scoped3A_53, %dma_start3A_103] : memref<4x6272xi32, #tpu.memory_space<vmem>> -> memref<1x6272xi32, #tpu.memory_space<vmem>>
      %dma_start3A_105 = tpu.memref_squeeze %dma_start3A_104 : memref<1x6272xi32, #tpu.memory_space<vmem>> -> memref<6272xi32, #tpu.memory_space<vmem>>
      %dma_start3A_106 = tpu.memref_slice %arg2[%run_scoped3A_52, %mul3A_51] : memref<4x102400xi32, #tpu.memory_space<hbm>> -> memref<1x6272xi32, #tpu.memory_space<hbm>>
      %dma_start3A_107 = tpu.memref_squeeze %dma_start3A_106 : memref<1x6272xi32, #tpu.memory_space<hbm>> -> memref<6272xi32, #tpu.memory_space<hbm>>
      tpu.enqueue_dma source(%dma_start3A_107 : memref<6272xi32, #tpu.memory_space<hbm>>) target(%dma_start3A_105 : memref<6272xi32, #tpu.memory_space<vmem>>) target_semaphore(%run_scoped3A_98 : memref<!tpu.dma_semaphore, #tpu.memory_space<semaphore_mem>>)
      %dma_wait3A = arith.constant 0 : i32
      %dma_wait3A_108 = tpu.memref_slice %arg7[%run_scoped3A_53, %dma_wait3A] : memref<4x6272xi32, #tpu.memory_space<vmem>> -> memref<1x6272xi32, #tpu.memory_space<vmem>>
      %dma_wait3A_109 = tpu.memref_squeeze %dma_wait3A_108 : memref<1x6272xi32, #tpu.memory_space<vmem>> -> memref<6272xi32, #tpu.memory_space<vmem>>
      %dma_wait3A_110 = tpu.memref_slice %arg2[%run_scoped3A_52, %mul3A_51] : memref<4x102400xi32, #tpu.memory_space<hbm>> -> memref<1x6272xi32, #tpu.memory_space<hbm>>
      %dma_wait3A_111 = tpu.memref_squeeze %dma_wait3A_110 : memref<1x6272xi32, #tpu.memory_space<hbm>> -> memref<6272xi32, #tpu.memory_space<hbm>>
      %dma_wait3A_112 = arith.constant 0 : i32
      %dma_wait3A_113 = tpu.memref_slice %arg7[%run_scoped3A_53, %dma_wait3A_112] : memref<4x6272xi32, #tpu.memory_space<vmem>> -> memref<1x6272xi32, #tpu.memory_space<vmem>>
      %dma_wait3A_114 = tpu.memref_squeeze %dma_wait3A_113 : memref<1x6272xi32, #tpu.memory_space<vmem>> -> memref<6272xi32, #tpu.memory_space<vmem>>
      %dma_wait3A_115 = tpu.memref_slice %arg2[%run_scoped3A_52, %mul3A_51] : memref<4x102400xi32, #tpu.memory_space<hbm>> -> memref<1x6272xi32, #tpu.memory_space<hbm>>
      %dma_wait3A_116 = tpu.memref_squeeze %dma_wait3A_115 : memref<1x6272xi32, #tpu.memory_space<hbm>> -> memref<6272xi32, #tpu.memory_space<hbm>>
      tpu.wait_dma2 semaphore(%run_scoped3A_98 : memref<!tpu.dma_semaphore, #tpu.memory_space<semaphore_mem>>) src(%dma_wait3A_116 : memref<6272xi32, #tpu.memory_space<hbm>>) dst(%dma_wait3A_114 : memref<6272xi32, #tpu.memory_space<vmem>>)
      tpu.yield
    }) : () -> ()
    %iota3A = tpu.iota {dimensions = array<i32: 0>} : vector<16xi32>
    %scan3A_54 = arith.constant 0 : i32
    %scan3A_55 = arith.constant 0 : i32
    %scan3A_56 = arith.constant 49 : i32
    %scan3A_57 = arith.addi %scan3A_55, %scan3A_56 : i32
    %scan3A_58 = arith.constant 1 : i32
    %scan3A_59 = scf.for %scan3A_98 = %scan3A_55 to %scan3A_57 step %scan3A_58 iter_args(%scan3A_99 = %scan3A_54) -> (i32)  : i32 {
      %mul3A_100 = arith.constant 128 : i32
      %mul3A_101 = arith.muli %scan3A_98, %mul3A_100 : i32
      %add3A_102 = arith.constant 0 : i32
      %add3A_103 = arith.addi %mul3A_101, %add3A_102 : i32
      %get3A = arith.constant 0 : i32
      %get3A_104 = arith.index_cast %get3A : i32 to index
      %get3A_105 = arith.index_cast %add3A_103 : i32 to index
      %get3A_106 = tpu.vector_load %arg7[%get3A_104, %get3A_105] {strides = array<i32>} : memref<4x6272xi32, #tpu.memory_space<vmem>>, vector<16xi32>,
      %get3A_107 = arith.constant 1 : i32
      %get3A_108 = arith.index_cast %get3A_107 : i32 to index
      %get3A_109 = arith.index_cast %add3A_103 : i32 to index
      %get3A_110 = tpu.vector_load %arg7[%get3A_108, %get3A_109] {strides = array<i32>} : memref<4x6272xi32, #tpu.memory_space<vmem>>, vector<16xi32>,
      %get3A_111 = arith.constant 2 : i32
      %get3A_112 = arith.index_cast %get3A_111 : i32 to index
      %get3A_113 = arith.index_cast %add3A_103 : i32 to index
      %get3A_114 = tpu.vector_load %arg7[%get3A_112, %get3A_113] {strides = array<i32>} : memref<4x6272xi32, #tpu.memory_space<vmem>>, vector<16xi32>,
      %get3A_115 = arith.constant 3 : i32
      %get3A_116 = arith.index_cast %get3A_115 : i32 to index
      %get3A_117 = arith.index_cast %add3A_103 : i32 to index
      %get3A_118 = tpu.vector_load %arg7[%get3A_116, %get3A_117] {strides = array<i32>} : memref<4x6272xi32, #tpu.memory_space<vmem>>, vector<16xi32>,
      %mul3A_119 = arith.constant 66 : i32
      %mul3A_120 = vector.broadcast %mul3A_119 : i32 to vector<16xi32>
      %mul3A_121 = arith.muli %get3A_106, %mul3A_120 : vector<16xi32>
      %add3A_122 = arith.addi %mul3A_121, %get3A_110 : vector<16xi32>
      %add3A_123 = arith.constant 1 : i32
      %add3A_124 = vector.broadcast %add3A_123 : i32 to vector<16xi32>
      %add3A_125 = arith.addi %add3A_122, %add3A_124 : vector<16xi32>
      %mul3A_126 = arith.constant 66 : i32
      %mul3A_127 = vector.broadcast %mul3A_126 : i32 to vector<16xi32>
      %mul3A_128 = arith.muli %add3A_125, %mul3A_127 : vector<16xi32>
      %add3A_129 = arith.addi %mul3A_128, %get3A_114 : vector<16xi32>
      %add3A_130 = arith.constant 1 : i32
      %add3A_131 = vector.broadcast %add3A_130 : i32 to vector<16xi32>
      %add3A_132 = arith.addi %add3A_129, %add3A_131 : vector<16xi32>
      %mul3A_133 = arith.constant 66 : i32
      %mul3A_134 = vector.broadcast %mul3A_133 : i32 to vector<16xi32>
      %mul3A_135 = arith.muli %add3A_132, %mul3A_134 : vector<16xi32>
      %add3A_136 = arith.addi %mul3A_135, %get3A_118 : vector<16xi32>
      %add3A_137 = arith.constant 1 : i32
      %add3A_138 = vector.broadcast %add3A_137 : i32 to vector<16xi32>
      %add3A_139 = arith.addi %add3A_136, %add3A_138 : vector<16xi32>
      %mul3A_140 = arith.constant 392 : i32
      %mul3A_141 = arith.muli %arg1, %mul3A_140 : i32
      %mul3A_142 = arith.constant 8 : i32
      %mul3A_143 = arith.muli %scan3A_98, %mul3A_142 : i32
      %add3A_144 = arith.addi %mul3A_141, %mul3A_143 : i32
      %add3A_145 = arith.constant 0 : i32
      %add3A_146 = arith.addi %add3A_144, %add3A_145 : i32
      %mul3A_147 = arith.constant 16 : i32
      %mul3A_148 = arith.muli %add3A_146, %mul3A_147 : i32
      %lt3A = arith.constant 100000 : i32
      %lt3A_149 = arith.cmpi slt, %mul3A_148, %lt3A : i32
      %add3A_150 = arith.constant 574992 : i32
      %add3A_151 = vector.broadcast %add3A_150 : i32 to vector<16xi32>
      %add3A_152 = arith.addi %add3A_151, %iota3A : vector<16xi32>
      %select_n3A = arith.select %lt3A_149, %add3A_139, %add3A_152 : vector<16xi32>
      %swap3A = arith.constant 0 : index
      %swap3A_153 = tpu.vector_load %arg17[%swap3A] {strides = array<i32>} : memref<128xi32, #tpu.memory_space<vmem>>, vector<16xi32>,
      tpu.vector_store %arg17[%swap3A], %select_n3A {strides = array<i32>} : memref<128xi32, #tpu.memory_space<vmem>>, vector<16xi32>,
      %mul3A_154 = arith.constant 16 : i32
      %mul3A_155 = arith.muli %add3A_146, %mul3A_154 : i32
      %add3A_156 = vector.broadcast %mul3A_155 : i32 to vector<16xi32>
      %add3A_157 = arith.addi %add3A_156, %iota3A : vector<16xi32>
      %swap3A_158 = arith.constant 0 : index
      %swap3A_159 = tpu.vector_load %arg18[%swap3A_158] {strides = array<i32>} : memref<128xi32, #tpu.memory_space<vmem>>, vector<16xi32>,
      tpu.vector_store %arg18[%swap3A_158], %add3A_157 {strides = array<i32>} : memref<128xi32, #tpu.memory_space<vmem>>, vector<16xi32>,
      %mul3A_160 = arith.constant 128 : i32
      %mul3A_161 = arith.muli %scan3A_98, %mul3A_160 : i32
      %add3A_162 = arith.constant 16 : i32
      %add3A_163 = arith.addi %mul3A_161, %add3A_162 : i32
      %get3A_164 = arith.constant 0 : i32
      %get3A_165 = arith.index_cast %get3A_164 : i32 to index
      %get3A_166 = arith.index_cast %add3A_163 : i32 to index
      %get3A_167 = tpu.vector_load %arg7[%get3A_165, %get3A_166] {strides = array<i32>} : memref<4x6272xi32, #tpu.memory_space<vmem>>, vector<16xi32>,
      %get3A_168 = arith.constant 1 : i32
      %get3A_169 = arith.index_cast %get3A_168 : i32 to index
      %get3A_170 = arith.index_cast %add3A_163 : i32 to index
      %get3A_171 = tpu.vector_load %arg7[%get3A_169, %get3A_170] {strides = array<i32>} : memref<4x6272xi32, #tpu.memory_space<vmem>>, vector<16xi32>,
      %get3A_172 = arith.constant 2 : i32
      %get3A_173 = arith.index_cast %get3A_172 : i32 to index
      %get3A_174 = arith.index_cast %add3A_163 : i32 to index
      %get3A_175 = tpu.vector_load %arg7[%get3A_173, %get3A_174] {strides = array<i32>} : memref<4x6272xi32, #tpu.memory_space<vmem>>, vector<16xi32>,
      %get3A_176 = arith.constant 3 : i32
      %get3A_177 = arith.index_cast %get3A_176 : i32 to index
      %get3A_178 = arith.index_cast %add3A_163 : i32 to index
      %get3A_179 = tpu.vector_load %arg7[%get3A_177, %get3A_178] {strides = array<i32>} : memref<4x6272xi32, #tpu.memory_space<vmem>>, vector<16xi32>,
      %mul3A_180 = arith.constant 66 : i32
      %mul3A_181 = vector.broadcast %mul3A_180 : i32 to vector<16xi32>
      %mul3A_182 = arith.muli %get3A_167, %mul3A_181 : vector<16xi32>
      %add3A_183 = arith.addi %mul3A_182, %get3A_171 : vector<16xi32>
      %add3A_184 = arith.constant 1 : i32
      %add3A_185 = vector.broadcast %add3A_184 : i32 to vector<16xi32>
      %add3A_186 = arith.addi %add3A_183, %add3A_185 : vector<16xi32>
      %mul3A_187 = arith.constant 66 : i32
      %mul3A_188 = vector.broadcast %mul3A_187 : i32 to vector<16xi32>
      %mul3A_189 = arith.muli %add3A_186, %mul3A_188 : vector<16xi32>
      %add3A_190 = arith.addi %mul3A_189, %get3A_175 : vector<16xi32>
      %add3A_191 = arith.constant 1 : i32
      %add3A_192 = vector.broadcast %add3A_191 : i32 to vector<16xi32>
      %add3A_193 = arith.addi %add3A_190, %add3A_192 : vector<16xi32>
      %mul3A_194 = arith.constant 66 : i32
      %mul3A_195 = vector.broadcast %mul3A_194 : i32 to vector<16xi32>
      %mul3A_196 = arith.muli %add3A_193, %mul3A_195 : vector<16xi32>
      %add3A_197 = arith.addi %mul3A_196, %get3A_179 : vector<16xi32>
      %add3A_198 = arith.constant 1 : i32
      %add3A_199 = vector.broadcast %add3A_198 : i32 to vector<16xi32>
      %add3A_200 = arith.addi %add3A_197, %add3A_199 : vector<16xi32>
      %mul3A_201 = arith.constant 392 : i32
      %mul3A_202 = arith.muli %arg1, %mul3A_201 : i32
      %mul3A_203 = arith.constant 8 : i32
      %mul3A_204 = arith.muli %scan3A_98, %mul3A_203 : i32
      %add3A_205 = arith.addi %mul3A_202, %mul3A_204 : i32
      %add3A_206 = arith.constant 1 : i32
      %add3A_207 = arith.addi %add3A_205, %add3A_206 : i32
      %mul3A_208 = arith.constant 16 : i32
      %mul3A_209 = arith.muli %add3A_207, %mul3A_208 : i32
      %lt3A_210 = arith.constant 100000 : i32
      %lt3A_211 = arith.cmpi slt, %mul3A_209, %lt3A_210 : i32
      %add3A_212 = arith.constant 574992 : i32
      %add3A_213 = vector.broadcast %add3A_212 : i32 to vector<16xi32>
      %add3A_214 = arith.addi %add3A_213, %iota3A : vector<16xi32>
      %select_n3A_215 = arith.select %lt3A_211, %add3A_200, %add3A_214 : vector<16xi32>
      %swap3A_216 = arith.constant 16 : index
      %swap3A_217 = tpu.vector_load %arg17[%swap3A_216] {strides = array<i32>} : memref<128xi32, #tpu.memory_space<vmem>>, vector<16xi32>,
      tpu.vector_store %arg17[%swap3A_216], %select_n3A_215 {strides = array<i32>} : memref<128xi32, #tpu.memory_space<vmem>>, vector<16xi32>,
      %mul3A_218 = arith.constant 16 : i32
      %mul3A_219 = arith.muli %add3A_207, %mul3A_218 : i32
      %add3A_220 = vector.broadcast %mul3A_219 : i32 to vector<16xi32>
      %add3A_221 = arith.addi %add3A_220, %iota3A : vector<16xi32>
      %swap3A_222 = arith.constant 16 : index
      %swap3A_223 = tpu.vector_load %arg18[%swap3A_222] {strides = array<i32>} : memref<128xi32, #tpu.memory_space<vmem>>, vector<16xi32>,
      tpu.vector_store %arg18[%swap3A_222], %add3A_221 {strides = array<i32>} : memref<128xi32, #tpu.memory_space<vmem>>, vector<16xi32>,
      %mul3A_224 = arith.constant 128 : i32
      %mul3A_225 = arith.muli %scan3A_98, %mul3A_224 : i32
      %add3A_226 = arith.constant 32 : i32
      %add3A_227 = arith.addi %mul3A_225, %add3A_226 : i32
      %get3A_228 = arith.constant 0 : i32
      %get3A_229 = arith.index_cast %get3A_228 : i32 to index
      %get3A_230 = arith.index_cast %add3A_227 : i32 to index
      %get3A_231 = tpu.vector_load %arg7[%get3A_229, %get3A_230] {strides = array<i32>} : memref<4x6272xi32, #tpu.memory_space<vmem>>, vector<16xi32>,
      %get3A_232 = arith.constant 1 : i32
      %get3A_233 = arith.index_cast %get3A_232 : i32 to index
      %get3A_234 = arith.index_cast %add3A_227 : i32 to index
      %get3A_235 = tpu.vector_load %arg7[%get3A_233, %get3A_234] {strides = array<i32>} : memref<4x6272xi32, #tpu.memory_space<vmem>>, vector<16xi32>,
      %get3A_236 = arith.constant 2 : i32
      %get3A_237 = arith.index_cast %get3A_236 : i32 to index
      %get3A_238 = arith.index_cast %add3A_227 : i32 to index
      %get3A_239 = tpu.vector_load %arg7[%get3A_237, %get3A_238] {strides = array<i32>} : memref<4x6272xi32, #tpu.memory_space<vmem>>, vector<16xi32>,
      %get3A_240 = arith.constant 3 : i32
      %get3A_241 = arith.index_cast %get3A_240 : i32 to index
      %get3A_242 = arith.index_cast %add3A_227 : i32 to index
      %get3A_243 = tpu.vector_load %arg7[%get3A_241, %get3A_242] {strides = array<i32>} : memref<4x6272xi32, #tpu.memory_space<vmem>>, vector<16xi32>,
      %mul3A_244 = arith.constant 66 : i32
      %mul3A_245 = vector.broadcast %mul3A_244 : i32 to vector<16xi32>
      %mul3A_246 = arith.muli %get3A_231, %mul3A_245 : vector<16xi32>
      %add3A_247 = arith.addi %mul3A_246, %get3A_235 : vector<16xi32>
      %add3A_248 = arith.constant 1 : i32
      %add3A_249 = vector.broadcast %add3A_248 : i32 to vector<16xi32>
      %add3A_250 = arith.addi %add3A_247, %add3A_249 : vector<16xi32>
      %mul3A_251 = arith.constant 66 : i32
      %mul3A_252 = vector.broadcast %mul3A_251 : i32 to vector<16xi32>
      %mul3A_253 = arith.muli %add3A_250, %mul3A_252 : vector<16xi32>
      %add3A_254 = arith.addi %mul3A_253, %get3A_239 : vector<16xi32>
      %add3A_255 = arith.constant 1 : i32
      %add3A_256 = vector.broadcast %add3A_255 : i32 to vector<16xi32>
      %add3A_257 = arith.addi %add3A_254, %add3A_256 : vector<16xi32>
      %mul3A_258 = arith.constant 66 : i32
      %mul3A_259 = vector.broadcast %mul3A_258 : i32 to vector<16xi32>
      %mul3A_260 = arith.muli %add3A_257, %mul3A_259 : vector<16xi32>
      %add3A_261 = arith.addi %mul3A_260, %get3A_243 : vector<16xi32>
      %add3A_262 = arith.constant 1 : i32
      %add3A_263 = vector.broadcast %add3A_262 : i32 to vector<16xi32>
      %add3A_264 = arith.addi %add3A_261, %add3A_263 : vector<16xi32>
      %mul3A_265 = arith.constant 392 : i32
      %mul3A_266 = arith.muli %arg1, %mul3A_265 : i32
      %mul3A_267 = arith.constant 8 : i32
      %mul3A_268 = arith.muli %scan3A_98, %mul3A_267 : i32
      %add3A_269 = arith.addi %mul3A_266, %mul3A_268 : i32
      %add3A_270 = arith.constant 2 : i32
      %add3A_271 = arith.addi %add3A_269, %add3A_270 : i32
      %mul3A_272 = arith.constant 16 : i32
      %mul3A_273 = arith.muli %add3A_271, %mul3A_272 : i32
      %lt3A_274 = arith.constant 100000 : i32
      %lt3A_275 = arith.cmpi slt, %mul3A_273, %lt3A_274 : i32
      %add3A_276 = arith.constant 574992 : i32
      %add3A_277 = vector.broadcast %add3A_276 : i32 to vector<16xi32>
      %add3A_278 = arith.addi %add3A_277, %iota3A : vector<16xi32>
      %select_n3A_279 = arith.select %lt3A_275, %add3A_264, %add3A_278 : vector<16xi32>
      %swap3A_280 = arith.constant 32 : index
      %swap3A_281 = tpu.vector_load %arg17[%swap3A_280] {strides = array<i32>} : memref<128xi32, #tpu.memory_space<vmem>>, vector<16xi32>,
      tpu.vector_store %arg17[%swap3A_280], %select_n3A_279 {strides = array<i32>} : memref<128xi32, #tpu.memory_space<vmem>>, vector<16xi32>,
      %mul3A_282 = arith.constant 16 : i32
      %mul3A_283 = arith.muli %add3A_271, %mul3A_282 : i32
      %add3A_284 = vector.broadcast %mul3A_283 : i32 to vector<16xi32>
      %add3A_285 = arith.addi %add3A_284, %iota3A : vector<16xi32>
      %swap3A_286 = arith.constant 32 : index
      %swap3A_287 = tpu.vector_load %arg18[%swap3A_286] {strides = array<i32>} : memref<128xi32, #tpu.memory_space<vmem>>, vector<16xi32>,
      tpu.vector_store %arg18[%swap3A_286], %add3A_285 {strides = array<i32>} : memref<128xi32, #tpu.memory_space<vmem>>, vector<16xi32>,
      %mul3A_288 = arith.constant 128 : i32
      %mul3A_289 = arith.muli %scan3A_98, %mul3A_288 : i32
      %add3A_290 = arith.constant 48 : i32
      %add3A_291 = arith.addi %mul3A_289, %add3A_290 : i32
      %get3A_292 = arith.constant 0 : i32
      %get3A_293 = arith.index_cast %get3A_292 : i32 to index
      %get3A_294 = arith.index_cast %add3A_291 : i32 to index
      %get3A_295 = tpu.vector_load %arg7[%get3A_293, %get3A_294] {strides = array<i32>} : memref<4x6272xi32, #tpu.memory_space<vmem>>, vector<16xi32>,
      %get3A_296 = arith.constant 1 : i32
      %get3A_297 = arith.index_cast %get3A_296 : i32 to index
      %get3A_298 = arith.index_cast %add3A_291 : i32 to index
      %get3A_299 = tpu.vector_load %arg7[%get3A_297, %get3A_298] {strides = array<i32>} : memref<4x6272xi32, #tpu.memory_space<vmem>>, vector<16xi32>,
      %get3A_300 = arith.constant 2 : i32
      %get3A_301 = arith.index_cast %get3A_300 : i32 to index
      %get3A_302 = arith.index_cast %add3A_291 : i32 to index
      %get3A_303 = tpu.vector_load %arg7[%get3A_301, %get3A_302] {strides = array<i32>} : memref<4x6272xi32, #tpu.memory_space<vmem>>, vector<16xi32>,
      %get3A_304 = arith.constant 3 : i32
      %get3A_305 = arith.index_cast %get3A_304 : i32 to index
      %get3A_306 = arith.index_cast %add3A_291 : i32 to index
      %get3A_307 = tpu.vector_load %arg7[%get3A_305, %get3A_306] {strides = array<i32>} : memref<4x6272xi32, #tpu.memory_space<vmem>>, vector<16xi32>,
      %mul3A_308 = arith.constant 66 : i32
      %mul3A_309 = vector.broadcast %mul3A_308 : i32 to vector<16xi32>
      %mul3A_310 = arith.muli %get3A_295, %mul3A_309 : vector<16xi32>
      %add3A_311 = arith.addi %mul3A_310, %get3A_299 : vector<16xi32>
      %add3A_312 = arith.constant 1 : i32
      %add3A_313 = vector.broadcast %add3A_312 : i32 to vector<16xi32>
      %add3A_314 = arith.addi %add3A_311, %add3A_313 : vector<16xi32>
      %mul3A_315 = arith.constant 66 : i32
      %mul3A_316 = vector.broadcast %mul3A_315 : i32 to vector<16xi32>
      %mul3A_317 = arith.muli %add3A_314, %mul3A_316 : vector<16xi32>
      %add3A_318 = arith.addi %mul3A_317, %get3A_303 : vector<16xi32>
      %add3A_319 = arith.constant 1 : i32
      %add3A_320 = vector.broadcast %add3A_319 : i32 to vector<16xi32>
      %add3A_321 = arith.addi %add3A_318, %add3A_320 : vector<16xi32>
      %mul3A_322 = arith.constant 66 : i32
      %mul3A_323 = vector.broadcast %mul3A_322 : i32 to vector<16xi32>
      %mul3A_324 = arith.muli %add3A_321, %mul3A_323 : vector<16xi32>
      %add3A_325 = arith.addi %mul3A_324, %get3A_307 : vector<16xi32>
      %add3A_326 = arith.constant 1 : i32
      %add3A_327 = vector.broadcast %add3A_326 : i32 to vector<16xi32>
      %add3A_328 = arith.addi %add3A_325, %add3A_327 : vector<16xi32>
      %mul3A_329 = arith.constant 392 : i32
      %mul3A_330 = arith.muli %arg1, %mul3A_329 : i32
      %mul3A_331 = arith.constant 8 : i32
      %mul3A_332 = arith.muli %scan3A_98, %mul3A_331 : i32
      %add3A_333 = arith.addi %mul3A_330, %mul3A_332 : i32
      %add3A_334 = arith.constant 3 : i32
      %add3A_335 = arith.addi %add3A_333, %add3A_334 : i32
      %mul3A_336 = arith.constant 16 : i32
      %mul3A_337 = arith.muli %add3A_335, %mul3A_336 : i32
      %lt3A_338 = arith.constant 100000 : i32
      %lt3A_339 = arith.cmpi slt, %mul3A_337, %lt3A_338 : i32
      %add3A_340 = arith.constant 574992 : i32
      %add3A_341 = vector.broadcast %add3A_340 : i32 to vector<16xi32>
      %add3A_342 = arith.addi %add3A_341, %iota3A : vector<16xi32>
      %select_n3A_343 = arith.select %lt3A_339, %add3A_328, %add3A_342 : vector<16xi32>
      %swap3A_344 = arith.constant 48 : index
      %swap3A_345 = tpu.vector_load %arg17[%swap3A_344] {strides = array<i32>} : memref<128xi32, #tpu.memory_space<vmem>>, vector<16xi32>,
      tpu.vector_store %arg17[%swap3A_344], %select_n3A_343 {strides = array<i32>} : memref<128xi32, #tpu.memory_space<vmem>>, vector<16xi32>,
      %mul3A_346 = arith.constant 16 : i32
      %mul3A_347 = arith.muli %add3A_335, %mul3A_346 : i32
      %add3A_348 = vector.broadcast %mul3A_347 : i32 to vector<16xi32>
      %add3A_349 = arith.addi %add3A_348, %iota3A : vector<16xi32>
      %swap3A_350 = arith.constant 48 : index
      %swap3A_351 = tpu.vector_load %arg18[%swap3A_350] {strides = array<i32>} : memref<128xi32, #tpu.memory_space<vmem>>, vector<16xi32>,
      tpu.vector_store %arg18[%swap3A_350], %add3A_349 {strides = array<i32>} : memref<128xi32, #tpu.memory_space<vmem>>, vector<16xi32>,
      %mul3A_352 = arith.constant 128 : i32
      %mul3A_353 = arith.muli %scan3A_98, %mul3A_352 : i32
      %add3A_354 = arith.constant 64 : i32
      %add3A_355 = arith.addi %mul3A_353, %add3A_354 : i32
      %get3A_356 = arith.constant 0 : i32
      %get3A_357 = arith.index_cast %get3A_356 : i32 to index
      %get3A_358 = arith.index_cast %add3A_355 : i32 to index
      %get3A_359 = tpu.vector_load %arg7[%get3A_357, %get3A_358] {strides = array<i32>} : memref<4x6272xi32, #tpu.memory_space<vmem>>, vector<16xi32>,
      %get3A_360 = arith.constant 1 : i32
      %get3A_361 = arith.index_cast %get3A_360 : i32 to index
      %get3A_362 = arith.index_cast %add3A_355 : i32 to index
      %get3A_363 = tpu.vector_load %arg7[%get3A_361, %get3A_362] {strides = array<i32>} : memref<4x6272xi32, #tpu.memory_space<vmem>>, vector<16xi32>,
      %get3A_364 = arith.constant 2 : i32
      %get3A_365 = arith.index_cast %get3A_364 : i32 to index
      %get3A_366 = arith.index_cast %add3A_355 : i32 to index
      %get3A_367 = tpu.vector_load %arg7[%get3A_365, %get3A_366] {strides = array<i32>} : memref<4x6272xi32, #tpu.memory_space<vmem>>, vector<16xi32>,
      %get3A_368 = arith.constant 3 : i32
      %get3A_369 = arith.index_cast %get3A_368 : i32 to index
      %get3A_370 = arith.index_cast %add3A_355 : i32 to index
      %get3A_371 = tpu.vector_load %arg7[%get3A_369, %get3A_370] {strides = array<i32>} : memref<4x6272xi32, #tpu.memory_space<vmem>>, vector<16xi32>,
      %mul3A_372 = arith.constant 66 : i32
      %mul3A_373 = vector.broadcast %mul3A_372 : i32 to vector<16xi32>
      %mul3A_374 = arith.muli %get3A_359, %mul3A_373 : vector<16xi32>
      %add3A_375 = arith.addi %mul3A_374, %get3A_363 : vector<16xi32>
      %add3A_376 = arith.constant 1 : i32
      %add3A_377 = vector.broadcast %add3A_376 : i32 to vector<16xi32>
      %add3A_378 = arith.addi %add3A_375, %add3A_377 : vector<16xi32>
      %mul3A_379 = arith.constant 66 : i32
      %mul3A_380 = vector.broadcast %mul3A_379 : i32 to vector<16xi32>
      %mul3A_381 = arith.muli %add3A_378, %mul3A_380 : vector<16xi32>
      %add3A_382 = arith.addi %mul3A_381, %get3A_367 : vector<16xi32>
      %add3A_383 = arith.constant 1 : i32
      %add3A_384 = vector.broadcast %add3A_383 : i32 to vector<16xi32>
      %add3A_385 = arith.addi %add3A_382, %add3A_384 : vector<16xi32>
      %mul3A_386 = arith.constant 66 : i32
      %mul3A_387 = vector.broadcast %mul3A_386 : i32 to vector<16xi32>
      %mul3A_388 = arith.muli %add3A_385, %mul3A_387 : vector<16xi32>
      %add3A_389 = arith.addi %mul3A_388, %get3A_371 : vector<16xi32>
      %add3A_390 = arith.constant 1 : i32
      %add3A_391 = vector.broadcast %add3A_390 : i32 to vector<16xi32>
      %add3A_392 = arith.addi %add3A_389, %add3A_391 : vector<16xi32>
      %mul3A_393 = arith.constant 392 : i32
      %mul3A_394 = arith.muli %arg1, %mul3A_393 : i32
      %mul3A_395 = arith.constant 8 : i32
      %mul3A_396 = arith.muli %scan3A_98, %mul3A_395 : i32
      %add3A_397 = arith.addi %mul3A_394, %mul3A_396 : i32
      %add3A_398 = arith.constant 4 : i32
      %add3A_399 = arith.addi %add3A_397, %add3A_398 : i32
      %mul3A_400 = arith.constant 16 : i32
      %mul3A_401 = arith.muli %add3A_399, %mul3A_400 : i32
      %lt3A_402 = arith.constant 100000 : i32
      %lt3A_403 = arith.cmpi slt, %mul3A_401, %lt3A_402 : i32
      %add3A_404 = arith.constant 574992 : i32
      %add3A_405 = vector.broadcast %add3A_404 : i32 to vector<16xi32>
      %add3A_406 = arith.addi %add3A_405, %iota3A : vector<16xi32>
      %select_n3A_407 = arith.select %lt3A_403, %add3A_392, %add3A_406 : vector<16xi32>
      %swap3A_408 = arith.constant 64 : index
      %swap3A_409 = tpu.vector_load %arg17[%swap3A_408] {strides = array<i32>} : memref<128xi32, #tpu.memory_space<vmem>>, vector<16xi32>,
      tpu.vector_store %arg17[%swap3A_408], %select_n3A_407 {strides = array<i32>} : memref<128xi32, #tpu.memory_space<vmem>>, vector<16xi32>,
      %mul3A_410 = arith.constant 16 : i32
      %mul3A_411 = arith.muli %add3A_399, %mul3A_410 : i32
      %add3A_412 = vector.broadcast %mul3A_411 : i32 to vector<16xi32>
      %add3A_413 = arith.addi %add3A_412, %iota3A : vector<16xi32>
      %swap3A_414 = arith.constant 64 : index
      %swap3A_415 = tpu.vector_load %arg18[%swap3A_414] {strides = array<i32>} : memref<128xi32, #tpu.memory_space<vmem>>, vector<16xi32>,
      tpu.vector_store %arg18[%swap3A_414], %add3A_413 {strides = array<i32>} : memref<128xi32, #tpu.memory_space<vmem>>, vector<16xi32>,
      %mul3A_416 = arith.constant 128 : i32
      %mul3A_417 = arith.muli %scan3A_98, %mul3A_416 : i32
      %add3A_418 = arith.constant 80 : i32
      %add3A_419 = arith.addi %mul3A_417, %add3A_418 : i32
      %get3A_420 = arith.constant 0 : i32
      %get3A_421 = arith.index_cast %get3A_420 : i32 to index
      %get3A_422 = arith.index_cast %add3A_419 : i32 to index
      %get3A_423 = tpu.vector_load %arg7[%get3A_421, %get3A_422] {strides = array<i32>} : memref<4x6272xi32, #tpu.memory_space<vmem>>, vector<16xi32>,
      %get3A_424 = arith.constant 1 : i32
      %get3A_425 = arith.index_cast %get3A_424 : i32 to index
      %get3A_426 = arith.index_cast %add3A_419 : i32 to index
      %get3A_427 = tpu.vector_load %arg7[%get3A_425, %get3A_426] {strides = array<i32>} : memref<4x6272xi32, #tpu.memory_space<vmem>>, vector<16xi32>,
      %get3A_428 = arith.constant 2 : i32
      %get3A_429 = arith.index_cast %get3A_428 : i32 to index
      %get3A_430 = arith.index_cast %add3A_419 : i32 to index
      %get3A_431 = tpu.vector_load %arg7[%get3A_429, %get3A_430] {strides = array<i32>} : memref<4x6272xi32, #tpu.memory_space<vmem>>, vector<16xi32>,
      %get3A_432 = arith.constant 3 : i32
      %get3A_433 = arith.index_cast %get3A_432 : i32 to index
      %get3A_434 = arith.index_cast %add3A_419 : i32 to index
      %get3A_435 = tpu.vector_load %arg7[%get3A_433, %get3A_434] {strides = array<i32>} : memref<4x6272xi32, #tpu.memory_space<vmem>>, vector<16xi32>,
      %mul3A_436 = arith.constant 66 : i32
      %mul3A_437 = vector.broadcast %mul3A_436 : i32 to vector<16xi32>
      %mul3A_438 = arith.muli %get3A_423, %mul3A_437 : vector<16xi32>
      %add3A_439 = arith.addi %mul3A_438, %get3A_427 : vector<16xi32>
      %add3A_440 = arith.constant 1 : i32
      %add3A_441 = vector.broadcast %add3A_440 : i32 to vector<16xi32>
      %add3A_442 = arith.addi %add3A_439, %add3A_441 : vector<16xi32>
      %mul3A_443 = arith.constant 66 : i32
      %mul3A_444 = vector.broadcast %mul3A_443 : i32 to vector<16xi32>
      %mul3A_445 = arith.muli %add3A_442, %mul3A_444 : vector<16xi32>
      %add3A_446 = arith.addi %mul3A_445, %get3A_431 : vector<16xi32>
      %add3A_447 = arith.constant 1 : i32
      %add3A_448 = vector.broadcast %add3A_447 : i32 to vector<16xi32>
      %add3A_449 = arith.addi %add3A_446, %add3A_448 : vector<16xi32>
      %mul3A_450 = arith.constant 66 : i32
      %mul3A_451 = vector.broadcast %mul3A_450 : i32 to vector<16xi32>
      %mul3A_452 = arith.muli %add3A_449, %mul3A_451 : vector<16xi32>
      %add3A_453 = arith.addi %mul3A_452, %get3A_435 : vector<16xi32>
      %add3A_454 = arith.constant 1 : i32
      %add3A_455 = vector.broadcast %add3A_454 : i32 to vector<16xi32>
      %add3A_456 = arith.addi %add3A_453, %add3A_455 : vector<16xi32>
      %mul3A_457 = arith.constant 392 : i32
      %mul3A_458 = arith.muli %arg1, %mul3A_457 : i32
      %mul3A_459 = arith.constant 8 : i32
      %mul3A_460 = arith.muli %scan3A_98, %mul3A_459 : i32
      %add3A_461 = arith.addi %mul3A_458, %mul3A_460 : i32
      %add3A_462 = arith.constant 5 : i32
      %add3A_463 = arith.addi %add3A_461, %add3A_462 : i32
      %mul3A_464 = arith.constant 16 : i32
      %mul3A_465 = arith.muli %add3A_463, %mul3A_464 : i32
      %lt3A_466 = arith.constant 100000 : i32
      %lt3A_467 = arith.cmpi slt, %mul3A_465, %lt3A_466 : i32
      %add3A_468 = arith.constant 574992 : i32
      %add3A_469 = vector.broadcast %add3A_468 : i32 to vector<16xi32>
      %add3A_470 = arith.addi %add3A_469, %iota3A : vector<16xi32>
      %select_n3A_471 = arith.select %lt3A_467, %add3A_456, %add3A_470 : vector<16xi32>
      %swap3A_472 = arith.constant 80 : index
      %swap3A_473 = tpu.vector_load %arg17[%swap3A_472] {strides = array<i32>} : memref<128xi32, #tpu.memory_space<vmem>>, vector<16xi32>,
      tpu.vector_store %arg17[%swap3A_472], %select_n3A_471 {strides = array<i32>} : memref<128xi32, #tpu.memory_space<vmem>>, vector<16xi32>,
      %mul3A_474 = arith.constant 16 : i32
      %mul3A_475 = arith.muli %add3A_463, %mul3A_474 : i32
      %add3A_476 = vector.broadcast %mul3A_475 : i32 to vector<16xi32>
      %add3A_477 = arith.addi %add3A_476, %iota3A : vector<16xi32>
      %swap3A_478 = arith.constant 80 : index
      %swap3A_479 = tpu.vector_load %arg18[%swap3A_478] {strides = array<i32>} : memref<128xi32, #tpu.memory_space<vmem>>, vector<16xi32>,
      tpu.vector_store %arg18[%swap3A_478], %add3A_477 {strides = array<i32>} : memref<128xi32, #tpu.memory_space<vmem>>, vector<16xi32>,
      %mul3A_480 = arith.constant 128 : i32
      %mul3A_481 = arith.muli %scan3A_98, %mul3A_480 : i32
      %add3A_482 = arith.constant 96 : i32
      %add3A_483 = arith.addi %mul3A_481, %add3A_482 : i32
      %get3A_484 = arith.constant 0 : i32
      %get3A_485 = arith.index_cast %get3A_484 : i32 to index
      %get3A_486 = arith.index_cast %add3A_483 : i32 to index
      %get3A_487 = tpu.vector_load %arg7[%get3A_485, %get3A_486] {strides = array<i32>} : memref<4x6272xi32, #tpu.memory_space<vmem>>, vector<16xi32>,
      %get3A_488 = arith.constant 1 : i32
      %get3A_489 = arith.index_cast %get3A_488 : i32 to index
      %get3A_490 = arith.index_cast %add3A_483 : i32 to index
      %get3A_491 = tpu.vector_load %arg7[%get3A_489, %get3A_490] {strides = array<i32>} : memref<4x6272xi32, #tpu.memory_space<vmem>>, vector<16xi32>,
      %get3A_492 = arith.constant 2 : i32
      %get3A_493 = arith.index_cast %get3A_492 : i32 to index
      %get3A_494 = arith.index_cast %add3A_483 : i32 to index
      %get3A_495 = tpu.vector_load %arg7[%get3A_493, %get3A_494] {strides = array<i32>} : memref<4x6272xi32, #tpu.memory_space<vmem>>, vector<16xi32>,
      %get3A_496 = arith.constant 3 : i32
      %get3A_497 = arith.index_cast %get3A_496 : i32 to index
      %get3A_498 = arith.index_cast %add3A_483 : i32 to index
      %get3A_499 = tpu.vector_load %arg7[%get3A_497, %get3A_498] {strides = array<i32>} : memref<4x6272xi32, #tpu.memory_space<vmem>>, vector<16xi32>,
      %mul3A_500 = arith.constant 66 : i32
      %mul3A_501 = vector.broadcast %mul3A_500 : i32 to vector<16xi32>
      %mul3A_502 = arith.muli %get3A_487, %mul3A_501 : vector<16xi32>
      %add3A_503 = arith.addi %mul3A_502, %get3A_491 : vector<16xi32>
      %add3A_504 = arith.constant 1 : i32
      %add3A_505 = vector.broadcast %add3A_504 : i32 to vector<16xi32>
      %add3A_506 = arith.addi %add3A_503, %add3A_505 : vector<16xi32>
      %mul3A_507 = arith.constant 66 : i32
      %mul3A_508 = vector.broadcast %mul3A_507 : i32 to vector<16xi32>
      %mul3A_509 = arith.muli %add3A_506, %mul3A_508 : vector<16xi32>
      %add3A_510 = arith.addi %mul3A_509, %get3A_495 : vector<16xi32>
      %add3A_511 = arith.constant 1 : i32
      %add3A_512 = vector.broadcast %add3A_511 : i32 to vector<16xi32>
      %add3A_513 = arith.addi %add3A_510, %add3A_512 : vector<16xi32>
      %mul3A_514 = arith.constant 66 : i32
      %mul3A_515 = vector.broadcast %mul3A_514 : i32 to vector<16xi32>
      %mul3A_516 = arith.muli %add3A_513, %mul3A_515 : vector<16xi32>
      %add3A_517 = arith.addi %mul3A_516, %get3A_499 : vector<16xi32>
      %add3A_518 = arith.constant 1 : i32
      %add3A_519 = vector.broadcast %add3A_518 : i32 to vector<16xi32>
      %add3A_520 = arith.addi %add3A_517, %add3A_519 : vector<16xi32>
      %mul3A_521 = arith.constant 392 : i32
      %mul3A_522 = arith.muli %arg1, %mul3A_521 : i32
      %mul3A_523 = arith.constant 8 : i32
      %mul3A_524 = arith.muli %scan3A_98, %mul3A_523 : i32
      %add3A_525 = arith.addi %mul3A_522, %mul3A_524 : i32
      %add3A_526 = arith.constant 6 : i32
      %add3A_527 = arith.addi %add3A_525, %add3A_526 : i32
      %mul3A_528 = arith.constant 16 : i32
      %mul3A_529 = arith.muli %add3A_527, %mul3A_528 : i32
      %lt3A_530 = arith.constant 100000 : i32
      %lt3A_531 = arith.cmpi slt, %mul3A_529, %lt3A_530 : i32
      %add3A_532 = arith.constant 574992 : i32
      %add3A_533 = vector.broadcast %add3A_532 : i32 to vector<16xi32>
      %add3A_534 = arith.addi %add3A_533, %iota3A : vector<16xi32>
      %select_n3A_535 = arith.select %lt3A_531, %add3A_520, %add3A_534 : vector<16xi32>
      %swap3A_536 = arith.constant 96 : index
      %swap3A_537 = tpu.vector_load %arg17[%swap3A_536] {strides = array<i32>} : memref<128xi32, #tpu.memory_space<vmem>>, vector<16xi32>,
      tpu.vector_store %arg17[%swap3A_536], %select_n3A_535 {strides = array<i32>} : memref<128xi32, #tpu.memory_space<vmem>>, vector<16xi32>,
      %mul3A_538 = arith.constant 16 : i32
      %mul3A_539 = arith.muli %add3A_527, %mul3A_538 : i32
      %add3A_540 = vector.broadcast %mul3A_539 : i32 to vector<16xi32>
      %add3A_541 = arith.addi %add3A_540, %iota3A : vector<16xi32>
      %swap3A_542 = arith.constant 96 : index
      %swap3A_543 = tpu.vector_load %arg18[%swap3A_542] {strides = array<i32>} : memref<128xi32, #tpu.memory_space<vmem>>, vector<16xi32>,
      tpu.vector_store %arg18[%swap3A_542], %add3A_541 {strides = array<i32>} : memref<128xi32, #tpu.memory_space<vmem>>, vector<16xi32>,
      %mul3A_544 = arith.constant 128 : i32
      %mul3A_545 = arith.muli %scan3A_98, %mul3A_544 : i32
      %add3A_546 = arith.constant 112 : i32
      %add3A_547 = arith.addi %mul3A_545, %add3A_546 : i32
      %get3A_548 = arith.constant 0 : i32
      %get3A_549 = arith.index_cast %get3A_548 : i32 to index
      %get3A_550 = arith.index_cast %add3A_547 : i32 to index
      %get3A_551 = tpu.vector_load %arg7[%get3A_549, %get3A_550] {strides = array<i32>} : memref<4x6272xi32, #tpu.memory_space<vmem>>, vector<16xi32>,
      %get3A_552 = arith.constant 1 : i32
      %get3A_553 = arith.index_cast %get3A_552 : i32 to index
      %get3A_554 = arith.index_cast %add3A_547 : i32 to index
      %get3A_555 = tpu.vector_load %arg7[%get3A_553, %get3A_554] {strides = array<i32>} : memref<4x6272xi32, #tpu.memory_space<vmem>>, vector<16xi32>,
      %get3A_556 = arith.constant 2 : i32
      %get3A_557 = arith.index_cast %get3A_556 : i32 to index
      %get3A_558 = arith.index_cast %add3A_547 : i32 to index
      %get3A_559 = tpu.vector_load %arg7[%get3A_557, %get3A_558] {strides = array<i32>} : memref<4x6272xi32, #tpu.memory_space<vmem>>, vector<16xi32>,
      %get3A_560 = arith.constant 3 : i32
      %get3A_561 = arith.index_cast %get3A_560 : i32 to index
      %get3A_562 = arith.index_cast %add3A_547 : i32 to index
      %get3A_563 = tpu.vector_load %arg7[%get3A_561, %get3A_562] {strides = array<i32>} : memref<4x6272xi32, #tpu.memory_space<vmem>>, vector<16xi32>,
      %mul3A_564 = arith.constant 66 : i32
      %mul3A_565 = vector.broadcast %mul3A_564 : i32 to vector<16xi32>
      %mul3A_566 = arith.muli %get3A_551, %mul3A_565 : vector<16xi32>
      %add3A_567 = arith.addi %mul3A_566, %get3A_555 : vector<16xi32>
      %add3A_568 = arith.constant 1 : i32
      %add3A_569 = vector.broadcast %add3A_568 : i32 to vector<16xi32>
      %add3A_570 = arith.addi %add3A_567, %add3A_569 : vector<16xi32>
      %mul3A_571 = arith.constant 66 : i32
      %mul3A_572 = vector.broadcast %mul3A_571 : i32 to vector<16xi32>
      %mul3A_573 = arith.muli %add3A_570, %mul3A_572 : vector<16xi32>
      %add3A_574 = arith.addi %mul3A_573, %get3A_559 : vector<16xi32>
      %add3A_575 = arith.constant 1 : i32
      %add3A_576 = vector.broadcast %add3A_575 : i32 to vector<16xi32>
      %add3A_577 = arith.addi %add3A_574, %add3A_576 : vector<16xi32>
      %mul3A_578 = arith.constant 66 : i32
      %mul3A_579 = vector.broadcast %mul3A_578 : i32 to vector<16xi32>
      %mul3A_580 = arith.muli %add3A_577, %mul3A_579 : vector<16xi32>
      %add3A_581 = arith.addi %mul3A_580, %get3A_563 : vector<16xi32>
      %add3A_582 = arith.constant 1 : i32
      %add3A_583 = vector.broadcast %add3A_582 : i32 to vector<16xi32>
      %add3A_584 = arith.addi %add3A_581, %add3A_583 : vector<16xi32>
      %mul3A_585 = arith.constant 392 : i32
      %mul3A_586 = arith.muli %arg1, %mul3A_585 : i32
      %mul3A_587 = arith.constant 8 : i32
      %mul3A_588 = arith.muli %scan3A_98, %mul3A_587 : i32
      %add3A_589 = arith.addi %mul3A_586, %mul3A_588 : i32
      %add3A_590 = arith.constant 7 : i32
      %add3A_591 = arith.addi %add3A_589, %add3A_590 : i32
      %mul3A_592 = arith.constant 16 : i32
      %mul3A_593 = arith.muli %add3A_591, %mul3A_592 : i32
      %lt3A_594 = arith.constant 100000 : i32
      %lt3A_595 = arith.cmpi slt, %mul3A_593, %lt3A_594 : i32
      %add3A_596 = arith.constant 574992 : i32
      %add3A_597 = vector.broadcast %add3A_596 : i32 to vector<16xi32>
      %add3A_598 = arith.addi %add3A_597, %iota3A : vector<16xi32>
      %select_n3A_599 = arith.select %lt3A_595, %add3A_584, %add3A_598 : vector<16xi32>
      %swap3A_600 = arith.constant 112 : index
      %swap3A_601 = tpu.vector_load %arg17[%swap3A_600] {strides = array<i32>} : memref<128xi32, #tpu.memory_space<vmem>>, vector<16xi32>,
      tpu.vector_store %arg17[%swap3A_600], %select_n3A_599 {strides = array<i32>} : memref<128xi32, #tpu.memory_space<vmem>>, vector<16xi32>,
      %mul3A_602 = arith.constant 16 : i32
      %mul3A_603 = arith.muli %add3A_591, %mul3A_602 : i32
      %add3A_604 = vector.broadcast %mul3A_603 : i32 to vector<16xi32>
      %add3A_605 = arith.addi %add3A_604, %iota3A : vector<16xi32>
      %swap3A_606 = arith.constant 112 : index
      %swap3A_607 = tpu.vector_load %arg18[%swap3A_606] {strides = array<i32>} : memref<128xi32, #tpu.memory_space<vmem>>, vector<16xi32>,
      tpu.vector_store %arg18[%swap3A_606], %add3A_605 {strides = array<i32>} : memref<128xi32, #tpu.memory_space<vmem>>, vector<16xi32>,
      "tpu.region"() ({
        %run_scoped3A_609 = tpu.sem_alloc : memref<!tpu.dma_semaphore, #tpu.memory_space<semaphore_mem>>
        %dma_start3A = arith.constant 0 : i32
        %dma_start3A_610 = tpu.memref_slice %arg5[%dma_start3A] : memref<575488xi32, #tpu.memory_space<vmem_shared>> -> memref<575488xi32, #tpu.memory_space<vmem_shared>>
        tpu.enqueue_indirect_dma source(%arg18 : memref<128xi32, #tpu.memory_space<vmem>>) target(%dma_start3A_610 : memref<575488xi32, #tpu.memory_space<vmem_shared>>) offsets(%arg17 : memref<128xi32, #tpu.memory_space<vmem>>) semaphore(%run_scoped3A_609 : memref<!tpu.dma_semaphore, #tpu.memory_space<semaphore_mem>>)
        %dma_wait3A = arith.constant 0 : i32
        %dma_wait3A_611 = tpu.memref_slice %arg5[%dma_wait3A] : memref<575488xi32, #tpu.memory_space<vmem_shared>> -> memref<575488xi32, #tpu.memory_space<vmem_shared>>
        tpu.wait_indirect_dma semaphore(%run_scoped3A_609 : memref<!tpu.dma_semaphore, #tpu.memory_space<semaphore_mem>>) src(%arg18 : memref<128xi32, #tpu.memory_space<vmem>>) dst(%dma_wait3A_611 : memref<575488xi32, #tpu.memory_space<vmem_shared>>)
        tpu.yield
      }) : () -> ()
      %scan3A_608 = arith.constant 0 : i32
      scf.yield %scan3A_608 : i32
    }
    %scan3A_60 = arith.constant 49 : i32
    %barrier3A_61 = arith.constant 0 : index
    tpu.barrier barrier_id(%barrier3A_61)
    "tpu.trace_stop"() : () -> ()
    %mul3A_62 = arith.constant 3200 : i32
    %mul3A_63 = arith.muli %add3A, %mul3A_62 : i32
    %run_scoped3A_64 = arith.constant 0 : i32
    %run_scoped3A_65 = arith.constant 0 : i32
    "tpu.trace_start"() <{level = 10 : i32, message = "p2_lin"}> : () -> ()
    "tpu.region"() ({
      %run_scoped3A_98 = tpu.sem_alloc : memref<!tpu.dma_semaphore, #tpu.memory_space<semaphore_mem>>
      %dma_start3A = arith.constant 0 : i32
      %dma_start3A_99 = tpu.memref_slice %arg7[%run_scoped3A_65, %dma_start3A] : memref<4x6272xi32, #tpu.memory_space<vmem>> -> memref<1x3200xi32, #tpu.memory_space<vmem>>
      %dma_start3A_100 = tpu.memref_squeeze %dma_start3A_99 : memref<1x3200xi32, #tpu.memory_space<vmem>> -> memref<3200xi32, #tpu.memory_space<vmem>>
      %dma_start3A_101 = tpu.memref_slice %arg2[%run_scoped3A_64, %mul3A_63] : memref<4x102400xi32, #tpu.memory_space<hbm>> -> memref<1x3200xi32, #tpu.memory_space<hbm>>
      %dma_start3A_102 = tpu.memref_squeeze %dma_start3A_101 : memref<1x3200xi32, #tpu.memory_space<hbm>> -> memref<3200xi32, #tpu.memory_space<hbm>>
      %dma_start3A_103 = arith.constant 0 : i32
      %dma_start3A_104 = tpu.memref_slice %arg7[%run_scoped3A_65, %dma_start3A_103] : memref<4x6272xi32, #tpu.memory_space<vmem>> -> memref<1x3200xi32, #tpu.memory_space<vmem>>
      %dma_start3A_105 = tpu.memref_squeeze %dma_start3A_104 : memref<1x3200xi32, #tpu.memory_space<vmem>> -> memref<3200xi32, #tpu.memory_space<vmem>>
      %dma_start3A_106 = tpu.memref_slice %arg2[%run_scoped3A_64, %mul3A_63] : memref<4x102400xi32, #tpu.memory_space<hbm>> -> memref<1x3200xi32, #tpu.memory_space<hbm>>
      %dma_start3A_107 = tpu.memref_squeeze %dma_start3A_106 : memref<1x3200xi32, #tpu.memory_space<hbm>> -> memref<3200xi32, #tpu.memory_space<hbm>>
      tpu.enqueue_dma source(%dma_start3A_107 : memref<3200xi32, #tpu.memory_space<hbm>>) target(%dma_start3A_105 : memref<3200xi32, #tpu.memory_space<vmem>>) target_semaphore(%run_scoped3A_98 : memref<!tpu.dma_semaphore, #tpu.memory_space<semaphore_mem>>)
      %dma_wait3A = arith.constant 0 : i32
      %dma_wait3A_108 = tpu.memref_slice %arg7[%run_scoped3A_65, %dma_wait3A] : memref<4x6272xi32, #tpu.memory_space<vmem>> -> memref<1x3200xi32, #tpu.memory_space<vmem>>
      %dma_wait3A_109 = tpu.memref_squeeze %dma_wait3A_108 : memref<1x3200xi32, #tpu.memory_space<vmem>> -> memref<3200xi32, #tpu.memory_space<vmem>>
      %dma_wait3A_110 = tpu.memref_slice %arg2[%run_scoped3A_64, %mul3A_63] : memref<4x102400xi32, #tpu.memory_space<hbm>> -> memref<1x3200xi32, #tpu.memory_space<hbm>>
      %dma_wait3A_111 = tpu.memref_squeeze %dma_wait3A_110 : memref<1x3200xi32, #tpu.memory_space<hbm>> -> memref<3200xi32, #tpu.memory_space<hbm>>
      %dma_wait3A_112 = arith.constant 0 : i32
      %dma_wait3A_113 = tpu.memref_slice %arg7[%run_scoped3A_65, %dma_wait3A_112] : memref<4x6272xi32, #tpu.memory_space<vmem>> -> memref<1x3200xi32, #tpu.memory_space<vmem>>
      %dma_wait3A_114 = tpu.memref_squeeze %dma_wait3A_113 : memref<1x3200xi32, #tpu.memory_space<vmem>> -> memref<3200xi32, #tpu.memory_space<vmem>>
      %dma_wait3A_115 = tpu.memref_slice %arg2[%run_scoped3A_64, %mul3A_63] : memref<4x102400xi32, #tpu.memory_space<hbm>> -> memref<1x3200xi32, #tpu.memory_space<hbm>>
      %dma_wait3A_116 = tpu.memref_squeeze %dma_wait3A_115 : memref<1x3200xi32, #tpu.memory_space<hbm>> -> memref<3200xi32, #tpu.memory_space<hbm>>
      tpu.wait_dma2 semaphore(%run_scoped3A_98 : memref<!tpu.dma_semaphore, #tpu.memory_space<semaphore_mem>>) src(%dma_wait3A_116 : memref<3200xi32, #tpu.memory_space<hbm>>) dst(%dma_wait3A_114 : memref<3200xi32, #tpu.memory_space<vmem>>)
      tpu.yield
    }) : () -> ()
    %run_scoped3A_66 = arith.constant 1 : i32
    %run_scoped3A_67 = arith.constant 1 : i32
    "tpu.region"() ({
      %run_scoped3A_98 = tpu.sem_alloc : memref<!tpu.dma_semaphore, #tpu.memory_space<semaphore_mem>>
      %dma_start3A = arith.constant 0 : i32
      %dma_start3A_99 = tpu.memref_slice %arg7[%run_scoped3A_67, %dma_start3A] : memref<4x6272xi32, #tpu.memory_space<vmem>> -> memref<1x3200xi32, #tpu.memory_space<vmem>>
      %dma_start3A_100 = tpu.memref_squeeze %dma_start3A_99 : memref<1x3200xi32, #tpu.memory_space<vmem>> -> memref<3200xi32, #tpu.memory_space<vmem>>
      %dma_start3A_101 = tpu.memref_slice %arg2[%run_scoped3A_66, %mul3A_63] : memref<4x102400xi32, #tpu.memory_space<hbm>> -> memref<1x3200xi32, #tpu.memory_space<hbm>>
      %dma_start3A_102 = tpu.memref_squeeze %dma_start3A_101 : memref<1x3200xi32, #tpu.memory_space<hbm>> -> memref<3200xi32, #tpu.memory_space<hbm>>
      %dma_start3A_103 = arith.constant 0 : i32
      %dma_start3A_104 = tpu.memref_slice %arg7[%run_scoped3A_67, %dma_start3A_103] : memref<4x6272xi32, #tpu.memory_space<vmem>> -> memref<1x3200xi32, #tpu.memory_space<vmem>>
      %dma_start3A_105 = tpu.memref_squeeze %dma_start3A_104 : memref<1x3200xi32, #tpu.memory_space<vmem>> -> memref<3200xi32, #tpu.memory_space<vmem>>
      %dma_start3A_106 = tpu.memref_slice %arg2[%run_scoped3A_66, %mul3A_63] : memref<4x102400xi32, #tpu.memory_space<hbm>> -> memref<1x3200xi32, #tpu.memory_space<hbm>>
      %dma_start3A_107 = tpu.memref_squeeze %dma_start3A_106 : memref<1x3200xi32, #tpu.memory_space<hbm>> -> memref<3200xi32, #tpu.memory_space<hbm>>
      tpu.enqueue_dma source(%dma_start3A_107 : memref<3200xi32, #tpu.memory_space<hbm>>) target(%dma_start3A_105 : memref<3200xi32, #tpu.memory_space<vmem>>) target_semaphore(%run_scoped3A_98 : memref<!tpu.dma_semaphore, #tpu.memory_space<semaphore_mem>>)
      %dma_wait3A = arith.constant 0 : i32
      %dma_wait3A_108 = tpu.memref_slice %arg7[%run_scoped3A_67, %dma_wait3A] : memref<4x6272xi32, #tpu.memory_space<vmem>> -> memref<1x3200xi32, #tpu.memory_space<vmem>>
      %dma_wait3A_109 = tpu.memref_squeeze %dma_wait3A_108 : memref<1x3200xi32, #tpu.memory_space<vmem>> -> memref<3200xi32, #tpu.memory_space<vmem>>
      %dma_wait3A_110 = tpu.memref_slice %arg2[%run_scoped3A_66, %mul3A_63] : memref<4x102400xi32, #tpu.memory_space<hbm>> -> memref<1x3200xi32, #tpu.memory_space<hbm>>
      %dma_wait3A_111 = tpu.memref_squeeze %dma_wait3A_110 : memref<1x3200xi32, #tpu.memory_space<hbm>> -> memref<3200xi32, #tpu.memory_space<hbm>>
      %dma_wait3A_112 = arith.constant 0 : i32
      %dma_wait3A_113 = tpu.memref_slice %arg7[%run_scoped3A_67, %dma_wait3A_112] : memref<4x6272xi32, #tpu.memory_space<vmem>> -> memref<1x3200xi32, #tpu.memory_space<vmem>>
      %dma_wait3A_114 = tpu.memref_squeeze %dma_wait3A_113 : memref<1x3200xi32, #tpu.memory_space<vmem>> -> memref<3200xi32, #tpu.memory_space<vmem>>
      %dma_wait3A_115 = tpu.memref_slice %arg2[%run_scoped3A_66, %mul3A_63] : memref<4x102400xi32, #tpu.memory_space<hbm>> -> memref<1x3200xi32, #tpu.memory_space<hbm>>
      %dma_wait3A_116 = tpu.memref_squeeze %dma_wait3A_115 : memref<1x3200xi32, #tpu.memory_space<hbm>> -> memref<3200xi32, #tpu.memory_space<hbm>>
      tpu.wait_dma2 semaphore(%run_scoped3A_98 : memref<!tpu.dma_semaphore, #tpu.memory_space<semaphore_mem>>) src(%dma_wait3A_116 : memref<3200xi32, #tpu.memory_space<hbm>>) dst(%dma_wait3A_114 : memref<3200xi32, #tpu.memory_space<vmem>>)
      tpu.yield
    }) : () -> ()
    %run_scoped3A_68 = arith.constant 2 : i32
    %run_scoped3A_69 = arith.constant 2 : i32
    "tpu.region"() ({
      %run_scoped3A_98 = tpu.sem_alloc : memref<!tpu.dma_semaphore, #tpu.memory_space<semaphore_mem>>
      %dma_start3A = arith.constant 0 : i32
      %dma_start3A_99 = tpu.memref_slice %arg7[%run_scoped3A_69, %dma_start3A] : memref<4x6272xi32, #tpu.memory_space<vmem>> -> memref<1x3200xi32, #tpu.memory_space<vmem>>
      %dma_start3A_100 = tpu.memref_squeeze %dma_start3A_99 : memref<1x3200xi32, #tpu.memory_space<vmem>> -> memref<3200xi32, #tpu.memory_space<vmem>>
      %dma_start3A_101 = tpu.memref_slice %arg2[%run_scoped3A_68, %mul3A_63] : memref<4x102400xi32, #tpu.memory_space<hbm>> -> memref<1x3200xi32, #tpu.memory_space<hbm>>
      %dma_start3A_102 = tpu.memref_squeeze %dma_start3A_101 : memref<1x3200xi32, #tpu.memory_space<hbm>> -> memref<3200xi32, #tpu.memory_space<hbm>>
      %dma_start3A_103 = arith.constant 0 : i32
      %dma_start3A_104 = tpu.memref_slice %arg7[%run_scoped3A_69, %dma_start3A_103] : memref<4x6272xi32, #tpu.memory_space<vmem>> -> memref<1x3200xi32, #tpu.memory_space<vmem>>
      %dma_start3A_105 = tpu.memref_squeeze %dma_start3A_104 : memref<1x3200xi32, #tpu.memory_space<vmem>> -> memref<3200xi32, #tpu.memory_space<vmem>>
      %dma_start3A_106 = tpu.memref_slice %arg2[%run_scoped3A_68, %mul3A_63] : memref<4x102400xi32, #tpu.memory_space<hbm>> -> memref<1x3200xi32, #tpu.memory_space<hbm>>
      %dma_start3A_107 = tpu.memref_squeeze %dma_start3A_106 : memref<1x3200xi32, #tpu.memory_space<hbm>> -> memref<3200xi32, #tpu.memory_space<hbm>>
      tpu.enqueue_dma source(%dma_start3A_107 : memref<3200xi32, #tpu.memory_space<hbm>>) target(%dma_start3A_105 : memref<3200xi32, #tpu.memory_space<vmem>>) target_semaphore(%run_scoped3A_98 : memref<!tpu.dma_semaphore, #tpu.memory_space<semaphore_mem>>)
      %dma_wait3A = arith.constant 0 : i32
      %dma_wait3A_108 = tpu.memref_slice %arg7[%run_scoped3A_69, %dma_wait3A] : memref<4x6272xi32, #tpu.memory_space<vmem>> -> memref<1x3200xi32, #tpu.memory_space<vmem>>
      %dma_wait3A_109 = tpu.memref_squeeze %dma_wait3A_108 : memref<1x3200xi32, #tpu.memory_space<vmem>> -> memref<3200xi32, #tpu.memory_space<vmem>>
      %dma_wait3A_110 = tpu.memref_slice %arg2[%run_scoped3A_68, %mul3A_63] : memref<4x102400xi32, #tpu.memory_space<hbm>> -> memref<1x3200xi32, #tpu.memory_space<hbm>>
      %dma_wait3A_111 = tpu.memref_squeeze %dma_wait3A_110 : memref<1x3200xi32, #tpu.memory_space<hbm>> -> memref<3200xi32, #tpu.memory_space<hbm>>
      %dma_wait3A_112 = arith.constant 0 : i32
      %dma_wait3A_113 = tpu.memref_slice %arg7[%run_scoped3A_69, %dma_wait3A_112] : memref<4x6272xi32, #tpu.memory_space<vmem>> -> memref<1x3200xi32, #tpu.memory_space<vmem>>
      %dma_wait3A_114 = tpu.memref_squeeze %dma_wait3A_113 : memref<1x3200xi32, #tpu.memory_space<vmem>> -> memref<3200xi32, #tpu.memory_space<vmem>>
      %dma_wait3A_115 = tpu.memref_slice %arg2[%run_scoped3A_68, %mul3A_63] : memref<4x102400xi32, #tpu.memory_space<hbm>> -> memref<1x3200xi32, #tpu.memory_space<hbm>>
      %dma_wait3A_116 = tpu.memref_squeeze %dma_wait3A_115 : memref<1x3200xi32, #tpu.memory_space<hbm>> -> memref<3200xi32, #tpu.memory_space<hbm>>
      tpu.wait_dma2 semaphore(%run_scoped3A_98 : memref<!tpu.dma_semaphore, #tpu.memory_space<semaphore_mem>>) src(%dma_wait3A_116 : memref<3200xi32, #tpu.memory_space<hbm>>) dst(%dma_wait3A_114 : memref<3200xi32, #tpu.memory_space<vmem>>)
      tpu.yield
    }) : () -> ()
    %run_scoped3A_70 = arith.constant 3 : i32
    %run_scoped3A_71 = arith.constant 3 : i32
    "tpu.region"() ({
      %run_scoped3A_98 = tpu.sem_alloc : memref<!tpu.dma_semaphore, #tpu.memory_space<semaphore_mem>>
      %dma_start3A = arith.constant 0 : i32
      %dma_start3A_99 = tpu.memref_slice %arg7[%run_scoped3A_71, %dma_start3A] : memref<4x6272xi32, #tpu.memory_space<vmem>> -> memref<1x3200xi32, #tpu.memory_space<vmem>>
      %dma_start3A_100 = tpu.memref_squeeze %dma_start3A_99 : memref<1x3200xi32, #tpu.memory_space<vmem>> -> memref<3200xi32, #tpu.memory_space<vmem>>
      %dma_start3A_101 = tpu.memref_slice %arg2[%run_scoped3A_70, %mul3A_63] : memref<4x102400xi32, #tpu.memory_space<hbm>> -> memref<1x3200xi32, #tpu.memory_space<hbm>>
      %dma_start3A_102 = tpu.memref_squeeze %dma_start3A_101 : memref<1x3200xi32, #tpu.memory_space<hbm>> -> memref<3200xi32, #tpu.memory_space<hbm>>
      %dma_start3A_103 = arith.constant 0 : i32
      %dma_start3A_104 = tpu.memref_slice %arg7[%run_scoped3A_71, %dma_start3A_103] : memref<4x6272xi32, #tpu.memory_space<vmem>> -> memref<1x3200xi32, #tpu.memory_space<vmem>>
      %dma_start3A_105 = tpu.memref_squeeze %dma_start3A_104 : memref<1x3200xi32, #tpu.memory_space<vmem>> -> memref<3200xi32, #tpu.memory_space<vmem>>
      %dma_start3A_106 = tpu.memref_slice %arg2[%run_scoped3A_70, %mul3A_63] : memref<4x102400xi32, #tpu.memory_space<hbm>> -> memref<1x3200xi32, #tpu.memory_space<hbm>>
      %dma_start3A_107 = tpu.memref_squeeze %dma_start3A_106 : memref<1x3200xi32, #tpu.memory_space<hbm>> -> memref<3200xi32, #tpu.memory_space<hbm>>
      tpu.enqueue_dma source(%dma_start3A_107 : memref<3200xi32, #tpu.memory_space<hbm>>) target(%dma_start3A_105 : memref<3200xi32, #tpu.memory_space<vmem>>) target_semaphore(%run_scoped3A_98 : memref<!tpu.dma_semaphore, #tpu.memory_space<semaphore_mem>>)
      %dma_wait3A = arith.constant 0 : i32
      %dma_wait3A_108 = tpu.memref_slice %arg7[%run_scoped3A_71, %dma_wait3A] : memref<4x6272xi32, #tpu.memory_space<vmem>> -> memref<1x3200xi32, #tpu.memory_space<vmem>>
      %dma_wait3A_109 = tpu.memref_squeeze %dma_wait3A_108 : memref<1x3200xi32, #tpu.memory_space<vmem>> -> memref<3200xi32, #tpu.memory_space<vmem>>
      %dma_wait3A_110 = tpu.memref_slice %arg2[%run_scoped3A_70, %mul3A_63] : memref<4x102400xi32, #tpu.memory_space<hbm>> -> memref<1x3200xi32, #tpu.memory_space<hbm>>
      %dma_wait3A_111 = tpu.memref_squeeze %dma_wait3A_110 : memref<1x3200xi32, #tpu.memory_space<hbm>> -> memref<3200xi32, #tpu.memory_space<hbm>>
      %dma_wait3A_112 = arith.constant 0 : i32
      %dma_wait3A_113 = tpu.memref_slice %arg7[%run_scoped3A_71, %dma_wait3A_112] : memref<4x6272xi32, #tpu.memory_space<vmem>> -> memref<1x3200xi32, #tpu.memory_space<vmem>>
      %dma_wait3A_114 = tpu.memref_squeeze %dma_wait3A_113 : memref<1x3200xi32, #tpu.memory_space<vmem>> -> memref<3200xi32, #tpu.memory_space<vmem>>
      %dma_wait3A_115 = tpu.memref_slice %arg2[%run_scoped3A_70, %mul3A_63] : memref<4x102400xi32, #tpu.memory_space<hbm>> -> memref<1x3200xi32, #tpu.memory_space<hbm>>
      %dma_wait3A_116 = tpu.memref_squeeze %dma_wait3A_115 : memref<1x3200xi32, #tpu.memory_space<hbm>> -> memref<3200xi32, #tpu.memory_space<hbm>>
      tpu.wait_dma2 semaphore(%run_scoped3A_98 : memref<!tpu.dma_semaphore, #tpu.memory_space<semaphore_mem>>) src(%dma_wait3A_116 : memref<3200xi32, #tpu.memory_space<hbm>>) dst(%dma_wait3A_114 : memref<3200xi32, #tpu.memory_space<vmem>>)
      tpu.yield
    }) : () -> ()
    %scan3A_72 = arith.constant 0 : i32
    %scan3A_73 = arith.constant 0 : i32
    %scan3A_74 = arith.constant 200 : i32
    %scan3A_75 = arith.addi %scan3A_73, %scan3A_74 : i32
    %scan3A_76 = arith.constant 1 : i32
    %scan3A_77 = scf.for %scan3A_98 = %scan3A_73 to %scan3A_75 step %scan3A_76 iter_args(%scan3A_99 = %scan3A_72) -> (i32)  : i32 {
      %mul3A_100 = arith.constant 16 : i32
      %mul3A_101 = arith.muli %scan3A_98, %mul3A_100 : i32
      %get3A = arith.constant 0 : i32
      %get3A_102 = arith.index_cast %get3A : i32 to index
      %get3A_103 = arith.index_cast %mul3A_101 : i32 to index
      %get3A_104 = tpu.vector_load %arg7[%get3A_102, %get3A_103] {strides = array<i32>} : memref<4x6272xi32, #tpu.memory_space<vmem>>, vector<16xi32>,
      %get3A_105 = arith.constant 1 : i32
      %get3A_106 = arith.index_cast %get3A_105 : i32 to index
      %get3A_107 = arith.index_cast %mul3A_101 : i32 to index
      %get3A_108 = tpu.vector_load %arg7[%get3A_106, %get3A_107] {strides = array<i32>} : memref<4x6272xi32, #tpu.memory_space<vmem>>, vector<16xi32>,
      %get3A_109 = arith.constant 2 : i32
      %get3A_110 = arith.index_cast %get3A_109 : i32 to index
      %get3A_111 = arith.index_cast %mul3A_101 : i32 to index
      %get3A_112 = tpu.vector_load %arg7[%get3A_110, %get3A_111] {strides = array<i32>} : memref<4x6272xi32, #tpu.memory_space<vmem>>, vector<16xi32>,
      %get3A_113 = arith.constant 3 : i32
      %get3A_114 = arith.index_cast %get3A_113 : i32 to index
      %get3A_115 = arith.index_cast %mul3A_101 : i32 to index
      %get3A_116 = tpu.vector_load %arg7[%get3A_114, %get3A_115] {strides = array<i32>} : memref<4x6272xi32, #tpu.memory_space<vmem>>, vector<16xi32>,
      %mul3A_117 = arith.constant 66 : i32
      %mul3A_118 = vector.broadcast %mul3A_117 : i32 to vector<16xi32>
      %mul3A_119 = arith.muli %get3A_104, %mul3A_118 : vector<16xi32>
      %add3A_120 = arith.addi %mul3A_119, %get3A_108 : vector<16xi32>
      %add3A_121 = arith.constant 1 : i32
      %add3A_122 = vector.broadcast %add3A_121 : i32 to vector<16xi32>
      %add3A_123 = arith.addi %add3A_120, %add3A_122 : vector<16xi32>
      %mul3A_124 = arith.constant 66 : i32
      %mul3A_125 = vector.broadcast %mul3A_124 : i32 to vector<16xi32>
      %mul3A_126 = arith.muli %add3A_123, %mul3A_125 : vector<16xi32>
      %add3A_127 = arith.addi %mul3A_126, %get3A_112 : vector<16xi32>
      %add3A_128 = arith.constant 1 : i32
      %add3A_129 = vector.broadcast %add3A_128 : i32 to vector<16xi32>
      %add3A_130 = arith.addi %add3A_127, %add3A_129 : vector<16xi32>
      %mul3A_131 = arith.constant 66 : i32
      %mul3A_132 = vector.broadcast %mul3A_131 : i32 to vector<16xi32>
      %mul3A_133 = arith.muli %add3A_130, %mul3A_132 : vector<16xi32>
      %add3A_134 = arith.addi %mul3A_133, %get3A_116 : vector<16xi32>
      %add3A_135 = arith.constant 1 : i32
      %add3A_136 = vector.broadcast %add3A_135 : i32 to vector<16xi32>
      %add3A_137 = arith.addi %add3A_134, %add3A_136 : vector<16xi32>
      %mul3A_138 = arith.constant 16 : i32
      %mul3A_139 = arith.muli %scan3A_98, %mul3A_138 : i32
      %swap3A = arith.index_cast %mul3A_139 : i32 to index
      %swap3A_140 = tpu.vector_load %arg8[%swap3A] {strides = array<i32>} : memref<3200xi32, #tpu.memory_space<vmem>>, vector<16xi32>,
      tpu.vector_store %arg8[%swap3A], %add3A_137 {strides = array<i32>} : memref<3200xi32, #tpu.memory_space<vmem>>, vector<16xi32>,
      %scan3A_141 = arith.constant 0 : i32
      scf.yield %scan3A_141 : i32
    }
    %scan3A_78 = arith.constant 200 : i32
    %scan3A_79 = arith.constant 0 : i32
    %scan3A_80 = arith.constant 0 : i32
    %scan3A_81 = arith.constant 136 : i32
    %scan3A_82 = arith.addi %scan3A_80, %scan3A_81 : i32
    %scan3A_83 = arith.constant 1 : i32
    %scan3A_84 = scf.for %scan3A_98 = %scan3A_80 to %scan3A_82 step %scan3A_83 iter_args(%scan3A_99 = %scan3A_79) -> (i32)  : i32 {
      %broadcast_in_dim3A = arith.constant 0.000000e+00 : f32
      %broadcast_in_dim3A_100 = vector.broadcast %broadcast_in_dim3A : f32 to vector<16xf32>
      %swap3A = arith.index_cast %scan3A_98 : i32 to index
      %swap3A_101 = arith.constant 0 : index
      %swap3A_102 = tpu.vector_load %arg15[%swap3A, %swap3A_101] {strides = array<i32>} : memref<136x32xf32, #tpu.memory_space<vmem>>, vector<16xf32>,
      tpu.vector_store %arg15[%swap3A, %swap3A_101], %broadcast_in_dim3A_100 {strides = array<i32>} : memref<136x32xf32, #tpu.memory_space<vmem>>, vector<16xf32>,
      %broadcast_in_dim3A_103 = arith.constant 0.000000e+00 : f32
      %broadcast_in_dim3A_104 = vector.broadcast %broadcast_in_dim3A_103 : f32 to vector<16xf32>
      %swap3A_105 = arith.index_cast %scan3A_98 : i32 to index
      %swap3A_106 = arith.constant 16 : index
      %swap3A_107 = tpu.vector_load %arg15[%swap3A_105, %swap3A_106] {strides = array<i32>} : memref<136x32xf32, #tpu.memory_space<vmem>>, vector<16xf32>,
      tpu.vector_store %arg15[%swap3A_105, %swap3A_106], %broadcast_in_dim3A_104 {strides = array<i32>} : memref<136x32xf32, #tpu.memory_space<vmem>>, vector<16xf32>,
      %scan3A_108 = arith.constant 0 : i32
      scf.yield %scan3A_108 : i32
    }
    %scan3A_85 = arith.constant 136 : i32
    "tpu.trace_stop"() : () -> ()
    %iota3A_86 = tpu.iota {dimensions = array<i32: 0>} : vector<16xi32>
    %mul3A_87 = arith.constant 136 : i32
    %mul3A_88 = arith.muli %arg1, %mul3A_87 : i32
    %add3A_89 = arith.constant 128 : i32
    %add3A_90 = arith.addi %mul3A_88, %add3A_89 : i32
    %scan3A_91 = arith.constant 0 : i32
    %scan3A_92 = arith.constant 0 : i32
    %scan3A_93 = arith.constant 25 : i32
    %scan3A_94 = arith.addi %scan3A_92, %scan3A_93 : i32
    %scan3A_95 = arith.constant 1 : i32
    %scan3A_96 = scf.for %scan3A_98 = %scan3A_92 to %scan3A_94 step %scan3A_95 iter_args(%scan3A_99 = %scan3A_91) -> (i32)  : i32 {
      %mul3A_100 = arith.constant 128 : i32
      %mul3A_101 = arith.muli %scan3A_98, %mul3A_100 : i32
      "tpu.trace_start"() <{level = 10 : i32, message = "c_zero"}> : () -> ()
      %scan3A_102 = arith.constant 0 : i32
      %scan3A_103 = arith.constant 0 : i32
      %scan3A_104 = arith.constant 56 : i32
      %scan3A_105 = arith.addi %scan3A_103, %scan3A_104 : i32
      %scan3A_106 = arith.constant 1 : i32
      %scan3A_107 = scf.for %scan3A_843 = %scan3A_103 to %scan3A_105 step %scan3A_106 iter_args(%scan3A_844 = %scan3A_102) -> (i32)  : i32 {
        %broadcast_in_dim3A_845 = arith.constant 2700000 : i32
        %broadcast_in_dim3A_846 = vector.broadcast %broadcast_in_dim3A_845 : i32 to vector<16xi32>
        %mul3A_847 = arith.constant 16 : i32
        %mul3A_848 = arith.muli %scan3A_843, %mul3A_847 : i32
        %swap3A_849 = arith.index_cast %mul3A_848 : i32 to index
        %swap3A_850 = tpu.vector_load %arg12[%swap3A_849] {strides = array<i32>} : memref<912xi32, #tpu.memory_space<vmem>>, vector<16xi32>,
        tpu.vector_store %arg12[%swap3A_849], %broadcast_in_dim3A_846 {strides = array<i32>} : memref<912xi32, #tpu.memory_space<vmem>>, vector<16xi32>,
        %broadcast_in_dim3A_851 = vector.broadcast %add3A_90 : i32 to vector<16xi32>
        %mul3A_852 = arith.constant 16 : i32
        %mul3A_853 = arith.muli %scan3A_843, %mul3A_852 : i32
        %swap3A_854 = arith.index_cast %mul3A_853 : i32 to index
        %swap3A_855 = tpu.vector_load %arg13[%swap3A_854] {strides = array<i32>} : memref<912xi32, #tpu.memory_space<vmem>>, vector<16xi32>,
        tpu.vector_store %arg13[%swap3A_854], %broadcast_in_dim3A_851 {strides = array<i32>} : memref<912xi32, #tpu.memory_space<vmem>>, vector<16xi32>,
        %scan3A_856 = arith.constant 0 : i32
        scf.yield %scan3A_856 : i32
      }
      %scan3A_108 = arith.constant 56 : i32
      %dma_start3A = arith.constant 0 : i32
      %dma_start3A_109 = tpu.memref_slice %arg6[%mul3A_88, %dma_start3A] : memref<2176x32xf32, #tpu.memory_space<vmem_shared>> -> memref<136x32xf32, #tpu.memory_space<vmem_shared>>
      %dma_start3A_110 = arith.constant 0 : i32
      %dma_start3A_111 = tpu.memref_slice %arg6[%mul3A_88, %dma_start3A_110] : memref<2176x32xf32, #tpu.memory_space<vmem_shared>> -> memref<136x32xf32, #tpu.memory_space<vmem_shared>>
      tpu.enqueue_dma source(%arg15 : memref<136x32xf32, #tpu.memory_space<vmem>>) target(%dma_start3A_111 : memref<136x32xf32, #tpu.memory_space<vmem_shared>>) target_semaphore(%arg20 : memref<!tpu.dma_semaphore, #tpu.memory_space<semaphore_mem>>)
      "tpu.trace_stop"() : () -> ()
      "tpu.trace_start"() <{level = 10 : i32, message = "c_keys"}> : () -> ()
      %scan3A_112 = arith.constant 0 : i32
      %scan3A_113 = arith.constant 0 : i32
      %scan3A_114 = arith.constant 27 : i32
      %scan3A_115 = arith.addi %scan3A_113, %scan3A_114 : i32
      %scan3A_116 = arith.constant 1 : i32
      %scan3A_117 = scf.for %scan3A_843 = %scan3A_113 to %scan3A_115 step %scan3A_116 iter_args(%scan3A_844 = %scan3A_112) -> (i32)  : i32 {
        %jit3A = arith.constant 9 : i32
        %div3A = arith.divsi %scan3A_843, %jit3A : i32
        %sign3A = arith.constant 0 : i32
        %sign3A_845 = arith.cmpi sgt, %scan3A_843, %sign3A : i32
        %sign3A_846 = arith.extui %sign3A_845 : i1 to i32
        %sign3A_847 = arith.constant 0 : i32
        %sign3A_848 = arith.cmpi slt, %scan3A_843, %sign3A_847 : i32
        %sign3A_849 = arith.extui %sign3A_848 : i1 to i32
        %sign3A_850 = arith.subi %sign3A_846, %sign3A_849 : i32
        %sign3A_851 = arith.constant 0 : i32
        %sign3A_852 = arith.cmpi sgt, %jit3A, %sign3A_851 : i32
        %sign3A_853 = arith.extui %sign3A_852 : i1 to i32
        %sign3A_854 = arith.constant 0 : i32
        %sign3A_855 = arith.cmpi slt, %jit3A, %sign3A_854 : i32
        %sign3A_856 = arith.extui %sign3A_855 : i1 to i32
        %sign3A_857 = arith.subi %sign3A_853, %sign3A_856 : i32
        %ne3A = arith.cmpi ne, %sign3A_850, %sign3A_857 : i32
        %rem3A = arith.remsi %scan3A_843, %jit3A : i32
        %ne3A_858 = arith.constant 0 : i32
        %ne3A_859 = arith.cmpi ne, %rem3A, %ne3A_858 : i32
        %and3A = arith.andi %ne3A, %ne3A_859 : i1
        %sub3A = arith.constant 1 : i32
        %sub3A_860 = arith.subi %div3A, %sub3A : i32
        %select_n3A = arith.select %and3A, %sub3A_860, %div3A : i32
        %sub3A_861 = arith.constant 1 : i32
        %sub3A_862 = arith.subi %select_n3A, %sub3A_861 : i32
        %mul3A_863 = arith.constant 66 : i32
        %mul3A_864 = arith.muli %sub3A_862, %mul3A_863 : i32
        %jit3A_865 = arith.constant 3 : i32
        %div3A_866 = arith.divsi %scan3A_843, %jit3A_865 : i32
        %sign3A_867 = arith.constant 0 : i32
        %sign3A_868 = arith.cmpi sgt, %scan3A_843, %sign3A_867 : i32
        %sign3A_869 = arith.extui %sign3A_868 : i1 to i32
        %sign3A_870 = arith.constant 0 : i32
        %sign3A_871 = arith.cmpi slt, %scan3A_843, %sign3A_870 : i32
        %sign3A_872 = arith.extui %sign3A_871 : i1 to i32
        %sign3A_873 = arith.subi %sign3A_869, %sign3A_872 : i32
        %sign3A_874 = arith.constant 0 : i32
        %sign3A_875 = arith.cmpi sgt, %jit3A_865, %sign3A_874 : i32
        %sign3A_876 = arith.extui %sign3A_875 : i1 to i32
        %sign3A_877 = arith.constant 0 : i32
        %sign3A_878 = arith.cmpi slt, %jit3A_865, %sign3A_877 : i32
        %sign3A_879 = arith.extui %sign3A_878 : i1 to i32
        %sign3A_880 = arith.subi %sign3A_876, %sign3A_879 : i32
        %ne3A_881 = arith.cmpi ne, %sign3A_873, %sign3A_880 : i32
        %rem3A_882 = arith.remsi %scan3A_843, %jit3A_865 : i32
        %ne3A_883 = arith.constant 0 : i32
        %ne3A_884 = arith.cmpi ne, %rem3A_882, %ne3A_883 : i32
        %and3A_885 = arith.andi %ne3A_881, %ne3A_884 : i1
        %sub3A_886 = arith.constant 1 : i32
        %sub3A_887 = arith.subi %div3A_866, %sub3A_886 : i32
        %select_n3A_888 = arith.select %and3A_885, %sub3A_887, %div3A_866 : i32
        %jit3A_889 = arith.constant 3 : i32
        %eq3A = arith.constant 0 : i32
        %eq3A_890 = arith.cmpi eq, %jit3A_889, %eq3A : i32
        %jit3A_891 = arith.constant 1 : i32
        %select_n3A_892 = arith.select %eq3A_890, %jit3A_891, %jit3A_889 : i32
        %rem3A_893 = arith.remsi %select_n3A_888, %select_n3A_892 : i32
        %ne3A_894 = arith.constant 0 : i32
        %ne3A_895 = arith.cmpi ne, %rem3A_893, %ne3A_894 : i32
        %lt3A = arith.constant 0 : i32
        %lt3A_896 = arith.cmpi slt, %rem3A_893, %lt3A : i32
        %lt3A_897 = arith.constant 0 : i32
        %lt3A_898 = arith.cmpi slt, %select_n3A_892, %lt3A_897 : i32
        %ne3A_899 = arith.xori %lt3A_896, %lt3A_898 : i1
        %and3A_900 = arith.andi %ne3A_899, %ne3A_895 : i1
        %add3A_901 = arith.addi %rem3A_893, %select_n3A_892 : i32
        %select_n3A_902 = arith.select %and3A_900, %add3A_901, %rem3A_893 : i32
        %add3A_903 = arith.addi %mul3A_864, %select_n3A_902 : i32
        %sub3A_904 = arith.constant 1 : i32
        %sub3A_905 = arith.subi %add3A_903, %sub3A_904 : i32
        %mul3A_906 = arith.constant 66 : i32
        %mul3A_907 = arith.muli %sub3A_905, %mul3A_906 : i32
        %jit3A_908 = arith.constant 3 : i32
        %eq3A_909 = arith.constant 0 : i32
        %eq3A_910 = arith.cmpi eq, %jit3A_908, %eq3A_909 : i32
        %jit3A_911 = arith.constant 1 : i32
        %select_n3A_912 = arith.select %eq3A_910, %jit3A_911, %jit3A_908 : i32
        %rem3A_913 = arith.remsi %scan3A_843, %select_n3A_912 : i32
        %ne3A_914 = arith.constant 0 : i32
        %ne3A_915 = arith.cmpi ne, %rem3A_913, %ne3A_914 : i32
        %lt3A_916 = arith.constant 0 : i32
        %lt3A_917 = arith.cmpi slt, %rem3A_913, %lt3A_916 : i32
        %lt3A_918 = arith.constant 0 : i32
        %lt3A_919 = arith.cmpi slt, %select_n3A_912, %lt3A_918 : i32
        %ne3A_920 = arith.xori %lt3A_917, %lt3A_919 : i1
        %and3A_921 = arith.andi %ne3A_920, %ne3A_915 : i1
        %add3A_922 = arith.addi %rem3A_913, %select_n3A_912 : i32
        %select_n3A_923 = arith.select %and3A_921, %add3A_922, %rem3A_913 : i32
        %add3A_924 = arith.addi %mul3A_907, %select_n3A_923 : i32
        %sub3A_925 = arith.constant 1 : i32
        %sub3A_926 = arith.subi %add3A_924, %sub3A_925 : i32
        %add3A_927 = arith.constant 0 : i32
        %add3A_928 = arith.addi %mul3A_101, %add3A_927 : i32
        %get3A_929 = arith.index_cast %add3A_928 : i32 to index
        %get3A_930 = tpu.vector_load %arg8[%get3A_929] {strides = array<i32>} : memref<3200xi32, #tpu.memory_space<vmem>>, vector<16xi32>,
        %add3A_931 = vector.broadcast %sub3A_926 : i32 to vector<16xi32>
        %add3A_932 = arith.addi %get3A_930, %add3A_931 : vector<16xi32>
        %swap3A_933 = arith.index_cast %scan3A_843 : i32 to index
        %swap3A_934 = arith.constant 0 : index
        %swap3A_935 = tpu.vector_load %arg9[%swap3A_933, %swap3A_934] {strides = array<i32>} : memref<27x128xi32, #tpu.memory_space<vmem>>, vector<16xi32>,
        tpu.vector_store %arg9[%swap3A_933, %swap3A_934], %add3A_932 {strides = array<i32>} : memref<27x128xi32, #tpu.memory_space<vmem>>, vector<16xi32>,
        %add3A_936 = arith.constant 16 : i32
        %add3A_937 = arith.addi %mul3A_101, %add3A_936 : i32
        %get3A_938 = arith.index_cast %add3A_937 : i32 to index
        %get3A_939 = tpu.vector_load %arg8[%get3A_938] {strides = array<i32>} : memref<3200xi32, #tpu.memory_space<vmem>>, vector<16xi32>,
        %add3A_940 = vector.broadcast %sub3A_926 : i32 to vector<16xi32>
        %add3A_941 = arith.addi %get3A_939, %add3A_940 : vector<16xi32>
        %swap3A_942 = arith.index_cast %scan3A_843 : i32 to index
        %swap3A_943 = arith.constant 16 : index
        %swap3A_944 = tpu.vector_load %arg9[%swap3A_942, %swap3A_943] {strides = array<i32>} : memref<27x128xi32, #tpu.memory_space<vmem>>, vector<16xi32>,
        tpu.vector_store %arg9[%swap3A_942, %swap3A_943], %add3A_941 {strides = array<i32>} : memref<27x128xi32, #tpu.memory_space<vmem>>, vector<16xi32>,
        %add3A_945 = arith.constant 32 : i32
        %add3A_946 = arith.addi %mul3A_101, %add3A_945 : i32
        %get3A_947 = arith.index_cast %add3A_946 : i32 to index
        %get3A_948 = tpu.vector_load %arg8[%get3A_947] {strides = array<i32>} : memref<3200xi32, #tpu.memory_space<vmem>>, vector<16xi32>,
        %add3A_949 = vector.broadcast %sub3A_926 : i32 to vector<16xi32>
        %add3A_950 = arith.addi %get3A_948, %add3A_949 : vector<16xi32>
        %swap3A_951 = arith.index_cast %scan3A_843 : i32 to index
        %swap3A_952 = arith.constant 32 : index
        %swap3A_953 = tpu.vector_load %arg9[%swap3A_951, %swap3A_952] {strides = array<i32>} : memref<27x128xi32, #tpu.memory_space<vmem>>, vector<16xi32>,
        tpu.vector_store %arg9[%swap3A_951, %swap3A_952], %add3A_950 {strides = array<i32>} : memref<27x128xi32, #tpu.memory_space<vmem>>, vector<16xi32>,
        %add3A_954 = arith.constant 48 : i32
        %add3A_955 = arith.addi %mul3A_101, %add3A_954 : i32
        %get3A_956 = arith.index_cast %add3A_955 : i32 to index
        %get3A_957 = tpu.vector_load %arg8[%get3A_956] {strides = array<i32>} : memref<3200xi32, #tpu.memory_space<vmem>>, vector<16xi32>,
        %add3A_958 = vector.broadcast %sub3A_926 : i32 to vector<16xi32>
        %add3A_959 = arith.addi %get3A_957, %add3A_958 : vector<16xi32>
        %swap3A_960 = arith.index_cast %scan3A_843 : i32 to index
        %swap3A_961 = arith.constant 48 : index
        %swap3A_962 = tpu.vector_load %arg9[%swap3A_960, %swap3A_961] {strides = array<i32>} : memref<27x128xi32, #tpu.memory_space<vmem>>, vector<16xi32>,
        tpu.vector_store %arg9[%swap3A_960, %swap3A_961], %add3A_959 {strides = array<i32>} : memref<27x128xi32, #tpu.memory_space<vmem>>, vector<16xi32>,
        %add3A_963 = arith.constant 64 : i32
        %add3A_964 = arith.addi %mul3A_101, %add3A_963 : i32
        %get3A_965 = arith.index_cast %add3A_964 : i32 to index
        %get3A_966 = tpu.vector_load %arg8[%get3A_965] {strides = array<i32>} : memref<3200xi32, #tpu.memory_space<vmem>>, vector<16xi32>,
        %add3A_967 = vector.broadcast %sub3A_926 : i32 to vector<16xi32>
        %add3A_968 = arith.addi %get3A_966, %add3A_967 : vector<16xi32>
        %swap3A_969 = arith.index_cast %scan3A_843 : i32 to index
        %swap3A_970 = arith.constant 64 : index
        %swap3A_971 = tpu.vector_load %arg9[%swap3A_969, %swap3A_970] {strides = array<i32>} : memref<27x128xi32, #tpu.memory_space<vmem>>, vector<16xi32>,
        tpu.vector_store %arg9[%swap3A_969, %swap3A_970], %add3A_968 {strides = array<i32>} : memref<27x128xi32, #tpu.memory_space<vmem>>, vector<16xi32>,
        %add3A_972 = arith.constant 80 : i32
        %add3A_973 = arith.addi %mul3A_101, %add3A_972 : i32
        %get3A_974 = arith.index_cast %add3A_973 : i32 to index
        %get3A_975 = tpu.vector_load %arg8[%get3A_974] {strides = array<i32>} : memref<3200xi32, #tpu.memory_space<vmem>>, vector<16xi32>,
        %add3A_976 = vector.broadcast %sub3A_926 : i32 to vector<16xi32>
        %add3A_977 = arith.addi %get3A_975, %add3A_976 : vector<16xi32>
        %swap3A_978 = arith.index_cast %scan3A_843 : i32 to index
        %swap3A_979 = arith.constant 80 : index
        %swap3A_980 = tpu.vector_load %arg9[%swap3A_978, %swap3A_979] {strides = array<i32>} : memref<27x128xi32, #tpu.memory_space<vmem>>, vector<16xi32>,
        tpu.vector_store %arg9[%swap3A_978, %swap3A_979], %add3A_977 {strides = array<i32>} : memref<27x128xi32, #tpu.memory_space<vmem>>, vector<16xi32>,
        %add3A_981 = arith.constant 96 : i32
        %add3A_982 = arith.addi %mul3A_101, %add3A_981 : i32
        %get3A_983 = arith.index_cast %add3A_982 : i32 to index
        %get3A_984 = tpu.vector_load %arg8[%get3A_983] {strides = array<i32>} : memref<3200xi32, #tpu.memory_space<vmem>>, vector<16xi32>,
        %add3A_985 = vector.broadcast %sub3A_926 : i32 to vector<16xi32>
        %add3A_986 = arith.addi %get3A_984, %add3A_985 : vector<16xi32>
        %swap3A_987 = arith.index_cast %scan3A_843 : i32 to index
        %swap3A_988 = arith.constant 96 : index
        %swap3A_989 = tpu.vector_load %arg9[%swap3A_987, %swap3A_988] {strides = array<i32>} : memref<27x128xi32, #tpu.memory_space<vmem>>, vector<16xi32>,
        tpu.vector_store %arg9[%swap3A_987, %swap3A_988], %add3A_986 {strides = array<i32>} : memref<27x128xi32, #tpu.memory_space<vmem>>, vector<16xi32>,
        %add3A_990 = arith.constant 112 : i32
        %add3A_991 = arith.addi %mul3A_101, %add3A_990 : i32
        %get3A_992 = arith.index_cast %add3A_991 : i32 to index
        %get3A_993 = tpu.vector_load %arg8[%get3A_992] {strides = array<i32>} : memref<3200xi32, #tpu.memory_space<vmem>>, vector<16xi32>,
        %add3A_994 = vector.broadcast %sub3A_926 : i32 to vector<16xi32>
        %add3A_995 = arith.addi %get3A_993, %add3A_994 : vector<16xi32>
        %swap3A_996 = arith.index_cast %scan3A_843 : i32 to index
        %swap3A_997 = arith.constant 112 : index
        %swap3A_998 = tpu.vector_load %arg9[%swap3A_996, %swap3A_997] {strides = array<i32>} : memref<27x128xi32, #tpu.memory_space<vmem>>, vector<16xi32>,
        tpu.vector_store %arg9[%swap3A_996, %swap3A_997], %add3A_995 {strides = array<i32>} : memref<27x128xi32, #tpu.memory_space<vmem>>, vector<16xi32>,
        %scan3A_999 = arith.constant 0 : i32
        scf.yield %scan3A_999 : i32
      }
      %scan3A_118 = arith.constant 27 : i32
      "tpu.trace_stop"() : () -> ()
      "tpu.trace_start"() <{level = 10 : i32, message = "c_nids"}> : () -> ()
      %scan3A_119 = arith.constant 0 : i32
      %scan3A_120 = arith.constant 0 : i32
      %scan3A_121 = arith.constant 27 : i32
      %scan3A_122 = arith.addi %scan3A_120, %scan3A_121 : i32
      %scan3A_123 = arith.constant 1 : i32
      %scan3A_124 = scf.for %scan3A_843 = %scan3A_120 to %scan3A_122 step %scan3A_123 iter_args(%scan3A_844 = %scan3A_119) -> (i32)  : i32 {
        %dma_start3A_845 = arith.constant 0 : i32
        %dma_start3A_846 = tpu.memref_slice %arg10[%scan3A_843, %dma_start3A_845] : memref<27x128xi32, #tpu.memory_space<vmem>> -> memref<1x128xi32, #tpu.memory_space<vmem>>
        %dma_start3A_847 = tpu.memref_squeeze %dma_start3A_846 : memref<1x128xi32, #tpu.memory_space<vmem>> -> memref<128xi32, #tpu.memory_space<vmem>>
        %dma_start3A_848 = arith.constant 0 : i32
        %dma_start3A_849 = tpu.memref_slice %arg9[%scan3A_843, %dma_start3A_848] : memref<27x128xi32, #tpu.memory_space<vmem>> -> memref<1x128xi32, #tpu.memory_space<vmem>>
        %dma_start3A_850 = tpu.memref_squeeze %dma_start3A_849 : memref<1x128xi32, #tpu.memory_space<vmem>> -> memref<128xi32, #tpu.memory_space<vmem>>
        %dma_start3A_851 = arith.constant 0 : i32
        %dma_start3A_852 = tpu.memref_slice %arg5[%dma_start3A_851] : memref<575488xi32, #tpu.memory_space<vmem_shared>> -> memref<575488xi32, #tpu.memory_space<vmem_shared>>
        tpu.enqueue_indirect_dma source(%dma_start3A_852 : memref<575488xi32, #tpu.memory_space<vmem_shared>>) target(%dma_start3A_847 : memref<128xi32, #tpu.memory_space<vmem>>) offsets(%dma_start3A_850 : memref<128xi32, #tpu.memory_space<vmem>>) semaphore(%arg19 : memref<!tpu.dma_semaphore, #tpu.memory_space<semaphore_mem>>)
        %scan3A_853 = arith.constant 0 : i32
        scf.yield %scan3A_853 : i32
      }
      %scan3A_125 = arith.constant 27 : i32
      %scan3A_126 = arith.constant 0 : i32
      %scan3A_127 = arith.constant 0 : i32
      %scan3A_128 = arith.constant 27 : i32
      %scan3A_129 = arith.addi %scan3A_127, %scan3A_128 : i32
      %scan3A_130 = arith.constant 1 : i32
      %scan3A_131 = scf.for %scan3A_843 = %scan3A_127 to %scan3A_129 step %scan3A_130 iter_args(%scan3A_844 = %scan3A_126) -> (i32)  : i32 {
        %dma_wait3A_845 = arith.constant 0 : i32
        %dma_wait3A_846 = tpu.memref_slice %arg10[%scan3A_843, %dma_wait3A_845] : memref<27x128xi32, #tpu.memory_space<vmem>> -> memref<1x128xi32, #tpu.memory_space<vmem>>
        %dma_wait3A_847 = tpu.memref_squeeze %dma_wait3A_846 : memref<1x128xi32, #tpu.memory_space<vmem>> -> memref<128xi32, #tpu.memory_space<vmem>>
        %dma_wait3A_848 = arith.constant 0 : i32
        %dma_wait3A_849 = tpu.memref_slice %arg9[%scan3A_843, %dma_wait3A_848] : memref<27x128xi32, #tpu.memory_space<vmem>> -> memref<1x128xi32, #tpu.memory_space<vmem>>
        %dma_wait3A_850 = tpu.memref_squeeze %dma_wait3A_849 : memref<1x128xi32, #tpu.memory_space<vmem>> -> memref<128xi32, #tpu.memory_space<vmem>>
        %dma_wait3A_851 = arith.constant 0 : i32
        %dma_wait3A_852 = tpu.memref_slice %arg5[%dma_wait3A_851] : memref<575488xi32, #tpu.memory_space<vmem_shared>> -> memref<575488xi32, #tpu.memory_space<vmem_shared>>
        tpu.wait_indirect_dma semaphore(%arg19 : memref<!tpu.dma_semaphore, #tpu.memory_space<semaphore_mem>>) src(%dma_wait3A_852 : memref<575488xi32, #tpu.memory_space<vmem_shared>>) dst(%dma_wait3A_847 : memref<128xi32, #tpu.memory_space<vmem>>)
        %scan3A_853 = arith.constant 0 : i32
        scf.yield %scan3A_853 : i32
      }
      %scan3A_132 = arith.constant 27 : i32
      %broadcast_in_dim3A = arith.constant 0 : i32
      "tpu.trace_stop"() : () -> ()
      "tpu.trace_start"() <{level = 10 : i32, message = "c_compact"}> : () -> ()
      %broadcast_in_dim3A_133 = vector.broadcast %broadcast_in_dim3A : i32 to vector<16xi32>
      %scan3A_134 = arith.constant 0 : i32
      %scan3A_135 = arith.constant 27 : i32
      %scan3A_136 = arith.addi %scan3A_134, %scan3A_135 : i32
      %scan3A_137 = arith.constant 1 : i32
      %scan3A_138 = scf.for %scan3A_843 = %scan3A_134 to %scan3A_136 step %scan3A_137 iter_args(%scan3A_844 = %broadcast_in_dim3A_133) -> (vector<16xi32>)  : i32 {
        %get3A_845 = arith.index_cast %scan3A_843 : i32 to index
        %get3A_846 = arith.constant 0 : index
        %get3A_847 = tpu.vector_load %arg10[%get3A_845, %get3A_846] {strides = array<i32>} : memref<27x128xi32, #tpu.memory_space<vmem>>, vector<16xi32>,
        %lt3A = arith.constant 100000 : i32
        %lt3A_848 = vector.broadcast %lt3A : i32 to vector<16xi32>
        %lt3A_849 = arith.cmpi slt, %get3A_847, %lt3A_848 : vector<16xi32>
        %broadcast_in_dim3A_850 = arith.constant 1 : i32
        %broadcast_in_dim3A_851 = vector.broadcast %broadcast_in_dim3A_850 : i32 to vector<16xi32>
        %broadcast_in_dim3A_852 = arith.constant 0 : i32
        %broadcast_in_dim3A_853 = vector.broadcast %broadcast_in_dim3A_852 : i32 to vector<16xi32>
        %select_n3A = arith.select %lt3A_849, %broadcast_in_dim3A_851, %broadcast_in_dim3A_853 : vector<16xi1>, vector<16xi32>
        %sub3A = arith.constant 1 : i32
        %sub3A_854 = vector.broadcast %sub3A : i32 to vector<16xi32>
        %sub3A_855 = arith.subi %iota3A_86, %sub3A_854 : vector<16xi32>
        %max3A = arith.constant 0 : i32
        %max3A_856 = vector.broadcast %max3A : i32 to vector<16xi32>
        %max3A_857 = arith.maxsi %sub3A_855, %max3A_856 : vector<16xi32>
        %broadcast_in_dim3A_858 = vector.shape_cast %max3A_857 : vector<16xi32> to vector<16x1xi32>
        %gather3A = vector.shape_cast %broadcast_in_dim3A_858 : vector<16x1xi32> to vector<16xi32>
        %gather3A_859 = tpu.dynamic_gather %select_n3A[%gather3A] in [0] : vector<16xi32>, vector<16xi32> -> vector<16xi32>
        %ge3A = arith.constant 1 : i32
        %ge3A_860 = vector.broadcast %ge3A : i32 to vector<16xi32>
        %ge3A_861 = arith.cmpi sge, %iota3A_86, %ge3A_860 : vector<16xi32>
        %jit3A = arith.constant 0 : i32
        %broadcast_in_dim3A_862 = vector.broadcast %jit3A : i32 to vector<16xi32>
        %select_n3A_863 = arith.select %ge3A_861, %gather3A_859, %broadcast_in_dim3A_862 : vector<16xi1>, vector<16xi32>
        %add3A_864 = arith.addi %select_n3A, %select_n3A_863 : vector<16xi32>
        %sub3A_865 = arith.constant 2 : i32
        %sub3A_866 = vector.broadcast %sub3A_865 : i32 to vector<16xi32>
        %sub3A_867 = arith.subi %iota3A_86, %sub3A_866 : vector<16xi32>
        %max3A_868 = arith.constant 0 : i32
        %max3A_869 = vector.broadcast %max3A_868 : i32 to vector<16xi32>
        %max3A_870 = arith.maxsi %sub3A_867, %max3A_869 : vector<16xi32>
        %broadcast_in_dim3A_871 = vector.shape_cast %max3A_870 : vector<16xi32> to vector<16x1xi32>
        %gather3A_872 = vector.shape_cast %broadcast_in_dim3A_871 : vector<16x1xi32> to vector<16xi32>
        %gather3A_873 = tpu.dynamic_gather %add3A_864[%gather3A_872] in [0] : vector<16xi32>, vector<16xi32> -> vector<16xi32>
        %ge3A_874 = arith.constant 2 : i32
        %ge3A_875 = vector.broadcast %ge3A_874 : i32 to vector<16xi32>
        %ge3A_876 = arith.cmpi sge, %iota3A_86, %ge3A_875 : vector<16xi32>
        %jit3A_877 = arith.constant 0 : i32
        %broadcast_in_dim3A_878 = vector.broadcast %jit3A_877 : i32 to vector<16xi32>
        %select_n3A_879 = arith.select %ge3A_876, %gather3A_873, %broadcast_in_dim3A_878 : vector<16xi1>, vector<16xi32>
        %add3A_880 = arith.addi %add3A_864, %select_n3A_879 : vector<16xi32>
        %sub3A_881 = arith.constant 4 : i32
        %sub3A_882 = vector.broadcast %sub3A_881 : i32 to vector<16xi32>
        %sub3A_883 = arith.subi %iota3A_86, %sub3A_882 : vector<16xi32>
        %max3A_884 = arith.constant 0 : i32
        %max3A_885 = vector.broadcast %max3A_884 : i32 to vector<16xi32>
        %max3A_886 = arith.maxsi %sub3A_883, %max3A_885 : vector<16xi32>
        %broadcast_in_dim3A_887 = vector.shape_cast %max3A_886 : vector<16xi32> to vector<16x1xi32>
        %gather3A_888 = vector.shape_cast %broadcast_in_dim3A_887 : vector<16x1xi32> to vector<16xi32>
        %gather3A_889 = tpu.dynamic_gather %add3A_880[%gather3A_888] in [0] : vector<16xi32>, vector<16xi32> -> vector<16xi32>
        %ge3A_890 = arith.constant 4 : i32
        %ge3A_891 = vector.broadcast %ge3A_890 : i32 to vector<16xi32>
        %ge3A_892 = arith.cmpi sge, %iota3A_86, %ge3A_891 : vector<16xi32>
        %jit3A_893 = arith.constant 0 : i32
        %broadcast_in_dim3A_894 = vector.broadcast %jit3A_893 : i32 to vector<16xi32>
        %select_n3A_895 = arith.select %ge3A_892, %gather3A_889, %broadcast_in_dim3A_894 : vector<16xi1>, vector<16xi32>
        %add3A_896 = arith.addi %add3A_880, %select_n3A_895 : vector<16xi32>
        %sub3A_897 = arith.constant 8 : i32
        %sub3A_898 = vector.broadcast %sub3A_897 : i32 to vector<16xi32>
        %sub3A_899 = arith.subi %iota3A_86, %sub3A_898 : vector<16xi32>
        %max3A_900 = arith.constant 0 : i32
        %max3A_901 = vector.broadcast %max3A_900 : i32 to vector<16xi32>
        %max3A_902 = arith.maxsi %sub3A_899, %max3A_901 : vector<16xi32>
        %broadcast_in_dim3A_903 = vector.shape_cast %max3A_902 : vector<16xi32> to vector<16x1xi32>
        %gather3A_904 = vector.shape_cast %broadcast_in_dim3A_903 : vector<16x1xi32> to vector<16xi32>
        %gather3A_905 = tpu.dynamic_gather %add3A_896[%gather3A_904] in [0] : vector<16xi32>, vector<16xi32> -> vector<16xi32>
        %ge3A_906 = arith.constant 8 : i32
        %ge3A_907 = vector.broadcast %ge3A_906 : i32 to vector<16xi32>
        %ge3A_908 = arith.cmpi sge, %iota3A_86, %ge3A_907 : vector<16xi32>
        %jit3A_909 = arith.constant 0 : i32
        %broadcast_in_dim3A_910 = vector.broadcast %jit3A_909 : i32 to vector<16xi32>
        %select_n3A_911 = arith.select %ge3A_908, %gather3A_905, %broadcast_in_dim3A_910 : vector<16xi1>, vector<16xi32>
        %add3A_912 = arith.addi %add3A_896, %select_n3A_911 : vector<16xi32>
        %sub3A_913 = arith.subi %add3A_912, %select_n3A : vector<16xi32>
        %broadcast_in_dim3A_914 = arith.constant 15 : i32
        %broadcast_in_dim3A_915 = vector.broadcast %broadcast_in_dim3A_914 : i32 to vector<16xi32>
        %broadcast_in_dim3A_916 = vector.shape_cast %broadcast_in_dim3A_915 : vector<16xi32> to vector<16x1xi32>
        %gather3A_917 = vector.shape_cast %broadcast_in_dim3A_916 : vector<16x1xi32> to vector<16xi32>
        %gather3A_918 = tpu.dynamic_gather %add3A_912[%gather3A_917] in [0] : vector<16xi32>, vector<16xi32> -> vector<16xi32>
        %mul3A_919 = arith.constant 27 : i32
        %mul3A_920 = vector.broadcast %mul3A_919 : i32 to vector<16xi32>
        %mul3A_921 = arith.muli %get3A_847, %mul3A_920 : vector<16xi32>
        %add3A_922 = vector.broadcast %scan3A_843 : i32 to vector<16xi32>
        %add3A_923 = arith.addi %mul3A_921, %add3A_922 : vector<16xi32>
        %add3A_924 = arith.constant 0 : i32
        %add3A_925 = arith.addi %mul3A_88, %add3A_924 : i32
        %add3A_926 = vector.broadcast %add3A_925 : i32 to vector<16xi32>
        %add3A_927 = arith.addi %add3A_926, %iota3A_86 : vector<16xi32>
        %add3A_928 = arith.addi %scan3A_844, %sub3A_913 : vector<16xi32>
        %add3A_929 = arith.constant 896 : i32
        %add3A_930 = vector.broadcast %add3A_929 : i32 to vector<16xi32>
        %add3A_931 = arith.addi %add3A_930, %iota3A_86 : vector<16xi32>
        %select_n3A_932 = arith.select %lt3A_849, %add3A_928, %add3A_931 : vector<16xi1>, vector<16xi32>
        tpu.vector_store_idx %arg12[%select_n3A_932], %add3A_923 : memref<912xi32, #tpu.memory_space<vmem>>[vector<16xi32>], vector<16xi32>,
        tpu.vector_store_idx %arg13[%select_n3A_932], %add3A_927 : memref<912xi32, #tpu.memory_space<vmem>>[vector<16xi32>], vector<16xi32>,
        %add3A_933 = arith.addi %scan3A_844, %gather3A_918 : vector<16xi32>
        %min3A = arith.constant 896 : i32
        %min3A_934 = vector.broadcast %min3A : i32 to vector<16xi32>
        %min3A_935 = arith.minsi %add3A_933, %min3A_934 : vector<16xi32>
        %get3A_936 = arith.index_cast %scan3A_843 : i32 to index
        %get3A_937 = arith.constant 16 : index
        %get3A_938 = tpu.vector_load %arg10[%get3A_936, %get3A_937] {strides = array<i32>} : memref<27x128xi32, #tpu.memory_space<vmem>>, vector<16xi32>,
        %lt3A_939 = arith.constant 100000 : i32
        %lt3A_940 = vector.broadcast %lt3A_939 : i32 to vector<16xi32>
        %lt3A_941 = arith.cmpi slt, %get3A_938, %lt3A_940 : vector<16xi32>
        %broadcast_in_dim3A_942 = arith.constant 1 : i32
        %broadcast_in_dim3A_943 = vector.broadcast %broadcast_in_dim3A_942 : i32 to vector<16xi32>
        %broadcast_in_dim3A_944 = arith.constant 0 : i32
        %broadcast_in_dim3A_945 = vector.broadcast %broadcast_in_dim3A_944 : i32 to vector<16xi32>
        %select_n3A_946 = arith.select %lt3A_941, %broadcast_in_dim3A_943, %broadcast_in_dim3A_945 : vector<16xi1>, vector<16xi32>
        %sub3A_947 = arith.constant 1 : i32
        %sub3A_948 = vector.broadcast %sub3A_947 : i32 to vector<16xi32>
        %sub3A_949 = arith.subi %iota3A_86, %sub3A_948 : vector<16xi32>
        %max3A_950 = arith.constant 0 : i32
        %max3A_951 = vector.broadcast %max3A_950 : i32 to vector<16xi32>
        %max3A_952 = arith.maxsi %sub3A_949, %max3A_951 : vector<16xi32>
        %broadcast_in_dim3A_953 = vector.shape_cast %max3A_952 : vector<16xi32> to vector<16x1xi32>
        %gather3A_954 = vector.shape_cast %broadcast_in_dim3A_953 : vector<16x1xi32> to vector<16xi32>
        %gather3A_955 = tpu.dynamic_gather %select_n3A_946[%gather3A_954] in [0] : vector<16xi32>, vector<16xi32> -> vector<16xi32>
        %ge3A_956 = arith.constant 1 : i32
        %ge3A_957 = vector.broadcast %ge3A_956 : i32 to vector<16xi32>
        %ge3A_958 = arith.cmpi sge, %iota3A_86, %ge3A_957 : vector<16xi32>
        %jit3A_959 = arith.constant 0 : i32
        %broadcast_in_dim3A_960 = vector.broadcast %jit3A_959 : i32 to vector<16xi32>
        %select_n3A_961 = arith.select %ge3A_958, %gather3A_955, %broadcast_in_dim3A_960 : vector<16xi1>, vector<16xi32>
        %add3A_962 = arith.addi %select_n3A_946, %select_n3A_961 : vector<16xi32>
        %sub3A_963 = arith.constant 2 : i32
        %sub3A_964 = vector.broadcast %sub3A_963 : i32 to vector<16xi32>
        %sub3A_965 = arith.subi %iota3A_86, %sub3A_964 : vector<16xi32>
        %max3A_966 = arith.constant 0 : i32
        %max3A_967 = vector.broadcast %max3A_966 : i32 to vector<16xi32>
        %max3A_968 = arith.maxsi %sub3A_965, %max3A_967 : vector<16xi32>
        %broadcast_in_dim3A_969 = vector.shape_cast %max3A_968 : vector<16xi32> to vector<16x1xi32>
        %gather3A_970 = vector.shape_cast %broadcast_in_dim3A_969 : vector<16x1xi32> to vector<16xi32>
        %gather3A_971 = tpu.dynamic_gather %add3A_962[%gather3A_970] in [0] : vector<16xi32>, vector<16xi32> -> vector<16xi32>
        %ge3A_972 = arith.constant 2 : i32
        %ge3A_973 = vector.broadcast %ge3A_972 : i32 to vector<16xi32>
        %ge3A_974 = arith.cmpi sge, %iota3A_86, %ge3A_973 : vector<16xi32>
        %jit3A_975 = arith.constant 0 : i32
        %broadcast_in_dim3A_976 = vector.broadcast %jit3A_975 : i32 to vector<16xi32>
        %select_n3A_977 = arith.select %ge3A_974, %gather3A_971, %broadcast_in_dim3A_976 : vector<16xi1>, vector<16xi32>
        %add3A_978 = arith.addi %add3A_962, %select_n3A_977 : vector<16xi32>
        %sub3A_979 = arith.constant 4 : i32
        %sub3A_980 = vector.broadcast %sub3A_979 : i32 to vector<16xi32>
        %sub3A_981 = arith.subi %iota3A_86, %sub3A_980 : vector<16xi32>
        %max3A_982 = arith.constant 0 : i32
        %max3A_983 = vector.broadcast %max3A_982 : i32 to vector<16xi32>
        %max3A_984 = arith.maxsi %sub3A_981, %max3A_983 : vector<16xi32>
        %broadcast_in_dim3A_985 = vector.shape_cast %max3A_984 : vector<16xi32> to vector<16x1xi32>
        %gather3A_986 = vector.shape_cast %broadcast_in_dim3A_985 : vector<16x1xi32> to vector<16xi32>
        %gather3A_987 = tpu.dynamic_gather %add3A_978[%gather3A_986] in [0] : vector<16xi32>, vector<16xi32> -> vector<16xi32>
        %ge3A_988 = arith.constant 4 : i32
        %ge3A_989 = vector.broadcast %ge3A_988 : i32 to vector<16xi32>
        %ge3A_990 = arith.cmpi sge, %iota3A_86, %ge3A_989 : vector<16xi32>
        %jit3A_991 = arith.constant 0 : i32
        %broadcast_in_dim3A_992 = vector.broadcast %jit3A_991 : i32 to vector<16xi32>
        %select_n3A_993 = arith.select %ge3A_990, %gather3A_987, %broadcast_in_dim3A_992 : vector<16xi1>, vector<16xi32>
        %add3A_994 = arith.addi %add3A_978, %select_n3A_993 : vector<16xi32>
        %sub3A_995 = arith.constant 8 : i32
        %sub3A_996 = vector.broadcast %sub3A_995 : i32 to vector<16xi32>
        %sub3A_997 = arith.subi %iota3A_86, %sub3A_996 : vector<16xi32>
        %max3A_998 = arith.constant 0 : i32
        %max3A_999 = vector.broadcast %max3A_998 : i32 to vector<16xi32>
        %max3A_1000 = arith.maxsi %sub3A_997, %max3A_999 : vector<16xi32>
        %broadcast_in_dim3A_1001 = vector.shape_cast %max3A_1000 : vector<16xi32> to vector<16x1xi32>
        %gather3A_1002 = vector.shape_cast %broadcast_in_dim3A_1001 : vector<16x1xi32> to vector<16xi32>
        %gather3A_1003 = tpu.dynamic_gather %add3A_994[%gather3A_1002] in [0] : vector<16xi32>, vector<16xi32> -> vector<16xi32>
        %ge3A_1004 = arith.constant 8 : i32
        %ge3A_1005 = vector.broadcast %ge3A_1004 : i32 to vector<16xi32>
        %ge3A_1006 = arith.cmpi sge, %iota3A_86, %ge3A_1005 : vector<16xi32>
        %jit3A_1007 = arith.constant 0 : i32
        %broadcast_in_dim3A_1008 = vector.broadcast %jit3A_1007 : i32 to vector<16xi32>
        %select_n3A_1009 = arith.select %ge3A_1006, %gather3A_1003, %broadcast_in_dim3A_1008 : vector<16xi1>, vector<16xi32>
        %add3A_1010 = arith.addi %add3A_994, %select_n3A_1009 : vector<16xi32>
        %sub3A_1011 = arith.subi %add3A_1010, %select_n3A_946 : vector<16xi32>
        %broadcast_in_dim3A_1012 = arith.constant 15 : i32
        %broadcast_in_dim3A_1013 = vector.broadcast %broadcast_in_dim3A_1012 : i32 to vector<16xi32>
        %broadcast_in_dim3A_1014 = vector.shape_cast %broadcast_in_dim3A_1013 : vector<16xi32> to vector<16x1xi32>
        %gather3A_1015 = vector.shape_cast %broadcast_in_dim3A_1014 : vector<16x1xi32> to vector<16xi32>
        %gather3A_1016 = tpu.dynamic_gather %add3A_1010[%gather3A_1015] in [0] : vector<16xi32>, vector<16xi32> -> vector<16xi32>
        %mul3A_1017 = arith.constant 27 : i32
        %mul3A_1018 = vector.broadcast %mul3A_1017 : i32 to vector<16xi32>
        %mul3A_1019 = arith.muli %get3A_938, %mul3A_1018 : vector<16xi32>
        %add3A_1020 = vector.broadcast %scan3A_843 : i32 to vector<16xi32>
        %add3A_1021 = arith.addi %mul3A_1019, %add3A_1020 : vector<16xi32>
        %add3A_1022 = arith.constant 16 : i32
        %add3A_1023 = arith.addi %mul3A_88, %add3A_1022 : i32
        %add3A_1024 = vector.broadcast %add3A_1023 : i32 to vector<16xi32>
        %add3A_1025 = arith.addi %add3A_1024, %iota3A_86 : vector<16xi32>
        %add3A_1026 = arith.addi %min3A_935, %sub3A_1011 : vector<16xi32>
        %add3A_1027 = arith.constant 896 : i32
        %add3A_1028 = vector.broadcast %add3A_1027 : i32 to vector<16xi32>
        %add3A_1029 = arith.addi %add3A_1028, %iota3A_86 : vector<16xi32>
        %select_n3A_1030 = arith.select %lt3A_941, %add3A_1026, %add3A_1029 : vector<16xi1>, vector<16xi32>
        tpu.vector_store_idx %arg12[%select_n3A_1030], %add3A_1021 : memref<912xi32, #tpu.memory_space<vmem>>[vector<16xi32>], vector<16xi32>,
        tpu.vector_store_idx %arg13[%select_n3A_1030], %add3A_1025 : memref<912xi32, #tpu.memory_space<vmem>>[vector<16xi32>], vector<16xi32>,
        %add3A_1031 = arith.addi %min3A_935, %gather3A_1016 : vector<16xi32>
        %min3A_1032 = arith.constant 896 : i32
        %min3A_1033 = vector.broadcast %min3A_1032 : i32 to vector<16xi32>
        %min3A_1034 = arith.minsi %add3A_1031, %min3A_1033 : vector<16xi32>
        %get3A_1035 = arith.index_cast %scan3A_843 : i32 to index
        %get3A_1036 = arith.constant 32 : index
        %get3A_1037 = tpu.vector_load %arg10[%get3A_1035, %get3A_1036] {strides = array<i32>} : memref<27x128xi32, #tpu.memory_space<vmem>>, vector<16xi32>,
        %lt3A_1038 = arith.constant 100000 : i32
        %lt3A_1039 = vector.broadcast %lt3A_1038 : i32 to vector<16xi32>
        %lt3A_1040 = arith.cmpi slt, %get3A_1037, %lt3A_1039 : vector<16xi32>
        %broadcast_in_dim3A_1041 = arith.constant 1 : i32
        %broadcast_in_dim3A_1042 = vector.broadcast %broadcast_in_dim3A_1041 : i32 to vector<16xi32>
        %broadcast_in_dim3A_1043 = arith.constant 0 : i32
        %broadcast_in_dim3A_1044 = vector.broadcast %broadcast_in_dim3A_1043 : i32 to vector<16xi32>
        %select_n3A_1045 = arith.select %lt3A_1040, %broadcast_in_dim3A_1042, %broadcast_in_dim3A_1044 : vector<16xi1>, vector<16xi32>
        %sub3A_1046 = arith.constant 1 : i32
        %sub3A_1047 = vector.broadcast %sub3A_1046 : i32 to vector<16xi32>
        %sub3A_1048 = arith.subi %iota3A_86, %sub3A_1047 : vector<16xi32>
        %max3A_1049 = arith.constant 0 : i32
        %max3A_1050 = vector.broadcast %max3A_1049 : i32 to vector<16xi32>
        %max3A_1051 = arith.maxsi %sub3A_1048, %max3A_1050 : vector<16xi32>
        %broadcast_in_dim3A_1052 = vector.shape_cast %max3A_1051 : vector<16xi32> to vector<16x1xi32>
        %gather3A_1053 = vector.shape_cast %broadcast_in_dim3A_1052 : vector<16x1xi32> to vector<16xi32>
        %gather3A_1054 = tpu.dynamic_gather %select_n3A_1045[%gather3A_1053] in [0] : vector<16xi32>, vector<16xi32> -> vector<16xi32>
        %ge3A_1055 = arith.constant 1 : i32
        %ge3A_1056 = vector.broadcast %ge3A_1055 : i32 to vector<16xi32>
        %ge3A_1057 = arith.cmpi sge, %iota3A_86, %ge3A_1056 : vector<16xi32>
        %jit3A_1058 = arith.constant 0 : i32
        %broadcast_in_dim3A_1059 = vector.broadcast %jit3A_1058 : i32 to vector<16xi32>
        %select_n3A_1060 = arith.select %ge3A_1057, %gather3A_1054, %broadcast_in_dim3A_1059 : vector<16xi1>, vector<16xi32>
        %add3A_1061 = arith.addi %select_n3A_1045, %select_n3A_1060 : vector<16xi32>
        %sub3A_1062 = arith.constant 2 : i32
        %sub3A_1063 = vector.broadcast %sub3A_1062 : i32 to vector<16xi32>
        %sub3A_1064 = arith.subi %iota3A_86, %sub3A_1063 : vector<16xi32>
        %max3A_1065 = arith.constant 0 : i32
        %max3A_1066 = vector.broadcast %max3A_1065 : i32 to vector<16xi32>
        %max3A_1067 = arith.maxsi %sub3A_1064, %max3A_1066 : vector<16xi32>
        %broadcast_in_dim3A_1068 = vector.shape_cast %max3A_1067 : vector<16xi32> to vector<16x1xi32>
        %gather3A_1069 = vector.shape_cast %broadcast_in_dim3A_1068 : vector<16x1xi32> to vector<16xi32>
        %gather3A_1070 = tpu.dynamic_gather %add3A_1061[%gather3A_1069] in [0] : vector<16xi32>, vector<16xi32> -> vector<16xi32>
        %ge3A_1071 = arith.constant 2 : i32
        %ge3A_1072 = vector.broadcast %ge3A_1071 : i32 to vector<16xi32>
        %ge3A_1073 = arith.cmpi sge, %iota3A_86, %ge3A_1072 : vector<16xi32>
        %jit3A_1074 = arith.constant 0 : i32
        %broadcast_in_dim3A_1075 = vector.broadcast %jit3A_1074 : i32 to vector<16xi32>
        %select_n3A_1076 = arith.select %ge3A_1073, %gather3A_1070, %broadcast_in_dim3A_1075 : vector<16xi1>, vector<16xi32>
        %add3A_1077 = arith.addi %add3A_1061, %select_n3A_1076 : vector<16xi32>
        %sub3A_1078 = arith.constant 4 : i32
        %sub3A_1079 = vector.broadcast %sub3A_1078 : i32 to vector<16xi32>
        %sub3A_1080 = arith.subi %iota3A_86, %sub3A_1079 : vector<16xi32>
        %max3A_1081 = arith.constant 0 : i32
        %max3A_1082 = vector.broadcast %max3A_1081 : i32 to vector<16xi32>
        %max3A_1083 = arith.maxsi %sub3A_1080, %max3A_1082 : vector<16xi32>
        %broadcast_in_dim3A_1084 = vector.shape_cast %max3A_1083 : vector<16xi32> to vector<16x1xi32>
        %gather3A_1085 = vector.shape_cast %broadcast_in_dim3A_1084 : vector<16x1xi32> to vector<16xi32>
        %gather3A_1086 = tpu.dynamic_gather %add3A_1077[%gather3A_1085] in [0] : vector<16xi32>, vector<16xi32> -> vector<16xi32>
        %ge3A_1087 = arith.constant 4 : i32
        %ge3A_1088 = vector.broadcast %ge3A_1087 : i32 to vector<16xi32>
        %ge3A_1089 = arith.cmpi sge, %iota3A_86, %ge3A_1088 : vector<16xi32>
        %jit3A_1090 = arith.constant 0 : i32
        %broadcast_in_dim3A_1091 = vector.broadcast %jit3A_1090 : i32 to vector<16xi32>
        %select_n3A_1092 = arith.select %ge3A_1089, %gather3A_1086, %broadcast_in_dim3A_1091 : vector<16xi1>, vector<16xi32>
        %add3A_1093 = arith.addi %add3A_1077, %select_n3A_1092 : vector<16xi32>
        %sub3A_1094 = arith.constant 8 : i32
        %sub3A_1095 = vector.broadcast %sub3A_1094 : i32 to vector<16xi32>
        %sub3A_1096 = arith.subi %iota3A_86, %sub3A_1095 : vector<16xi32>
        %max3A_1097 = arith.constant 0 : i32
        %max3A_1098 = vector.broadcast %max3A_1097 : i32 to vector<16xi32>
        %max3A_1099 = arith.maxsi %sub3A_1096, %max3A_1098 : vector<16xi32>
        %broadcast_in_dim3A_1100 = vector.shape_cast %max3A_1099 : vector<16xi32> to vector<16x1xi32>
        %gather3A_1101 = vector.shape_cast %broadcast_in_dim3A_1100 : vector<16x1xi32> to vector<16xi32>
        %gather3A_1102 = tpu.dynamic_gather %add3A_1093[%gather3A_1101] in [0] : vector<16xi32>, vector<16xi32> -> vector<16xi32>
        %ge3A_1103 = arith.constant 8 : i32
        %ge3A_1104 = vector.broadcast %ge3A_1103 : i32 to vector<16xi32>
        %ge3A_1105 = arith.cmpi sge, %iota3A_86, %ge3A_1104 : vector<16xi32>
        %jit3A_1106 = arith.constant 0 : i32
        %broadcast_in_dim3A_1107 = vector.broadcast %jit3A_1106 : i32 to vector<16xi32>
        %select_n3A_1108 = arith.select %ge3A_1105, %gather3A_1102, %broadcast_in_dim3A_1107 : vector<16xi1>, vector<16xi32>
        %add3A_1109 = arith.addi %add3A_1093, %select_n3A_1108 : vector<16xi32>
        %sub3A_1110 = arith.subi %add3A_1109, %select_n3A_1045 : vector<16xi32>
        %broadcast_in_dim3A_1111 = arith.constant 15 : i32
        %broadcast_in_dim3A_1112 = vector.broadcast %broadcast_in_dim3A_1111 : i32 to vector<16xi32>
        %broadcast_in_dim3A_1113 = vector.shape_cast %broadcast_in_dim3A_1112 : vector<16xi32> to vector<16x1xi32>
        %gather3A_1114 = vector.shape_cast %broadcast_in_dim3A_1113 : vector<16x1xi32> to vector<16xi32>
        %gather3A_1115 = tpu.dynamic_gather %add3A_1109[%gather3A_1114] in [0] : vector<16xi32>, vector<16xi32> -> vector<16xi32>
        %mul3A_1116 = arith.constant 27 : i32
        %mul3A_1117 = vector.broadcast %mul3A_1116 : i32 to vector<16xi32>
        %mul3A_1118 = arith.muli %get3A_1037, %mul3A_1117 : vector<16xi32>
        %add3A_1119 = vector.broadcast %scan3A_843 : i32 to vector<16xi32>
        %add3A_1120 = arith.addi %mul3A_1118, %add3A_1119 : vector<16xi32>
        %add3A_1121 = arith.constant 32 : i32
        %add3A_1122 = arith.addi %mul3A_88, %add3A_1121 : i32
        %add3A_1123 = vector.broadcast %add3A_1122 : i32 to vector<16xi32>
        %add3A_1124 = arith.addi %add3A_1123, %iota3A_86 : vector<16xi32>
        %add3A_1125 = arith.addi %min3A_1034, %sub3A_1110 : vector<16xi32>
        %add3A_1126 = arith.constant 896 : i32
        %add3A_1127 = vector.broadcast %add3A_1126 : i32 to vector<16xi32>
        %add3A_1128 = arith.addi %add3A_1127, %iota3A_86 : vector<16xi32>
        %select_n3A_1129 = arith.select %lt3A_1040, %add3A_1125, %add3A_1128 : vector<16xi1>, vector<16xi32>
        tpu.vector_store_idx %arg12[%select_n3A_1129], %add3A_1120 : memref<912xi32, #tpu.memory_space<vmem>>[vector<16xi32>], vector<16xi32>,
        tpu.vector_store_idx %arg13[%select_n3A_1129], %add3A_1124 : memref<912xi32, #tpu.memory_space<vmem>>[vector<16xi32>], vector<16xi32>,
        %add3A_1130 = arith.addi %min3A_1034, %gather3A_1115 : vector<16xi32>
        %min3A_1131 = arith.constant 896 : i32
        %min3A_1132 = vector.broadcast %min3A_1131 : i32 to vector<16xi32>
        %min3A_1133 = arith.minsi %add3A_1130, %min3A_1132 : vector<16xi32>
        %get3A_1134 = arith.index_cast %scan3A_843 : i32 to index
        %get3A_1135 = arith.constant 48 : index
        %get3A_1136 = tpu.vector_load %arg10[%get3A_1134, %get3A_1135] {strides = array<i32>} : memref<27x128xi32, #tpu.memory_space<vmem>>, vector<16xi32>,
        %lt3A_1137 = arith.constant 100000 : i32
        %lt3A_1138 = vector.broadcast %lt3A_1137 : i32 to vector<16xi32>
        %lt3A_1139 = arith.cmpi slt, %get3A_1136, %lt3A_1138 : vector<16xi32>
        %broadcast_in_dim3A_1140 = arith.constant 1 : i32
        %broadcast_in_dim3A_1141 = vector.broadcast %broadcast_in_dim3A_1140 : i32 to vector<16xi32>
        %broadcast_in_dim3A_1142 = arith.constant 0 : i32
        %broadcast_in_dim3A_1143 = vector.broadcast %broadcast_in_dim3A_1142 : i32 to vector<16xi32>
        %select_n3A_1144 = arith.select %lt3A_1139, %broadcast_in_dim3A_1141, %broadcast_in_dim3A_1143 : vector<16xi1>, vector<16xi32>
        %sub3A_1145 = arith.constant 1 : i32
        %sub3A_1146 = vector.broadcast %sub3A_1145 : i32 to vector<16xi32>
        %sub3A_1147 = arith.subi %iota3A_86, %sub3A_1146 : vector<16xi32>
        %max3A_1148 = arith.constant 0 : i32
        %max3A_1149 = vector.broadcast %max3A_1148 : i32 to vector<16xi32>
        %max3A_1150 = arith.maxsi %sub3A_1147, %max3A_1149 : vector<16xi32>
        %broadcast_in_dim3A_1151 = vector.shape_cast %max3A_1150 : vector<16xi32> to vector<16x1xi32>
        %gather3A_1152 = vector.shape_cast %broadcast_in_dim3A_1151 : vector<16x1xi32> to vector<16xi32>
        %gather3A_1153 = tpu.dynamic_gather %select_n3A_1144[%gather3A_1152] in [0] : vector<16xi32>, vector<16xi32> -> vector<16xi32>
        %ge3A_1154 = arith.constant 1 : i32
        %ge3A_1155 = vector.broadcast %ge3A_1154 : i32 to vector<16xi32>
        %ge3A_1156 = arith.cmpi sge, %iota3A_86, %ge3A_1155 : vector<16xi32>
        %jit3A_1157 = arith.constant 0 : i32
        %broadcast_in_dim3A_1158 = vector.broadcast %jit3A_1157 : i32 to vector<16xi32>
        %select_n3A_1159 = arith.select %ge3A_1156, %gather3A_1153, %broadcast_in_dim3A_1158 : vector<16xi1>, vector<16xi32>
        %add3A_1160 = arith.addi %select_n3A_1144, %select_n3A_1159 : vector<16xi32>
        %sub3A_1161 = arith.constant 2 : i32
        %sub3A_1162 = vector.broadcast %sub3A_1161 : i32 to vector<16xi32>
        %sub3A_1163 = arith.subi %iota3A_86, %sub3A_1162 : vector<16xi32>
        %max3A_1164 = arith.constant 0 : i32
        %max3A_1165 = vector.broadcast %max3A_1164 : i32 to vector<16xi32>
        %max3A_1166 = arith.maxsi %sub3A_1163, %max3A_1165 : vector<16xi32>
        %broadcast_in_dim3A_1167 = vector.shape_cast %max3A_1166 : vector<16xi32> to vector<16x1xi32>
        %gather3A_1168 = vector.shape_cast %broadcast_in_dim3A_1167 : vector<16x1xi32> to vector<16xi32>
        %gather3A_1169 = tpu.dynamic_gather %add3A_1160[%gather3A_1168] in [0] : vector<16xi32>, vector<16xi32> -> vector<16xi32>
        %ge3A_1170 = arith.constant 2 : i32
        %ge3A_1171 = vector.broadcast %ge3A_1170 : i32 to vector<16xi32>
        %ge3A_1172 = arith.cmpi sge, %iota3A_86, %ge3A_1171 : vector<16xi32>
        %jit3A_1173 = arith.constant 0 : i32
        %broadcast_in_dim3A_1174 = vector.broadcast %jit3A_1173 : i32 to vector<16xi32>
        %select_n3A_1175 = arith.select %ge3A_1172, %gather3A_1169, %broadcast_in_dim3A_1174 : vector<16xi1>, vector<16xi32>
        %add3A_1176 = arith.addi %add3A_1160, %select_n3A_1175 : vector<16xi32>
        %sub3A_1177 = arith.constant 4 : i32
        %sub3A_1178 = vector.broadcast %sub3A_1177 : i32 to vector<16xi32>
        %sub3A_1179 = arith.subi %iota3A_86, %sub3A_1178 : vector<16xi32>
        %max3A_1180 = arith.constant 0 : i32
        %max3A_1181 = vector.broadcast %max3A_1180 : i32 to vector<16xi32>
        %max3A_1182 = arith.maxsi %sub3A_1179, %max3A_1181 : vector<16xi32>
        %broadcast_in_dim3A_1183 = vector.shape_cast %max3A_1182 : vector<16xi32> to vector<16x1xi32>
        %gather3A_1184 = vector.shape_cast %broadcast_in_dim3A_1183 : vector<16x1xi32> to vector<16xi32>
        %gather3A_1185 = tpu.dynamic_gather %add3A_1176[%gather3A_1184] in [0] : vector<16xi32>, vector<16xi32> -> vector<16xi32>
        %ge3A_1186 = arith.constant 4 : i32
        %ge3A_1187 = vector.broadcast %ge3A_1186 : i32 to vector<16xi32>
        %ge3A_1188 = arith.cmpi sge, %iota3A_86, %ge3A_1187 : vector<16xi32>
        %jit3A_1189 = arith.constant 0 : i32
        %broadcast_in_dim3A_1190 = vector.broadcast %jit3A_1189 : i32 to vector<16xi32>
        %select_n3A_1191 = arith.select %ge3A_1188, %gather3A_1185, %broadcast_in_dim3A_1190 : vector<16xi1>, vector<16xi32>
        %add3A_1192 = arith.addi %add3A_1176, %select_n3A_1191 : vector<16xi32>
        %sub3A_1193 = arith.constant 8 : i32
        %sub3A_1194 = vector.broadcast %sub3A_1193 : i32 to vector<16xi32>
        %sub3A_1195 = arith.subi %iota3A_86, %sub3A_1194 : vector<16xi32>
        %max3A_1196 = arith.constant 0 : i32
        %max3A_1197 = vector.broadcast %max3A_1196 : i32 to vector<16xi32>
        %max3A_1198 = arith.maxsi %sub3A_1195, %max3A_1197 : vector<16xi32>
        %broadcast_in_dim3A_1199 = vector.shape_cast %max3A_1198 : vector<16xi32> to vector<16x1xi32>
        %gather3A_1200 = vector.shape_cast %broadcast_in_dim3A_1199 : vector<16x1xi32> to vector<16xi32>
        %gather3A_1201 = tpu.dynamic_gather %add3A_1192[%gather3A_1200] in [0] : vector<16xi32>, vector<16xi32> -> vector<16xi32>
        %ge3A_1202 = arith.constant 8 : i32
        %ge3A_1203 = vector.broadcast %ge3A_1202 : i32 to vector<16xi32>
        %ge3A_1204 = arith.cmpi sge, %iota3A_86, %ge3A_1203 : vector<16xi32>
        %jit3A_1205 = arith.constant 0 : i32
        %broadcast_in_dim3A_1206 = vector.broadcast %jit3A_1205 : i32 to vector<16xi32>
        %select_n3A_1207 = arith.select %ge3A_1204, %gather3A_1201, %broadcast_in_dim3A_1206 : vector<16xi1>, vector<16xi32>
        %add3A_1208 = arith.addi %add3A_1192, %select_n3A_1207 : vector<16xi32>
        %sub3A_1209 = arith.subi %add3A_1208, %select_n3A_1144 : vector<16xi32>
        %broadcast_in_dim3A_1210 = arith.constant 15 : i32
        %broadcast_in_dim3A_1211 = vector.broadcast %broadcast_in_dim3A_1210 : i32 to vector<16xi32>
        %broadcast_in_dim3A_1212 = vector.shape_cast %broadcast_in_dim3A_1211 : vector<16xi32> to vector<16x1xi32>
        %gather3A_1213 = vector.shape_cast %broadcast_in_dim3A_1212 : vector<16x1xi32> to vector<16xi32>
        %gather3A_1214 = tpu.dynamic_gather %add3A_1208[%gather3A_1213] in [0] : vector<16xi32>, vector<16xi32> -> vector<16xi32>
        %mul3A_1215 = arith.constant 27 : i32
        %mul3A_1216 = vector.broadcast %mul3A_1215 : i32 to vector<16xi32>
        %mul3A_1217 = arith.muli %get3A_1136, %mul3A_1216 : vector<16xi32>
        %add3A_1218 = vector.broadcast %scan3A_843 : i32 to vector<16xi32>
        %add3A_1219 = arith.addi %mul3A_1217, %add3A_1218 : vector<16xi32>
        %add3A_1220 = arith.constant 48 : i32
        %add3A_1221 = arith.addi %mul3A_88, %add3A_1220 : i32
        %add3A_1222 = vector.broadcast %add3A_1221 : i32 to vector<16xi32>
        %add3A_1223 = arith.addi %add3A_1222, %iota3A_86 : vector<16xi32>
        %add3A_1224 = arith.addi %min3A_1133, %sub3A_1209 : vector<16xi32>
        %add3A_1225 = arith.constant 896 : i32
        %add3A_1226 = vector.broadcast %add3A_1225 : i32 to vector<16xi32>
        %add3A_1227 = arith.addi %add3A_1226, %iota3A_86 : vector<16xi32>
        %select_n3A_1228 = arith.select %lt3A_1139, %add3A_1224, %add3A_1227 : vector<16xi1>, vector<16xi32>
        tpu.vector_store_idx %arg12[%select_n3A_1228], %add3A_1219 : memref<912xi32, #tpu.memory_space<vmem>>[vector<16xi32>], vector<16xi32>,
        tpu.vector_store_idx %arg13[%select_n3A_1228], %add3A_1223 : memref<912xi32, #tpu.memory_space<vmem>>[vector<16xi32>], vector<16xi32>,
        %add3A_1229 = arith.addi %min3A_1133, %gather3A_1214 : vector<16xi32>
        %min3A_1230 = arith.constant 896 : i32
        %min3A_1231 = vector.broadcast %min3A_1230 : i32 to vector<16xi32>
        %min3A_1232 = arith.minsi %add3A_1229, %min3A_1231 : vector<16xi32>
        %get3A_1233 = arith.index_cast %scan3A_843 : i32 to index
        %get3A_1234 = arith.constant 64 : index
        %get3A_1235 = tpu.vector_load %arg10[%get3A_1233, %get3A_1234] {strides = array<i32>} : memref<27x128xi32, #tpu.memory_space<vmem>>, vector<16xi32>,
        %lt3A_1236 = arith.constant 100000 : i32
        %lt3A_1237 = vector.broadcast %lt3A_1236 : i32 to vector<16xi32>
        %lt3A_1238 = arith.cmpi slt, %get3A_1235, %lt3A_1237 : vector<16xi32>
        %broadcast_in_dim3A_1239 = arith.constant 1 : i32
        %broadcast_in_dim3A_1240 = vector.broadcast %broadcast_in_dim3A_1239 : i32 to vector<16xi32>
        %broadcast_in_dim3A_1241 = arith.constant 0 : i32
        %broadcast_in_dim3A_1242 = vector.broadcast %broadcast_in_dim3A_1241 : i32 to vector<16xi32>
        %select_n3A_1243 = arith.select %lt3A_1238, %broadcast_in_dim3A_1240, %broadcast_in_dim3A_1242 : vector<16xi1>, vector<16xi32>
        %sub3A_1244 = arith.constant 1 : i32
        %sub3A_1245 = vector.broadcast %sub3A_1244 : i32 to vector<16xi32>
        %sub3A_1246 = arith.subi %iota3A_86, %sub3A_1245 : vector<16xi32>
        %max3A_1247 = arith.constant 0 : i32
        %max3A_1248 = vector.broadcast %max3A_1247 : i32 to vector<16xi32>
        %max3A_1249 = arith.maxsi %sub3A_1246, %max3A_1248 : vector<16xi32>
        %broadcast_in_dim3A_1250 = vector.shape_cast %max3A_1249 : vector<16xi32> to vector<16x1xi32>
        %gather3A_1251 = vector.shape_cast %broadcast_in_dim3A_1250 : vector<16x1xi32> to vector<16xi32>
        %gather3A_1252 = tpu.dynamic_gather %select_n3A_1243[%gather3A_1251] in [0] : vector<16xi32>, vector<16xi32> -> vector<16xi32>
        %ge3A_1253 = arith.constant 1 : i32
        %ge3A_1254 = vector.broadcast %ge3A_1253 : i32 to vector<16xi32>
        %ge3A_1255 = arith.cmpi sge, %iota3A_86, %ge3A_1254 : vector<16xi32>
        %jit3A_1256 = arith.constant 0 : i32
        %broadcast_in_dim3A_1257 = vector.broadcast %jit3A_1256 : i32 to vector<16xi32>
        %select_n3A_1258 = arith.select %ge3A_1255, %gather3A_1252, %broadcast_in_dim3A_1257 : vector<16xi1>, vector<16xi32>
        %add3A_1259 = arith.addi %select_n3A_1243, %select_n3A_1258 : vector<16xi32>
        %sub3A_1260 = arith.constant 2 : i32
        %sub3A_1261 = vector.broadcast %sub3A_1260 : i32 to vector<16xi32>
        %sub3A_1262 = arith.subi %iota3A_86, %sub3A_1261 : vector<16xi32>
        %max3A_1263 = arith.constant 0 : i32
        %max3A_1264 = vector.broadcast %max3A_1263 : i32 to vector<16xi32>
        %max3A_1265 = arith.maxsi %sub3A_1262, %max3A_1264 : vector<16xi32>
        %broadcast_in_dim3A_1266 = vector.shape_cast %max3A_1265 : vector<16xi32> to vector<16x1xi32>
        %gather3A_1267 = vector.shape_cast %broadcast_in_dim3A_1266 : vector<16x1xi32> to vector<16xi32>
        %gather3A_1268 = tpu.dynamic_gather %add3A_1259[%gather3A_1267] in [0] : vector<16xi32>, vector<16xi32> -> vector<16xi32>
        %ge3A_1269 = arith.constant 2 : i32
        %ge3A_1270 = vector.broadcast %ge3A_1269 : i32 to vector<16xi32>
        %ge3A_1271 = arith.cmpi sge, %iota3A_86, %ge3A_1270 : vector<16xi32>
        %jit3A_1272 = arith.constant 0 : i32
        %broadcast_in_dim3A_1273 = vector.broadcast %jit3A_1272 : i32 to vector<16xi32>
        %select_n3A_1274 = arith.select %ge3A_1271, %gather3A_1268, %broadcast_in_dim3A_1273 : vector<16xi1>, vector<16xi32>
        %add3A_1275 = arith.addi %add3A_1259, %select_n3A_1274 : vector<16xi32>
        %sub3A_1276 = arith.constant 4 : i32
        %sub3A_1277 = vector.broadcast %sub3A_1276 : i32 to vector<16xi32>
        %sub3A_1278 = arith.subi %iota3A_86, %sub3A_1277 : vector<16xi32>
        %max3A_1279 = arith.constant 0 : i32
        %max3A_1280 = vector.broadcast %max3A_1279 : i32 to vector<16xi32>
        %max3A_1281 = arith.maxsi %sub3A_1278, %max3A_1280 : vector<16xi32>
        %broadcast_in_dim3A_1282 = vector.shape_cast %max3A_1281 : vector<16xi32> to vector<16x1xi32>
        %gather3A_1283 = vector.shape_cast %broadcast_in_dim3A_1282 : vector<16x1xi32> to vector<16xi32>
        %gather3A_1284 = tpu.dynamic_gather %add3A_1275[%gather3A_1283] in [0] : vector<16xi32>, vector<16xi32> -> vector<16xi32>
        %ge3A_1285 = arith.constant 4 : i32
        %ge3A_1286 = vector.broadcast %ge3A_1285 : i32 to vector<16xi32>
        %ge3A_1287 = arith.cmpi sge, %iota3A_86, %ge3A_1286 : vector<16xi32>
        %jit3A_1288 = arith.constant 0 : i32
        %broadcast_in_dim3A_1289 = vector.broadcast %jit3A_1288 : i32 to vector<16xi32>
        %select_n3A_1290 = arith.select %ge3A_1287, %gather3A_1284, %broadcast_in_dim3A_1289 : vector<16xi1>, vector<16xi32>
        %add3A_1291 = arith.addi %add3A_1275, %select_n3A_1290 : vector<16xi32>
        %sub3A_1292 = arith.constant 8 : i32
        %sub3A_1293 = vector.broadcast %sub3A_1292 : i32 to vector<16xi32>
        %sub3A_1294 = arith.subi %iota3A_86, %sub3A_1293 : vector<16xi32>
        %max3A_1295 = arith.constant 0 : i32
        %max3A_1296 = vector.broadcast %max3A_1295 : i32 to vector<16xi32>
        %max3A_1297 = arith.maxsi %sub3A_1294, %max3A_1296 : vector<16xi32>
        %broadcast_in_dim3A_1298 = vector.shape_cast %max3A_1297 : vector<16xi32> to vector<16x1xi32>
        %gather3A_1299 = vector.shape_cast %broadcast_in_dim3A_1298 : vector<16x1xi32> to vector<16xi32>
        %gather3A_1300 = tpu.dynamic_gather %add3A_1291[%gather3A_1299] in [0] : vector<16xi32>, vector<16xi32> -> vector<16xi32>
        %ge3A_1301 = arith.constant 8 : i32
        %ge3A_1302 = vector.broadcast %ge3A_1301 : i32 to vector<16xi32>
        %ge3A_1303 = arith.cmpi sge, %iota3A_86, %ge3A_1302 : vector<16xi32>
        %jit3A_1304 = arith.constant 0 : i32
        %broadcast_in_dim3A_1305 = vector.broadcast %jit3A_1304 : i32 to vector<16xi32>
        %select_n3A_1306 = arith.select %ge3A_1303, %gather3A_1300, %broadcast_in_dim3A_1305 : vector<16xi1>, vector<16xi32>
        %add3A_1307 = arith.addi %add3A_1291, %select_n3A_1306 : vector<16xi32>
        %sub3A_1308 = arith.subi %add3A_1307, %select_n3A_1243 : vector<16xi32>
        %broadcast_in_dim3A_1309 = arith.constant 15 : i32
        %broadcast_in_dim3A_1310 = vector.broadcast %broadcast_in_dim3A_1309 : i32 to vector<16xi32>
        %broadcast_in_dim3A_1311 = vector.shape_cast %broadcast_in_dim3A_1310 : vector<16xi32> to vector<16x1xi32>
        %gather3A_1312 = vector.shape_cast %broadcast_in_dim3A_1311 : vector<16x1xi32> to vector<16xi32>
        %gather3A_1313 = tpu.dynamic_gather %add3A_1307[%gather3A_1312] in [0] : vector<16xi32>, vector<16xi32> -> vector<16xi32>
        %mul3A_1314 = arith.constant 27 : i32
        %mul3A_1315 = vector.broadcast %mul3A_1314 : i32 to vector<16xi32>
        %mul3A_1316 = arith.muli %get3A_1235, %mul3A_1315 : vector<16xi32>
        %add3A_1317 = vector.broadcast %scan3A_843 : i32 to vector<16xi32>
        %add3A_1318 = arith.addi %mul3A_1316, %add3A_1317 : vector<16xi32>
        %add3A_1319 = arith.constant 64 : i32
        %add3A_1320 = arith.addi %mul3A_88, %add3A_1319 : i32
        %add3A_1321 = vector.broadcast %add3A_1320 : i32 to vector<16xi32>
        %add3A_1322 = arith.addi %add3A_1321, %iota3A_86 : vector<16xi32>
        %add3A_1323 = arith.addi %min3A_1232, %sub3A_1308 : vector<16xi32>
        %add3A_1324 = arith.constant 896 : i32
        %add3A_1325 = vector.broadcast %add3A_1324 : i32 to vector<16xi32>
        %add3A_1326 = arith.addi %add3A_1325, %iota3A_86 : vector<16xi32>
        %select_n3A_1327 = arith.select %lt3A_1238, %add3A_1323, %add3A_1326 : vector<16xi1>, vector<16xi32>
        tpu.vector_store_idx %arg12[%select_n3A_1327], %add3A_1318 : memref<912xi32, #tpu.memory_space<vmem>>[vector<16xi32>], vector<16xi32>,
        tpu.vector_store_idx %arg13[%select_n3A_1327], %add3A_1322 : memref<912xi32, #tpu.memory_space<vmem>>[vector<16xi32>], vector<16xi32>,
        %add3A_1328 = arith.addi %min3A_1232, %gather3A_1313 : vector<16xi32>
        %min3A_1329 = arith.constant 896 : i32
        %min3A_1330 = vector.broadcast %min3A_1329 : i32 to vector<16xi32>
        %min3A_1331 = arith.minsi %add3A_1328, %min3A_1330 : vector<16xi32>
        %get3A_1332 = arith.index_cast %scan3A_843 : i32 to index
        %get3A_1333 = arith.constant 80 : index
        %get3A_1334 = tpu.vector_load %arg10[%get3A_1332, %get3A_1333] {strides = array<i32>} : memref<27x128xi32, #tpu.memory_space<vmem>>, vector<16xi32>,
        %lt3A_1335 = arith.constant 100000 : i32
        %lt3A_1336 = vector.broadcast %lt3A_1335 : i32 to vector<16xi32>
        %lt3A_1337 = arith.cmpi slt, %get3A_1334, %lt3A_1336 : vector<16xi32>
        %broadcast_in_dim3A_1338 = arith.constant 1 : i32
        %broadcast_in_dim3A_1339 = vector.broadcast %broadcast_in_dim3A_1338 : i32 to vector<16xi32>
        %broadcast_in_dim3A_1340 = arith.constant 0 : i32
        %broadcast_in_dim3A_1341 = vector.broadcast %broadcast_in_dim3A_1340 : i32 to vector<16xi32>
        %select_n3A_1342 = arith.select %lt3A_1337, %broadcast_in_dim3A_1339, %broadcast_in_dim3A_1341 : vector<16xi1>, vector<16xi32>
        %sub3A_1343 = arith.constant 1 : i32
        %sub3A_1344 = vector.broadcast %sub3A_1343 : i32 to vector<16xi32>
        %sub3A_1345 = arith.subi %iota3A_86, %sub3A_1344 : vector<16xi32>
        %max3A_1346 = arith.constant 0 : i32
        %max3A_1347 = vector.broadcast %max3A_1346 : i32 to vector<16xi32>
        %max3A_1348 = arith.maxsi %sub3A_1345, %max3A_1347 : vector<16xi32>
        %broadcast_in_dim3A_1349 = vector.shape_cast %max3A_1348 : vector<16xi32> to vector<16x1xi32>
        %gather3A_1350 = vector.shape_cast %broadcast_in_dim3A_1349 : vector<16x1xi32> to vector<16xi32>
        %gather3A_1351 = tpu.dynamic_gather %select_n3A_1342[%gather3A_1350] in [0] : vector<16xi32>, vector<16xi32> -> vector<16xi32>
        %ge3A_1352 = arith.constant 1 : i32
        %ge3A_1353 = vector.broadcast %ge3A_1352 : i32 to vector<16xi32>
        %ge3A_1354 = arith.cmpi sge, %iota3A_86, %ge3A_1353 : vector<16xi32>
        %jit3A_1355 = arith.constant 0 : i32
        %broadcast_in_dim3A_1356 = vector.broadcast %jit3A_1355 : i32 to vector<16xi32>
        %select_n3A_1357 = arith.select %ge3A_1354, %gather3A_1351, %broadcast_in_dim3A_1356 : vector<16xi1>, vector<16xi32>
        %add3A_1358 = arith.addi %select_n3A_1342, %select_n3A_1357 : vector<16xi32>
        %sub3A_1359 = arith.constant 2 : i32
        %sub3A_1360 = vector.broadcast %sub3A_1359 : i32 to vector<16xi32>
        %sub3A_1361 = arith.subi %iota3A_86, %sub3A_1360 : vector<16xi32>
        %max3A_1362 = arith.constant 0 : i32
        %max3A_1363 = vector.broadcast %max3A_1362 : i32 to vector<16xi32>
        %max3A_1364 = arith.maxsi %sub3A_1361, %max3A_1363 : vector<16xi32>
        %broadcast_in_dim3A_1365 = vector.shape_cast %max3A_1364 : vector<16xi32> to vector<16x1xi32>
        %gather3A_1366 = vector.shape_cast %broadcast_in_dim3A_1365 : vector<16x1xi32> to vector<16xi32>
        %gather3A_1367 = tpu.dynamic_gather %add3A_1358[%gather3A_1366] in [0] : vector<16xi32>, vector<16xi32> -> vector<16xi32>
        %ge3A_1368 = arith.constant 2 : i32
        %ge3A_1369 = vector.broadcast %ge3A_1368 : i32 to vector<16xi32>
        %ge3A_1370 = arith.cmpi sge, %iota3A_86, %ge3A_1369 : vector<16xi32>
        %jit3A_1371 = arith.constant 0 : i32
        %broadcast_in_dim3A_1372 = vector.broadcast %jit3A_1371 : i32 to vector<16xi32>
        %select_n3A_1373 = arith.select %ge3A_1370, %gather3A_1367, %broadcast_in_dim3A_1372 : vector<16xi1>, vector<16xi32>
        %add3A_1374 = arith.addi %add3A_1358, %select_n3A_1373 : vector<16xi32>
        %sub3A_1375 = arith.constant 4 : i32
        %sub3A_1376 = vector.broadcast %sub3A_1375 : i32 to vector<16xi32>
        %sub3A_1377 = arith.subi %iota3A_86, %sub3A_1376 : vector<16xi32>
        %max3A_1378 = arith.constant 0 : i32
        %max3A_1379 = vector.broadcast %max3A_1378 : i32 to vector<16xi32>
        %max3A_1380 = arith.maxsi %sub3A_1377, %max3A_1379 : vector<16xi32>
        %broadcast_in_dim3A_1381 = vector.shape_cast %max3A_1380 : vector<16xi32> to vector<16x1xi32>
        %gather3A_1382 = vector.shape_cast %broadcast_in_dim3A_1381 : vector<16x1xi32> to vector<16xi32>
        %gather3A_1383 = tpu.dynamic_gather %add3A_1374[%gather3A_1382] in [0] : vector<16xi32>, vector<16xi32> -> vector<16xi32>
        %ge3A_1384 = arith.constant 4 : i32
        %ge3A_1385 = vector.broadcast %ge3A_1384 : i32 to vector<16xi32>
        %ge3A_1386 = arith.cmpi sge, %iota3A_86, %ge3A_1385 : vector<16xi32>
        %jit3A_1387 = arith.constant 0 : i32
        %broadcast_in_dim3A_1388 = vector.broadcast %jit3A_1387 : i32 to vector<16xi32>
        %select_n3A_1389 = arith.select %ge3A_1386, %gather3A_1383, %broadcast_in_dim3A_1388 : vector<16xi1>, vector<16xi32>
        %add3A_1390 = arith.addi %add3A_1374, %select_n3A_1389 : vector<16xi32>
        %sub3A_1391 = arith.constant 8 : i32
        %sub3A_1392 = vector.broadcast %sub3A_1391 : i32 to vector<16xi32>
        %sub3A_1393 = arith.subi %iota3A_86, %sub3A_1392 : vector<16xi32>
        %max3A_1394 = arith.constant 0 : i32
        %max3A_1395 = vector.broadcast %max3A_1394 : i32 to vector<16xi32>
        %max3A_1396 = arith.maxsi %sub3A_1393, %max3A_1395 : vector<16xi32>
        %broadcast_in_dim3A_1397 = vector.shape_cast %max3A_1396 : vector<16xi32> to vector<16x1xi32>
        %gather3A_1398 = vector.shape_cast %broadcast_in_dim3A_1397 : vector<16x1xi32> to vector<16xi32>
        %gather3A_1399 = tpu.dynamic_gather %add3A_1390[%gather3A_1398] in [0] : vector<16xi32>, vector<16xi32> -> vector<16xi32>
        %ge3A_1400 = arith.constant 8 : i32
        %ge3A_1401 = vector.broadcast %ge3A_1400 : i32 to vector<16xi32>
        %ge3A_1402 = arith.cmpi sge, %iota3A_86, %ge3A_1401 : vector<16xi32>
        %jit3A_1403 = arith.constant 0 : i32
        %broadcast_in_dim3A_1404 = vector.broadcast %jit3A_1403 : i32 to vector<16xi32>
        %select_n3A_1405 = arith.select %ge3A_1402, %gather3A_1399, %broadcast_in_dim3A_1404 : vector<16xi1>, vector<16xi32>
        %add3A_1406 = arith.addi %add3A_1390, %select_n3A_1405 : vector<16xi32>
        %sub3A_1407 = arith.subi %add3A_1406, %select_n3A_1342 : vector<16xi32>
        %broadcast_in_dim3A_1408 = arith.constant 15 : i32
        %broadcast_in_dim3A_1409 = vector.broadcast %broadcast_in_dim3A_1408 : i32 to vector<16xi32>
        %broadcast_in_dim3A_1410 = vector.shape_cast %broadcast_in_dim3A_1409 : vector<16xi32> to vector<16x1xi32>
        %gather3A_1411 = vector.shape_cast %broadcast_in_dim3A_1410 : vector<16x1xi32> to vector<16xi32>
        %gather3A_1412 = tpu.dynamic_gather %add3A_1406[%gather3A_1411] in [0] : vector<16xi32>, vector<16xi32> -> vector<16xi32>
        %mul3A_1413 = arith.constant 27 : i32
        %mul3A_1414 = vector.broadcast %mul3A_1413 : i32 to vector<16xi32>
        %mul3A_1415 = arith.muli %get3A_1334, %mul3A_1414 : vector<16xi32>
        %add3A_1416 = vector.broadcast %scan3A_843 : i32 to vector<16xi32>
        %add3A_1417 = arith.addi %mul3A_1415, %add3A_1416 : vector<16xi32>
        %add3A_1418 = arith.constant 80 : i32
        %add3A_1419 = arith.addi %mul3A_88, %add3A_1418 : i32
        %add3A_1420 = vector.broadcast %add3A_1419 : i32 to vector<16xi32>
        %add3A_1421 = arith.addi %add3A_1420, %iota3A_86 : vector<16xi32>
        %add3A_1422 = arith.addi %min3A_1331, %sub3A_1407 : vector<16xi32>
        %add3A_1423 = arith.constant 896 : i32
        %add3A_1424 = vector.broadcast %add3A_1423 : i32 to vector<16xi32>
        %add3A_1425 = arith.addi %add3A_1424, %iota3A_86 : vector<16xi32>
        %select_n3A_1426 = arith.select %lt3A_1337, %add3A_1422, %add3A_1425 : vector<16xi1>, vector<16xi32>
        tpu.vector_store_idx %arg12[%select_n3A_1426], %add3A_1417 : memref<912xi32, #tpu.memory_space<vmem>>[vector<16xi32>], vector<16xi32>,
        tpu.vector_store_idx %arg13[%select_n3A_1426], %add3A_1421 : memref<912xi32, #tpu.memory_space<vmem>>[vector<16xi32>], vector<16xi32>,
        %add3A_1427 = arith.addi %min3A_1331, %gather3A_1412 : vector<16xi32>
        %min3A_1428 = arith.constant 896 : i32
        %min3A_1429 = vector.broadcast %min3A_1428 : i32 to vector<16xi32>
        %min3A_1430 = arith.minsi %add3A_1427, %min3A_1429 : vector<16xi32>
        %get3A_1431 = arith.index_cast %scan3A_843 : i32 to index
        %get3A_1432 = arith.constant 96 : index
        %get3A_1433 = tpu.vector_load %arg10[%get3A_1431, %get3A_1432] {strides = array<i32>} : memref<27x128xi32, #tpu.memory_space<vmem>>, vector<16xi32>,
        %lt3A_1434 = arith.constant 100000 : i32
        %lt3A_1435 = vector.broadcast %lt3A_1434 : i32 to vector<16xi32>
        %lt3A_1436 = arith.cmpi slt, %get3A_1433, %lt3A_1435 : vector<16xi32>
        %broadcast_in_dim3A_1437 = arith.constant 1 : i32
        %broadcast_in_dim3A_1438 = vector.broadcast %broadcast_in_dim3A_1437 : i32 to vector<16xi32>
        %broadcast_in_dim3A_1439 = arith.constant 0 : i32
        %broadcast_in_dim3A_1440 = vector.broadcast %broadcast_in_dim3A_1439 : i32 to vector<16xi32>
        %select_n3A_1441 = arith.select %lt3A_1436, %broadcast_in_dim3A_1438, %broadcast_in_dim3A_1440 : vector<16xi1>, vector<16xi32>
        %sub3A_1442 = arith.constant 1 : i32
        %sub3A_1443 = vector.broadcast %sub3A_1442 : i32 to vector<16xi32>
        %sub3A_1444 = arith.subi %iota3A_86, %sub3A_1443 : vector<16xi32>
        %max3A_1445 = arith.constant 0 : i32
        %max3A_1446 = vector.broadcast %max3A_1445 : i32 to vector<16xi32>
        %max3A_1447 = arith.maxsi %sub3A_1444, %max3A_1446 : vector<16xi32>
        %broadcast_in_dim3A_1448 = vector.shape_cast %max3A_1447 : vector<16xi32> to vector<16x1xi32>
        %gather3A_1449 = vector.shape_cast %broadcast_in_dim3A_1448 : vector<16x1xi32> to vector<16xi32>
        %gather3A_1450 = tpu.dynamic_gather %select_n3A_1441[%gather3A_1449] in [0] : vector<16xi32>, vector<16xi32> -> vector<16xi32>
        %ge3A_1451 = arith.constant 1 : i32
        %ge3A_1452 = vector.broadcast %ge3A_1451 : i32 to vector<16xi32>
        %ge3A_1453 = arith.cmpi sge, %iota3A_86, %ge3A_1452 : vector<16xi32>
        %jit3A_1454 = arith.constant 0 : i32
        %broadcast_in_dim3A_1455 = vector.broadcast %jit3A_1454 : i32 to vector<16xi32>
        %select_n3A_1456 = arith.select %ge3A_1453, %gather3A_1450, %broadcast_in_dim3A_1455 : vector<16xi1>, vector<16xi32>
        %add3A_1457 = arith.addi %select_n3A_1441, %select_n3A_1456 : vector<16xi32>
        %sub3A_1458 = arith.constant 2 : i32
        %sub3A_1459 = vector.broadcast %sub3A_1458 : i32 to vector<16xi32>
        %sub3A_1460 = arith.subi %iota3A_86, %sub3A_1459 : vector<16xi32>
        %max3A_1461 = arith.constant 0 : i32
        %max3A_1462 = vector.broadcast %max3A_1461 : i32 to vector<16xi32>
        %max3A_1463 = arith.maxsi %sub3A_1460, %max3A_1462 : vector<16xi32>
        %broadcast_in_dim3A_1464 = vector.shape_cast %max3A_1463 : vector<16xi32> to vector<16x1xi32>
        %gather3A_1465 = vector.shape_cast %broadcast_in_dim3A_1464 : vector<16x1xi32> to vector<16xi32>
        %gather3A_1466 = tpu.dynamic_gather %add3A_1457[%gather3A_1465] in [0] : vector<16xi32>, vector<16xi32> -> vector<16xi32>
        %ge3A_1467 = arith.constant 2 : i32
        %ge3A_1468 = vector.broadcast %ge3A_1467 : i32 to vector<16xi32>
        %ge3A_1469 = arith.cmpi sge, %iota3A_86, %ge3A_1468 : vector<16xi32>
        %jit3A_1470 = arith.constant 0 : i32
        %broadcast_in_dim3A_1471 = vector.broadcast %jit3A_1470 : i32 to vector<16xi32>
        %select_n3A_1472 = arith.select %ge3A_1469, %gather3A_1466, %broadcast_in_dim3A_1471 : vector<16xi1>, vector<16xi32>
        %add3A_1473 = arith.addi %add3A_1457, %select_n3A_1472 : vector<16xi32>
        %sub3A_1474 = arith.constant 4 : i32
        %sub3A_1475 = vector.broadcast %sub3A_1474 : i32 to vector<16xi32>
        %sub3A_1476 = arith.subi %iota3A_86, %sub3A_1475 : vector<16xi32>
        %max3A_1477 = arith.constant 0 : i32
        %max3A_1478 = vector.broadcast %max3A_1477 : i32 to vector<16xi32>
        %max3A_1479 = arith.maxsi %sub3A_1476, %max3A_1478 : vector<16xi32>
        %broadcast_in_dim3A_1480 = vector.shape_cast %max3A_1479 : vector<16xi32> to vector<16x1xi32>
        %gather3A_1481 = vector.shape_cast %broadcast_in_dim3A_1480 : vector<16x1xi32> to vector<16xi32>
        %gather3A_1482 = tpu.dynamic_gather %add3A_1473[%gather3A_1481] in [0] : vector<16xi32>, vector<16xi32> -> vector<16xi32>
        %ge3A_1483 = arith.constant 4 : i32
        %ge3A_1484 = vector.broadcast %ge3A_1483 : i32 to vector<16xi32>
        %ge3A_1485 = arith.cmpi sge, %iota3A_86, %ge3A_1484 : vector<16xi32>
        %jit3A_1486 = arith.constant 0 : i32
        %broadcast_in_dim3A_1487 = vector.broadcast %jit3A_1486 : i32 to vector<16xi32>
        %select_n3A_1488 = arith.select %ge3A_1485, %gather3A_1482, %broadcast_in_dim3A_1487 : vector<16xi1>, vector<16xi32>
        %add3A_1489 = arith.addi %add3A_1473, %select_n3A_1488 : vector<16xi32>
        %sub3A_1490 = arith.constant 8 : i32
        %sub3A_1491 = vector.broadcast %sub3A_1490 : i32 to vector<16xi32>
        %sub3A_1492 = arith.subi %iota3A_86, %sub3A_1491 : vector<16xi32>
        %max3A_1493 = arith.constant 0 : i32
        %max3A_1494 = vector.broadcast %max3A_1493 : i32 to vector<16xi32>
        %max3A_1495 = arith.maxsi %sub3A_1492, %max3A_1494 : vector<16xi32>
        %broadcast_in_dim3A_1496 = vector.shape_cast %max3A_1495 : vector<16xi32> to vector<16x1xi32>
        %gather3A_1497 = vector.shape_cast %broadcast_in_dim3A_1496 : vector<16x1xi32> to vector<16xi32>
        %gather3A_1498 = tpu.dynamic_gather %add3A_1489[%gather3A_1497] in [0] : vector<16xi32>, vector<16xi32> -> vector<16xi32>
        %ge3A_1499 = arith.constant 8 : i32
        %ge3A_1500 = vector.broadcast %ge3A_1499 : i32 to vector<16xi32>
        %ge3A_1501 = arith.cmpi sge, %iota3A_86, %ge3A_1500 : vector<16xi32>
        %jit3A_1502 = arith.constant 0 : i32
        %broadcast_in_dim3A_1503 = vector.broadcast %jit3A_1502 : i32 to vector<16xi32>
        %select_n3A_1504 = arith.select %ge3A_1501, %gather3A_1498, %broadcast_in_dim3A_1503 : vector<16xi1>, vector<16xi32>
        %add3A_1505 = arith.addi %add3A_1489, %select_n3A_1504 : vector<16xi32>
        %sub3A_1506 = arith.subi %add3A_1505, %select_n3A_1441 : vector<16xi32>
        %broadcast_in_dim3A_1507 = arith.constant 15 : i32
        %broadcast_in_dim3A_1508 = vector.broadcast %broadcast_in_dim3A_1507 : i32 to vector<16xi32>
        %broadcast_in_dim3A_1509 = vector.shape_cast %broadcast_in_dim3A_1508 : vector<16xi32> to vector<16x1xi32>
        %gather3A_1510 = vector.shape_cast %broadcast_in_dim3A_1509 : vector<16x1xi32> to vector<16xi32>
        %gather3A_1511 = tpu.dynamic_gather %add3A_1505[%gather3A_1510] in [0] : vector<16xi32>, vector<16xi32> -> vector<16xi32>
        %mul3A_1512 = arith.constant 27 : i32
        %mul3A_1513 = vector.broadcast %mul3A_1512 : i32 to vector<16xi32>
        %mul3A_1514 = arith.muli %get3A_1433, %mul3A_1513 : vector<16xi32>
        %add3A_1515 = vector.broadcast %scan3A_843 : i32 to vector<16xi32>
        %add3A_1516 = arith.addi %mul3A_1514, %add3A_1515 : vector<16xi32>
        %add3A_1517 = arith.constant 96 : i32
        %add3A_1518 = arith.addi %mul3A_88, %add3A_1517 : i32
        %add3A_1519 = vector.broadcast %add3A_1518 : i32 to vector<16xi32>
        %add3A_1520 = arith.addi %add3A_1519, %iota3A_86 : vector<16xi32>
        %add3A_1521 = arith.addi %min3A_1430, %sub3A_1506 : vector<16xi32>
        %add3A_1522 = arith.constant 896 : i32
        %add3A_1523 = vector.broadcast %add3A_1522 : i32 to vector<16xi32>
        %add3A_1524 = arith.addi %add3A_1523, %iota3A_86 : vector<16xi32>
        %select_n3A_1525 = arith.select %lt3A_1436, %add3A_1521, %add3A_1524 : vector<16xi1>, vector<16xi32>
        tpu.vector_store_idx %arg12[%select_n3A_1525], %add3A_1516 : memref<912xi32, #tpu.memory_space<vmem>>[vector<16xi32>], vector<16xi32>,
        tpu.vector_store_idx %arg13[%select_n3A_1525], %add3A_1520 : memref<912xi32, #tpu.memory_space<vmem>>[vector<16xi32>], vector<16xi32>,
        %add3A_1526 = arith.addi %min3A_1430, %gather3A_1511 : vector<16xi32>
        %min3A_1527 = arith.constant 896 : i32
        %min3A_1528 = vector.broadcast %min3A_1527 : i32 to vector<16xi32>
        %min3A_1529 = arith.minsi %add3A_1526, %min3A_1528 : vector<16xi32>
        %get3A_1530 = arith.index_cast %scan3A_843 : i32 to index
        %get3A_1531 = arith.constant 112 : index
        %get3A_1532 = tpu.vector_load %arg10[%get3A_1530, %get3A_1531] {strides = array<i32>} : memref<27x128xi32, #tpu.memory_space<vmem>>, vector<16xi32>,
        %lt3A_1533 = arith.constant 100000 : i32
        %lt3A_1534 = vector.broadcast %lt3A_1533 : i32 to vector<16xi32>
        %lt3A_1535 = arith.cmpi slt, %get3A_1532, %lt3A_1534 : vector<16xi32>
        %broadcast_in_dim3A_1536 = arith.constant 1 : i32
        %broadcast_in_dim3A_1537 = vector.broadcast %broadcast_in_dim3A_1536 : i32 to vector<16xi32>
        %broadcast_in_dim3A_1538 = arith.constant 0 : i32
        %broadcast_in_dim3A_1539 = vector.broadcast %broadcast_in_dim3A_1538 : i32 to vector<16xi32>
        %select_n3A_1540 = arith.select %lt3A_1535, %broadcast_in_dim3A_1537, %broadcast_in_dim3A_1539 : vector<16xi1>, vector<16xi32>
        %sub3A_1541 = arith.constant 1 : i32
        %sub3A_1542 = vector.broadcast %sub3A_1541 : i32 to vector<16xi32>
        %sub3A_1543 = arith.subi %iota3A_86, %sub3A_1542 : vector<16xi32>
        %max3A_1544 = arith.constant 0 : i32
        %max3A_1545 = vector.broadcast %max3A_1544 : i32 to vector<16xi32>
        %max3A_1546 = arith.maxsi %sub3A_1543, %max3A_1545 : vector<16xi32>
        %broadcast_in_dim3A_1547 = vector.shape_cast %max3A_1546 : vector<16xi32> to vector<16x1xi32>
        %gather3A_1548 = vector.shape_cast %broadcast_in_dim3A_1547 : vector<16x1xi32> to vector<16xi32>
        %gather3A_1549 = tpu.dynamic_gather %select_n3A_1540[%gather3A_1548] in [0] : vector<16xi32>, vector<16xi32> -> vector<16xi32>
        %ge3A_1550 = arith.constant 1 : i32
        %ge3A_1551 = vector.broadcast %ge3A_1550 : i32 to vector<16xi32>
        %ge3A_1552 = arith.cmpi sge, %iota3A_86, %ge3A_1551 : vector<16xi32>
        %jit3A_1553 = arith.constant 0 : i32
        %broadcast_in_dim3A_1554 = vector.broadcast %jit3A_1553 : i32 to vector<16xi32>
        %select_n3A_1555 = arith.select %ge3A_1552, %gather3A_1549, %broadcast_in_dim3A_1554 : vector<16xi1>, vector<16xi32>
        %add3A_1556 = arith.addi %select_n3A_1540, %select_n3A_1555 : vector<16xi32>
        %sub3A_1557 = arith.constant 2 : i32
        %sub3A_1558 = vector.broadcast %sub3A_1557 : i32 to vector<16xi32>
        %sub3A_1559 = arith.subi %iota3A_86, %sub3A_1558 : vector<16xi32>
        %max3A_1560 = arith.constant 0 : i32
        %max3A_1561 = vector.broadcast %max3A_1560 : i32 to vector<16xi32>
        %max3A_1562 = arith.maxsi %sub3A_1559, %max3A_1561 : vector<16xi32>
        %broadcast_in_dim3A_1563 = vector.shape_cast %max3A_1562 : vector<16xi32> to vector<16x1xi32>
        %gather3A_1564 = vector.shape_cast %broadcast_in_dim3A_1563 : vector<16x1xi32> to vector<16xi32>
        %gather3A_1565 = tpu.dynamic_gather %add3A_1556[%gather3A_1564] in [0] : vector<16xi32>, vector<16xi32> -> vector<16xi32>
        %ge3A_1566 = arith.constant 2 : i32
        %ge3A_1567 = vector.broadcast %ge3A_1566 : i32 to vector<16xi32>
        %ge3A_1568 = arith.cmpi sge, %iota3A_86, %ge3A_1567 : vector<16xi32>
        %jit3A_1569 = arith.constant 0 : i32
        %broadcast_in_dim3A_1570 = vector.broadcast %jit3A_1569 : i32 to vector<16xi32>
        %select_n3A_1571 = arith.select %ge3A_1568, %gather3A_1565, %broadcast_in_dim3A_1570 : vector<16xi1>, vector<16xi32>
        %add3A_1572 = arith.addi %add3A_1556, %select_n3A_1571 : vector<16xi32>
        %sub3A_1573 = arith.constant 4 : i32
        %sub3A_1574 = vector.broadcast %sub3A_1573 : i32 to vector<16xi32>
        %sub3A_1575 = arith.subi %iota3A_86, %sub3A_1574 : vector<16xi32>
        %max3A_1576 = arith.constant 0 : i32
        %max3A_1577 = vector.broadcast %max3A_1576 : i32 to vector<16xi32>
        %max3A_1578 = arith.maxsi %sub3A_1575, %max3A_1577 : vector<16xi32>
        %broadcast_in_dim3A_1579 = vector.shape_cast %max3A_1578 : vector<16xi32> to vector<16x1xi32>
        %gather3A_1580 = vector.shape_cast %broadcast_in_dim3A_1579 : vector<16x1xi32> to vector<16xi32>
        %gather3A_1581 = tpu.dynamic_gather %add3A_1572[%gather3A_1580] in [0] : vector<16xi32>, vector<16xi32> -> vector<16xi32>
        %ge3A_1582 = arith.constant 4 : i32
        %ge3A_1583 = vector.broadcast %ge3A_1582 : i32 to vector<16xi32>
        %ge3A_1584 = arith.cmpi sge, %iota3A_86, %ge3A_1583 : vector<16xi32>
        %jit3A_1585 = arith.constant 0 : i32
        %broadcast_in_dim3A_1586 = vector.broadcast %jit3A_1585 : i32 to vector<16xi32>
        %select_n3A_1587 = arith.select %ge3A_1584, %gather3A_1581, %broadcast_in_dim3A_1586 : vector<16xi1>, vector<16xi32>
        %add3A_1588 = arith.addi %add3A_1572, %select_n3A_1587 : vector<16xi32>
        %sub3A_1589 = arith.constant 8 : i32
        %sub3A_1590 = vector.broadcast %sub3A_1589 : i32 to vector<16xi32>
        %sub3A_1591 = arith.subi %iota3A_86, %sub3A_1590 : vector<16xi32>
        %max3A_1592 = arith.constant 0 : i32
        %max3A_1593 = vector.broadcast %max3A_1592 : i32 to vector<16xi32>
        %max3A_1594 = arith.maxsi %sub3A_1591, %max3A_1593 : vector<16xi32>
        %broadcast_in_dim3A_1595 = vector.shape_cast %max3A_1594 : vector<16xi32> to vector<16x1xi32>
        %gather3A_1596 = vector.shape_cast %broadcast_in_dim3A_1595 : vector<16x1xi32> to vector<16xi32>
        %gather3A_1597 = tpu.dynamic_gather %add3A_1588[%gather3A_1596] in [0] : vector<16xi32>, vector<16xi32> -> vector<16xi32>
        %ge3A_1598 = arith.constant 8 : i32
        %ge3A_1599 = vector.broadcast %ge3A_1598 : i32 to vector<16xi32>
        %ge3A_1600 = arith.cmpi sge, %iota3A_86, %ge3A_1599 : vector<16xi32>
        %jit3A_1601 = arith.constant 0 : i32
        %broadcast_in_dim3A_1602 = vector.broadcast %jit3A_1601 : i32 to vector<16xi32>
        %select_n3A_1603 = arith.select %ge3A_1600, %gather3A_1597, %broadcast_in_dim3A_1602 : vector<16xi1>, vector<16xi32>
        %add3A_1604 = arith.addi %add3A_1588, %select_n3A_1603 : vector<16xi32>
        %sub3A_1605 = arith.subi %add3A_1604, %select_n3A_1540 : vector<16xi32>
        %broadcast_in_dim3A_1606 = arith.constant 15 : i32
        %broadcast_in_dim3A_1607 = vector.broadcast %broadcast_in_dim3A_1606 : i32 to vector<16xi32>
        %broadcast_in_dim3A_1608 = vector.shape_cast %broadcast_in_dim3A_1607 : vector<16xi32> to vector<16x1xi32>
        %gather3A_1609 = vector.shape_cast %broadcast_in_dim3A_1608 : vector<16x1xi32> to vector<16xi32>
        %gather3A_1610 = tpu.dynamic_gather %add3A_1604[%gather3A_1609] in [0] : vector<16xi32>, vector<16xi32> -> vector<16xi32>
        %mul3A_1611 = arith.constant 27 : i32
        %mul3A_1612 = vector.broadcast %mul3A_1611 : i32 to vector<16xi32>
        %mul3A_1613 = arith.muli %get3A_1532, %mul3A_1612 : vector<16xi32>
        %add3A_1614 = vector.broadcast %scan3A_843 : i32 to vector<16xi32>
        %add3A_1615 = arith.addi %mul3A_1613, %add3A_1614 : vector<16xi32>
        %add3A_1616 = arith.constant 112 : i32
        %add3A_1617 = arith.addi %mul3A_88, %add3A_1616 : i32
        %add3A_1618 = vector.broadcast %add3A_1617 : i32 to vector<16xi32>
        %add3A_1619 = arith.addi %add3A_1618, %iota3A_86 : vector<16xi32>
        %add3A_1620 = arith.addi %min3A_1529, %sub3A_1605 : vector<16xi32>
        %add3A_1621 = arith.constant 896 : i32
        %add3A_1622 = vector.broadcast %add3A_1621 : i32 to vector<16xi32>
        %add3A_1623 = arith.addi %add3A_1622, %iota3A_86 : vector<16xi32>
        %select_n3A_1624 = arith.select %lt3A_1535, %add3A_1620, %add3A_1623 : vector<16xi1>, vector<16xi32>
        tpu.vector_store_idx %arg12[%select_n3A_1624], %add3A_1615 : memref<912xi32, #tpu.memory_space<vmem>>[vector<16xi32>], vector<16xi32>,
        tpu.vector_store_idx %arg13[%select_n3A_1624], %add3A_1619 : memref<912xi32, #tpu.memory_space<vmem>>[vector<16xi32>], vector<16xi32>,
        %add3A_1625 = arith.addi %min3A_1529, %gather3A_1610 : vector<16xi32>
        %min3A_1626 = arith.constant 896 : i32
        %min3A_1627 = vector.broadcast %min3A_1626 : i32 to vector<16xi32>
        %min3A_1628 = arith.minsi %add3A_1625, %min3A_1627 : vector<16xi32>
        scf.yield %min3A_1628 : vector<16xi32>
      }
      %scan3A_139 = arith.constant 27 : i32
      %get3A = arith.constant 0 : index
      %get3A_140 = tpu.vector_load %arg13[%get3A] {strides = array<i32>} : memref<912xi32, #tpu.memory_space<vmem>>, vector<16xi32>,
      %swap3A = arith.constant 0 : i32
      %swap3A_141 = arith.index_cast %swap3A : i32 to index
      %swap3A_142 = arith.constant 0 : index
      %swap3A_143 = tpu.vector_load %arg14[%swap3A_141, %swap3A_142] {strides = array<i32>} : memref<7x128xi32, #tpu.memory_space<vmem>>, vector<16xi32>,
      tpu.vector_store %arg14[%swap3A_141, %swap3A_142], %get3A_140 {strides = array<i32>} : memref<7x128xi32, #tpu.memory_space<vmem>>, vector<16xi32>,
      %get3A_144 = arith.constant 16 : index
      %get3A_145 = tpu.vector_load %arg13[%get3A_144] {strides = array<i32>} : memref<912xi32, #tpu.memory_space<vmem>>, vector<16xi32>,
      %swap3A_146 = arith.constant 0 : i32
      %swap3A_147 = arith.index_cast %swap3A_146 : i32 to index
      %swap3A_148 = arith.constant 16 : index
      %swap3A_149 = tpu.vector_load %arg14[%swap3A_147, %swap3A_148] {strides = array<i32>} : memref<7x128xi32, #tpu.memory_space<vmem>>, vector<16xi32>,
      tpu.vector_store %arg14[%swap3A_147, %swap3A_148], %get3A_145 {strides = array<i32>} : memref<7x128xi32, #tpu.memory_space<vmem>>, vector<16xi32>,
      %get3A_150 = arith.constant 32 : index
      %get3A_151 = tpu.vector_load %arg13[%get3A_150] {strides = array<i32>} : memref<912xi32, #tpu.memory_space<vmem>>, vector<16xi32>,
      %swap3A_152 = arith.constant 0 : i32
      %swap3A_153 = arith.index_cast %swap3A_152 : i32 to index
      %swap3A_154 = arith.constant 32 : index
      %swap3A_155 = tpu.vector_load %arg14[%swap3A_153, %swap3A_154] {strides = array<i32>} : memref<7x128xi32, #tpu.memory_space<vmem>>, vector<16xi32>,
      tpu.vector_store %arg14[%swap3A_153, %swap3A_154], %get3A_151 {strides = array<i32>} : memref<7x128xi32, #tpu.memory_space<vmem>>, vector<16xi32>,
      %get3A_156 = arith.constant 48 : index
      %get3A_157 = tpu.vector_load %arg13[%get3A_156] {strides = array<i32>} : memref<912xi32, #tpu.memory_space<vmem>>, vector<16xi32>,
      %swap3A_158 = arith.constant 0 : i32
      %swap3A_159 = arith.index_cast %swap3A_158 : i32 to index
      %swap3A_160 = arith.constant 48 : index
      %swap3A_161 = tpu.vector_load %arg14[%swap3A_159, %swap3A_160] {strides = array<i32>} : memref<7x128xi32, #tpu.memory_space<vmem>>, vector<16xi32>,
      tpu.vector_store %arg14[%swap3A_159, %swap3A_160], %get3A_157 {strides = array<i32>} : memref<7x128xi32, #tpu.memory_space<vmem>>, vector<16xi32>,
      %get3A_162 = arith.constant 64 : index
      %get3A_163 = tpu.vector_load %arg13[%get3A_162] {strides = array<i32>} : memref<912xi32, #tpu.memory_space<vmem>>, vector<16xi32>,
      %swap3A_164 = arith.constant 0 : i32
      %swap3A_165 = arith.index_cast %swap3A_164 : i32 to index
      %swap3A_166 = arith.constant 64 : index
      %swap3A_167 = tpu.vector_load %arg14[%swap3A_165, %swap3A_166] {strides = array<i32>} : memref<7x128xi32, #tpu.memory_space<vmem>>, vector<16xi32>,
      tpu.vector_store %arg14[%swap3A_165, %swap3A_166], %get3A_163 {strides = array<i32>} : memref<7x128xi32, #tpu.memory_space<vmem>>, vector<16xi32>,
      %get3A_168 = arith.constant 80 : index
      %get3A_169 = tpu.vector_load %arg13[%get3A_168] {strides = array<i32>} : memref<912xi32, #tpu.memory_space<vmem>>, vector<16xi32>,
      %swap3A_170 = arith.constant 0 : i32
      %swap3A_171 = arith.index_cast %swap3A_170 : i32 to index
      %swap3A_172 = arith.constant 80 : index
      %swap3A_173 = tpu.vector_load %arg14[%swap3A_171, %swap3A_172] {strides = array<i32>} : memref<7x128xi32, #tpu.memory_space<vmem>>, vector<16xi32>,
      tpu.vector_store %arg14[%swap3A_171, %swap3A_172], %get3A_169 {strides = array<i32>} : memref<7x128xi32, #tpu.memory_space<vmem>>, vector<16xi32>,
      %get3A_174 = arith.constant 96 : index
      %get3A_175 = tpu.vector_load %arg13[%get3A_174] {strides = array<i32>} : memref<912xi32, #tpu.memory_space<vmem>>, vector<16xi32>,
      %swap3A_176 = arith.constant 0 : i32
      %swap3A_177 = arith.index_cast %swap3A_176 : i32 to index
      %swap3A_178 = arith.constant 96 : index
      %swap3A_179 = tpu.vector_load %arg14[%swap3A_177, %swap3A_178] {strides = array<i32>} : memref<7x128xi32, #tpu.memory_space<vmem>>, vector<16xi32>,
      tpu.vector_store %arg14[%swap3A_177, %swap3A_178], %get3A_175 {strides = array<i32>} : memref<7x128xi32, #tpu.memory_space<vmem>>, vector<16xi32>,
      %get3A_180 = arith.constant 112 : index
      %get3A_181 = tpu.vector_load %arg13[%get3A_180] {strides = array<i32>} : memref<912xi32, #tpu.memory_space<vmem>>, vector<16xi32>,
      %swap3A_182 = arith.constant 0 : i32
      %swap3A_183 = arith.index_cast %swap3A_182 : i32 to index
      %swap3A_184 = arith.constant 112 : index
      %swap3A_185 = tpu.vector_load %arg14[%swap3A_183, %swap3A_184] {strides = array<i32>} : memref<7x128xi32, #tpu.memory_space<vmem>>, vector<16xi32>,
      tpu.vector_store %arg14[%swap3A_183, %swap3A_184], %get3A_181 {strides = array<i32>} : memref<7x128xi32, #tpu.memory_space<vmem>>, vector<16xi32>,
      %get3A_186 = arith.constant 128 : index
      %get3A_187 = tpu.vector_load %arg13[%get3A_186] {strides = array<i32>} : memref<912xi32, #tpu.memory_space<vmem>>, vector<16xi32>,
      %swap3A_188 = arith.constant 1 : i32
      %swap3A_189 = arith.index_cast %swap3A_188 : i32 to index
      %swap3A_190 = arith.constant 0 : index
      %swap3A_191 = tpu.vector_load %arg14[%swap3A_189, %swap3A_190] {strides = array<i32>} : memref<7x128xi32, #tpu.memory_space<vmem>>, vector<16xi32>,
      tpu.vector_store %arg14[%swap3A_189, %swap3A_190], %get3A_187 {strides = array<i32>} : memref<7x128xi32, #tpu.memory_space<vmem>>, vector<16xi32>,
      %get3A_192 = arith.constant 144 : index
      %get3A_193 = tpu.vector_load %arg13[%get3A_192] {strides = array<i32>} : memref<912xi32, #tpu.memory_space<vmem>>, vector<16xi32>,
      %swap3A_194 = arith.constant 1 : i32
      %swap3A_195 = arith.index_cast %swap3A_194 : i32 to index
      %swap3A_196 = arith.constant 16 : index
      %swap3A_197 = tpu.vector_load %arg14[%swap3A_195, %swap3A_196] {strides = array<i32>} : memref<7x128xi32, #tpu.memory_space<vmem>>, vector<16xi32>,
      tpu.vector_store %arg14[%swap3A_195, %swap3A_196], %get3A_193 {strides = array<i32>} : memref<7x128xi32, #tpu.memory_space<vmem>>, vector<16xi32>,
      %get3A_198 = arith.constant 160 : index
      %get3A_199 = tpu.vector_load %arg13[%get3A_198] {strides = array<i32>} : memref<912xi32, #tpu.memory_space<vmem>>, vector<16xi32>,
      %swap3A_200 = arith.constant 1 : i32
      %swap3A_201 = arith.index_cast %swap3A_200 : i32 to index
      %swap3A_202 = arith.constant 32 : index
      %swap3A_203 = tpu.vector_load %arg14[%swap3A_201, %swap3A_202] {strides = array<i32>} : memref<7x128xi32, #tpu.memory_space<vmem>>, vector<16xi32>,
      tpu.vector_store %arg14[%swap3A_201, %swap3A_202], %get3A_199 {strides = array<i32>} : memref<7x128xi32, #tpu.memory_space<vmem>>, vector<16xi32>,
      %get3A_204 = arith.constant 176 : index
      %get3A_205 = tpu.vector_load %arg13[%get3A_204] {strides = array<i32>} : memref<912xi32, #tpu.memory_space<vmem>>, vector<16xi32>,
      %swap3A_206 = arith.constant 1 : i32
      %swap3A_207 = arith.index_cast %swap3A_206 : i32 to index
      %swap3A_208 = arith.constant 48 : index
      %swap3A_209 = tpu.vector_load %arg14[%swap3A_207, %swap3A_208] {strides = array<i32>} : memref<7x128xi32, #tpu.memory_space<vmem>>, vector<16xi32>,
      tpu.vector_store %arg14[%swap3A_207, %swap3A_208], %get3A_205 {strides = array<i32>} : memref<7x128xi32, #tpu.memory_space<vmem>>, vector<16xi32>,
      %get3A_210 = arith.constant 192 : index
      %get3A_211 = tpu.vector_load %arg13[%get3A_210] {strides = array<i32>} : memref<912xi32, #tpu.memory_space<vmem>>, vector<16xi32>,
      %swap3A_212 = arith.constant 1 : i32
      %swap3A_213 = arith.index_cast %swap3A_212 : i32 to index
      %swap3A_214 = arith.constant 64 : index
      %swap3A_215 = tpu.vector_load %arg14[%swap3A_213, %swap3A_214] {strides = array<i32>} : memref<7x128xi32, #tpu.memory_space<vmem>>, vector<16xi32>,
      tpu.vector_store %arg14[%swap3A_213, %swap3A_214], %get3A_211 {strides = array<i32>} : memref<7x128xi32, #tpu.memory_space<vmem>>, vector<16xi32>,
      %get3A_216 = arith.constant 208 : index
      %get3A_217 = tpu.vector_load %arg13[%get3A_216] {strides = array<i32>} : memref<912xi32, #tpu.memory_space<vmem>>, vector<16xi32>,
      %swap3A_218 = arith.constant 1 : i32
      %swap3A_219 = arith.index_cast %swap3A_218 : i32 to index
      %swap3A_220 = arith.constant 80 : index
      %swap3A_221 = tpu.vector_load %arg14[%swap3A_219, %swap3A_220] {strides = array<i32>} : memref<7x128xi32, #tpu.memory_space<vmem>>, vector<16xi32>,
      tpu.vector_store %arg14[%swap3A_219, %swap3A_220], %get3A_217 {strides = array<i32>} : memref<7x128xi32, #tpu.memory_space<vmem>>, vector<16xi32>,
      %get3A_222 = arith.constant 224 : index
      %get3A_223 = tpu.vector_load %arg13[%get3A_222] {strides = array<i32>} : memref<912xi32, #tpu.memory_space<vmem>>, vector<16xi32>,
      %swap3A_224 = arith.constant 1 : i32
      %swap3A_225 = arith.index_cast %swap3A_224 : i32 to index
      %swap3A_226 = arith.constant 96 : index
      %swap3A_227 = tpu.vector_load %arg14[%swap3A_225, %swap3A_226] {strides = array<i32>} : memref<7x128xi32, #tpu.memory_space<vmem>>, vector<16xi32>,
      tpu.vector_store %arg14[%swap3A_225, %swap3A_226], %get3A_223 {strides = array<i32>} : memref<7x128xi32, #tpu.memory_space<vmem>>, vector<16xi32>,
      %get3A_228 = arith.constant 240 : index
      %get3A_229 = tpu.vector_load %arg13[%get3A_228] {strides = array<i32>} : memref<912xi32, #tpu.memory_space<vmem>>, vector<16xi32>,
      %swap3A_230 = arith.constant 1 : i32
      %swap3A_231 = arith.index_cast %swap3A_230 : i32 to index
      %swap3A_232 = arith.constant 112 : index
      %swap3A_233 = tpu.vector_load %arg14[%swap3A_231, %swap3A_232] {strides = array<i32>} : memref<7x128xi32, #tpu.memory_space<vmem>>, vector<16xi32>,
      tpu.vector_store %arg14[%swap3A_231, %swap3A_232], %get3A_229 {strides = array<i32>} : memref<7x128xi32, #tpu.memory_space<vmem>>, vector<16xi32>,
      %get3A_234 = arith.constant 256 : index
      %get3A_235 = tpu.vector_load %arg13[%get3A_234] {strides = array<i32>} : memref<912xi32, #tpu.memory_space<vmem>>, vector<16xi32>,
      %swap3A_236 = arith.constant 2 : i32
      %swap3A_237 = arith.index_cast %swap3A_236 : i32 to index
      %swap3A_238 = arith.constant 0 : index
      %swap3A_239 = tpu.vector_load %arg14[%swap3A_237, %swap3A_238] {strides = array<i32>} : memref<7x128xi32, #tpu.memory_space<vmem>>, vector<16xi32>,
      tpu.vector_store %arg14[%swap3A_237, %swap3A_238], %get3A_235 {strides = array<i32>} : memref<7x128xi32, #tpu.memory_space<vmem>>, vector<16xi32>,
      %get3A_240 = arith.constant 272 : index
      %get3A_241 = tpu.vector_load %arg13[%get3A_240] {strides = array<i32>} : memref<912xi32, #tpu.memory_space<vmem>>, vector<16xi32>,
      %swap3A_242 = arith.constant 2 : i32
      %swap3A_243 = arith.index_cast %swap3A_242 : i32 to index
      %swap3A_244 = arith.constant 16 : index
      %swap3A_245 = tpu.vector_load %arg14[%swap3A_243, %swap3A_244] {strides = array<i32>} : memref<7x128xi32, #tpu.memory_space<vmem>>, vector<16xi32>,
      tpu.vector_store %arg14[%swap3A_243, %swap3A_244], %get3A_241 {strides = array<i32>} : memref<7x128xi32, #tpu.memory_space<vmem>>, vector<16xi32>,
      %get3A_246 = arith.constant 288 : index
      %get3A_247 = tpu.vector_load %arg13[%get3A_246] {strides = array<i32>} : memref<912xi32, #tpu.memory_space<vmem>>, vector<16xi32>,
      %swap3A_248 = arith.constant 2 : i32
      %swap3A_249 = arith.index_cast %swap3A_248 : i32 to index
      %swap3A_250 = arith.constant 32 : index
      %swap3A_251 = tpu.vector_load %arg14[%swap3A_249, %swap3A_250] {strides = array<i32>} : memref<7x128xi32, #tpu.memory_space<vmem>>, vector<16xi32>,
      tpu.vector_store %arg14[%swap3A_249, %swap3A_250], %get3A_247 {strides = array<i32>} : memref<7x128xi32, #tpu.memory_space<vmem>>, vector<16xi32>,
      %get3A_252 = arith.constant 304 : index
      %get3A_253 = tpu.vector_load %arg13[%get3A_252] {strides = array<i32>} : memref<912xi32, #tpu.memory_space<vmem>>, vector<16xi32>,
      %swap3A_254 = arith.constant 2 : i32
      %swap3A_255 = arith.index_cast %swap3A_254 : i32 to index
      %swap3A_256 = arith.constant 48 : index
      %swap3A_257 = tpu.vector_load %arg14[%swap3A_255, %swap3A_256] {strides = array<i32>} : memref<7x128xi32, #tpu.memory_space<vmem>>, vector<16xi32>,
      tpu.vector_store %arg14[%swap3A_255, %swap3A_256], %get3A_253 {strides = array<i32>} : memref<7x128xi32, #tpu.memory_space<vmem>>, vector<16xi32>,
      %get3A_258 = arith.constant 320 : index
      %get3A_259 = tpu.vector_load %arg13[%get3A_258] {strides = array<i32>} : memref<912xi32, #tpu.memory_space<vmem>>, vector<16xi32>,
      %swap3A_260 = arith.constant 2 : i32
      %swap3A_261 = arith.index_cast %swap3A_260 : i32 to index
      %swap3A_262 = arith.constant 64 : index
      %swap3A_263 = tpu.vector_load %arg14[%swap3A_261, %swap3A_262] {strides = array<i32>} : memref<7x128xi32, #tpu.memory_space<vmem>>, vector<16xi32>,
      tpu.vector_store %arg14[%swap3A_261, %swap3A_262], %get3A_259 {strides = array<i32>} : memref<7x128xi32, #tpu.memory_space<vmem>>, vector<16xi32>,
      %get3A_264 = arith.constant 336 : index
      %get3A_265 = tpu.vector_load %arg13[%get3A_264] {strides = array<i32>} : memref<912xi32, #tpu.memory_space<vmem>>, vector<16xi32>,
      %swap3A_266 = arith.constant 2 : i32
      %swap3A_267 = arith.index_cast %swap3A_266 : i32 to index
      %swap3A_268 = arith.constant 80 : index
      %swap3A_269 = tpu.vector_load %arg14[%swap3A_267, %swap3A_268] {strides = array<i32>} : memref<7x128xi32, #tpu.memory_space<vmem>>, vector<16xi32>,
      tpu.vector_store %arg14[%swap3A_267, %swap3A_268], %get3A_265 {strides = array<i32>} : memref<7x128xi32, #tpu.memory_space<vmem>>, vector<16xi32>,
      %get3A_270 = arith.constant 352 : index
      %get3A_271 = tpu.vector_load %arg13[%get3A_270] {strides = array<i32>} : memref<912xi32, #tpu.memory_space<vmem>>, vector<16xi32>,
      %swap3A_272 = arith.constant 2 : i32
      %swap3A_273 = arith.index_cast %swap3A_272 : i32 to index
      %swap3A_274 = arith.constant 96 : index
      %swap3A_275 = tpu.vector_load %arg14[%swap3A_273, %swap3A_274] {strides = array<i32>} : memref<7x128xi32, #tpu.memory_space<vmem>>, vector<16xi32>,
      tpu.vector_store %arg14[%swap3A_273, %swap3A_274], %get3A_271 {strides = array<i32>} : memref<7x128xi32, #tpu.memory_space<vmem>>, vector<16xi32>,
      %get3A_276 = arith.constant 368 : index
      %get3A_277 = tpu.vector_load %arg13[%get3A_276] {strides = array<i32>} : memref<912xi32, #tpu.memory_space<vmem>>, vector<16xi32>,
      %swap3A_278 = arith.constant 2 : i32
      %swap3A_279 = arith.index_cast %swap3A_278 : i32 to index
      %swap3A_280 = arith.constant 112 : index
      %swap3A_281 = tpu.vector_load %arg14[%swap3A_279, %swap3A_280] {strides = array<i32>} : memref<7x128xi32, #tpu.memory_space<vmem>>, vector<16xi32>,
      tpu.vector_store %arg14[%swap3A_279, %swap3A_280], %get3A_277 {strides = array<i32>} : memref<7x128xi32, #tpu.memory_space<vmem>>, vector<16xi32>,
      %get3A_282 = arith.constant 384 : index
      %get3A_283 = tpu.vector_load %arg13[%get3A_282] {strides = array<i32>} : memref<912xi32, #tpu.memory_space<vmem>>, vector<16xi32>,
      %swap3A_284 = arith.constant 3 : i32
      %swap3A_285 = arith.index_cast %swap3A_284 : i32 to index
      %swap3A_286 = arith.constant 0 : index
      %swap3A_287 = tpu.vector_load %arg14[%swap3A_285, %swap3A_286] {strides = array<i32>} : memref<7x128xi32, #tpu.memory_space<vmem>>, vector<16xi32>,
      tpu.vector_store %arg14[%swap3A_285, %swap3A_286], %get3A_283 {strides = array<i32>} : memref<7x128xi32, #tpu.memory_space<vmem>>, vector<16xi32>,
      %get3A_288 = arith.constant 400 : index
      %get3A_289 = tpu.vector_load %arg13[%get3A_288] {strides = array<i32>} : memref<912xi32, #tpu.memory_space<vmem>>, vector<16xi32>,
      %swap3A_290 = arith.constant 3 : i32
      %swap3A_291 = arith.index_cast %swap3A_290 : i32 to index
      %swap3A_292 = arith.constant 16 : index
      %swap3A_293 = tpu.vector_load %arg14[%swap3A_291, %swap3A_292] {strides = array<i32>} : memref<7x128xi32, #tpu.memory_space<vmem>>, vector<16xi32>,
      tpu.vector_store %arg14[%swap3A_291, %swap3A_292], %get3A_289 {strides = array<i32>} : memref<7x128xi32, #tpu.memory_space<vmem>>, vector<16xi32>,
      %get3A_294 = arith.constant 416 : index
      %get3A_295 = tpu.vector_load %arg13[%get3A_294] {strides = array<i32>} : memref<912xi32, #tpu.memory_space<vmem>>, vector<16xi32>,
      %swap3A_296 = arith.constant 3 : i32
      %swap3A_297 = arith.index_cast %swap3A_296 : i32 to index
      %swap3A_298 = arith.constant 32 : index
      %swap3A_299 = tpu.vector_load %arg14[%swap3A_297, %swap3A_298] {strides = array<i32>} : memref<7x128xi32, #tpu.memory_space<vmem>>, vector<16xi32>,
      tpu.vector_store %arg14[%swap3A_297, %swap3A_298], %get3A_295 {strides = array<i32>} : memref<7x128xi32, #tpu.memory_space<vmem>>, vector<16xi32>,
      %get3A_300 = arith.constant 432 : index
      %get3A_301 = tpu.vector_load %arg13[%get3A_300] {strides = array<i32>} : memref<912xi32, #tpu.memory_space<vmem>>, vector<16xi32>,
      %swap3A_302 = arith.constant 3 : i32
      %swap3A_303 = arith.index_cast %swap3A_302 : i32 to index
      %swap3A_304 = arith.constant 48 : index
      %swap3A_305 = tpu.vector_load %arg14[%swap3A_303, %swap3A_304] {strides = array<i32>} : memref<7x128xi32, #tpu.memory_space<vmem>>, vector<16xi32>,
      tpu.vector_store %arg14[%swap3A_303, %swap3A_304], %get3A_301 {strides = array<i32>} : memref<7x128xi32, #tpu.memory_space<vmem>>, vector<16xi32>,
      %get3A_306 = arith.constant 448 : index
      %get3A_307 = tpu.vector_load %arg13[%get3A_306] {strides = array<i32>} : memref<912xi32, #tpu.memory_space<vmem>>, vector<16xi32>,
      %swap3A_308 = arith.constant 3 : i32
      %swap3A_309 = arith.index_cast %swap3A_308 : i32 to index
      %swap3A_310 = arith.constant 64 : index
      %swap3A_311 = tpu.vector_load %arg14[%swap3A_309, %swap3A_310] {strides = array<i32>} : memref<7x128xi32, #tpu.memory_space<vmem>>, vector<16xi32>,
      tpu.vector_store %arg14[%swap3A_309, %swap3A_310], %get3A_307 {strides = array<i32>} : memref<7x128xi32, #tpu.memory_space<vmem>>, vector<16xi32>,
      %get3A_312 = arith.constant 464 : index
      %get3A_313 = tpu.vector_load %arg13[%get3A_312] {strides = array<i32>} : memref<912xi32, #tpu.memory_space<vmem>>, vector<16xi32>,
      %swap3A_314 = arith.constant 3 : i32
      %swap3A_315 = arith.index_cast %swap3A_314 : i32 to index
      %swap3A_316 = arith.constant 80 : index
      %swap3A_317 = tpu.vector_load %arg14[%swap3A_315, %swap3A_316] {strides = array<i32>} : memref<7x128xi32, #tpu.memory_space<vmem>>, vector<16xi32>,
      tpu.vector_store %arg14[%swap3A_315, %swap3A_316], %get3A_313 {strides = array<i32>} : memref<7x128xi32, #tpu.memory_space<vmem>>, vector<16xi32>,
      %get3A_318 = arith.constant 480 : index
      %get3A_319 = tpu.vector_load %arg13[%get3A_318] {strides = array<i32>} : memref<912xi32, #tpu.memory_space<vmem>>, vector<16xi32>,
      %swap3A_320 = arith.constant 3 : i32
      %swap3A_321 = arith.index_cast %swap3A_320 : i32 to index
      %swap3A_322 = arith.constant 96 : index
      %swap3A_323 = tpu.vector_load %arg14[%swap3A_321, %swap3A_322] {strides = array<i32>} : memref<7x128xi32, #tpu.memory_space<vmem>>, vector<16xi32>,
      tpu.vector_store %arg14[%swap3A_321, %swap3A_322], %get3A_319 {strides = array<i32>} : memref<7x128xi32, #tpu.memory_space<vmem>>, vector<16xi32>,
      %get3A_324 = arith.constant 496 : index
      %get3A_325 = tpu.vector_load %arg13[%get3A_324] {strides = array<i32>} : memref<912xi32, #tpu.memory_space<vmem>>, vector<16xi32>,
      %swap3A_326 = arith.constant 3 : i32
      %swap3A_327 = arith.index_cast %swap3A_326 : i32 to index
      %swap3A_328 = arith.constant 112 : index
      %swap3A_329 = tpu.vector_load %arg14[%swap3A_327, %swap3A_328] {strides = array<i32>} : memref<7x128xi32, #tpu.memory_space<vmem>>, vector<16xi32>,
      tpu.vector_store %arg14[%swap3A_327, %swap3A_328], %get3A_325 {strides = array<i32>} : memref<7x128xi32, #tpu.memory_space<vmem>>, vector<16xi32>,
      %get3A_330 = arith.constant 512 : index
      %get3A_331 = tpu.vector_load %arg13[%get3A_330] {strides = array<i32>} : memref<912xi32, #tpu.memory_space<vmem>>, vector<16xi32>,
      %swap3A_332 = arith.constant 4 : i32
      %swap3A_333 = arith.index_cast %swap3A_332 : i32 to index
      %swap3A_334 = arith.constant 0 : index
      %swap3A_335 = tpu.vector_load %arg14[%swap3A_333, %swap3A_334] {strides = array<i32>} : memref<7x128xi32, #tpu.memory_space<vmem>>, vector<16xi32>,
      tpu.vector_store %arg14[%swap3A_333, %swap3A_334], %get3A_331 {strides = array<i32>} : memref<7x128xi32, #tpu.memory_space<vmem>>, vector<16xi32>,
      %get3A_336 = arith.constant 528 : index
      %get3A_337 = tpu.vector_load %arg13[%get3A_336] {strides = array<i32>} : memref<912xi32, #tpu.memory_space<vmem>>, vector<16xi32>,
      %swap3A_338 = arith.constant 4 : i32
      %swap3A_339 = arith.index_cast %swap3A_338 : i32 to index
      %swap3A_340 = arith.constant 16 : index
      %swap3A_341 = tpu.vector_load %arg14[%swap3A_339, %swap3A_340] {strides = array<i32>} : memref<7x128xi32, #tpu.memory_space<vmem>>, vector<16xi32>,
      tpu.vector_store %arg14[%swap3A_339, %swap3A_340], %get3A_337 {strides = array<i32>} : memref<7x128xi32, #tpu.memory_space<vmem>>, vector<16xi32>,
      %get3A_342 = arith.constant 544 : index
      %get3A_343 = tpu.vector_load %arg13[%get3A_342] {strides = array<i32>} : memref<912xi32, #tpu.memory_space<vmem>>, vector<16xi32>,
      %swap3A_344 = arith.constant 4 : i32
      %swap3A_345 = arith.index_cast %swap3A_344 : i32 to index
      %swap3A_346 = arith.constant 32 : index
      %swap3A_347 = tpu.vector_load %arg14[%swap3A_345, %swap3A_346] {strides = array<i32>} : memref<7x128xi32, #tpu.memory_space<vmem>>, vector<16xi32>,
      tpu.vector_store %arg14[%swap3A_345, %swap3A_346], %get3A_343 {strides = array<i32>} : memref<7x128xi32, #tpu.memory_space<vmem>>, vector<16xi32>,
      %get3A_348 = arith.constant 560 : index
      %get3A_349 = tpu.vector_load %arg13[%get3A_348] {strides = array<i32>} : memref<912xi32, #tpu.memory_space<vmem>>, vector<16xi32>,
      %swap3A_350 = arith.constant 4 : i32
      %swap3A_351 = arith.index_cast %swap3A_350 : i32 to index
      %swap3A_352 = arith.constant 48 : index
      %swap3A_353 = tpu.vector_load %arg14[%swap3A_351, %swap3A_352] {strides = array<i32>} : memref<7x128xi32, #tpu.memory_space<vmem>>, vector<16xi32>,
      tpu.vector_store %arg14[%swap3A_351, %swap3A_352], %get3A_349 {strides = array<i32>} : memref<7x128xi32, #tpu.memory_space<vmem>>, vector<16xi32>,
      %get3A_354 = arith.constant 576 : index
      %get3A_355 = tpu.vector_load %arg13[%get3A_354] {strides = array<i32>} : memref<912xi32, #tpu.memory_space<vmem>>, vector<16xi32>,
      %swap3A_356 = arith.constant 4 : i32
      %swap3A_357 = arith.index_cast %swap3A_356 : i32 to index
      %swap3A_358 = arith.constant 64 : index
      %swap3A_359 = tpu.vector_load %arg14[%swap3A_357, %swap3A_358] {strides = array<i32>} : memref<7x128xi32, #tpu.memory_space<vmem>>, vector<16xi32>,
      tpu.vector_store %arg14[%swap3A_357, %swap3A_358], %get3A_355 {strides = array<i32>} : memref<7x128xi32, #tpu.memory_space<vmem>>, vector<16xi32>,
      %get3A_360 = arith.constant 592 : index
      %get3A_361 = tpu.vector_load %arg13[%get3A_360] {strides = array<i32>} : memref<912xi32, #tpu.memory_space<vmem>>, vector<16xi32>,
      %swap3A_362 = arith.constant 4 : i32
      %swap3A_363 = arith.index_cast %swap3A_362 : i32 to index
      %swap3A_364 = arith.constant 80 : index
      %swap3A_365 = tpu.vector_load %arg14[%swap3A_363, %swap3A_364] {strides = array<i32>} : memref<7x128xi32, #tpu.memory_space<vmem>>, vector<16xi32>,
      tpu.vector_store %arg14[%swap3A_363, %swap3A_364], %get3A_361 {strides = array<i32>} : memref<7x128xi32, #tpu.memory_space<vmem>>, vector<16xi32>,
      %get3A_366 = arith.constant 608 : index
      %get3A_367 = tpu.vector_load %arg13[%get3A_366] {strides = array<i32>} : memref<912xi32, #tpu.memory_space<vmem>>, vector<16xi32>,
      %swap3A_368 = arith.constant 4 : i32
      %swap3A_369 = arith.index_cast %swap3A_368 : i32 to index
      %swap3A_370 = arith.constant 96 : index
      %swap3A_371 = tpu.vector_load %arg14[%swap3A_369, %swap3A_370] {strides = array<i32>} : memref<7x128xi32, #tpu.memory_space<vmem>>, vector<16xi32>,
      tpu.vector_store %arg14[%swap3A_369, %swap3A_370], %get3A_367 {strides = array<i32>} : memref<7x128xi32, #tpu.memory_space<vmem>>, vector<16xi32>,
      %get3A_372 = arith.constant 624 : index
      %get3A_373 = tpu.vector_load %arg13[%get3A_372] {strides = array<i32>} : memref<912xi32, #tpu.memory_space<vmem>>, vector<16xi32>,
      %swap3A_374 = arith.constant 4 : i32
      %swap3A_375 = arith.index_cast %swap3A_374 : i32 to index
      %swap3A_376 = arith.constant 112 : index
      %swap3A_377 = tpu.vector_load %arg14[%swap3A_375, %swap3A_376] {strides = array<i32>} : memref<7x128xi32, #tpu.memory_space<vmem>>, vector<16xi32>,
      tpu.vector_store %arg14[%swap3A_375, %swap3A_376], %get3A_373 {strides = array<i32>} : memref<7x128xi32, #tpu.memory_space<vmem>>, vector<16xi32>,
      %get3A_378 = arith.constant 640 : index
      %get3A_379 = tpu.vector_load %arg13[%get3A_378] {strides = array<i32>} : memref<912xi32, #tpu.memory_space<vmem>>, vector<16xi32>,
      %swap3A_380 = arith.constant 5 : i32
      %swap3A_381 = arith.index_cast %swap3A_380 : i32 to index
      %swap3A_382 = arith.constant 0 : index
      %swap3A_383 = tpu.vector_load %arg14[%swap3A_381, %swap3A_382] {strides = array<i32>} : memref<7x128xi32, #tpu.memory_space<vmem>>, vector<16xi32>,
      tpu.vector_store %arg14[%swap3A_381, %swap3A_382], %get3A_379 {strides = array<i32>} : memref<7x128xi32, #tpu.memory_space<vmem>>, vector<16xi32>,
      %get3A_384 = arith.constant 656 : index
      %get3A_385 = tpu.vector_load %arg13[%get3A_384] {strides = array<i32>} : memref<912xi32, #tpu.memory_space<vmem>>, vector<16xi32>,
      %swap3A_386 = arith.constant 5 : i32
      %swap3A_387 = arith.index_cast %swap3A_386 : i32 to index
      %swap3A_388 = arith.constant 16 : index
      %swap3A_389 = tpu.vector_load %arg14[%swap3A_387, %swap3A_388] {strides = array<i32>} : memref<7x128xi32, #tpu.memory_space<vmem>>, vector<16xi32>,
      tpu.vector_store %arg14[%swap3A_387, %swap3A_388], %get3A_385 {strides = array<i32>} : memref<7x128xi32, #tpu.memory_space<vmem>>, vector<16xi32>,
      %get3A_390 = arith.constant 672 : index
      %get3A_391 = tpu.vector_load %arg13[%get3A_390] {strides = array<i32>} : memref<912xi32, #tpu.memory_space<vmem>>, vector<16xi32>,
      %swap3A_392 = arith.constant 5 : i32
      %swap3A_393 = arith.index_cast %swap3A_392 : i32 to index
      %swap3A_394 = arith.constant 32 : index
      %swap3A_395 = tpu.vector_load %arg14[%swap3A_393, %swap3A_394] {strides = array<i32>} : memref<7x128xi32, #tpu.memory_space<vmem>>, vector<16xi32>,
      tpu.vector_store %arg14[%swap3A_393, %swap3A_394], %get3A_391 {strides = array<i32>} : memref<7x128xi32, #tpu.memory_space<vmem>>, vector<16xi32>,
      %get3A_396 = arith.constant 688 : index
      %get3A_397 = tpu.vector_load %arg13[%get3A_396] {strides = array<i32>} : memref<912xi32, #tpu.memory_space<vmem>>, vector<16xi32>,
      %swap3A_398 = arith.constant 5 : i32
      %swap3A_399 = arith.index_cast %swap3A_398 : i32 to index
      %swap3A_400 = arith.constant 48 : index
      %swap3A_401 = tpu.vector_load %arg14[%swap3A_399, %swap3A_400] {strides = array<i32>} : memref<7x128xi32, #tpu.memory_space<vmem>>, vector<16xi32>,
      tpu.vector_store %arg14[%swap3A_399, %swap3A_400], %get3A_397 {strides = array<i32>} : memref<7x128xi32, #tpu.memory_space<vmem>>, vector<16xi32>,
      %get3A_402 = arith.constant 704 : index
      %get3A_403 = tpu.vector_load %arg13[%get3A_402] {strides = array<i32>} : memref<912xi32, #tpu.memory_space<vmem>>, vector<16xi32>,
      %swap3A_404 = arith.constant 5 : i32
      %swap3A_405 = arith.index_cast %swap3A_404 : i32 to index
      %swap3A_406 = arith.constant 64 : index
      %swap3A_407 = tpu.vector_load %arg14[%swap3A_405, %swap3A_406] {strides = array<i32>} : memref<7x128xi32, #tpu.memory_space<vmem>>, vector<16xi32>,
      tpu.vector_store %arg14[%swap3A_405, %swap3A_406], %get3A_403 {strides = array<i32>} : memref<7x128xi32, #tpu.memory_space<vmem>>, vector<16xi32>,
      %get3A_408 = arith.constant 720 : index
      %get3A_409 = tpu.vector_load %arg13[%get3A_408] {strides = array<i32>} : memref<912xi32, #tpu.memory_space<vmem>>, vector<16xi32>,
      %swap3A_410 = arith.constant 5 : i32
      %swap3A_411 = arith.index_cast %swap3A_410 : i32 to index
      %swap3A_412 = arith.constant 80 : index
      %swap3A_413 = tpu.vector_load %arg14[%swap3A_411, %swap3A_412] {strides = array<i32>} : memref<7x128xi32, #tpu.memory_space<vmem>>, vector<16xi32>,
      tpu.vector_store %arg14[%swap3A_411, %swap3A_412], %get3A_409 {strides = array<i32>} : memref<7x128xi32, #tpu.memory_space<vmem>>, vector<16xi32>,
      %get3A_414 = arith.constant 736 : index
      %get3A_415 = tpu.vector_load %arg13[%get3A_414] {strides = array<i32>} : memref<912xi32, #tpu.memory_space<vmem>>, vector<16xi32>,
      %swap3A_416 = arith.constant 5 : i32
      %swap3A_417 = arith.index_cast %swap3A_416 : i32 to index
      %swap3A_418 = arith.constant 96 : index
      %swap3A_419 = tpu.vector_load %arg14[%swap3A_417, %swap3A_418] {strides = array<i32>} : memref<7x128xi32, #tpu.memory_space<vmem>>, vector<16xi32>,
      tpu.vector_store %arg14[%swap3A_417, %swap3A_418], %get3A_415 {strides = array<i32>} : memref<7x128xi32, #tpu.memory_space<vmem>>, vector<16xi32>,
      %get3A_420 = arith.constant 752 : index
      %get3A_421 = tpu.vector_load %arg13[%get3A_420] {strides = array<i32>} : memref<912xi32, #tpu.memory_space<vmem>>, vector<16xi32>,
      %swap3A_422 = arith.constant 5 : i32
      %swap3A_423 = arith.index_cast %swap3A_422 : i32 to index
      %swap3A_424 = arith.constant 112 : index
      %swap3A_425 = tpu.vector_load %arg14[%swap3A_423, %swap3A_424] {strides = array<i32>} : memref<7x128xi32, #tpu.memory_space<vmem>>, vector<16xi32>,
      tpu.vector_store %arg14[%swap3A_423, %swap3A_424], %get3A_421 {strides = array<i32>} : memref<7x128xi32, #tpu.memory_space<vmem>>, vector<16xi32>,
      %get3A_426 = arith.constant 768 : index
      %get3A_427 = tpu.vector_load %arg13[%get3A_426] {strides = array<i32>} : memref<912xi32, #tpu.memory_space<vmem>>, vector<16xi32>,
      %swap3A_428 = arith.constant 6 : i32
      %swap3A_429 = arith.index_cast %swap3A_428 : i32 to index
      %swap3A_430 = arith.constant 0 : index
      %swap3A_431 = tpu.vector_load %arg14[%swap3A_429, %swap3A_430] {strides = array<i32>} : memref<7x128xi32, #tpu.memory_space<vmem>>, vector<16xi32>,
      tpu.vector_store %arg14[%swap3A_429, %swap3A_430], %get3A_427 {strides = array<i32>} : memref<7x128xi32, #tpu.memory_space<vmem>>, vector<16xi32>,
      %get3A_432 = arith.constant 784 : index
      %get3A_433 = tpu.vector_load %arg13[%get3A_432] {strides = array<i32>} : memref<912xi32, #tpu.memory_space<vmem>>, vector<16xi32>,
      %swap3A_434 = arith.constant 6 : i32
      %swap3A_435 = arith.index_cast %swap3A_434 : i32 to index
      %swap3A_436 = arith.constant 16 : index
      %swap3A_437 = tpu.vector_load %arg14[%swap3A_435, %swap3A_436] {strides = array<i32>} : memref<7x128xi32, #tpu.memory_space<vmem>>, vector<16xi32>,
      tpu.vector_store %arg14[%swap3A_435, %swap3A_436], %get3A_433 {strides = array<i32>} : memref<7x128xi32, #tpu.memory_space<vmem>>, vector<16xi32>,
      %get3A_438 = arith.constant 800 : index
      %get3A_439 = tpu.vector_load %arg13[%get3A_438] {strides = array<i32>} : memref<912xi32, #tpu.memory_space<vmem>>, vector<16xi32>,
      %swap3A_440 = arith.constant 6 : i32
      %swap3A_441 = arith.index_cast %swap3A_440 : i32 to index
      %swap3A_442 = arith.constant 32 : index
      %swap3A_443 = tpu.vector_load %arg14[%swap3A_441, %swap3A_442] {strides = array<i32>} : memref<7x128xi32, #tpu.memory_space<vmem>>, vector<16xi32>,
      tpu.vector_store %arg14[%swap3A_441, %swap3A_442], %get3A_439 {strides = array<i32>} : memref<7x128xi32, #tpu.memory_space<vmem>>, vector<16xi32>,
      %get3A_444 = arith.constant 816 : index
      %get3A_445 = tpu.vector_load %arg13[%get3A_444] {strides = array<i32>} : memref<912xi32, #tpu.memory_space<vmem>>, vector<16xi32>,
      %swap3A_446 = arith.constant 6 : i32
      %swap3A_447 = arith.index_cast %swap3A_446 : i32 to index
      %swap3A_448 = arith.constant 48 : index
      %swap3A_449 = tpu.vector_load %arg14[%swap3A_447, %swap3A_448] {strides = array<i32>} : memref<7x128xi32, #tpu.memory_space<vmem>>, vector<16xi32>,
      tpu.vector_store %arg14[%swap3A_447, %swap3A_448], %get3A_445 {strides = array<i32>} : memref<7x128xi32, #tpu.memory_space<vmem>>, vector<16xi32>,
      %get3A_450 = arith.constant 832 : index
      %get3A_451 = tpu.vector_load %arg13[%get3A_450] {strides = array<i32>} : memref<912xi32, #tpu.memory_space<vmem>>, vector<16xi32>,
      %swap3A_452 = arith.constant 6 : i32
      %swap3A_453 = arith.index_cast %swap3A_452 : i32 to index
      %swap3A_454 = arith.constant 64 : index
      %swap3A_455 = tpu.vector_load %arg14[%swap3A_453, %swap3A_454] {strides = array<i32>} : memref<7x128xi32, #tpu.memory_space<vmem>>, vector<16xi32>,
      tpu.vector_store %arg14[%swap3A_453, %swap3A_454], %get3A_451 {strides = array<i32>} : memref<7x128xi32, #tpu.memory_space<vmem>>, vector<16xi32>,
      %get3A_456 = arith.constant 848 : index
      %get3A_457 = tpu.vector_load %arg13[%get3A_456] {strides = array<i32>} : memref<912xi32, #tpu.memory_space<vmem>>, vector<16xi32>,
      %swap3A_458 = arith.constant 6 : i32
      %swap3A_459 = arith.index_cast %swap3A_458 : i32 to index
      %swap3A_460 = arith.constant 80 : index
      %swap3A_461 = tpu.vector_load %arg14[%swap3A_459, %swap3A_460] {strides = array<i32>} : memref<7x128xi32, #tpu.memory_space<vmem>>, vector<16xi32>,
      tpu.vector_store %arg14[%swap3A_459, %swap3A_460], %get3A_457 {strides = array<i32>} : memref<7x128xi32, #tpu.memory_space<vmem>>, vector<16xi32>,
      %get3A_462 = arith.constant 864 : index
      %get3A_463 = tpu.vector_load %arg13[%get3A_462] {strides = array<i32>} : memref<912xi32, #tpu.memory_space<vmem>>, vector<16xi32>,
      %swap3A_464 = arith.constant 6 : i32
      %swap3A_465 = arith.index_cast %swap3A_464 : i32 to index
      %swap3A_466 = arith.constant 96 : index
      %swap3A_467 = tpu.vector_load %arg14[%swap3A_465, %swap3A_466] {strides = array<i32>} : memref<7x128xi32, #tpu.memory_space<vmem>>, vector<16xi32>,
      tpu.vector_store %arg14[%swap3A_465, %swap3A_466], %get3A_463 {strides = array<i32>} : memref<7x128xi32, #tpu.memory_space<vmem>>, vector<16xi32>,
      %get3A_468 = arith.constant 880 : index
      %get3A_469 = tpu.vector_load %arg13[%get3A_468] {strides = array<i32>} : memref<912xi32, #tpu.memory_space<vmem>>, vector<16xi32>,
      %swap3A_470 = arith.constant 6 : i32
      %swap3A_471 = arith.index_cast %swap3A_470 : i32 to index
      %swap3A_472 = arith.constant 112 : index
      %swap3A_473 = tpu.vector_load %arg14[%swap3A_471, %swap3A_472] {strides = array<i32>} : memref<7x128xi32, #tpu.memory_space<vmem>>, vector<16xi32>,
      tpu.vector_store %arg14[%swap3A_471, %swap3A_472], %get3A_469 {strides = array<i32>} : memref<7x128xi32, #tpu.memory_space<vmem>>, vector<16xi32>,
      "tpu.trace_stop"() : () -> ()
      "tpu.trace_start"() <{level = 10 : i32, message = "c_gather"}> : () -> ()
      %dma_start3A_474 = arith.constant 0 : i32
      %dma_start3A_475 = arith.constant 0 : i32
      %dma_start3A_476 = tpu.memref_slice %arg11[%dma_start3A_474, %dma_start3A_475] : memref<896x32xf32, #tpu.memory_space<vmem>> -> memref<64x32xf32, #tpu.memory_space<vmem>>
      %dma_start3A_477 = arith.constant 0 : i32
      %dma_start3A_478 = tpu.memref_slice %arg12[%dma_start3A_477] : memref<912xi32, #tpu.memory_space<vmem>> -> memref<64xi32, #tpu.memory_space<vmem>>
      %dma_start3A_479 = arith.constant 0 : i32
      %dma_start3A_480 = arith.constant 0 : i32
      %dma_start3A_481 = tpu.memref_slice %arg3[%dma_start3A_479, %dma_start3A_480] : memref<2721600x32xf32, #tpu.memory_space<hbm>> -> memref<2721600x32xf32, #tpu.memory_space<hbm>>
      tpu.enqueue_indirect_dma source(%dma_start3A_481 : memref<2721600x32xf32, #tpu.memory_space<hbm>>) target(%dma_start3A_476 : memref<64x32xf32, #tpu.memory_space<vmem>>) offsets(%dma_start3A_478 : memref<64xi32, #tpu.memory_space<vmem>>) semaphore(%arg19 : memref<!tpu.dma_semaphore, #tpu.memory_space<semaphore_mem>>)
      %dma_start3A_482 = arith.constant 64 : i32
      %dma_start3A_483 = arith.constant 0 : i32
      %dma_start3A_484 = tpu.memref_slice %arg11[%dma_start3A_482, %dma_start3A_483] : memref<896x32xf32, #tpu.memory_space<vmem>> -> memref<64x32xf32, #tpu.memory_space<vmem>>
      %dma_start3A_485 = arith.constant 64 : i32
      %dma_start3A_486 = tpu.memref_slice %arg12[%dma_start3A_485] : memref<912xi32, #tpu.memory_space<vmem>> -> memref<64xi32, #tpu.memory_space<vmem>>
      %dma_start3A_487 = arith.constant 0 : i32
      %dma_start3A_488 = arith.constant 0 : i32
      %dma_start3A_489 = tpu.memref_slice %arg3[%dma_start3A_487, %dma_start3A_488] : memref<2721600x32xf32, #tpu.memory_space<hbm>> -> memref<2721600x32xf32, #tpu.memory_space<hbm>>
      tpu.enqueue_indirect_dma source(%dma_start3A_489 : memref<2721600x32xf32, #tpu.memory_space<hbm>>) target(%dma_start3A_484 : memref<64x32xf32, #tpu.memory_space<vmem>>) offsets(%dma_start3A_486 : memref<64xi32, #tpu.memory_space<vmem>>) semaphore(%arg19 : memref<!tpu.dma_semaphore, #tpu.memory_space<semaphore_mem>>)
      %dma_start3A_490 = arith.constant 128 : i32
      %dma_start3A_491 = arith.constant 0 : i32
      %dma_start3A_492 = tpu.memref_slice %arg11[%dma_start3A_490, %dma_start3A_491] : memref<896x32xf32, #tpu.memory_space<vmem>> -> memref<64x32xf32, #tpu.memory_space<vmem>>
      %dma_start3A_493 = arith.constant 128 : i32
      %dma_start3A_494 = tpu.memref_slice %arg12[%dma_start3A_493] : memref<912xi32, #tpu.memory_space<vmem>> -> memref<64xi32, #tpu.memory_space<vmem>>
      %dma_start3A_495 = arith.constant 0 : i32
      %dma_start3A_496 = arith.constant 0 : i32
      %dma_start3A_497 = tpu.memref_slice %arg3[%dma_start3A_495, %dma_start3A_496] : memref<2721600x32xf32, #tpu.memory_space<hbm>> -> memref<2721600x32xf32, #tpu.memory_space<hbm>>
      tpu.enqueue_indirect_dma source(%dma_start3A_497 : memref<2721600x32xf32, #tpu.memory_space<hbm>>) target(%dma_start3A_492 : memref<64x32xf32, #tpu.memory_space<vmem>>) offsets(%dma_start3A_494 : memref<64xi32, #tpu.memory_space<vmem>>) semaphore(%arg19 : memref<!tpu.dma_semaphore, #tpu.memory_space<semaphore_mem>>)
      %dma_start3A_498 = arith.constant 192 : i32
      %dma_start3A_499 = arith.constant 0 : i32
      %dma_start3A_500 = tpu.memref_slice %arg11[%dma_start3A_498, %dma_start3A_499] : memref<896x32xf32, #tpu.memory_space<vmem>> -> memref<64x32xf32, #tpu.memory_space<vmem>>
      %dma_start3A_501 = arith.constant 192 : i32
      %dma_start3A_502 = tpu.memref_slice %arg12[%dma_start3A_501] : memref<912xi32, #tpu.memory_space<vmem>> -> memref<64xi32, #tpu.memory_space<vmem>>
      %dma_start3A_503 = arith.constant 0 : i32
      %dma_start3A_504 = arith.constant 0 : i32
      %dma_start3A_505 = tpu.memref_slice %arg3[%dma_start3A_503, %dma_start3A_504] : memref<2721600x32xf32, #tpu.memory_space<hbm>> -> memref<2721600x32xf32, #tpu.memory_space<hbm>>
      tpu.enqueue_indirect_dma source(%dma_start3A_505 : memref<2721600x32xf32, #tpu.memory_space<hbm>>) target(%dma_start3A_500 : memref<64x32xf32, #tpu.memory_space<vmem>>) offsets(%dma_start3A_502 : memref<64xi32, #tpu.memory_space<vmem>>) semaphore(%arg19 : memref<!tpu.dma_semaphore, #tpu.memory_space<semaphore_mem>>)
      %dma_start3A_506 = arith.constant 256 : i32
      %dma_start3A_507 = arith.constant 0 : i32
      %dma_start3A_508 = tpu.memref_slice %arg11[%dma_start3A_506, %dma_start3A_507] : memref<896x32xf32, #tpu.memory_space<vmem>> -> memref<64x32xf32, #tpu.memory_space<vmem>>
      %dma_start3A_509 = arith.constant 256 : i32
      %dma_start3A_510 = tpu.memref_slice %arg12[%dma_start3A_509] : memref<912xi32, #tpu.memory_space<vmem>> -> memref<64xi32, #tpu.memory_space<vmem>>
      %dma_start3A_511 = arith.constant 0 : i32
      %dma_start3A_512 = arith.constant 0 : i32
      %dma_start3A_513 = tpu.memref_slice %arg3[%dma_start3A_511, %dma_start3A_512] : memref<2721600x32xf32, #tpu.memory_space<hbm>> -> memref<2721600x32xf32, #tpu.memory_space<hbm>>
      tpu.enqueue_indirect_dma source(%dma_start3A_513 : memref<2721600x32xf32, #tpu.memory_space<hbm>>) target(%dma_start3A_508 : memref<64x32xf32, #tpu.memory_space<vmem>>) offsets(%dma_start3A_510 : memref<64xi32, #tpu.memory_space<vmem>>) semaphore(%arg19 : memref<!tpu.dma_semaphore, #tpu.memory_space<semaphore_mem>>)
      %dma_start3A_514 = arith.constant 320 : i32
      %dma_start3A_515 = arith.constant 0 : i32
      %dma_start3A_516 = tpu.memref_slice %arg11[%dma_start3A_514, %dma_start3A_515] : memref<896x32xf32, #tpu.memory_space<vmem>> -> memref<64x32xf32, #tpu.memory_space<vmem>>
      %dma_start3A_517 = arith.constant 320 : i32
      %dma_start3A_518 = tpu.memref_slice %arg12[%dma_start3A_517] : memref<912xi32, #tpu.memory_space<vmem>> -> memref<64xi32, #tpu.memory_space<vmem>>
      %dma_start3A_519 = arith.constant 0 : i32
      %dma_start3A_520 = arith.constant 0 : i32
      %dma_start3A_521 = tpu.memref_slice %arg3[%dma_start3A_519, %dma_start3A_520] : memref<2721600x32xf32, #tpu.memory_space<hbm>> -> memref<2721600x32xf32, #tpu.memory_space<hbm>>
      tpu.enqueue_indirect_dma source(%dma_start3A_521 : memref<2721600x32xf32, #tpu.memory_space<hbm>>) target(%dma_start3A_516 : memref<64x32xf32, #tpu.memory_space<vmem>>) offsets(%dma_start3A_518 : memref<64xi32, #tpu.memory_space<vmem>>) semaphore(%arg19 : memref<!tpu.dma_semaphore, #tpu.memory_space<semaphore_mem>>)
      %dma_start3A_522 = arith.constant 384 : i32
      %dma_start3A_523 = arith.constant 0 : i32
      %dma_start3A_524 = tpu.memref_slice %arg11[%dma_start3A_522, %dma_start3A_523] : memref<896x32xf32, #tpu.memory_space<vmem>> -> memref<64x32xf32, #tpu.memory_space<vmem>>
      %dma_start3A_525 = arith.constant 384 : i32
      %dma_start3A_526 = tpu.memref_slice %arg12[%dma_start3A_525] : memref<912xi32, #tpu.memory_space<vmem>> -> memref<64xi32, #tpu.memory_space<vmem>>
      %dma_start3A_527 = arith.constant 0 : i32
      %dma_start3A_528 = arith.constant 0 : i32
      %dma_start3A_529 = tpu.memref_slice %arg3[%dma_start3A_527, %dma_start3A_528] : memref<2721600x32xf32, #tpu.memory_space<hbm>> -> memref<2721600x32xf32, #tpu.memory_space<hbm>>
      tpu.enqueue_indirect_dma source(%dma_start3A_529 : memref<2721600x32xf32, #tpu.memory_space<hbm>>) target(%dma_start3A_524 : memref<64x32xf32, #tpu.memory_space<vmem>>) offsets(%dma_start3A_526 : memref<64xi32, #tpu.memory_space<vmem>>) semaphore(%arg19 : memref<!tpu.dma_semaphore, #tpu.memory_space<semaphore_mem>>)
      %dma_start3A_530 = arith.constant 448 : i32
      %dma_start3A_531 = arith.constant 0 : i32
      %dma_start3A_532 = tpu.memref_slice %arg11[%dma_start3A_530, %dma_start3A_531] : memref<896x32xf32, #tpu.memory_space<vmem>> -> memref<64x32xf32, #tpu.memory_space<vmem>>
      %dma_start3A_533 = arith.constant 448 : i32
      %dma_start3A_534 = tpu.memref_slice %arg12[%dma_start3A_533] : memref<912xi32, #tpu.memory_space<vmem>> -> memref<64xi32, #tpu.memory_space<vmem>>
      %dma_start3A_535 = arith.constant 0 : i32
      %dma_start3A_536 = arith.constant 0 : i32
      %dma_start3A_537 = tpu.memref_slice %arg3[%dma_start3A_535, %dma_start3A_536] : memref<2721600x32xf32, #tpu.memory_space<hbm>> -> memref<2721600x32xf32, #tpu.memory_space<hbm>>
      tpu.enqueue_indirect_dma source(%dma_start3A_537 : memref<2721600x32xf32, #tpu.memory_space<hbm>>) target(%dma_start3A_532 : memref<64x32xf32, #tpu.memory_space<vmem>>) offsets(%dma_start3A_534 : memref<64xi32, #tpu.memory_space<vmem>>) semaphore(%arg19 : memref<!tpu.dma_semaphore, #tpu.memory_space<semaphore_mem>>)
      %dma_start3A_538 = arith.constant 512 : i32
      %dma_start3A_539 = arith.constant 0 : i32
      %dma_start3A_540 = tpu.memref_slice %arg11[%dma_start3A_538, %dma_start3A_539] : memref<896x32xf32, #tpu.memory_space<vmem>> -> memref<64x32xf32, #tpu.memory_space<vmem>>
      %dma_start3A_541 = arith.constant 512 : i32
      %dma_start3A_542 = tpu.memref_slice %arg12[%dma_start3A_541] : memref<912xi32, #tpu.memory_space<vmem>> -> memref<64xi32, #tpu.memory_space<vmem>>
      %dma_start3A_543 = arith.constant 0 : i32
      %dma_start3A_544 = arith.constant 0 : i32
      %dma_start3A_545 = tpu.memref_slice %arg3[%dma_start3A_543, %dma_start3A_544] : memref<2721600x32xf32, #tpu.memory_space<hbm>> -> memref<2721600x32xf32, #tpu.memory_space<hbm>>
      tpu.enqueue_indirect_dma source(%dma_start3A_545 : memref<2721600x32xf32, #tpu.memory_space<hbm>>) target(%dma_start3A_540 : memref<64x32xf32, #tpu.memory_space<vmem>>) offsets(%dma_start3A_542 : memref<64xi32, #tpu.memory_space<vmem>>) semaphore(%arg19 : memref<!tpu.dma_semaphore, #tpu.memory_space<semaphore_mem>>)
      %dma_start3A_546 = arith.constant 576 : i32
      %dma_start3A_547 = arith.constant 0 : i32
      %dma_start3A_548 = tpu.memref_slice %arg11[%dma_start3A_546, %dma_start3A_547] : memref<896x32xf32, #tpu.memory_space<vmem>> -> memref<64x32xf32, #tpu.memory_space<vmem>>
      %dma_start3A_549 = arith.constant 576 : i32
      %dma_start3A_550 = tpu.memref_slice %arg12[%dma_start3A_549] : memref<912xi32, #tpu.memory_space<vmem>> -> memref<64xi32, #tpu.memory_space<vmem>>
      %dma_start3A_551 = arith.constant 0 : i32
      %dma_start3A_552 = arith.constant 0 : i32
      %dma_start3A_553 = tpu.memref_slice %arg3[%dma_start3A_551, %dma_start3A_552] : memref<2721600x32xf32, #tpu.memory_space<hbm>> -> memref<2721600x32xf32, #tpu.memory_space<hbm>>
      tpu.enqueue_indirect_dma source(%dma_start3A_553 : memref<2721600x32xf32, #tpu.memory_space<hbm>>) target(%dma_start3A_548 : memref<64x32xf32, #tpu.memory_space<vmem>>) offsets(%dma_start3A_550 : memref<64xi32, #tpu.memory_space<vmem>>) semaphore(%arg19 : memref<!tpu.dma_semaphore, #tpu.memory_space<semaphore_mem>>)
      %dma_start3A_554 = arith.constant 640 : i32
      %dma_start3A_555 = arith.constant 0 : i32
      %dma_start3A_556 = tpu.memref_slice %arg11[%dma_start3A_554, %dma_start3A_555] : memref<896x32xf32, #tpu.memory_space<vmem>> -> memref<64x32xf32, #tpu.memory_space<vmem>>
      %dma_start3A_557 = arith.constant 640 : i32
      %dma_start3A_558 = tpu.memref_slice %arg12[%dma_start3A_557] : memref<912xi32, #tpu.memory_space<vmem>> -> memref<64xi32, #tpu.memory_space<vmem>>
      %dma_start3A_559 = arith.constant 0 : i32
      %dma_start3A_560 = arith.constant 0 : i32
      %dma_start3A_561 = tpu.memref_slice %arg3[%dma_start3A_559, %dma_start3A_560] : memref<2721600x32xf32, #tpu.memory_space<hbm>> -> memref<2721600x32xf32, #tpu.memory_space<hbm>>
      tpu.enqueue_indirect_dma source(%dma_start3A_561 : memref<2721600x32xf32, #tpu.memory_space<hbm>>) target(%dma_start3A_556 : memref<64x32xf32, #tpu.memory_space<vmem>>) offsets(%dma_start3A_558 : memref<64xi32, #tpu.memory_space<vmem>>) semaphore(%arg19 : memref<!tpu.dma_semaphore, #tpu.memory_space<semaphore_mem>>)
      %dma_start3A_562 = arith.constant 704 : i32
      %dma_start3A_563 = arith.constant 0 : i32
      %dma_start3A_564 = tpu.memref_slice %arg11[%dma_start3A_562, %dma_start3A_563] : memref<896x32xf32, #tpu.memory_space<vmem>> -> memref<64x32xf32, #tpu.memory_space<vmem>>
      %dma_start3A_565 = arith.constant 704 : i32
      %dma_start3A_566 = tpu.memref_slice %arg12[%dma_start3A_565] : memref<912xi32, #tpu.memory_space<vmem>> -> memref<64xi32, #tpu.memory_space<vmem>>
      %dma_start3A_567 = arith.constant 0 : i32
      %dma_start3A_568 = arith.constant 0 : i32
      %dma_start3A_569 = tpu.memref_slice %arg3[%dma_start3A_567, %dma_start3A_568] : memref<2721600x32xf32, #tpu.memory_space<hbm>> -> memref<2721600x32xf32, #tpu.memory_space<hbm>>
      tpu.enqueue_indirect_dma source(%dma_start3A_569 : memref<2721600x32xf32, #tpu.memory_space<hbm>>) target(%dma_start3A_564 : memref<64x32xf32, #tpu.memory_space<vmem>>) offsets(%dma_start3A_566 : memref<64xi32, #tpu.memory_space<vmem>>) semaphore(%arg19 : memref<!tpu.dma_semaphore, #tpu.memory_space<semaphore_mem>>)
      %dma_start3A_570 = arith.constant 768 : i32
      %dma_start3A_571 = arith.constant 0 : i32
      %dma_start3A_572 = tpu.memref_slice %arg11[%dma_start3A_570, %dma_start3A_571] : memref<896x32xf32, #tpu.memory_space<vmem>> -> memref<64x32xf32, #tpu.memory_space<vmem>>
      %dma_start3A_573 = arith.constant 768 : i32
      %dma_start3A_574 = tpu.memref_slice %arg12[%dma_start3A_573] : memref<912xi32, #tpu.memory_space<vmem>> -> memref<64xi32, #tpu.memory_space<vmem>>
      %dma_start3A_575 = arith.constant 0 : i32
      %dma_start3A_576 = arith.constant 0 : i32
      %dma_start3A_577 = tpu.memref_slice %arg3[%dma_start3A_575, %dma_start3A_576] : memref<2721600x32xf32, #tpu.memory_space<hbm>> -> memref<2721600x32xf32, #tpu.memory_space<hbm>>
      tpu.enqueue_indirect_dma source(%dma_start3A_577 : memref<2721600x32xf32, #tpu.memory_space<hbm>>) target(%dma_start3A_572 : memref<64x32xf32, #tpu.memory_space<vmem>>) offsets(%dma_start3A_574 : memref<64xi32, #tpu.memory_space<vmem>>) semaphore(%arg19 : memref<!tpu.dma_semaphore, #tpu.memory_space<semaphore_mem>>)
      %dma_start3A_578 = arith.constant 832 : i32
      %dma_start3A_579 = arith.constant 0 : i32
      %dma_start3A_580 = tpu.memref_slice %arg11[%dma_start3A_578, %dma_start3A_579] : memref<896x32xf32, #tpu.memory_space<vmem>> -> memref<64x32xf32, #tpu.memory_space<vmem>>
      %dma_start3A_581 = arith.constant 832 : i32
      %dma_start3A_582 = tpu.memref_slice %arg12[%dma_start3A_581] : memref<912xi32, #tpu.memory_space<vmem>> -> memref<64xi32, #tpu.memory_space<vmem>>
      %dma_start3A_583 = arith.constant 0 : i32
      %dma_start3A_584 = arith.constant 0 : i32
      %dma_start3A_585 = tpu.memref_slice %arg3[%dma_start3A_583, %dma_start3A_584] : memref<2721600x32xf32, #tpu.memory_space<hbm>> -> memref<2721600x32xf32, #tpu.memory_space<hbm>>
      tpu.enqueue_indirect_dma source(%dma_start3A_585 : memref<2721600x32xf32, #tpu.memory_space<hbm>>) target(%dma_start3A_580 : memref<64x32xf32, #tpu.memory_space<vmem>>) offsets(%dma_start3A_582 : memref<64xi32, #tpu.memory_space<vmem>>) semaphore(%arg19 : memref<!tpu.dma_semaphore, #tpu.memory_space<semaphore_mem>>)
      %dma_wait3A = arith.constant 0 : i32
      %dma_wait3A_586 = arith.constant 0 : i32
      %dma_wait3A_587 = tpu.memref_slice %arg11[%dma_wait3A, %dma_wait3A_586] : memref<896x32xf32, #tpu.memory_space<vmem>> -> memref<64x32xf32, #tpu.memory_space<vmem>>
      %dma_wait3A_588 = arith.constant 0 : i32
      %dma_wait3A_589 = tpu.memref_slice %arg12[%dma_wait3A_588] : memref<912xi32, #tpu.memory_space<vmem>> -> memref<64xi32, #tpu.memory_space<vmem>>
      %dma_wait3A_590 = arith.constant 0 : i32
      %dma_wait3A_591 = arith.constant 0 : i32
      %dma_wait3A_592 = tpu.memref_slice %arg3[%dma_wait3A_590, %dma_wait3A_591] : memref<2721600x32xf32, #tpu.memory_space<hbm>> -> memref<2721600x32xf32, #tpu.memory_space<hbm>>
      tpu.wait_indirect_dma semaphore(%arg19 : memref<!tpu.dma_semaphore, #tpu.memory_space<semaphore_mem>>) src(%dma_wait3A_592 : memref<2721600x32xf32, #tpu.memory_space<hbm>>) dst(%dma_wait3A_587 : memref<64x32xf32, #tpu.memory_space<vmem>>)
      %dma_wait3A_593 = arith.constant 64 : i32
      %dma_wait3A_594 = arith.constant 0 : i32
      %dma_wait3A_595 = tpu.memref_slice %arg11[%dma_wait3A_593, %dma_wait3A_594] : memref<896x32xf32, #tpu.memory_space<vmem>> -> memref<64x32xf32, #tpu.memory_space<vmem>>
      %dma_wait3A_596 = arith.constant 64 : i32
      %dma_wait3A_597 = tpu.memref_slice %arg12[%dma_wait3A_596] : memref<912xi32, #tpu.memory_space<vmem>> -> memref<64xi32, #tpu.memory_space<vmem>>
      %dma_wait3A_598 = arith.constant 0 : i32
      %dma_wait3A_599 = arith.constant 0 : i32
      %dma_wait3A_600 = tpu.memref_slice %arg3[%dma_wait3A_598, %dma_wait3A_599] : memref<2721600x32xf32, #tpu.memory_space<hbm>> -> memref<2721600x32xf32, #tpu.memory_space<hbm>>
      tpu.wait_indirect_dma semaphore(%arg19 : memref<!tpu.dma_semaphore, #tpu.memory_space<semaphore_mem>>) src(%dma_wait3A_600 : memref<2721600x32xf32, #tpu.memory_space<hbm>>) dst(%dma_wait3A_595 : memref<64x32xf32, #tpu.memory_space<vmem>>)
      %dma_wait3A_601 = arith.constant 128 : i32
      %dma_wait3A_602 = arith.constant 0 : i32
      %dma_wait3A_603 = tpu.memref_slice %arg11[%dma_wait3A_601, %dma_wait3A_602] : memref<896x32xf32, #tpu.memory_space<vmem>> -> memref<64x32xf32, #tpu.memory_space<vmem>>
      %dma_wait3A_604 = arith.constant 128 : i32
      %dma_wait3A_605 = tpu.memref_slice %arg12[%dma_wait3A_604] : memref<912xi32, #tpu.memory_space<vmem>> -> memref<64xi32, #tpu.memory_space<vmem>>
      %dma_wait3A_606 = arith.constant 0 : i32
      %dma_wait3A_607 = arith.constant 0 : i32
      %dma_wait3A_608 = tpu.memref_slice %arg3[%dma_wait3A_606, %dma_wait3A_607] : memref<2721600x32xf32, #tpu.memory_space<hbm>> -> memref<2721600x32xf32, #tpu.memory_space<hbm>>
      tpu.wait_indirect_dma semaphore(%arg19 : memref<!tpu.dma_semaphore, #tpu.memory_space<semaphore_mem>>) src(%dma_wait3A_608 : memref<2721600x32xf32, #tpu.memory_space<hbm>>) dst(%dma_wait3A_603 : memref<64x32xf32, #tpu.memory_space<vmem>>)
      %dma_wait3A_609 = arith.constant 192 : i32
      %dma_wait3A_610 = arith.constant 0 : i32
      %dma_wait3A_611 = tpu.memref_slice %arg11[%dma_wait3A_609, %dma_wait3A_610] : memref<896x32xf32, #tpu.memory_space<vmem>> -> memref<64x32xf32, #tpu.memory_space<vmem>>
      %dma_wait3A_612 = arith.constant 192 : i32
      %dma_wait3A_613 = tpu.memref_slice %arg12[%dma_wait3A_612] : memref<912xi32, #tpu.memory_space<vmem>> -> memref<64xi32, #tpu.memory_space<vmem>>
      %dma_wait3A_614 = arith.constant 0 : i32
      %dma_wait3A_615 = arith.constant 0 : i32
      %dma_wait3A_616 = tpu.memref_slice %arg3[%dma_wait3A_614, %dma_wait3A_615] : memref<2721600x32xf32, #tpu.memory_space<hbm>> -> memref<2721600x32xf32, #tpu.memory_space<hbm>>
      tpu.wait_indirect_dma semaphore(%arg19 : memref<!tpu.dma_semaphore, #tpu.memory_space<semaphore_mem>>) src(%dma_wait3A_616 : memref<2721600x32xf32, #tpu.memory_space<hbm>>) dst(%dma_wait3A_611 : memref<64x32xf32, #tpu.memory_space<vmem>>)
      %dma_wait3A_617 = arith.constant 256 : i32
      %dma_wait3A_618 = arith.constant 0 : i32
      %dma_wait3A_619 = tpu.memref_slice %arg11[%dma_wait3A_617, %dma_wait3A_618] : memref<896x32xf32, #tpu.memory_space<vmem>> -> memref<64x32xf32, #tpu.memory_space<vmem>>
      %dma_wait3A_620 = arith.constant 256 : i32
      %dma_wait3A_621 = tpu.memref_slice %arg12[%dma_wait3A_620] : memref<912xi32, #tpu.memory_space<vmem>> -> memref<64xi32, #tpu.memory_space<vmem>>
      %dma_wait3A_622 = arith.constant 0 : i32
      %dma_wait3A_623 = arith.constant 0 : i32
      %dma_wait3A_624 = tpu.memref_slice %arg3[%dma_wait3A_622, %dma_wait3A_623] : memref<2721600x32xf32, #tpu.memory_space<hbm>> -> memref<2721600x32xf32, #tpu.memory_space<hbm>>
      tpu.wait_indirect_dma semaphore(%arg19 : memref<!tpu.dma_semaphore, #tpu.memory_space<semaphore_mem>>) src(%dma_wait3A_624 : memref<2721600x32xf32, #tpu.memory_space<hbm>>) dst(%dma_wait3A_619 : memref<64x32xf32, #tpu.memory_space<vmem>>)
      %dma_wait3A_625 = arith.constant 320 : i32
      %dma_wait3A_626 = arith.constant 0 : i32
      %dma_wait3A_627 = tpu.memref_slice %arg11[%dma_wait3A_625, %dma_wait3A_626] : memref<896x32xf32, #tpu.memory_space<vmem>> -> memref<64x32xf32, #tpu.memory_space<vmem>>
      %dma_wait3A_628 = arith.constant 320 : i32
      %dma_wait3A_629 = tpu.memref_slice %arg12[%dma_wait3A_628] : memref<912xi32, #tpu.memory_space<vmem>> -> memref<64xi32, #tpu.memory_space<vmem>>
      %dma_wait3A_630 = arith.constant 0 : i32
      %dma_wait3A_631 = arith.constant 0 : i32
      %dma_wait3A_632 = tpu.memref_slice %arg3[%dma_wait3A_630, %dma_wait3A_631] : memref<2721600x32xf32, #tpu.memory_space<hbm>> -> memref<2721600x32xf32, #tpu.memory_space<hbm>>
      tpu.wait_indirect_dma semaphore(%arg19 : memref<!tpu.dma_semaphore, #tpu.memory_space<semaphore_mem>>) src(%dma_wait3A_632 : memref<2721600x32xf32, #tpu.memory_space<hbm>>) dst(%dma_wait3A_627 : memref<64x32xf32, #tpu.memory_space<vmem>>)
      %dma_wait3A_633 = arith.constant 384 : i32
      %dma_wait3A_634 = arith.constant 0 : i32
      %dma_wait3A_635 = tpu.memref_slice %arg11[%dma_wait3A_633, %dma_wait3A_634] : memref<896x32xf32, #tpu.memory_space<vmem>> -> memref<64x32xf32, #tpu.memory_space<vmem>>
      %dma_wait3A_636 = arith.constant 384 : i32
      %dma_wait3A_637 = tpu.memref_slice %arg12[%dma_wait3A_636] : memref<912xi32, #tpu.memory_space<vmem>> -> memref<64xi32, #tpu.memory_space<vmem>>
      %dma_wait3A_638 = arith.constant 0 : i32
      %dma_wait3A_639 = arith.constant 0 : i32
      %dma_wait3A_640 = tpu.memref_slice %arg3[%dma_wait3A_638, %dma_wait3A_639] : memref<2721600x32xf32, #tpu.memory_space<hbm>> -> memref<2721600x32xf32, #tpu.memory_space<hbm>>
      tpu.wait_indirect_dma semaphore(%arg19 : memref<!tpu.dma_semaphore, #tpu.memory_space<semaphore_mem>>) src(%dma_wait3A_640 : memref<2721600x32xf32, #tpu.memory_space<hbm>>) dst(%dma_wait3A_635 : memref<64x32xf32, #tpu.memory_space<vmem>>)
      %dma_wait3A_641 = arith.constant 448 : i32
      %dma_wait3A_642 = arith.constant 0 : i32
      %dma_wait3A_643 = tpu.memref_slice %arg11[%dma_wait3A_641, %dma_wait3A_642] : memref<896x32xf32, #tpu.memory_space<vmem>> -> memref<64x32xf32, #tpu.memory_space<vmem>>
      %dma_wait3A_644 = arith.constant 448 : i32
      %dma_wait3A_645 = tpu.memref_slice %arg12[%dma_wait3A_644] : memref<912xi32, #tpu.memory_space<vmem>> -> memref<64xi32, #tpu.memory_space<vmem>>
      %dma_wait3A_646 = arith.constant 0 : i32
      %dma_wait3A_647 = arith.constant 0 : i32
      %dma_wait3A_648 = tpu.memref_slice %arg3[%dma_wait3A_646, %dma_wait3A_647] : memref<2721600x32xf32, #tpu.memory_space<hbm>> -> memref<2721600x32xf32, #tpu.memory_space<hbm>>
      tpu.wait_indirect_dma semaphore(%arg19 : memref<!tpu.dma_semaphore, #tpu.memory_space<semaphore_mem>>) src(%dma_wait3A_648 : memref<2721600x32xf32, #tpu.memory_space<hbm>>) dst(%dma_wait3A_643 : memref<64x32xf32, #tpu.memory_space<vmem>>)
      %dma_wait3A_649 = arith.constant 512 : i32
      %dma_wait3A_650 = arith.constant 0 : i32
      %dma_wait3A_651 = tpu.memref_slice %arg11[%dma_wait3A_649, %dma_wait3A_650] : memref<896x32xf32, #tpu.memory_space<vmem>> -> memref<64x32xf32, #tpu.memory_space<vmem>>
      %dma_wait3A_652 = arith.constant 512 : i32
      %dma_wait3A_653 = tpu.memref_slice %arg12[%dma_wait3A_652] : memref<912xi32, #tpu.memory_space<vmem>> -> memref<64xi32, #tpu.memory_space<vmem>>
      %dma_wait3A_654 = arith.constant 0 : i32
      %dma_wait3A_655 = arith.constant 0 : i32
      %dma_wait3A_656 = tpu.memref_slice %arg3[%dma_wait3A_654, %dma_wait3A_655] : memref<2721600x32xf32, #tpu.memory_space<hbm>> -> memref<2721600x32xf32, #tpu.memory_space<hbm>>
      tpu.wait_indirect_dma semaphore(%arg19 : memref<!tpu.dma_semaphore, #tpu.memory_space<semaphore_mem>>) src(%dma_wait3A_656 : memref<2721600x32xf32, #tpu.memory_space<hbm>>) dst(%dma_wait3A_651 : memref<64x32xf32, #tpu.memory_space<vmem>>)
      %dma_wait3A_657 = arith.constant 576 : i32
      %dma_wait3A_658 = arith.constant 0 : i32
      %dma_wait3A_659 = tpu.memref_slice %arg11[%dma_wait3A_657, %dma_wait3A_658] : memref<896x32xf32, #tpu.memory_space<vmem>> -> memref<64x32xf32, #tpu.memory_space<vmem>>
      %dma_wait3A_660 = arith.constant 576 : i32
      %dma_wait3A_661 = tpu.memref_slice %arg12[%dma_wait3A_660] : memref<912xi32, #tpu.memory_space<vmem>> -> memref<64xi32, #tpu.memory_space<vmem>>
      %dma_wait3A_662 = arith.constant 0 : i32
      %dma_wait3A_663 = arith.constant 0 : i32
      %dma_wait3A_664 = tpu.memref_slice %arg3[%dma_wait3A_662, %dma_wait3A_663] : memref<2721600x32xf32, #tpu.memory_space<hbm>> -> memref<2721600x32xf32, #tpu.memory_space<hbm>>
      tpu.wait_indirect_dma semaphore(%arg19 : memref<!tpu.dma_semaphore, #tpu.memory_space<semaphore_mem>>) src(%dma_wait3A_664 : memref<2721600x32xf32, #tpu.memory_space<hbm>>) dst(%dma_wait3A_659 : memref<64x32xf32, #tpu.memory_space<vmem>>)
      %dma_wait3A_665 = arith.constant 640 : i32
      %dma_wait3A_666 = arith.constant 0 : i32
      %dma_wait3A_667 = tpu.memref_slice %arg11[%dma_wait3A_665, %dma_wait3A_666] : memref<896x32xf32, #tpu.memory_space<vmem>> -> memref<64x32xf32, #tpu.memory_space<vmem>>
      %dma_wait3A_668 = arith.constant 640 : i32
      %dma_wait3A_669 = tpu.memref_slice %arg12[%dma_wait3A_668] : memref<912xi32, #tpu.memory_space<vmem>> -> memref<64xi32, #tpu.memory_space<vmem>>
      %dma_wait3A_670 = arith.constant 0 : i32
      %dma_wait3A_671 = arith.constant 0 : i32
      %dma_wait3A_672 = tpu.memref_slice %arg3[%dma_wait3A_670, %dma_wait3A_671] : memref<2721600x32xf32, #tpu.memory_space<hbm>> -> memref<2721600x32xf32, #tpu.memory_space<hbm>>
      tpu.wait_indirect_dma semaphore(%arg19 : memref<!tpu.dma_semaphore, #tpu.memory_space<semaphore_mem>>) src(%dma_wait3A_672 : memref<2721600x32xf32, #tpu.memory_space<hbm>>) dst(%dma_wait3A_667 : memref<64x32xf32, #tpu.memory_space<vmem>>)
      %dma_wait3A_673 = arith.constant 704 : i32
      %dma_wait3A_674 = arith.constant 0 : i32
      %dma_wait3A_675 = tpu.memref_slice %arg11[%dma_wait3A_673, %dma_wait3A_674] : memref<896x32xf32, #tpu.memory_space<vmem>> -> memref<64x32xf32, #tpu.memory_space<vmem>>
      %dma_wait3A_676 = arith.constant 704 : i32
      %dma_wait3A_677 = tpu.memref_slice %arg12[%dma_wait3A_676] : memref<912xi32, #tpu.memory_space<vmem>> -> memref<64xi32, #tpu.memory_space<vmem>>
      %dma_wait3A_678 = arith.constant 0 : i32
      %dma_wait3A_679 = arith.constant 0 : i32
      %dma_wait3A_680 = tpu.memref_slice %arg3[%dma_wait3A_678, %dma_wait3A_679] : memref<2721600x32xf32, #tpu.memory_space<hbm>> -> memref<2721600x32xf32, #tpu.memory_space<hbm>>
      tpu.wait_indirect_dma semaphore(%arg19 : memref<!tpu.dma_semaphore, #tpu.memory_space<semaphore_mem>>) src(%dma_wait3A_680 : memref<2721600x32xf32, #tpu.memory_space<hbm>>) dst(%dma_wait3A_675 : memref<64x32xf32, #tpu.memory_space<vmem>>)
      %dma_wait3A_681 = arith.constant 768 : i32
      %dma_wait3A_682 = arith.constant 0 : i32
      %dma_wait3A_683 = tpu.memref_slice %arg11[%dma_wait3A_681, %dma_wait3A_682] : memref<896x32xf32, #tpu.memory_space<vmem>> -> memref<64x32xf32, #tpu.memory_space<vmem>>
      %dma_wait3A_684 = arith.constant 768 : i32
      %dma_wait3A_685 = tpu.memref_slice %arg12[%dma_wait3A_684] : memref<912xi32, #tpu.memory_space<vmem>> -> memref<64xi32, #tpu.memory_space<vmem>>
      %dma_wait3A_686 = arith.constant 0 : i32
      %dma_wait3A_687 = arith.constant 0 : i32
      %dma_wait3A_688 = tpu.memref_slice %arg3[%dma_wait3A_686, %dma_wait3A_687] : memref<2721600x32xf32, #tpu.memory_space<hbm>> -> memref<2721600x32xf32, #tpu.memory_space<hbm>>
      tpu.wait_indirect_dma semaphore(%arg19 : memref<!tpu.dma_semaphore, #tpu.memory_space<semaphore_mem>>) src(%dma_wait3A_688 : memref<2721600x32xf32, #tpu.memory_space<hbm>>) dst(%dma_wait3A_683 : memref<64x32xf32, #tpu.memory_space<vmem>>)
      %dma_wait3A_689 = arith.constant 832 : i32
      %dma_wait3A_690 = arith.constant 0 : i32
      %dma_wait3A_691 = tpu.memref_slice %arg11[%dma_wait3A_689, %dma_wait3A_690] : memref<896x32xf32, #tpu.memory_space<vmem>> -> memref<64x32xf32, #tpu.memory_space<vmem>>
      %dma_wait3A_692 = arith.constant 832 : i32
      %dma_wait3A_693 = tpu.memref_slice %arg12[%dma_wait3A_692] : memref<912xi32, #tpu.memory_space<vmem>> -> memref<64xi32, #tpu.memory_space<vmem>>
      %dma_wait3A_694 = arith.constant 0 : i32
      %dma_wait3A_695 = arith.constant 0 : i32
      %dma_wait3A_696 = tpu.memref_slice %arg3[%dma_wait3A_694, %dma_wait3A_695] : memref<2721600x32xf32, #tpu.memory_space<hbm>> -> memref<2721600x32xf32, #tpu.memory_space<hbm>>
      tpu.wait_indirect_dma semaphore(%arg19 : memref<!tpu.dma_semaphore, #tpu.memory_space<semaphore_mem>>) src(%dma_wait3A_696 : memref<2721600x32xf32, #tpu.memory_space<hbm>>) dst(%dma_wait3A_691 : memref<64x32xf32, #tpu.memory_space<vmem>>)
      "tpu.trace_stop"() : () -> ()
      "tpu.trace_start"() <{level = 10 : i32, message = "c_scad"}> : () -> ()
      %dma_wait3A_697 = arith.constant 0 : i32
      %dma_wait3A_698 = tpu.memref_slice %arg6[%mul3A_88, %dma_wait3A_697] : memref<2176x32xf32, #tpu.memory_space<vmem_shared>> -> memref<136x32xf32, #tpu.memory_space<vmem_shared>>
      %dma_wait3A_699 = arith.constant 0 : i32
      %dma_wait3A_700 = tpu.memref_slice %arg6[%mul3A_88, %dma_wait3A_699] : memref<2176x32xf32, #tpu.memory_space<vmem_shared>> -> memref<136x32xf32, #tpu.memory_space<vmem_shared>>
      tpu.wait_dma2 semaphore(%arg20 : memref<!tpu.dma_semaphore, #tpu.memory_space<semaphore_mem>>) src(%arg15 : memref<136x32xf32, #tpu.memory_space<vmem>>) dst(%dma_wait3A_700 : memref<136x32xf32, #tpu.memory_space<vmem_shared>>)
      %dma_start3A_701 = arith.constant 0 : i32
      %dma_start3A_702 = arith.constant 0 : i32
      %dma_start3A_703 = arith.constant 0 : i32
      %dma_start3A_704 = tpu.memref_slice %arg11[%dma_start3A_702, %dma_start3A_703] : memref<896x32xf32, #tpu.memory_space<vmem>> -> memref<128x32xf32, #tpu.memory_space<vmem>>
      %dma_start3A_705 = arith.constant 0 : i32
      %dma_start3A_706 = tpu.memref_slice %arg14[%dma_start3A_701, %dma_start3A_705] : memref<7x128xi32, #tpu.memory_space<vmem>> -> memref<1x128xi32, #tpu.memory_space<vmem>>
      %dma_start3A_707 = tpu.memref_squeeze %dma_start3A_706 : memref<1x128xi32, #tpu.memory_space<vmem>> -> memref<128xi32, #tpu.memory_space<vmem>>
      %dma_start3A_708 = arith.constant 0 : i32
      %dma_start3A_709 = arith.constant 0 : i32
      %dma_start3A_710 = tpu.memref_slice %arg6[%dma_start3A_708, %dma_start3A_709] : memref<2176x32xf32, #tpu.memory_space<vmem_shared>> -> memref<2176x32xf32, #tpu.memory_space<vmem_shared>>
      tpu.enqueue_indirect_dma source(%dma_start3A_704 : memref<128x32xf32, #tpu.memory_space<vmem>>) target(%dma_start3A_710 : memref<2176x32xf32, #tpu.memory_space<vmem_shared>>) offsets(%dma_start3A_707 : memref<128xi32, #tpu.memory_space<vmem>>) semaphore(%arg19 : memref<!tpu.dma_semaphore, #tpu.memory_space<semaphore_mem>>) {add = true}
      %dma_start3A_711 = arith.constant 1 : i32
      %dma_start3A_712 = arith.constant 128 : i32
      %dma_start3A_713 = arith.constant 0 : i32
      %dma_start3A_714 = tpu.memref_slice %arg11[%dma_start3A_712, %dma_start3A_713] : memref<896x32xf32, #tpu.memory_space<vmem>> -> memref<128x32xf32, #tpu.memory_space<vmem>>
      %dma_start3A_715 = arith.constant 0 : i32
      %dma_start3A_716 = tpu.memref_slice %arg14[%dma_start3A_711, %dma_start3A_715] : memref<7x128xi32, #tpu.memory_space<vmem>> -> memref<1x128xi32, #tpu.memory_space<vmem>>
      %dma_start3A_717 = tpu.memref_squeeze %dma_start3A_716 : memref<1x128xi32, #tpu.memory_space<vmem>> -> memref<128xi32, #tpu.memory_space<vmem>>
      %dma_start3A_718 = arith.constant 0 : i32
      %dma_start3A_719 = arith.constant 0 : i32
      %dma_start3A_720 = tpu.memref_slice %arg6[%dma_start3A_718, %dma_start3A_719] : memref<2176x32xf32, #tpu.memory_space<vmem_shared>> -> memref<2176x32xf32, #tpu.memory_space<vmem_shared>>
      tpu.enqueue_indirect_dma source(%dma_start3A_714 : memref<128x32xf32, #tpu.memory_space<vmem>>) target(%dma_start3A_720 : memref<2176x32xf32, #tpu.memory_space<vmem_shared>>) offsets(%dma_start3A_717 : memref<128xi32, #tpu.memory_space<vmem>>) semaphore(%arg19 : memref<!tpu.dma_semaphore, #tpu.memory_space<semaphore_mem>>) {add = true}
      %dma_start3A_721 = arith.constant 2 : i32
      %dma_start3A_722 = arith.constant 256 : i32
      %dma_start3A_723 = arith.constant 0 : i32
      %dma_start3A_724 = tpu.memref_slice %arg11[%dma_start3A_722, %dma_start3A_723] : memref<896x32xf32, #tpu.memory_space<vmem>> -> memref<128x32xf32, #tpu.memory_space<vmem>>
      %dma_start3A_725 = arith.constant 0 : i32
      %dma_start3A_726 = tpu.memref_slice %arg14[%dma_start3A_721, %dma_start3A_725] : memref<7x128xi32, #tpu.memory_space<vmem>> -> memref<1x128xi32, #tpu.memory_space<vmem>>
      %dma_start3A_727 = tpu.memref_squeeze %dma_start3A_726 : memref<1x128xi32, #tpu.memory_space<vmem>> -> memref<128xi32, #tpu.memory_space<vmem>>
      %dma_start3A_728 = arith.constant 0 : i32
      %dma_start3A_729 = arith.constant 0 : i32
      %dma_start3A_730 = tpu.memref_slice %arg6[%dma_start3A_728, %dma_start3A_729] : memref<2176x32xf32, #tpu.memory_space<vmem_shared>> -> memref<2176x32xf32, #tpu.memory_space<vmem_shared>>
      tpu.enqueue_indirect_dma source(%dma_start3A_724 : memref<128x32xf32, #tpu.memory_space<vmem>>) target(%dma_start3A_730 : memref<2176x32xf32, #tpu.memory_space<vmem_shared>>) offsets(%dma_start3A_727 : memref<128xi32, #tpu.memory_space<vmem>>) semaphore(%arg19 : memref<!tpu.dma_semaphore, #tpu.memory_space<semaphore_mem>>) {add = true}
      %dma_start3A_731 = arith.constant 3 : i32
      %dma_start3A_732 = arith.constant 384 : i32
      %dma_start3A_733 = arith.constant 0 : i32
      %dma_start3A_734 = tpu.memref_slice %arg11[%dma_start3A_732, %dma_start3A_733] : memref<896x32xf32, #tpu.memory_space<vmem>> -> memref<128x32xf32, #tpu.memory_space<vmem>>
      %dma_start3A_735 = arith.constant 0 : i32
      %dma_start3A_736 = tpu.memref_slice %arg14[%dma_start3A_731, %dma_start3A_735] : memref<7x128xi32, #tpu.memory_space<vmem>> -> memref<1x128xi32, #tpu.memory_space<vmem>>
      %dma_start3A_737 = tpu.memref_squeeze %dma_start3A_736 : memref<1x128xi32, #tpu.memory_space<vmem>> -> memref<128xi32, #tpu.memory_space<vmem>>
      %dma_start3A_738 = arith.constant 0 : i32
      %dma_start3A_739 = arith.constant 0 : i32
      %dma_start3A_740 = tpu.memref_slice %arg6[%dma_start3A_738, %dma_start3A_739] : memref<2176x32xf32, #tpu.memory_space<vmem_shared>> -> memref<2176x32xf32, #tpu.memory_space<vmem_shared>>
      tpu.enqueue_indirect_dma source(%dma_start3A_734 : memref<128x32xf32, #tpu.memory_space<vmem>>) target(%dma_start3A_740 : memref<2176x32xf32, #tpu.memory_space<vmem_shared>>) offsets(%dma_start3A_737 : memref<128xi32, #tpu.memory_space<vmem>>) semaphore(%arg19 : memref<!tpu.dma_semaphore, #tpu.memory_space<semaphore_mem>>) {add = true}
      %dma_start3A_741 = arith.constant 4 : i32
      %dma_start3A_742 = arith.constant 512 : i32
      %dma_start3A_743 = arith.constant 0 : i32
      %dma_start3A_744 = tpu.memref_slice %arg11[%dma_start3A_742, %dma_start3A_743] : memref<896x32xf32, #tpu.memory_space<vmem>> -> memref<128x32xf32, #tpu.memory_space<vmem>>
      %dma_start3A_745 = arith.constant 0 : i32
      %dma_start3A_746 = tpu.memref_slice %arg14[%dma_start3A_741, %dma_start3A_745] : memref<7x128xi32, #tpu.memory_space<vmem>> -> memref<1x128xi32, #tpu.memory_space<vmem>>
      %dma_start3A_747 = tpu.memref_squeeze %dma_start3A_746 : memref<1x128xi32, #tpu.memory_space<vmem>> -> memref<128xi32, #tpu.memory_space<vmem>>
      %dma_start3A_748 = arith.constant 0 : i32
      %dma_start3A_749 = arith.constant 0 : i32
      %dma_start3A_750 = tpu.memref_slice %arg6[%dma_start3A_748, %dma_start3A_749] : memref<2176x32xf32, #tpu.memory_space<vmem_shared>> -> memref<2176x32xf32, #tpu.memory_space<vmem_shared>>
      tpu.enqueue_indirect_dma source(%dma_start3A_744 : memref<128x32xf32, #tpu.memory_space<vmem>>) target(%dma_start3A_750 : memref<2176x32xf32, #tpu.memory_space<vmem_shared>>) offsets(%dma_start3A_747 : memref<128xi32, #tpu.memory_space<vmem>>) semaphore(%arg19 : memref<!tpu.dma_semaphore, #tpu.memory_space<semaphore_mem>>) {add = true}
      %dma_start3A_751 = arith.constant 5 : i32
      %dma_start3A_752 = arith.constant 640 : i32
      %dma_start3A_753 = arith.constant 0 : i32
      %dma_start3A_754 = tpu.memref_slice %arg11[%dma_start3A_752, %dma_start3A_753] : memref<896x32xf32, #tpu.memory_space<vmem>> -> memref<128x32xf32, #tpu.memory_space<vmem>>
      %dma_start3A_755 = arith.constant 0 : i32
      %dma_start3A_756 = tpu.memref_slice %arg14[%dma_start3A_751, %dma_start3A_755] : memref<7x128xi32, #tpu.memory_space<vmem>> -> memref<1x128xi32, #tpu.memory_space<vmem>>
      %dma_start3A_757 = tpu.memref_squeeze %dma_start3A_756 : memref<1x128xi32, #tpu.memory_space<vmem>> -> memref<128xi32, #tpu.memory_space<vmem>>
      %dma_start3A_758 = arith.constant 0 : i32
      %dma_start3A_759 = arith.constant 0 : i32
      %dma_start3A_760 = tpu.memref_slice %arg6[%dma_start3A_758, %dma_start3A_759] : memref<2176x32xf32, #tpu.memory_space<vmem_shared>> -> memref<2176x32xf32, #tpu.memory_space<vmem_shared>>
      tpu.enqueue_indirect_dma source(%dma_start3A_754 : memref<128x32xf32, #tpu.memory_space<vmem>>) target(%dma_start3A_760 : memref<2176x32xf32, #tpu.memory_space<vmem_shared>>) offsets(%dma_start3A_757 : memref<128xi32, #tpu.memory_space<vmem>>) semaphore(%arg19 : memref<!tpu.dma_semaphore, #tpu.memory_space<semaphore_mem>>) {add = true}
      %dma_start3A_761 = arith.constant 6 : i32
      %dma_start3A_762 = arith.constant 768 : i32
      %dma_start3A_763 = arith.constant 0 : i32
      %dma_start3A_764 = tpu.memref_slice %arg11[%dma_start3A_762, %dma_start3A_763] : memref<896x32xf32, #tpu.memory_space<vmem>> -> memref<128x32xf32, #tpu.memory_space<vmem>>
      %dma_start3A_765 = arith.constant 0 : i32
      %dma_start3A_766 = tpu.memref_slice %arg14[%dma_start3A_761, %dma_start3A_765] : memref<7x128xi32, #tpu.memory_space<vmem>> -> memref<1x128xi32, #tpu.memory_space<vmem>>
      %dma_start3A_767 = tpu.memref_squeeze %dma_start3A_766 : memref<1x128xi32, #tpu.memory_space<vmem>> -> memref<128xi32, #tpu.memory_space<vmem>>
      %dma_start3A_768 = arith.constant 0 : i32
      %dma_start3A_769 = arith.constant 0 : i32
      %dma_start3A_770 = tpu.memref_slice %arg6[%dma_start3A_768, %dma_start3A_769] : memref<2176x32xf32, #tpu.memory_space<vmem_shared>> -> memref<2176x32xf32, #tpu.memory_space<vmem_shared>>
      tpu.enqueue_indirect_dma source(%dma_start3A_764 : memref<128x32xf32, #tpu.memory_space<vmem>>) target(%dma_start3A_770 : memref<2176x32xf32, #tpu.memory_space<vmem_shared>>) offsets(%dma_start3A_767 : memref<128xi32, #tpu.memory_space<vmem>>) semaphore(%arg19 : memref<!tpu.dma_semaphore, #tpu.memory_space<semaphore_mem>>) {add = true}
      %dma_wait3A_771 = arith.constant 0 : i32
      %dma_wait3A_772 = arith.constant 0 : i32
      %dma_wait3A_773 = arith.constant 0 : i32
      %dma_wait3A_774 = tpu.memref_slice %arg11[%dma_wait3A_772, %dma_wait3A_773] : memref<896x32xf32, #tpu.memory_space<vmem>> -> memref<128x32xf32, #tpu.memory_space<vmem>>
      %dma_wait3A_775 = arith.constant 0 : i32
      %dma_wait3A_776 = tpu.memref_slice %arg14[%dma_wait3A_771, %dma_wait3A_775] : memref<7x128xi32, #tpu.memory_space<vmem>> -> memref<1x128xi32, #tpu.memory_space<vmem>>
      %dma_wait3A_777 = tpu.memref_squeeze %dma_wait3A_776 : memref<1x128xi32, #tpu.memory_space<vmem>> -> memref<128xi32, #tpu.memory_space<vmem>>
      %dma_wait3A_778 = arith.constant 0 : i32
      %dma_wait3A_779 = arith.constant 0 : i32
      %dma_wait3A_780 = tpu.memref_slice %arg6[%dma_wait3A_778, %dma_wait3A_779] : memref<2176x32xf32, #tpu.memory_space<vmem_shared>> -> memref<2176x32xf32, #tpu.memory_space<vmem_shared>>
      tpu.wait_indirect_dma semaphore(%arg19 : memref<!tpu.dma_semaphore, #tpu.memory_space<semaphore_mem>>) src(%dma_wait3A_774 : memref<128x32xf32, #tpu.memory_space<vmem>>) dst(%dma_wait3A_780 : memref<2176x32xf32, #tpu.memory_space<vmem_shared>>)
      %dma_wait3A_781 = arith.constant 1 : i32
      %dma_wait3A_782 = arith.constant 128 : i32
      %dma_wait3A_783 = arith.constant 0 : i32
      %dma_wait3A_784 = tpu.memref_slice %arg11[%dma_wait3A_782, %dma_wait3A_783] : memref<896x32xf32, #tpu.memory_space<vmem>> -> memref<128x32xf32, #tpu.memory_space<vmem>>
      %dma_wait3A_785 = arith.constant 0 : i32
      %dma_wait3A_786 = tpu.memref_slice %arg14[%dma_wait3A_781, %dma_wait3A_785] : memref<7x128xi32, #tpu.memory_space<vmem>> -> memref<1x128xi32, #tpu.memory_space<vmem>>
      %dma_wait3A_787 = tpu.memref_squeeze %dma_wait3A_786 : memref<1x128xi32, #tpu.memory_space<vmem>> -> memref<128xi32, #tpu.memory_space<vmem>>
      %dma_wait3A_788 = arith.constant 0 : i32
      %dma_wait3A_789 = arith.constant 0 : i32
      %dma_wait3A_790 = tpu.memref_slice %arg6[%dma_wait3A_788, %dma_wait3A_789] : memref<2176x32xf32, #tpu.memory_space<vmem_shared>> -> memref<2176x32xf32, #tpu.memory_space<vmem_shared>>
      tpu.wait_indirect_dma semaphore(%arg19 : memref<!tpu.dma_semaphore, #tpu.memory_space<semaphore_mem>>) src(%dma_wait3A_784 : memref<128x32xf32, #tpu.memory_space<vmem>>) dst(%dma_wait3A_790 : memref<2176x32xf32, #tpu.memory_space<vmem_shared>>)
      %dma_wait3A_791 = arith.constant 2 : i32
      %dma_wait3A_792 = arith.constant 256 : i32
      %dma_wait3A_793 = arith.constant 0 : i32
      %dma_wait3A_794 = tpu.memref_slice %arg11[%dma_wait3A_792, %dma_wait3A_793] : memref<896x32xf32, #tpu.memory_space<vmem>> -> memref<128x32xf32, #tpu.memory_space<vmem>>
      %dma_wait3A_795 = arith.constant 0 : i32
      %dma_wait3A_796 = tpu.memref_slice %arg14[%dma_wait3A_791, %dma_wait3A_795] : memref<7x128xi32, #tpu.memory_space<vmem>> -> memref<1x128xi32, #tpu.memory_space<vmem>>
      %dma_wait3A_797 = tpu.memref_squeeze %dma_wait3A_796 : memref<1x128xi32, #tpu.memory_space<vmem>> -> memref<128xi32, #tpu.memory_space<vmem>>
      %dma_wait3A_798 = arith.constant 0 : i32
      %dma_wait3A_799 = arith.constant 0 : i32
      %dma_wait3A_800 = tpu.memref_slice %arg6[%dma_wait3A_798, %dma_wait3A_799] : memref<2176x32xf32, #tpu.memory_space<vmem_shared>> -> memref<2176x32xf32, #tpu.memory_space<vmem_shared>>
      tpu.wait_indirect_dma semaphore(%arg19 : memref<!tpu.dma_semaphore, #tpu.memory_space<semaphore_mem>>) src(%dma_wait3A_794 : memref<128x32xf32, #tpu.memory_space<vmem>>) dst(%dma_wait3A_800 : memref<2176x32xf32, #tpu.memory_space<vmem_shared>>)
      %dma_wait3A_801 = arith.constant 3 : i32
      %dma_wait3A_802 = arith.constant 384 : i32
      %dma_wait3A_803 = arith.constant 0 : i32
      %dma_wait3A_804 = tpu.memref_slice %arg11[%dma_wait3A_802, %dma_wait3A_803] : memref<896x32xf32, #tpu.memory_space<vmem>> -> memref<128x32xf32, #tpu.memory_space<vmem>>
      %dma_wait3A_805 = arith.constant 0 : i32
      %dma_wait3A_806 = tpu.memref_slice %arg14[%dma_wait3A_801, %dma_wait3A_805] : memref<7x128xi32, #tpu.memory_space<vmem>> -> memref<1x128xi32, #tpu.memory_space<vmem>>
      %dma_wait3A_807 = tpu.memref_squeeze %dma_wait3A_806 : memref<1x128xi32, #tpu.memory_space<vmem>> -> memref<128xi32, #tpu.memory_space<vmem>>
      %dma_wait3A_808 = arith.constant 0 : i32
      %dma_wait3A_809 = arith.constant 0 : i32
      %dma_wait3A_810 = tpu.memref_slice %arg6[%dma_wait3A_808, %dma_wait3A_809] : memref<2176x32xf32, #tpu.memory_space<vmem_shared>> -> memref<2176x32xf32, #tpu.memory_space<vmem_shared>>
      tpu.wait_indirect_dma semaphore(%arg19 : memref<!tpu.dma_semaphore, #tpu.memory_space<semaphore_mem>>) src(%dma_wait3A_804 : memref<128x32xf32, #tpu.memory_space<vmem>>) dst(%dma_wait3A_810 : memref<2176x32xf32, #tpu.memory_space<vmem_shared>>)
      %dma_wait3A_811 = arith.constant 4 : i32
      %dma_wait3A_812 = arith.constant 512 : i32
      %dma_wait3A_813 = arith.constant 0 : i32
      %dma_wait3A_814 = tpu.memref_slice %arg11[%dma_wait3A_812, %dma_wait3A_813] : memref<896x32xf32, #tpu.memory_space<vmem>> -> memref<128x32xf32, #tpu.memory_space<vmem>>
      %dma_wait3A_815 = arith.constant 0 : i32
      %dma_wait3A_816 = tpu.memref_slice %arg14[%dma_wait3A_811, %dma_wait3A_815] : memref<7x128xi32, #tpu.memory_space<vmem>> -> memref<1x128xi32, #tpu.memory_space<vmem>>
      %dma_wait3A_817 = tpu.memref_squeeze %dma_wait3A_816 : memref<1x128xi32, #tpu.memory_space<vmem>> -> memref<128xi32, #tpu.memory_space<vmem>>
      %dma_wait3A_818 = arith.constant 0 : i32
      %dma_wait3A_819 = arith.constant 0 : i32
      %dma_wait3A_820 = tpu.memref_slice %arg6[%dma_wait3A_818, %dma_wait3A_819] : memref<2176x32xf32, #tpu.memory_space<vmem_shared>> -> memref<2176x32xf32, #tpu.memory_space<vmem_shared>>
      tpu.wait_indirect_dma semaphore(%arg19 : memref<!tpu.dma_semaphore, #tpu.memory_space<semaphore_mem>>) src(%dma_wait3A_814 : memref<128x32xf32, #tpu.memory_space<vmem>>) dst(%dma_wait3A_820 : memref<2176x32xf32, #tpu.memory_space<vmem_shared>>)
      %dma_wait3A_821 = arith.constant 5 : i32
      %dma_wait3A_822 = arith.constant 640 : i32
      %dma_wait3A_823 = arith.constant 0 : i32
      %dma_wait3A_824 = tpu.memref_slice %arg11[%dma_wait3A_822, %dma_wait3A_823] : memref<896x32xf32, #tpu.memory_space<vmem>> -> memref<128x32xf32, #tpu.memory_space<vmem>>
      %dma_wait3A_825 = arith.constant 0 : i32
      %dma_wait3A_826 = tpu.memref_slice %arg14[%dma_wait3A_821, %dma_wait3A_825] : memref<7x128xi32, #tpu.memory_space<vmem>> -> memref<1x128xi32, #tpu.memory_space<vmem>>
      %dma_wait3A_827 = tpu.memref_squeeze %dma_wait3A_826 : memref<1x128xi32, #tpu.memory_space<vmem>> -> memref<128xi32, #tpu.memory_space<vmem>>
      %dma_wait3A_828 = arith.constant 0 : i32
      %dma_wait3A_829 = arith.constant 0 : i32
      %dma_wait3A_830 = tpu.memref_slice %arg6[%dma_wait3A_828, %dma_wait3A_829] : memref<2176x32xf32, #tpu.memory_space<vmem_shared>> -> memref<2176x32xf32, #tpu.memory_space<vmem_shared>>
      tpu.wait_indirect_dma semaphore(%arg19 : memref<!tpu.dma_semaphore, #tpu.memory_space<semaphore_mem>>) src(%dma_wait3A_824 : memref<128x32xf32, #tpu.memory_space<vmem>>) dst(%dma_wait3A_830 : memref<2176x32xf32, #tpu.memory_space<vmem_shared>>)
      %dma_wait3A_831 = arith.constant 6 : i32
      %dma_wait3A_832 = arith.constant 768 : i32
      %dma_wait3A_833 = arith.constant 0 : i32
      %dma_wait3A_834 = tpu.memref_slice %arg11[%dma_wait3A_832, %dma_wait3A_833] : memref<896x32xf32, #tpu.memory_space<vmem>> -> memref<128x32xf32, #tpu.memory_space<vmem>>
      %dma_wait3A_835 = arith.constant 0 : i32
      %dma_wait3A_836 = tpu.memref_slice %arg14[%dma_wait3A_831, %dma_wait3A_835] : memref<7x128xi32, #tpu.memory_space<vmem>> -> memref<1x128xi32, #tpu.memory_space<vmem>>
      %dma_wait3A_837 = tpu.memref_squeeze %dma_wait3A_836 : memref<1x128xi32, #tpu.memory_space<vmem>> -> memref<128xi32, #tpu.memory_space<vmem>>
      %dma_wait3A_838 = arith.constant 0 : i32
      %dma_wait3A_839 = arith.constant 0 : i32
      %dma_wait3A_840 = tpu.memref_slice %arg6[%dma_wait3A_838, %dma_wait3A_839] : memref<2176x32xf32, #tpu.memory_space<vmem_shared>> -> memref<2176x32xf32, #tpu.memory_space<vmem_shared>>
      tpu.wait_indirect_dma semaphore(%arg19 : memref<!tpu.dma_semaphore, #tpu.memory_space<semaphore_mem>>) src(%dma_wait3A_834 : memref<128x32xf32, #tpu.memory_space<vmem>>) dst(%dma_wait3A_840 : memref<2176x32xf32, #tpu.memory_space<vmem_shared>>)
      "tpu.trace_stop"() : () -> ()
      "tpu.trace_start"() <{level = 10 : i32, message = "c_out"}> : () -> ()
      %add3A_841 = arith.addi %mul3A_63, %mul3A_101 : i32
      "tpu.region"() ({
        %run_scoped3A_843 = tpu.sem_alloc : memref<!tpu.dma_semaphore, #tpu.memory_space<semaphore_mem>>
        %dma_start3A_844 = arith.constant 0 : i32
        %dma_start3A_845 = tpu.memref_slice %arg4[%add3A_841, %dma_start3A_844] : memref<102400x32xf32, #tpu.memory_space<hbm>> -> memref<128x32xf32, #tpu.memory_space<hbm>>
        %dma_start3A_846 = arith.constant 0 : i32
        %dma_start3A_847 = tpu.memref_slice %arg6[%mul3A_88, %dma_start3A_846] : memref<2176x32xf32, #tpu.memory_space<vmem_shared>> -> memref<128x32xf32, #tpu.memory_space<vmem_shared>>
        tpu.enqueue_dma source(%dma_start3A_847 : memref<128x32xf32, #tpu.memory_space<vmem_shared>>) target(%dma_start3A_845 : memref<128x32xf32, #tpu.memory_space<hbm>>) target_semaphore(%run_scoped3A_843 : memref<!tpu.dma_semaphore, #tpu.memory_space<semaphore_mem>>)
        %dma_wait3A_848 = arith.constant 0 : i32
        %dma_wait3A_849 = tpu.memref_slice %arg4[%add3A_841, %dma_wait3A_848] : memref<102400x32xf32, #tpu.memory_space<hbm>> -> memref<128x32xf32, #tpu.memory_space<hbm>>
        %dma_wait3A_850 = arith.constant 0 : i32
        %dma_wait3A_851 = tpu.memref_slice %arg6[%mul3A_88, %dma_wait3A_850] : memref<2176x32xf32, #tpu.memory_space<vmem_shared>> -> memref<128x32xf32, #tpu.memory_space<vmem_shared>>
        tpu.wait_dma2 semaphore(%run_scoped3A_843 : memref<!tpu.dma_semaphore, #tpu.memory_space<semaphore_mem>>) src(%dma_wait3A_851 : memref<128x32xf32, #tpu.memory_space<vmem_shared>>) dst(%dma_wait3A_849 : memref<128x32xf32, #tpu.memory_space<hbm>>)
        tpu.yield
      }) : () -> ()
      "tpu.trace_stop"() : () -> ()
      %scan3A_842 = arith.constant 0 : i32
      scf.yield %scan3A_842 : i32
    }
    %scan3A_97 = arith.constant 25 : i32
    return
  }
}

module attributes {stable_mosaic.version = 14 : i64} {
  func.func @_mm_body(%arg0: i32, %arg1: memref<800x32xf32, #tpu.memory_space<vmem>>, %arg2: memref<32x864xf32, #tpu.memory_space<vmem>>, %arg3: memref<8x864xf32, #tpu.memory_space<vmem>>, %arg4: memref<800x864xf32, #tpu.memory_space<vmem>>) attributes {dimension_semantics = [#tpu.dimension_semantics<arbitrary>], iteration_bounds = array<i64: 126>, scalar_prefetch = 0 : i64, scratch_operands = 0 : i64, tpu.core_type = #tpu.core_type<tc>, window_params = [{transform_indices = @transform_0, window_bounds = array<i64: 800, 32>}, {pipeline_mode = #tpu.pipeline_mode<synchronous>, transform_indices = @transform_1, window_bounds = array<i64: 32, 864>}, {pipeline_mode = #tpu.pipeline_mode<synchronous>, transform_indices = @transform_2, window_bounds = array<i64: 8, 864>}, {transform_indices = @transform_3, window_bounds = array<i64: 800, 864>}]} {
    %lt3A = arith.constant 125 : i32
    %lt3A_0 = arith.cmpi slt, %arg0, %lt3A : i32
    %convert_element_type3A = arith.extui %lt3A_0 : i1 to i32
    %cond3A = arith.constant 0 : i32
    %cond3A_1 = arith.cmpi ne, %convert_element_type3A, %cond3A : i32
    scf.if %cond3A_1 {
      %get3A = arith.constant 0 : index
      %get3A_6 = arith.constant 0 : index
      %get3A_7 = vector.load %arg1[%get3A, %get3A_6] : memref<800x32xf32, #tpu.memory_space<vmem>>, vector<800x32xf32>
      %get3A_8 = arith.constant 0 : index
      %get3A_9 = arith.constant 0 : index
      %get3A_10 = vector.load %arg2[%get3A_8, %get3A_9] : memref<32x864xf32, #tpu.memory_space<vmem>>, vector<32x864xf32>
      %dot_general3A = arith.constant dense<0.000000e+00> : vector<800x864xf32>
      %dot_general3A_11 = tpu.matmul %get3A_7, %get3A_10, %dot_general3A {dimension_numbers = #tpu.dot_dimension_numbers<[1], [0], [0], [1], [0, 0, 1, 1], [], []>, transpose_lhs_hint = false} : vector<800x32xf32>, vector<32x864xf32>, vector<800x864xf32> -> vector<800x864xf32>
      %get3A_12 = arith.constant 0 : index
      %get3A_13 = arith.constant 0 : index
      %get3A_14 = vector.load %arg3[%get3A_12, %get3A_13] : memref<8x864xf32, #tpu.memory_space<vmem>>, vector<1x864xf32>
      %add3A = vector.broadcast %get3A_14 : vector<1x864xf32> to vector<800x864xf32>
      %add3A_15 = arith.addf %dot_general3A_11, %add3A : vector<800x864xf32>
      %swap3A = arith.constant 0 : index
      %swap3A_16 = arith.constant 0 : index
      %swap3A_17 = vector.load %arg4[%swap3A, %swap3A_16] : memref<800x864xf32, #tpu.memory_space<vmem>>, vector<800x864xf32>
      tpu.vector_store %arg4[%swap3A, %swap3A_16], %add3A_15 {strides = array<i32>} : memref<800x864xf32, #tpu.memory_space<vmem>>, vector<800x864xf32>,
    } else {
    }
    %eq3A = arith.constant 125 : i32
    %eq3A_2 = arith.cmpi eq, %arg0, %eq3A : i32
    %convert_element_type3A_3 = arith.extui %eq3A_2 : i1 to i32
    %cond3A_4 = arith.constant 0 : i32
    %cond3A_5 = arith.cmpi ne, %convert_element_type3A_3, %cond3A_4 : i32
    scf.if %cond3A_5 {
      %broadcast_in_dim3A = arith.constant 0.000000e+00 : f32
      %broadcast_in_dim3A_6 = vector.broadcast %broadcast_in_dim3A : f32 to vector<800x864xf32>
      %swap3A = arith.constant 0 : index
      %swap3A_7 = arith.constant 0 : index
      %swap3A_8 = vector.load %arg4[%swap3A, %swap3A_7] : memref<800x864xf32, #tpu.memory_space<vmem>>, vector<800x864xf32>
      tpu.vector_store %arg4[%swap3A, %swap3A_7], %broadcast_in_dim3A_6 {strides = array<i32>} : memref<800x864xf32, #tpu.memory_space<vmem>>, vector<800x864xf32>,
    } else {
    }
    return
  }
  func.func @transform_0(%arg0: i32) -> (i32, i32) {
    %min3A = arith.constant 124 : i32
    %min3A_0 = arith.minsi %arg0, %min3A : i32
    %c0_i32 = arith.constant 0 : i32
    %c0_i32_1 = arith.constant 0 : i32
    return %min3A_0, %c0_i32 : i32, i32
  }
  func.func @transform_1(%arg0: i32) -> (i32, i32) {
    %c0_i32 = arith.constant 0 : i32
    %c0_i32_0 = arith.constant 0 : i32
    %c0_i32_1 = arith.constant 0 : i32
    return %c0_i32, %c0_i32_0 : i32, i32
  }
  func.func @transform_2(%arg0: i32) -> (i32, i32) {
    %c0_i32 = arith.constant 0 : i32
    %c0_i32_0 = arith.constant 0 : i32
    %c0_i32_1 = arith.constant 0 : i32
    return %c0_i32, %c0_i32_0 : i32, i32
  }
  func.func @transform_3(%arg0: i32) -> (i32, i32) {
    %c0_i32 = arith.constant 0 : i32
    %c0_i32_0 = arith.constant 0 : i32
    return %arg0, %c0_i32 : i32, i32
  }
}

</mosaic_0001>

<sc_bundles>
// kernel: kernel.4.cloned.1.call-start
scs
__scs_entry_jumppad:
0x0: {  	(pc) =	sbr.rel $0x88, $3  }
0x1: {  	(tag) =	ssettag $0x0;
	lr =	simm.s32 $0x1  }
0x2: {  	[smem:$0x3F9D] =	sst lr;
	_ =	strace $0xD0000000  }
0x3: {  	_ = 	snop  }
0x4: {  	_ = 	snop  }
0x5: {  	_ = 	snop  }
0x6: {  	_ = 	snop  }
0x7: {  	_ = 	snop  }
__scs_overlays_trampoline_lowered:
0x8: {  	[smem:$0x3FAC] =	sst s0  }
0x9: {  	[smem:$0x3FAD] =	sst s1  }
0xa: {  	[smem:$0x3FAE] =	sst s2  }
0xb: {  	[smem:$0x3FAF] =	sst s3  }
0xc: {  	[smem:$0x3FB0] =	sst s4  }
0xd: {  	[smem:$0x3FB1] =	sst s5  }
0xe: {  	[smem:$0x3FB2] =	sst s6  }
0xf: {  	[smem:$0x3FB3] =	sst s7  }
0x10: {  	[smem:$0x3FB4] =	sst s8  }
0x11: {  	[smem:$0x3FB5] =	sst s9;
	s0 =	simm.s32 @!p0 $0x0  }
0x12: {  	s1 =	sld [smem:$0x3F9B];
	s0 =	simm.s32 @p0 $0x1  }
0x13: {  	[smem:$0x3FB6] =	sst s0;
	s0 =	simm.s32 @!p1 $0x0  }
0x14: {  	s2 =	sld [smem:$0x3F9A];
	s0 =	simm.s32 @p1 $0x1  }
0x15: {  	[smem:$0x3FB7] =	sst s0;
	s0 =	simm.s32 @!p2 $0x0  }
0x16: {  	s3 =	sld [smem:$0x3FDB];
	s0 =	simm.s32 @p2 $0x1  }
0x17: {  	s4 =	simm.s32 $0x1BF5;
	[smem:$0x3FB9] =	sst s0  }
0x18: {  	s0 =	sld [smem:$0x3F9C];
	_ =	swait.ge [sflag:s4], $0x0  }
0x19: {  	s7 =	sld [smem:$0x3F9D]  }
0x1a: {  	s8 =	sadd.s32 $0xFFFFE003, lr  }
0x1b: {  	s9 =	sadd.s32 $0xFFFFFEF7, lr;
	s5 =	simm.s32 $0xFFFFFFFF;
	p2 =	slt.u32 s8, $0xFFFFF086  }
0x1c: {  	p1 =	slt.u32 s9, $0xF7A;
	s5 =	simm.s32 @!p2 $0x0  }
0x1d: {  	s5 =	simm.s32 @p1 $0x1;
	p0 =	seq.s32 s7, s2  }
0x1e: {  	s7 =	smul.u32 @!p0 $0xF7A, s2;
	p2 =	seq.s32 @!p0 s5, $0x0  }
0x1f: {  	s9 =	smul.u32 $0xF7A, s1;
	s8 =	simm.s32 @!p0 $0x1BF5;
	p2 =	por !p2, p0  }
0x20: {  	[sflag:s8] =	ssyncset.s32 @!p0 $0xFFFFF086;
	s6 =	sadd.s32 @!p0 s3, s7;
	s7 =	simm.s32 @!p0 $0x108  }
0x21: {  	s3 =	sadd.s32 s3, s9;
	s6 =	sadd.s32 @!p0 $0x88, s6;
	s7 =	simm.s32 @p2 $0x1082  }
0x22: {  	[simem:s7], [sflag:s8] =	dma.local @!p0 [hbm:s6], $0xF7A  }
0x23: {  	s9 =	sor.u32 $0xD0000000, s2;
	s6 =	simm.s32 $0x108;
	_ =	swait.ge @!p0 [sflag:s8], $0x0  }
0x24: {  	s3 =	sadd.s32 $0x88, s3;
	s6 =	simm.s32 @!p1 $0x1082;
	[sflag:s4] =	ssyncset.s32 $0xFFFFF086  }
0x25: {  	[simem:s6], [sflag:s4] =	dma.local [hbm:s3], $0xF7A  }
0x26: {  	[smem:$0x3F9D] =	sst s1;
	(tag) =	ssettag s2;
	_ =	strace s9  }
0x27: {  	s1 =	sld [smem:$0x3FAD]  }
0x28: {  	s2 =	sld [smem:$0x3FAE]  }
0x29: {  	s4 =	sld [smem:$0x3FB0]  }
0x2a: {  	p0 =	seq.s32 s5, $0x0;
	s5 =	sld [smem:$0x3FB1]  }
0x2b: {  	s6 =	sld [smem:$0x3FB2]  }
0x2c: {  	s7 =	sld [smem:$0x3FB3]  }
0x2d: {  	s3 =	simm.s32 $0x108;
	s8 =	sld [smem:$0x3FB4]  }
0x2e: {  	s3 =	simm.s32 @!p0 $0x1082;
	s9 =	sld [smem:$0x3FB5]  }
0x2f: {  	lr =	sadd.s32 s0, s3;
	s0 =	sld [smem:$0x3FAC]  }
0x30: {  	s3 =	sld [smem:$0x3FAF]  }
0x31: {  	[smem:$0x3FB8] =	sst s10  }
0x32: {  	s10 =	sld [smem:$0x3FB6];
	_ =	sdelay $0x3  }
0x33: {  	p0 =	seq.s32 s10, $0x1;
	s10 =	sld [smem:$0x3FB8];
	_ =	sdelay $0x3  }
0x34: {  	[smem:$0x3FB8] =	sst s10  }
0x35: {  	s10 =	sld [smem:$0x3FB7];
	_ =	sdelay $0x3  }
0x36: {  	p1 =	seq.s32 s10, $0x1;
	s10 =	sld [smem:$0x3FB8];
	_ =	sdelay $0x3  }
0x37: {  	[smem:$0x3FB8] =	sst s10  }
0x38: {  	s10 =	sld [smem:$0x3FB9]  }
0x39: {  	_ = 	snop;
	(pc) =	sbr.ind lr, $3  }
0x3a: {  	_ = 	snop  }
0x3b: {  	_ = 	snop  }
0x3c: {  	p2 =	seq.s32 s10, $0x1;
	s10 =	sld [smem:$0x3FB8]  }
0x3d: {  	_ =	shalt  }
0x3e: {  	_ =	shalt  }
0x3f: {  	_ =	shalt  }
0x40: {  	_ =	shalt  }
0x41: {  	_ =	shalt  }
0x42: {  	_ =	shalt  }
0x43: {  	_ =	shalt  }
0x44: {  	_ =	shalt  }
0x45: {  	_ =	shalt  }
0x46: {  	_ =	shalt  }
0x47: {  	_ =	shalt  }
0x48: {  	_ =	shalt  }
0x49: {  	_ =	shalt  }
0x4a: {  	_ =	shalt  }
0x4b: {  	_ =	shalt  }
0x4c: {  	_ =	shalt  }
0x4d: {  	_ =	shalt  }
0x4e: {  	_ =	shalt  }
0x4f: {  	_ =	shalt  }
0x50: {  	_ =	shalt  }
0x51: {  	_ =	shalt  }
0x52: {  	_ =	shalt  }
0x53: {  	_ =	shalt  }
0x54: {  	_ =	shalt  }
0x55: {  	_ =	shalt  }
0x56: {  	_ =	shalt  }
0x57: {  	_ =	shalt  }
0x58: {  	_ =	shalt  }
0x59: {  	_ =	shalt  }
0x5a: {  	_ =	shalt  }
0x5b: {  	_ =	shalt  }
0x5c: {  	_ =	shalt  }
0x5d: {  	_ =	shalt  }
0x5e: {  	_ =	shalt  }
0x5f: {  	_ =	shalt  }
0x60: {  	_ =	shalt  }
0x61: {  	_ =	shalt  }
0x62: {  	_ =	shalt  }
0x63: {  	_ =	shalt  }
0x64: {  	_ =	shalt  }
0x65: {  	_ =	shalt  }
0x66: {  	_ =	shalt  }
0x67: {  	_ =	shalt  }
0x68: {  	_ =	shalt  }
0x69: {  	_ =	shalt  }
0x6a: {  	_ =	shalt  }
0x6b: {  	_ =	shalt  }
0x6c: {  	_ =	shalt  }
0x6d: {  	_ =	shalt  }
0x6e: {  	_ =	shalt  }
0x6f: {  	_ =	shalt  }
0x70: {  	_ =	shalt  }
0x71: {  	_ =	shalt  }
0x72: {  	_ =	shalt  }
0x73: {  	_ =	shalt  }
0x74: {  	_ =	shalt  }
0x75: {  	_ =	shalt  }
0x76: {  	_ =	shalt  }
0x77: {  	_ =	shalt  }
0x78: {  	_ =	shalt  }
0x79: {  	_ =	shalt  }
0x7a: {  	_ =	shalt  }
0x7b: {  	_ =	shalt  }
0x7c: {  	_ =	shalt  }
0x7d: {  	_ =	shalt  }
0x7e: {  	_ =	shalt  }
0x7f: {  	_ =	shalt  }
0x80: {  	_ =	shalt  }
0x81: {  	_ =	shalt  }
0x82: {  	_ =	shalt  }
0x83: {  	_ =	shalt  }
0x84: {  	_ =	shalt  }
0x85: {  	_ =	shalt  }
0x86: {  	_ =	shalt  }
0x87: {  	_ =	shalt  }
.Lfunc_end0:
.L_simem_size_0:
called_computation_lowered:
.L_overlay_start_0:
0x88: {  	s2 =	sld [smem:$0x3FD9]  }
0x89: {  	s3 =	sld [smem:$0x3FFE];
	_ =	sdelay $0x1  }
0x8a: {  	s1 =	srdreg.scid  }
0x8b: {  	s0 =	sand.u32 $0x1, s1  }
0x8c: {  	s17 =	sshll.u32 s0, $0xA;
	s2 =	sadd.s32 s3, s2  }
0x8d: {  	s2 =	sadd.s32 s2, s17  }
0x8e: {  	[smem:$0x3FC4] =	sst s2  }
0x8f: {  	_ = 	snop  }
0x90: {  	s2 =	sld [smem:$0x3FD0];
	(tm) =	ssettm $0x1  }
0x91: {  	s18 =	sld [smem:$0x3FFB];
	_ =	sdelay $0x3  }
0x92: {  	_ =	strace s18  }
0x93: {  	s3 =	sld [smem:$0x3FFC];
	_ =	sdelay $0x3  }
0x94: {  	_ =	strace s3  }
0x95: {  	s3 =	sld [smem:$0x3FFD];
	_ =	sdelay $0x3  }
0x96: {  	_ =	strace s3  }
0x97: {  	_ =	strace $0x8FFFFFFF  }
0x98: {  	s19 =	sld [smem:$0x3FDB];
	_ =	sdelay $0x1  }
0x99: {  	s4 =	simm.s32 $_scs_section_size  }
0x9a: {  	s5 =	simm.s32 $_size__tile_overlayer_lowered;
	s6 =	simm.s32 $_tile_overlayer_lowered  }
0x9b: {  	s22 =	simm.s32 $0x1BFF;
	s21 =	sshll.u32 s6, $0x1;
	s3 =	sadd.s32 s4, s19  }
0x9c: {  	s7 =	simm.s32 $0x0;
	s20 =	sshll.u32 s5, $0x1;
	s5 =	sadd.s32 s21, s3  }
0x9d: {  	[timem:s7], [sflag:s22] =	dma.local [hbm:s5], s20  }
0x9e: {  	_ =	swait.ge [sflag:s22], s20  }
0x9f: {  	s4 =	ssub.s32 $0x0, s20;
	[sflag:s22] =	ssyncset.done $0x0  }
0xa0: {  	[sflag:s22] =	ssyncadd.s32 s4;
	_ =	sdelay $0x1  }
0xa1: {  	s23 =	simm.s32 $0x1B8B  }
0xa2: {  	_ =	swait.ge [sflag:s23], $0x1  }
0xa3: {  	[sflag:s23] =	ssyncset.done $0x0  }
0xa4: {  	s25 =	simm.s32 $0x1B8E;
	s24 =	sld [smem:$0x3FFE];
	[sflag:s23] =	ssyncadd.s32 $0xFFFFFFFF  }
0xa5: {  	s26 =	simm.s32 $execute0_lowered;
	[smem:$0x3FD2] =	sst s25  }
0xa6: {  	s5 =	sshll.u32 s26, $0x1;
	_ =	strace $0x80000046;
	[dreg:$0x1] =	wrdreg $0xFFFFFFFF  }
0xa7: {  	s28 =	simm.s32 $_size_execute0_lowered;
	s3 =	sadd.s32 s3, s5;
	[dreg:$0x0] =	wrdreg $0x0  }
0xa8: {  	s5 =	sshll.u32 s28, $0x1;
	[dreg:$0x2] =	wrdreg s3  }
0xa9: {  	[dreg:$0x3] =	wrdreg s5  }
0xaa: {  	[dreg:$0x4] =	wrdreg $0xC0  }
0xab: {  	_ =	task [dreg:s7], $0x5FFFF  }
0xac: {  	[dreg:$0x1] =	wrdreg $0xFFFFFFFF  }
0xad: {  	[dreg:$0x0] =	wrdreg $0x60  }
0xae: {  	[dreg:$0x2] =	wrdreg s2  }
0xaf: {  	[dreg:$0x3] =	wrdreg s24  }
0xb0: {  	[dreg:$0x4] =	wrdreg $0x0  }
0xb1: {  	[dreg:$0x5] =	wrdreg $0x8C800  }
0xb2: {  	[dreg:$0x6] =	wrdreg $0x9  }
0xb3: {  	_ =	task.clear_ibuf [dreg:s7], $0x7FFFF;
	_ =	strace $0x90000046  }
0xb4: {  	s29 =	simm.s32 $0x9;
	_ =	strace $0x80000052  }
0xb5: {  	_ =	swait.ge [sflag:s29], $0x1  }
0xb6: {  	[sflag:s29] =	ssyncadd.s32 $0xFFFFFFFF  }
0xb7: {  	_ =	strace $0x90000052  }
0xb8: {  	_ =	sfence  }
0xb9: {  	s30 =	sld [smem:$0x0];
	_ =	sdelay $0x2  }
0xba: {  	s31 =	sshll.u32 s1, $0xD;
	s1 =	sshrl.u32 s1, $0x2  }
0xbb: {  	s3 =	sand.u32 $0x4000, s31;
	s1 =	sadd.s32 s1, s30  }
0xbc: {  	s0 =	sor.u32 s3, s0;
	s1 =	sshll.u32 s1, $0x11  }
0xbd: {  	s0 =	sor.u32 s1, s0  }
0xbe: {  	s0 =	sadd.s32 $0x8F2B, s0  }
0xbf: {  	[sflag:s0] =	ssyncadd.remote.s32 $0x1  }
0xc0: {  	_ =	sfence.sel $0xFFFF  }
0xc1: {  	[dreg:$0x0] =	wrdreg $0xFFFFFFFF;
	(pc) =	sbr.abs _section_cstart, $3  }
0xc2: {  	[dreg:$0x1] =	wrdreg $0xFFFFFFFF  }
0xc3: {  	_ =	task.clear_ibuf [dreg:s7], $0x2FFFF;
	_ =	strace $0x9FFFFFFF  }
0xc4: {  	(tm) =	ssettm $0x7FFFFFFF  }
0xc5: {  	_ =	shalt  }
tec
execute0_lowered:
.L_overlay_start_1:
0x0: {  	(tag) =	ssettag $0x1  }
0x1: {  	s0 =	rddreg [dreg:$0x0]  }
0x2: {  	s2 =	rddreg [dreg:$0x1]  }
0x3: {  	s1 =	rddreg [dreg:$0x2]  }
0x4: {  	s3 =	rddreg [dreg:$0x3];
	s23 =	simm.s32 $0x0  }
0x5: {  	s4 =	srdreg.scid;
	s9 =	stileid.u32;
	s30 =	simm.s32 $0x3  }
0x6: {  	s29 =	simm.s32 $0x12700;
	s28 =	simm.s32 $0x16700;
	[smem:$0x7FF] =	sst s23  }
0x7: {  	s4 =	sand.u32 $0x1, s4;
	s7 =	smul.u32 $0x23200, s9;
	s5 =	sadd.s32 $0xC4BA00, s2  }
0x8: {  	s6 =	sadd.s32 $0x800, s2;
	s16 =	sshll.u32 s9, $0x1;
	s31 =	smul.u32 $0x4400, s9  }
0x9: {  	s12 =	smul.u32 $0x188, s9;
	_ =	strace $0x80000047;
	s8 =	ssub.s32 $0x2, s4  }
0xa: {  	s2 =	sor.u32 s4, s16;
	s4 =	smul.u32 $0x1880, s9;
	s15 =	sshrl.u32 s8, $0x1  }
0xb: {  	s7 =	sshrl.u32 s7, $0x2;
	s16 =	smul.u32 $0xC80, s2;
	[dreg:$0x12] =	wrdreg s12  }
0xc: {  	s2 =	smul.u32 $0x88, s9;
	s12 =	simm.s32 $0x1C4B0;
	s10 =	sadd.s32 s7, s1  }
0xd: {  	s8 =	ssub.s32 s8, s15;
	s17 =	sadd.s32 $0x1190, s10;
	[dreg:$0x6] =	wrdreg s10  }
0xe: {  	s22 =	sshrl.u32 s4, $0x3;
	s7 =	sadd.s32 $0x2320, s10;
	[dreg:$0x7] =	wrdreg s17  }
0xf: {  	v9 =	vimm.s32 $0xEDCBA987;
	v10 =	vimm.s32 $0x186A0;
	s15 =	sshrl.u32 s31, $0x2;
	s18 =	sadd.s32 $0x34B0, s10;
	[dreg:$0x8] =	wrdreg s7  }
0x10: {  	v1 =	vlaneseq.u32;
	v12 =	vimm.s32 $0x65432100;
	v15 =	vimm.s32 $0xDCBA9876;
	s19 =	sadd.s32 $0x4640, s10;
	s20 =	sadd.s32 $0x57D0, s10;
	[dreg:$0x9] =	wrdreg s18  }
0x11: {  	v18 =	vimm.s32 $0xE40000;
	v19 =	vimm.s32 $0x32100000;
	vm0 =	vmmov $0x3;
	s21 =	sadd.s32 $0x6960, s10;
	s10 =	sadd.s32 $0x7AF0, s10;
	[dreg:$0xa] =	wrdreg s19  }
0x12: {  	vm2 =	vcmask $0x3F30;
	v11 =	vunpack.c.l.s4.s8 v9;
	v13 =	vunpack.c.l.s4.s8 v12;
	s24 =	sadd.s32 s0, s22;
	s13 =	sshrl.u32 s16, $0x3;
	[dreg:$0xb] =	wrdreg s20  }
0x13: {  	vm1 =	vmmov $0xf;
	v12 =	vimm.f32 $0.0e+00;
	v15 =	vunpack.c.l.s4.s8 v15;
	s22 =	sadd.s32 s15, s3;
	s15 =	sadd.s32 $0x20, s2;
	[dreg:$0xc] =	wrdreg s21  }
0x14: {  	v14 =	vunpack.c.0.s8.s32 v11;
	v16 =	vunpack.c.0.s8.s32 v13;
	v13 =	vimm.s32 $0x54321000;
	s9 =	sadd.s32 $0x40, s2;
	s31 =	sadd.s32 $0x70, s2;
	[dreg:$0xd] =	wrdreg s10  }
0x15: {  	v11 =	vor.u32 $0x8C610, v1;
	v15 =	vunpack.c.0.s8.s32 v15;
	v17 =	vunpack.c.l.s4.s8 v13;
	s25 =	sadd.s32 $0x3200, s24;
	s26 =	sadd.s32 $0x6400, s24;
	[dreg:$0xe] =	wrdreg s24  }
0x16: {  	v13 =	vimm.s32 $0x2932E0;
	v2 =	vadd.s32 s2, v1;
	v14 =	vand.u32 $0xF, v14;
	s11 =	sadd.s32 $0x9600, s24;
	s14 =	sadd.s32 s0, s13;
	[dreg:$0xf] =	wrdreg s25  }
0x17: {  	s17 =	smax.u32 s8, $0x1;
	s18 =	sor.u32 $0x70, s4;
	v4 =	vadd.s32 s15, v1;
	v6 =	vadd.s32 s9, v1;
	v9 =	vadd.s32 s31, v1;
	[dreg:$0x10] =	wrdreg s26  }
0x18: {  	s13 =	sadd.s32 $0x80, s2;
	s24 =	sadd.s32 $0x30, s2;
	v14 =	vcombine.low v16, v14;
	v16 =	vunpack.c.l.s2.s4 v18;
	v17 =	vunpack.c.0.s8.s32 v17;
	[dreg:$0x11] =	wrdreg s11  }
0x19: {  	s10 =	simm.s32 $0x80;
	s15 =	simm.s32 $0x1;
	v18 =	vand.u32 $0xF, v15;
	v15 =	vimm.s32 $0xBA987654;
	[dreg:$0x14] =	wrdreg s17;
	v0 =	vmov s13  }
0x1a: {  	s7 =	simm.s32 $0x19A90;
	[dreg:$0x15] =	wrdreg s18;
	s19 =	sadd.s32 $0x3200, s14;
	v5 =	vadd.s32 s24, v1;
	v20 =	vunpack.c.l.s4.s8 v15;
	v21 =	vunpack.c.l.s4.s8 v16  }
0x1b: {  	s20 =	sadd.s32 $0x6400, s14;
	[dreg:$0x13] =	wrdreg s14;
	s21 =	sadd.s32 $0x9600, s14;
	v15 =	vimm.s32 $0x0;
	v16 =	vcombine.low v17, v18;
	v17 =	vunpack.c.l.s4.s8 v19  }
0x1c: {  	s14 =	sadd.s32 $0x10, s2;
	s25 =	sadd.s32 $0x50, s2;
	s26 =	sadd.s32 $0x60, s2;
	v19 =	vimm.s32 $0x7060504;
	v18 =	vunpack.c.0.s8.s32 v20;
	v20 =	vunpack.c.0.s8.s32 v21  }
0x1d: {  	s11 =	simm.s32 $0x1C430;
	s13 =	simm.s32 $0x13700;
	[dreg:$0x16] =	wrdreg s19;
	v3 =	vadd.s32 s14, v1;
	v19 =	vunpack.c.0.s8.s32 v19;
	v17 =	vunpack.c.0.s8.s32 v17  }
0x1e: {  	s17 =	simm.s32 $0x14700;
	s18 =	simm.s32 $0x18700;
	[dreg:$0x17] =	wrdreg s20;
	v7 =	vadd.s32 s25, v1;
	v18 =	vand.u32 $0xF, v18;
	v20 =	vand.u32 $0x3, v20  }
0x1f: {  	[dreg:$0x18] =	wrdreg s21;
	v8 =	vadd.s32 s26, v1;
	s21 =	simm.s32 $0x19700;
	s20 =	simm.s32 $0x40;
	v17 =	vcombine.low v17, v18;
	v18 =	vsel vm2, v19, v20  }
0x20: {  	s19 =	simm.s32 $0x15700;
	s14 =	simm.s32 $0x17700;
	s25 =	simm.s32 $0x2;
	vm2 =	vmmov $0xff;
	v19 =	vimm.s32 $0xF;
	v20 =	vor.u32 $0x380, v1  }
.LBB2_1:
0x21: {  	[dreg:$0x5] =	wrdreg s23  }
0x22: {  	s2 =	simm.s32 $0x40;
	s4 =	simm.s32 $0x0;
	_ =	strace $0x80000048  }
.LBB2_2:
0x23: {  	p0 =	sne.s32 s2, $0x4600;
	[tilespmem:s4+$0x1B2A0] =	vst v10;
	s4 =	smov.u32 s2;
	s2 =	sadd.s32 $0x40, s2  }
.Ltmp0:
0x24: {  	(pc) =	sbr.rel @p0 .LBB2_2-.Ltmp0, $2  }
0x25: {  	_ =	sdelay $0x2  }
0x26: {  	s4 =	sshra.s32 s4, $0x2  }
0x27: {  	[tilespmem:s4+$0x1B2A0] =	vst v10;
	s0 =	rddreg [dreg:$0x6];
	s2 =	simm.s32 $0x1B2A0  }
0x28: {  	[spmem:s0] =	stream.linear.scatter [tilespmem:s2], [sflag:$0x3], $0x1190, $0x200038;
	[tilespmem:$0x1C530] =	vst v63  }
0x29: {  	_ =	swait.ge [sflag:s30], $0x1190  }
0x2a: {  	[sflag:s30] =	ssyncset.done $0x0  }
0x2b: {  	s23 =	rddreg [dreg:$0x7];
	[sflag:s30] =	ssyncadd.s32 $0xFFFFEE70  }
0x2c: {  	[spmem:s23] =	stream.linear.scatter [tilespmem:s2], [sflag:$0x3], $0x1190, $0x200038;
	[tilespmem:$0x1C530] =	vst v63  }
0x2d: {  	_ =	swait.ge [sflag:s30], $0x1190  }
0x2e: {  	[sflag:s30] =	ssyncset.done $0x0  }
0x2f: {  	s24 =	rddreg [dreg:$0x8];
	[sflag:s30] =	ssyncadd.s32 $0xFFFFEE70  }
0x30: {  	[spmem:s24] =	stream.linear.scatter [tilespmem:s2], [sflag:$0x3], $0x1190, $0x200038;
	[tilespmem:$0x1C530] =	vst v63  }
0x31: {  	_ =	swait.ge [sflag:s30], $0x1190  }
0x32: {  	[sflag:s30] =	ssyncset.done $0x0  }
0x33: {  	s26 =	rddreg [dreg:$0x9];
	[sflag:s30] =	ssyncadd.s32 $0xFFFFEE70  }
0x34: {  	[spmem:s26] =	stream.linear.scatter [tilespmem:s2], [sflag:$0x3], $0x1190, $0x200038;
	[tilespmem:$0x1C530] =	vst v63  }
0x35: {  	_ =	swait.ge [sflag:s30], $0x1190  }
0x36: {  	[sflag:s30] =	ssyncset.done $0x0  }
0x37: {  	s31 =	rddreg [dreg:$0xa];
	[sflag:s30] =	ssyncadd.s32 $0xFFFFEE70  }
0x38: {  	[spmem:s31] =	stream.linear.scatter [tilespmem:s2], [sflag:$0x3], $0x1190, $0x200038;
	[tilespmem:$0x1C530] =	vst v63  }
0x39: {  	_ =	swait.ge [sflag:s30], $0x1190  }
0x3a: {  	[sflag:s30] =	ssyncset.done $0x0  }
0x3b: {  	s4 =	rddreg [dreg:$0xb];
	[sflag:s30] =	ssyncadd.s32 $0xFFFFEE70  }
0x3c: {  	[spmem:s4] =	stream.linear.scatter [tilespmem:s2], [sflag:$0x3], $0x1190, $0x200038;
	[tilespmem:$0x1C530] =	vst v63  }
0x3d: {  	_ =	swait.ge [sflag:s30], $0x1190  }
0x3e: {  	[sflag:s30] =	ssyncset.done $0x0  }
0x3f: {  	s8 =	rddreg [dreg:$0xc];
	[sflag:s30] =	ssyncadd.s32 $0xFFFFEE70  }
0x40: {  	[spmem:s8] =	stream.linear.scatter [tilespmem:s2], [sflag:$0x3], $0x1190, $0x200038;
	[tilespmem:$0x1C530] =	vst v63  }
0x41: {  	_ =	swait.ge [sflag:s30], $0x1190  }
0x42: {  	[sflag:s30] =	ssyncset.done $0x0  }
0x43: {  	s9 =	rddreg [dreg:$0xd];
	[sflag:s30] =	ssyncadd.s32 $0xFFFFEE70  }
0x44: {  	[spmem:s9] =	stream.linear.scatter [tilespmem:s2], [sflag:$0x3], $0x1190, $0x200038;
	[tilespmem:$0x1C530] =	vst v63  }
0x45: {  	_ =	swait.ge [sflag:s30], $0x1190  }
0x46: {  	[sflag:s30] =	ssyncset.done $0x0  }
0x47: {  	[sflag:s30] =	ssyncadd.s32 $0xFFFFEE70  }
0x48: {  	[bflag:$0x0] =	sbarrier.arrive $0xFFFF  }
0x49: {  	_ =	strace $0x90000048  }
0x4a: {  	_ =	strace $0x80000049  }
0x4b: {  	s24 =	simm.s32 $0x9D80;
	s2 =	simm.s32 $0x0;
	s23 =	rddreg [dreg:$0xe]  }
0x4c: {  	[tilespmem:s24], [sflag:$0x3] =	stream.linear.gather [hbm4b:s23+s2], $0x1880, $0x200038;
	[tilespmem:$0x1C530] =	vst v63  }
0x4d: {  	_ =	swait.ge [sflag:s30], $0x1880  }
0x4e: {  	[sflag:s30] =	ssyncset.done $0x0  }
0x4f: {  	s31 =	simm.s32 $0xB600;
	s26 =	rddreg [dreg:$0xf];
	[sflag:s30] =	ssyncadd.s32 $0xFFFFE780  }
0x50: {  	[tilespmem:s31], [sflag:$0x3] =	stream.linear.gather [hbm4b:s26+s2], $0x1880, $0x200038;
	[tilespmem:$0x1C530] =	vst v63  }
0x51: {  	_ =	swait.ge [sflag:s30], $0x1880  }
0x52: {  	[sflag:s30] =	ssyncset.done $0x0  }
0x53: {  	s9 =	simm.s32 $0xCE80;
	s8 =	rddreg [dreg:$0x10];
	[sflag:s30] =	ssyncadd.s32 $0xFFFFE780  }
0x54: {  	[tilespmem:s9], [sflag:$0x3] =	stream.linear.gather [hbm4b:s8+s2], $0x1880, $0x200038;
	[tilespmem:$0x1C530] =	vst v63  }
0x55: {  	_ =	swait.ge [sflag:s30], $0x1880  }
0x56: {  	[sflag:s30] =	ssyncset.done $0x0  }
0x57: {  	s24 =	simm.s32 $0xE700;
	s23 =	rddreg [dreg:$0x11];
	[sflag:s30] =	ssyncadd.s32 $0xFFFFE780  }
0x58: {  	[tilespmem:s24], [sflag:$0x3] =	stream.linear.gather [hbm4b:s23+s2], $0x1880, $0x200038;
	[tilespmem:$0x1C530] =	vst v63  }
0x59: {  	_ =	swait.ge [sflag:s30], $0x1880  }
0x5a: {  	[sflag:s30] =	ssyncset.done $0x0  }
0x5b: {  	s4 =	simm.s32 $0x0;
	[sflag:s30] =	ssyncadd.s32 $0xFFFFE780  }
0x5c: {  	v21 =	vld [tilespmem:s4+$0x9D80];
	_ =	sdelay $0x1  }
0x5d: {  	v22 =	vld [tilespmem:s4+$0xB600];
	_ =	sdelay $0x2  }
0x5e: {  	v23 =	vld [tilespmem:s4+$0xCE80];
	v21 =	vmul.u32 $0x42, v21;
	_ =	sdelay $0x1  }
0x5f: {  	v21 =	vadd.s32 v22, v21  }
0x60: {  	v21 =	vmul.u32 $0x42, v21  }
0x61: {  	v22 =	vld [tilespmem:s4+$0xE700]  }
0x62: {  	v21 =	vadd.s32 v21, v23  }
0x63: {  	v21 =	vmul.u32 $0x42, v21;
	_ =	sdelay $0x1  }
0x64: {  	s8 =	rddreg [dreg:$0x15];
	v21 =	vadd.s32 $0x1104, v21  }
0x65: {  	s0 =	rddreg [dreg:$0x12];
	s26 =	sadd.s32 $0xFFFFFF90, s8;
	v21 =	vadd.s32 v21, v22  }
0x66: {  	p0 =	slt.u32 s0, $0x186A;
	v22 =	vor.u32 s26, v1;
	v21 =	vadd.s32 $0x43, v21  }
0x67: {  	[tilespmem:$0x1C4B0] =	vst v22;
	v21 =	vpsel p0, v21, v11  }
0x68: {  	[tilespmem:$0x1C430] =	vst v21  }
0x69: {  	v21 =	vld [tilespmem:s4+$0x9D90];
	_ =	sdelay $0x1  }
0x6a: {  	v22 =	vld [tilespmem:s4+$0xB610];
	_ =	sdelay $0x2  }
0x6b: {  	v23 =	vld [tilespmem:s4+$0xCE90];
	v21 =	vmul.u32 $0x42, v21;
	_ =	sdelay $0x1  }
0x6c: {  	v21 =	vadd.s32 v22, v21  }
0x6d: {  	v21 =	vmul.u32 $0x42, v21  }
0x6e: {  	v22 =	vld [tilespmem:s4+$0xE710]  }
0x6f: {  	v21 =	vadd.s32 v21, v23  }
0x70: {  	v21 =	vmul.u32 $0x42, v21;
	_ =	sdelay $0x1  }
0x71: {  	v21 =	vadd.s32 $0x1104, v21  }
0x72: {  	s31 =	sadd.s32 $0xFFFFFFA0, s8;
	v21 =	vadd.s32 v21, v22  }
0x73: {  	v22 =	vor.u32 s31, v1;
	v21 =	vadd.s32 $0x43, v21  }
0x74: {  	[tilespmem:$0x1C4C0] =	vst v22;
	v21 =	vpsel p0, v21, v11  }
0x75: {  	[tilespmem:$0x1C440] =	vst v21  }
0x76: {  	v21 =	vld [tilespmem:s4+$0x9DA0];
	_ =	sdelay $0x1  }
0x77: {  	v22 =	vld [tilespmem:s4+$0xB620];
	_ =	sdelay $0x2  }
0x78: {  	v23 =	vld [tilespmem:s4+$0xCEA0];
	v21 =	vmul.u32 $0x42, v21;
	_ =	sdelay $0x1  }
0x79: {  	v21 =	vadd.s32 v22, v21  }
0x7a: {  	v21 =	vmul.u32 $0x42, v21  }
0x7b: {  	v22 =	vld [tilespmem:s4+$0xE720]  }
0x7c: {  	v21 =	vadd.s32 v21, v23  }
0x7d: {  	v21 =	vmul.u32 $0x42, v21;
	_ =	sdelay $0x1  }
0x7e: {  	v21 =	vadd.s32 $0x1104, v21  }
0x7f: {  	s9 =	sadd.s32 $0xFFFFFFB0, s8;
	v21 =	vadd.s32 v21, v22  }
0x80: {  	p1 =	slt.u32 s9, $0x186A0;
	v22 =	vor.u32 s9, v1;
	v21 =	vadd.s32 $0x43, v21  }
0x81: {  	[tilespmem:$0x1C4D0] =	vst v22;
	v21 =	vpsel p1, v21, v11  }
0x82: {  	[tilespmem:$0x1C450] =	vst v21  }
0x83: {  	v21 =	vld [tilespmem:s4+$0x9DB0];
	_ =	sdelay $0x1  }
0x84: {  	v22 =	vld [tilespmem:s4+$0xB630];
	_ =	sdelay $0x2  }
0x85: {  	v23 =	vld [tilespmem:s4+$0xCEB0];
	v21 =	vmul.u32 $0x42, v21;
	_ =	sdelay $0x1  }
0x86: {  	v21 =	vadd.s32 v22, v21  }
0x87: {  	v21 =	vmul.u32 $0x42, v21  }
0x88: {  	v22 =	vld [tilespmem:s4+$0xE730]  }
0x89: {  	v21 =	vadd.s32 v21, v23  }
0x8a: {  	v21 =	vmul.u32 $0x42, v21;
	_ =	sdelay $0x1  }
0x8b: {  	v21 =	vadd.s32 $0x1104, v21  }
0x8c: {  	s23 =	sadd.s32 $0xFFFFFFC0, s8;
	v21 =	vadd.s32 v21, v22  }
0x8d: {  	p2 =	slt.u32 s23, $0x186A0;
	v22 =	vor.u32 s23, v1;
	v21 =	vadd.s32 $0x43, v21  }
0x8e: {  	[tilespmem:$0x1C4E0] =	vst v22;
	v21 =	vpsel p2, v21, v11  }
0x8f: {  	[tilespmem:$0x1C460] =	vst v21  }
0x90: {  	v21 =	vld [tilespmem:s4+$0x9DC0];
	_ =	sdelay $0x1  }
0x91: {  	v22 =	vld [tilespmem:s4+$0xB640];
	_ =	sdelay $0x2  }
0x92: {  	v23 =	vld [tilespmem:s4+$0xCEC0];
	v21 =	vmul.u32 $0x42, v21;
	_ =	sdelay $0x1  }
0x93: {  	v21 =	vadd.s32 v22, v21  }
0x94: {  	v21 =	vmul.u32 $0x42, v21  }
0x95: {  	v22 =	vld [tilespmem:s4+$0xE740]  }
0x96: {  	v21 =	vadd.s32 v21, v23  }
0x97: {  	v21 =	vmul.u32 $0x42, v21;
	_ =	sdelay $0x1  }
0x98: {  	v21 =	vadd.s32 $0x1104, v21  }
0x99: {  	s24 =	sadd.s32 $0xFFFFFFD0, s8;
	v21 =	vadd.s32 v21, v22  }
0x9a: {  	p3 =	slt.u32 s24, $0x186A0;
	v22 =	vor.u32 s24, v1;
	v21 =	vadd.s32 $0x43, v21  }
0x9b: {  	[tilespmem:$0x1C4F0] =	vst v22;
	v21 =	vpsel p3, v21, v11  }
0x9c: {  	[tilespmem:$0x1C470] =	vst v21  }
0x9d: {  	v21 =	vld [tilespmem:s4+$0x9DD0];
	_ =	sdelay $0x1  }
0x9e: {  	v22 =	vld [tilespmem:s4+$0xB650];
	_ =	sdelay $0x2  }
0x9f: {  	v23 =	vld [tilespmem:s4+$0xCED0];
	v21 =	vmul.u32 $0x42, v21;
	_ =	sdelay $0x1  }
0xa0: {  	v21 =	vadd.s32 v22, v21  }
0xa1: {  	v21 =	vmul.u32 $0x42, v21  }
0xa2: {  	v22 =	vld [tilespmem:s4+$0xE750]  }
0xa3: {  	v21 =	vadd.s32 v21, v23  }
0xa4: {  	v21 =	vmul.u32 $0x42, v21;
	_ =	sdelay $0x1  }
0xa5: {  	v21 =	vadd.s32 $0x1104, v21  }
0xa6: {  	s26 =	sadd.s32 $0xFFFFFFE0, s8;
	v21 =	vadd.s32 v21, v22  }
0xa7: {  	p4 =	slt.u32 s26, $0x186A0;
	v22 =	vor.u32 s26, v1;
	v21 =	vadd.s32 $0x43, v21  }
0xa8: {  	[tilespmem:$0x1C500] =	vst v22;
	v21 =	vpsel p4, v21, v11  }
0xa9: {  	[tilespmem:$0x1C480] =	vst v21  }
0xaa: {  	v21 =	vld [tilespmem:s4+$0x9DE0];
	_ =	sdelay $0x1  }
0xab: {  	v22 =	vld [tilespmem:s4+$0xB660];
	_ =	sdelay $0x2  }
0xac: {  	v23 =	vld [tilespmem:s4+$0xCEE0];
	v21 =	vmul.u32 $0x42, v21;
	_ =	sdelay $0x1  }
0xad: {  	v21 =	vadd.s32 v22, v21  }
0xae: {  	v21 =	vmul.u32 $0x42, v21  }
0xaf: {  	v22 =	vld [tilespmem:s4+$0xE760]  }
0xb0: {  	v21 =	vadd.s32 v21, v23  }
0xb1: {  	v21 =	vmul.u32 $0x42, v21;
	_ =	sdelay $0x1  }
0xb2: {  	v21 =	vadd.s32 $0x1104, v21  }
0xb3: {  	s31 =	sadd.s32 $0xFFFFFFF0, s8;
	v21 =	vadd.s32 v21, v22  }
0xb4: {  	p5 =	slt.u32 s31, $0x186A0;
	v22 =	vor.u32 s31, v1;
	v21 =	vadd.s32 $0x43, v21  }
0xb5: {  	[tilespmem:$0x1C510] =	vst v22;
	v21 =	vpsel p5, v21, v11  }
0xb6: {  	[tilespmem:$0x1C490] =	vst v21  }
0xb7: {  	v21 =	vld [tilespmem:s4+$0x9DF0];
	_ =	sdelay $0x1  }
0xb8: {  	v22 =	vld [tilespmem:s4+$0xB670];
	_ =	sdelay $0x2  }
0xb9: {  	v23 =	vld [tilespmem:s4+$0xCEF0];
	v21 =	vmul.u32 $0x42, v21;
	_ =	sdelay $0x1  }
0xba: {  	v21 =	vadd.s32 v22, v21  }
0xbb: {  	v21 =	vmul.u32 $0x42, v21  }
0xbc: {  	v22 =	vld [tilespmem:s4+$0xE770]  }
0xbd: {  	v21 =	vadd.s32 v21, v23  }
0xbe: {  	v21 =	vmul.u32 $0x42, v21;
	_ =	sdelay $0x1  }
0xbf: {  	v21 =	vadd.s32 $0x1104, v21  }
0xc0: {  	v21 =	vadd.s32 v21, v22  }
0xc1: {  	p6 =	slt.u32 s8, $0x186A0;
	v22 =	vor.u32 s8, v1;
	v21 =	vadd.s32 $0x43, v21  }
0xc2: {  	[tilespmem:$0x1C520] =	vst v22;
	v21 =	vpsel p6, v21, v11  }
0xc3: {  	[tilespmem:$0x1C4A0] =	vst v21  }
0xc4: {  	[spmem:s1] =	stream.indirect.scatter [tilespmem:s12], [sflag:$0x3], $0x1, s11, s10, $0x2000b8;
	[tilespmem:$0x1C530] =	vst v63  }
0xc5: {  	s2 =	simm.s32 $0x400;
	s9 =	sadd.s32 $0x80, s8;
	_ =	swait.ge [sflag:s30], $0x80  }
0xc6: {  	s23 =	sadd.s32 $0x8, s0;
	s26 =	simm.s32 $0x200;
	[sflag:s30] =	ssyncset.done $0x0  }
.LBB2_4:
0xc7: {  	s24 =	sshra.s32 s26, $0x2  }
0xc8: {  	[sflag:s30] =	ssyncadd.s32 $0xFFFFFF80;
	s26 =	smov.u32 s2;
	s4 =	sadd.s32 $0x200, s2  }
0xc9: {  	p0 =	sne.s32 s2, $0x6000;
	v21 =	vld [tilespmem:s24+$0x9D80];
	_ =	sdelay $0x1  }
0xca: {  	v22 =	vld [tilespmem:s24+$0xB600];
	_ =	sdelay $0x2  }
0xcb: {  	v23 =	vld [tilespmem:s24+$0xCE80];
	v21 =	vmul.u32 $0x42, v21;
	_ =	sdelay $0x1  }
0xcc: {  	v21 =	vadd.s32 v22, v21  }
0xcd: {  	v21 =	vmul.u32 $0x42, v21  }
0xce: {  	v22 =	vld [tilespmem:s24+$0xE700]  }
0xcf: {  	v21 =	vadd.s32 v21, v23  }
0xd0: {  	v21 =	vmul.u32 $0x42, v21;
	_ =	sdelay $0x1  }
0xd1: {  	v21 =	vadd.s32 $0x1104, v21  }
0xd2: {  	s2 =	sadd.s32 $0xFFFFFF90, s9;
	v21 =	vadd.s32 v21, v22  }
0xd3: {  	p1 =	slt.u32 s23, $0x186A;
	v22 =	vor.u32 s2, v1;
	v21 =	vadd.s32 $0x43, v21  }
0xd4: {  	v21 =	vpsel p1, v21, v11;
	[tilespmem:$0x1C4B0] =	vst v22  }
0xd5: {  	[tilespmem:$0x1C430] =	vst v21  }
0xd6: {  	v21 =	vld [tilespmem:s24+$0x9D90];
	_ =	sdelay $0x1  }
0xd7: {  	v22 =	vld [tilespmem:s24+$0xB610];
	_ =	sdelay $0x2  }
0xd8: {  	v23 =	vld [tilespmem:s24+$0xCE90];
	v21 =	vmul.u32 $0x42, v21;
	_ =	sdelay $0x1  }
0xd9: {  	v21 =	vadd.s32 v22, v21  }
0xda: {  	v21 =	vmul.u32 $0x42, v21  }
0xdb: {  	v22 =	vld [tilespmem:s24+$0xE710]  }
0xdc: {  	v21 =	vadd.s32 v21, v23  }
0xdd: {  	v21 =	vmul.u32 $0x42, v21;
	_ =	sdelay $0x1  }
0xde: {  	v21 =	vadd.s32 $0x1104, v21  }
0xdf: {  	s2 =	sadd.s32 $0xFFFFFFA0, s9;
	v21 =	vadd.s32 v21, v22  }
0xe0: {  	v22 =	vor.u32 s2, v1;
	v21 =	vadd.s32 $0x43, v21  }
0xe1: {  	v21 =	vpsel p1, v21, v11;
	[tilespmem:$0x1C4C0] =	vst v22  }
0xe2: {  	[tilespmem:$0x1C440] =	vst v21  }
0xe3: {  	v21 =	vld [tilespmem:s24+$0x9DA0];
	_ =	sdelay $0x1  }
0xe4: {  	v22 =	vld [tilespmem:s24+$0xB620];
	_ =	sdelay $0x2  }
0xe5: {  	v23 =	vld [tilespmem:s24+$0xCEA0];
	v21 =	vmul.u32 $0x42, v21;
	_ =	sdelay $0x1  }
0xe6: {  	v21 =	vadd.s32 v22, v21  }
0xe7: {  	v21 =	vmul.u32 $0x42, v21  }
0xe8: {  	v22 =	vld [tilespmem:s24+$0xE720]  }
0xe9: {  	v21 =	vadd.s32 v21, v23  }
0xea: {  	v21 =	vmul.u32 $0x42, v21;
	_ =	sdelay $0x1  }
0xeb: {  	v21 =	vadd.s32 $0x1104, v21  }
0xec: {  	s2 =	sadd.s32 $0xFFFFFFB0, s9;
	v21 =	vadd.s32 v21, v22  }
0xed: {  	p1 =	slt.u32 s2, $0x186A0;
	v22 =	vor.u32 s2, v1;
	v21 =	vadd.s32 $0x43, v21  }
0xee: {  	v21 =	vpsel p1, v21, v11;
	[tilespmem:$0x1C4D0] =	vst v22  }
0xef: {  	[tilespmem:$0x1C450] =	vst v21  }
0xf0: {  	v21 =	vld [tilespmem:s24+$0x9DB0];
	_ =	sdelay $0x1  }
0xf1: {  	v22 =	vld [tilespmem:s24+$0xB630];
	_ =	sdelay $0x2  }
0xf2: {  	v23 =	vld [tilespmem:s24+$0xCEB0];
	v21 =	vmul.u32 $0x42, v21;
	_ =	sdelay $0x1  }
0xf3: {  	v21 =	vadd.s32 v22, v21  }
0xf4: {  	v21 =	vmul.u32 $0x42, v21  }
0xf5: {  	v22 =	vld [tilespmem:s24+$0xE730]  }
0xf6: {  	v21 =	vadd.s32 v21, v23  }
0xf7: {  	v21 =	vmul.u32 $0x42, v21;
	_ =	sdelay $0x1  }
0xf8: {  	v21 =	vadd.s32 $0x1104, v21  }
0xf9: {  	s2 =	sadd.s32 $0xFFFFFFC0, s9;
	v21 =	vadd.s32 v21, v22  }
0xfa: {  	p1 =	slt.u32 s2, $0x186A0;
	v22 =	vor.u32 s2, v1;
	v21 =	vadd.s32 $0x43, v21  }
0xfb: {  	v21 =	vpsel p1, v21, v11;
	[tilespmem:$0x1C4E0] =	vst v22  }
0xfc: {  	[tilespmem:$0x1C460] =	vst v21  }
0xfd: {  	v21 =	vld [tilespmem:s24+$0x9DC0];
	_ =	sdelay $0x1  }
0xfe: {  	v22 =	vld [tilespmem:s24+$0xB640];
	_ =	sdelay $0x2  }
0xff: {  	v23 =	vld [tilespmem:s24+$0xCEC0];
	v21 =	vmul.u32 $0x42, v21;
	_ =	sdelay $0x1  }
0x100: {  	v21 =	vadd.s32 v22, v21  }
0x101: {  	s2 =	sadd.s32 $0xFFFFFFD0, s9;
	v21 =	vmul.u32 $0x42, v21  }
0x102: {  	v24 =	vor.u32 s2, v1;
	v22 =	vld [tilespmem:s24+$0xE740]  }
0x103: {  	v21 =	vadd.s32 v21, v23;
	[tilespmem:$0x1C4F0] =	vst v24  }
0x104: {  	v21 =	vmul.u32 $0x42, v21;
	_ =	sdelay $0x1  }
0x105: {  	v21 =	vadd.s32 $0x1104, v21  }
0x106: {  	v21 =	vadd.s32 v21, v22  }
0x107: {  	p1 =	slt.u32 s2, $0x186A0;
	v21 =	vadd.s32 $0x43, v21  }
0x108: {  	v21 =	vpsel p1, v21, v11  }
0x109: {  	[tilespmem:$0x1C470] =	vst v21  }
0x10a: {  	v21 =	vld [tilespmem:s24+$0x9DD0]  }
0x10b: {  	v22 =	vld [tilespmem:s24+$0xE750]  }
0x10c: {  	v23 =	vld [tilespmem:s24+$0xB650];
	_ =	sdelay $0x1  }
0x10d: {  	s2 =	sadd.s32 $0xFFFFFFE0, s9  }
0x10e: {  	v25 =	vor.u32 s2, v1;
	v24 =	vld [tilespmem:s24+$0xCED0];
	v21 =	vmul.u32 $0x42, v21  }
0x10f: {  	[tilespmem:$0x1C500] =	vst v25  }
0x110: {  	v21 =	vadd.s32 v23, v21  }
0x111: {  	v21 =	vmul.u32 $0x42, v21;
	_ =	sdelay $0x1  }
0x112: {  	v21 =	vadd.s32 v21, v24  }
0x113: {  	v21 =	vmul.u32 $0x42, v21;
	_ =	sdelay $0x1  }
0x114: {  	v21 =	vadd.s32 $0x1104, v21  }
0x115: {  	v21 =	vadd.s32 v21, v22  }
0x116: {  	p1 =	slt.u32 s2, $0x186A0;
	v21 =	vadd.s32 $0x43, v21  }
0x117: {  	v21 =	vpsel p1, v21, v11  }
0x118: {  	[tilespmem:$0x1C480] =	vst v21  }
0x119: {  	v21 =	vld [tilespmem:s24+$0x9DE0]  }
0x11a: {  	v22 =	vld [tilespmem:s24+$0xB660]  }
0x11b: {  	s2 =	sadd.s32 $0xFFFFFFF0, s9;
	v23 =	vld [tilespmem:s24+$0xCEE0]  }
0x11c: {  	v25 =	vor.u32 s2, v1;
	v24 =	vld [tilespmem:s24+$0xE760]  }
0x11d: {  	[tilespmem:$0x1C510] =	vst v25  }
0x11e: {  	v21 =	vmul.u32 $0x42, v21;
	_ =	sdelay $0x1  }
0x11f: {  	v21 =	vadd.s32 v22, v21  }
0x120: {  	v21 =	vmul.u32 $0x42, v21;
	_ =	sdelay $0x1  }
0x121: {  	v21 =	vadd.s32 v21, v23  }
0x122: {  	v21 =	vmul.u32 $0x42, v21;
	_ =	sdelay $0x1  }
0x123: {  	v21 =	vadd.s32 $0x1104, v21  }
0x124: {  	v21 =	vadd.s32 v21, v24  }
0x125: {  	p1 =	slt.u32 s2, $0x186A0;
	v21 =	vadd.s32 $0x43, v21  }
0x126: {  	v21 =	vpsel p1, v21, v11  }
0x127: {  	[tilespmem:$0x1C490] =	vst v21  }
0x128: {  	v21 =	vld [tilespmem:s24+$0x9DF0]  }
0x129: {  	v22 =	vld [tilespmem:s24+$0xB670]  }
0x12a: {  	v23 =	vld [tilespmem:s24+$0xCEF0]  }
0x12b: {  	v25 =	vor.u32 s9, v1;
	v24 =	vld [tilespmem:s24+$0xE770]  }
0x12c: {  	[tilespmem:$0x1C520] =	vst v25  }
0x12d: {  	v21 =	vmul.u32 $0x42, v21;
	_ =	sdelay $0x1  }
0x12e: {  	v21 =	vadd.s32 v22, v21  }
0x12f: {  	v21 =	vmul.u32 $0x42, v21;
	_ =	sdelay $0x1  }
0x130: {  	v21 =	vadd.s32 v21, v23  }
0x131: {  	v21 =	vmul.u32 $0x42, v21;
	_ =	sdelay $0x1  }
0x132: {  	v21 =	vadd.s32 $0x1104, v21  }
0x133: {  	v21 =	vadd.s32 v21, v24  }
0x134: {  	p1 =	slt.u32 s9, $0x186A0;
	v21 =	vadd.s32 $0x43, v21  }
.Ltmp1:
0x135: {  	v21 =	vpsel p1, v21, v11;
	(pc) =	sbr.rel @p0 .LBB2_4-.Ltmp1, $4  }
0x136: {  	[tilespmem:$0x1C4A0] =	vst v21  }
0x137: {  	[spmem:s1] =	stream.indirect.scatter [tilespmem:s12], [sflag:$0x3], $0x1, s11, s10, $0x2000b8;
	[tilespmem:$0x1C530] =	vst v63  }
0x138: {  	s23 =	sadd.s32 $0x8, s23;
	_ =	swait.ge [sflag:s30], $0x80  }
0x139: {  	s2 =	smov.u32 s4;
	s9 =	sadd.s32 $0x80, s9;
	[sflag:s30] =	ssyncset.done $0x0  }
0x13a: {  	s4 =	sshra.s32 s26, $0x2;
	[sflag:s30] =	ssyncadd.s32 $0xFFFFFF80  }
0x13b: {  	v21 =	vld [tilespmem:s4+$0x9D80];
	_ =	sdelay $0x1  }
0x13c: {  	v22 =	vld [tilespmem:s4+$0xB600];
	_ =	sdelay $0x2  }
0x13d: {  	v23 =	vld [tilespmem:s4+$0xCE80];
	v21 =	vmul.u32 $0x42, v21;
	_ =	sdelay $0x1  }
0x13e: {  	v21 =	vadd.s32 v22, v21  }
0x13f: {  	v21 =	vmul.u32 $0x42, v21  }
0x140: {  	v22 =	vld [tilespmem:s4+$0xE700]  }
0x141: {  	v21 =	vadd.s32 v21, v23  }
0x142: {  	v21 =	vmul.u32 $0x42, v21;
	_ =	sdelay $0x1  }
0x143: {  	v21 =	vadd.s32 $0x1104, v21  }
0x144: {  	s2 =	sadd.s32 $0xFFFFFF90, s9;
	v21 =	vadd.s32 v21, v22  }
0x145: {  	p0 =	slt.u32 s23, $0x186A;
	v22 =	vor.u32 s2, v1;
	v21 =	vadd.s32 $0x43, v21  }
0x146: {  	[tilespmem:$0x1C4B0] =	vst v22;
	v21 =	vpsel p0, v21, v11  }
0x147: {  	[tilespmem:$0x1C430] =	vst v21  }
0x148: {  	v21 =	vld [tilespmem:s4+$0x9D90];
	_ =	sdelay $0x1  }
0x149: {  	v22 =	vld [tilespmem:s4+$0xB610];
	_ =	sdelay $0x2  }
0x14a: {  	v23 =	vld [tilespmem:s4+$0xCE90];
	v21 =	vmul.u32 $0x42, v21;
	_ =	sdelay $0x1  }
0x14b: {  	v21 =	vadd.s32 v22, v21  }
0x14c: {  	v21 =	vmul.u32 $0x42, v21  }
0x14d: {  	v22 =	vld [tilespmem:s4+$0xE710]  }
0x14e: {  	v21 =	vadd.s32 v21, v23  }
0x14f: {  	v21 =	vmul.u32 $0x42, v21;
	_ =	sdelay $0x1  }
0x150: {  	v21 =	vadd.s32 $0x1104, v21  }
0x151: {  	s31 =	sadd.s32 $0xFFFFFFA0, s9;
	v21 =	vadd.s32 v21, v22  }
0x152: {  	v22 =	vor.u32 s31, v1;
	v21 =	vadd.s32 $0x43, v21  }
0x153: {  	[tilespmem:$0x1C4C0] =	vst v22;
	v21 =	vpsel p0, v21, v11  }
0x154: {  	[tilespmem:$0x1C440] =	vst v21  }
0x155: {  	v21 =	vld [tilespmem:s4+$0x9DA0];
	_ =	sdelay $0x1  }
0x156: {  	v22 =	vld [tilespmem:s4+$0xB620];
	_ =	sdelay $0x2  }
0x157: {  	v23 =	vld [tilespmem:s4+$0xCEA0];
	v21 =	vmul.u32 $0x42, v21;
	_ =	sdelay $0x1  }
0x158: {  	v21 =	vadd.s32 v22, v21  }
0x159: {  	v21 =	vmul.u32 $0x42, v21  }
0x15a: {  	v22 =	vld [tilespmem:s4+$0xE720]  }
0x15b: {  	v21 =	vadd.s32 v21, v23  }
0x15c: {  	v21 =	vmul.u32 $0x42, v21;
	_ =	sdelay $0x1  }
0x15d: {  	v21 =	vadd.s32 $0x1104, v21  }
0x15e: {  	s0 =	sadd.s32 $0xFFFFFFB0, s9;
	v21 =	vadd.s32 v21, v22  }
0x15f: {  	p1 =	slt.u32 s0, $0x186A0;
	v22 =	vor.u32 s0, v1;
	v21 =	vadd.s32 $0x43, v21  }
0x160: {  	[tilespmem:$0x1C4D0] =	vst v22;
	v21 =	vpsel p1, v21, v11  }
0x161: {  	[tilespmem:$0x1C450] =	vst v21  }
0x162: {  	v21 =	vld [tilespmem:s4+$0x9DB0];
	_ =	sdelay $0x1  }
0x163: {  	v22 =	vld [tilespmem:s4+$0xB630];
	_ =	sdelay $0x2  }
0x164: {  	v23 =	vld [tilespmem:s4+$0xCEB0];
	v21 =	vmul.u32 $0x42, v21;
	_ =	sdelay $0x1  }
0x165: {  	v21 =	vadd.s32 v22, v21  }
0x166: {  	v21 =	vmul.u32 $0x42, v21  }
0x167: {  	v22 =	vld [tilespmem:s4+$0xE730]  }
0x168: {  	v21 =	vadd.s32 v21, v23  }
0x169: {  	v21 =	vmul.u32 $0x42, v21;
	_ =	sdelay $0x1  }
0x16a: {  	v21 =	vadd.s32 $0x1104, v21  }
0x16b: {  	s8 =	sadd.s32 $0xFFFFFFC0, s9;
	v21 =	vadd.s32 v21, v22  }
0x16c: {  	p2 =	slt.u32 s8, $0x186A0;
	v22 =	vor.u32 s8, v1;
	v21 =	vadd.s32 $0x43, v21  }
0x16d: {  	[tilespmem:$0x1C4E0] =	vst v22;
	v21 =	vpsel p2, v21, v11  }
0x16e: {  	[tilespmem:$0x1C460] =	vst v21  }
0x16f: {  	v21 =	vld [tilespmem:s4+$0x9DC0];
	_ =	sdelay $0x1  }
0x170: {  	v22 =	vld [tilespmem:s4+$0xB640];
	_ =	sdelay $0x2  }
0x171: {  	v23 =	vld [tilespmem:s4+$0xCEC0];
	v21 =	vmul.u32 $0x42, v21;
	_ =	sdelay $0x1  }
0x172: {  	v21 =	vadd.s32 v22, v21  }
0x173: {  	v21 =	vmul.u32 $0x42, v21  }
0x174: {  	v22 =	vld [tilespmem:s4+$0xE740]  }
0x175: {  	v21 =	vadd.s32 v21, v23  }
0x176: {  	v21 =	vmul.u32 $0x42, v21;
	_ =	sdelay $0x1  }
0x177: {  	v21 =	vadd.s32 $0x1104, v21  }
0x178: {  	s23 =	sadd.s32 $0xFFFFFFD0, s9;
	v21 =	vadd.s32 v21, v22  }
0x179: {  	p3 =	slt.u32 s23, $0x186A0;
	v22 =	vor.u32 s23, v1;
	v21 =	vadd.s32 $0x43, v21  }
0x17a: {  	[tilespmem:$0x1C4F0] =	vst v22;
	v21 =	vpsel p3, v21, v11  }
0x17b: {  	[tilespmem:$0x1C470] =	vst v21  }
0x17c: {  	v21 =	vld [tilespmem:s4+$0x9DD0];
	_ =	sdelay $0x1  }
0x17d: {  	v22 =	vld [tilespmem:s4+$0xB650];
	_ =	sdelay $0x2  }
0x17e: {  	v23 =	vld [tilespmem:s4+$0xCED0];
	v21 =	vmul.u32 $0x42, v21;
	_ =	sdelay $0x1  }
0x17f: {  	v21 =	vadd.s32 v22, v21  }
0x180: {  	v21 =	vmul.u32 $0x42, v21  }
0x181: {  	v22 =	vld [tilespmem:s4+$0xE750]  }
0x182: {  	v21 =	vadd.s32 v21, v23  }
0x183: {  	v21 =	vmul.u32 $0x42, v21;
	_ =	sdelay $0x1  }
0x184: {  	v21 =	vadd.s32 $0x1104, v21  }
0x185: {  	s24 =	sadd.s32 $0xFFFFFFE0, s9;
	v21 =	vadd.s32 v21, v22  }
0x186: {  	p4 =	slt.u32 s24, $0x186A0;
	v22 =	vor.u32 s24, v1;
	v21 =	vadd.s32 $0x43, v21  }
0x187: {  	[tilespmem:$0x1C500] =	vst v22;
	v21 =	vpsel p4, v21, v11  }
0x188: {  	[tilespmem:$0x1C480] =	vst v21  }
0x189: {  	v21 =	vld [tilespmem:s4+$0x9DE0];
	_ =	sdelay $0x1  }
0x18a: {  	v22 =	vld [tilespmem:s4+$0xB660];
	_ =	sdelay $0x2  }
0x18b: {  	v23 =	vld [tilespmem:s4+$0xCEE0];
	v21 =	vmul.u32 $0x42, v21;
	_ =	sdelay $0x1  }
0x18c: {  	v21 =	vadd.s32 v22, v21  }
0x18d: {  	v21 =	vmul.u32 $0x42, v21  }
0x18e: {  	v22 =	vld [tilespmem:s4+$0xE760]  }
0x18f: {  	v21 =	vadd.s32 v21, v23  }
0x190: {  	v21 =	vmul.u32 $0x42, v21;
	_ =	sdelay $0x1  }
0x191: {  	v21 =	vadd.s32 $0x1104, v21  }
0x192: {  	s26 =	sadd.s32 $0xFFFFFFF0, s9;
	v21 =	vadd.s32 v21, v22  }
0x193: {  	p5 =	slt.u32 s26, $0x186A0;
	v22 =	vor.u32 s26, v1;
	v21 =	vadd.s32 $0x43, v21  }
0x194: {  	[tilespmem:$0x1C510] =	vst v22;
	v21 =	vpsel p5, v21, v11  }
0x195: {  	[tilespmem:$0x1C490] =	vst v21  }
0x196: {  	v21 =	vld [tilespmem:s4+$0x9DF0];
	_ =	sdelay $0x1  }
0x197: {  	v22 =	vld [tilespmem:s4+$0xB670];
	_ =	sdelay $0x2  }
0x198: {  	v23 =	vld [tilespmem:s4+$0xCEF0];
	v21 =	vmul.u32 $0x42, v21;
	_ =	sdelay $0x1  }
0x199: {  	v21 =	vadd.s32 v22, v21  }
0x19a: {  	v21 =	vmul.u32 $0x42, v21  }
0x19b: {  	v22 =	vld [tilespmem:s4+$0xE770]  }
0x19c: {  	v21 =	vadd.s32 v21, v23  }
0x19d: {  	v21 =	vmul.u32 $0x42, v21;
	_ =	sdelay $0x1  }
0x19e: {  	v21 =	vadd.s32 $0x1104, v21  }
0x19f: {  	v21 =	vadd.s32 v21, v22  }
0x1a0: {  	p6 =	slt.u32 s9, $0x186A0;
	v22 =	vor.u32 s9, v1;
	v21 =	vadd.s32 $0x43, v21  }
0x1a1: {  	[tilespmem:$0x1C520] =	vst v22;
	v21 =	vpsel p6, v21, v11  }
0x1a2: {  	[tilespmem:$0x1C4A0] =	vst v21  }
0x1a3: {  	[spmem:s1] =	stream.indirect.scatter [tilespmem:s12], [sflag:$0x3], $0x1, s11, s10, $0x2000b8;
	[tilespmem:$0x1C530] =	vst v63  }
0x1a4: {  	_ =	swait.ge [sflag:s30], $0x80  }
0x1a5: {  	[sflag:s30] =	ssyncset.done $0x0  }
0x1a6: {  	[sflag:s30] =	ssyncadd.s32 $0xFFFFFF80  }
0x1a7: {  	[bflag:$0x0] =	sbarrier.arrive $0xFFFF  }
0x1a8: {  	_ =	strace $0x90000049  }
0x1a9: {  	_ =	strace $0x8000004A  }
0x1aa: {  	s2 =	simm.s32 $0x0;
	s31 =	simm.s32 $0x9D80;
	s0 =	rddreg [dreg:$0x13]  }
0x1ab: {  	[tilespmem:s31], [sflag:$0x3] =	stream.linear.gather [hbm4b:s0+s2], $0xC80, $0x200038;
	[tilespmem:$0x1C530] =	vst v63  }
0x1ac: {  	_ =	swait.ge [sflag:s30], $0xC80  }
0x1ad: {  	[sflag:s30] =	ssyncset.done $0x0  }
0x1ae: {  	s9 =	simm.s32 $0xB600;
	s8 =	rddreg [dreg:$0x16];
	[sflag:s30] =	ssyncadd.s32 $0xFFFFF380  }
0x1af: {  	[tilespmem:s9], [sflag:$0x3] =	stream.linear.gather [hbm4b:s8+s2], $0xC80, $0x200038;
	[tilespmem:$0x1C530] =	vst v63  }
0x1b0: {  	_ =	swait.ge [sflag:s30], $0xC80  }
0x1b1: {  	[sflag:s30] =	ssyncset.done $0x0  }
0x1b2: {  	s24 =	simm.s32 $0xCE80;
	s23 =	rddreg [dreg:$0x17];
	[sflag:s30] =	ssyncadd.s32 $0xFFFFF380  }
0x1b3: {  	[tilespmem:s24], [sflag:$0x3] =	stream.linear.gather [hbm4b:s23+s2], $0xC80, $0x200038;
	[tilespmem:$0x1C530] =	vst v63  }
0x1b4: {  	_ =	swait.ge [sflag:s30], $0xC80  }
0x1b5: {  	[sflag:s30] =	ssyncset.done $0x0  }
0x1b6: {  	s31 =	simm.s32 $0xE700;
	s26 =	rddreg [dreg:$0x18];
	[sflag:s30] =	ssyncadd.s32 $0xFFFFF380  }
0x1b7: {  	[tilespmem:s31], [sflag:$0x3] =	stream.linear.gather [hbm4b:s26+s2], $0xC80, $0x200038;
	[tilespmem:$0x1C530] =	vst v63  }
0x1b8: {  	_ =	swait.ge [sflag:s30], $0xC80  }
0x1b9: {  	[sflag:s30] =	ssyncset.done $0x0  }
0x1ba: {  	s2 =	simm.s32 $0x0;
	[sflag:s30] =	ssyncadd.s32 $0xFFFFF380  }
0x1bb: {  	v21 =	vld [tilespmem:s2+$0x9D80];
	_ =	sdelay $0x1  }
0x1bc: {  	v22 =	vld [tilespmem:s2+$0xB600];
	_ =	sdelay $0x2  }
0x1bd: {  	v21 =	vmul.u32 $0x42, v21  }
0x1be: {  	s4 =	simm.s32 $0x10;
	v24 =	vld [tilespmem:s2+$0xCE80]  }
0x1bf: {  	v21 =	vadd.s32 v22, v21;
	v22 =	vld [tilespmem:s4+$0x9D80];
	_ =	sdelay $0x1  }
0x1c0: {  	v23 =	vld [tilespmem:s4+$0xB600];
	v25 =	vmul.u32 $0x42, v21  }
0x1c1: {  	v21 =	vld [tilespmem:s2+$0xE700]  }
0x1c2: {  	s9 =	simm.s32 $0x80;
	v24 =	vadd.s32 v25, v24  }
.LBB2_6:
0x1c3: {  	s23 =	sshra.s32 s9, $0x2;
	p0 =	sne.s32 s9, $0x31C0;
	s9 =	sadd.s32 $0x40, s9;
	v25 =	vld [tilespmem:s4+$0xCE80];
	v26 =	vmul.u32 $0x42, v22;
	v24 =	vmul.u32 $0x42, v24  }
.Ltmp2:
0x1c4: {  	v22 =	vld [tilespmem:s23+$0x9D80];
	(pc) =	sbr.rel @p0 .LBB2_6-.Ltmp2, $4  }
0x1c5: {  	v26 =	vadd.s32 v23, v26;
	v24 =	vadd.s32 $0x1104, v24  }
0x1c6: {  	v23 =	vld [tilespmem:s23+$0xB600];
	v26 =	vmul.u32 $0x42, v26;
	v24 =	vadd.s32 v24, v21  }
0x1c7: {  	v21 =	vld [tilespmem:s4+$0xE700];
	v27 =	vadd.s32 $0x43, v24  }
0x1c8: {  	v24 =	vadd.s32 v26, v25;
	[tilespmem:s2+$0xFF80] =	vst v27;
	s2 =	smov.u32 s4;
	s4 =	smov.u32 s23  }
0x1c9: {  	v25 =	vld [tilespmem:s4+$0xCE80];
	v22 =	vmul.u32 $0x42, v22;
	_ =	sdelay $0x1  }
0x1ca: {  	v22 =	vadd.s32 v23, v22  }
0x1cb: {  	v22 =	vmul.u32 $0x42, v22  }
0x1cc: {  	v23 =	vld [tilespmem:s4+$0xE700]  }
0x1cd: {  	v24 =	vmul.u32 $0x42, v24;
	v22 =	vadd.s32 v22, v25  }
0x1ce: {  	v22 =	vmul.u32 $0x42, v22  }
0x1cf: {  	v24 =	vadd.s32 $0x1104, v24  }
0x1d0: {  	v21 =	vadd.s32 v24, v21;
	v22 =	vadd.s32 $0x1104, v22  }
0x1d1: {  	v21 =	vadd.s32 $0x43, v21;
	v22 =	vadd.s32 v22, v23  }
0x1d2: {  	[tilespmem:s2+$0xFF80] =	vst v21;
	v21 =	vadd.s32 $0x43, v22  }
0x1d3: {  	s2 =	simm.s32 $0x80;
	[tilespmem:s4+$0xFF80] =	vst v21;
	s4 =	simm.s32 $0x0  }
.LBB2_8:
0x1d4: {  	p0 =	sne.s32 s2, $0x4380;
	[tilespmem:s4+$0x1A1A0] =	vst v12;
	s9 =	smov.u32 s2;
	s2 =	sadd.s32 $0x80, s2  }
.Ltmp3:
0x1d5: {  	[tilespmem:s4+$0x1A1B0] =	vst v12;
	(pc) =	sbr.rel @p0 .LBB2_8-.Ltmp3, $2  }
0x1d6: {  	_ =	sdelay $0x2  }
0x1d7: {  	s4 =	sshra.s32 s9, $0x2  }
0x1d8: {  	[tilespmem:s4+$0x1A1A0] =	vst v12  }
0x1d9: {  	[tilespmem:s4+$0x1A1B0] =	vst v12  }
0x1da: {  	s9 =	simm.s32 $0x0;
	_ =	strace $0x9000004A  }
.LBB2_10:
0x1db: {  	_ =	strace $0x8000004B;
	s2 =	simm.s32 $0x40;
	s4 =	simm.s32 $0x0  }
.LBB2_11:
0x1dc: {  	p0 =	sne.s32 s2, $0xDC0;
	[tilespmem:s4+$0x19700] =	vst v13;
	s23 =	smov.u32 s2;
	s2 =	sadd.s32 $0x40, s2  }
.Ltmp4:
0x1dd: {  	[tilespmem:s4+$0x19A90] =	vst v0;
	(pc) =	sbr.rel @p0 .LBB2_11-.Ltmp4, $2  }
0x1de: {  	_ =	sdelay $0x2  }
0x1df: {  	s4 =	sshra.s32 s23, $0x2  }
0x1e0: {  	[tilespmem:s4+$0x19700] =	vst v13;
	s2 =	simm.s32 $0x0  }
0x1e1: {  	[tilespmem:s4+$0x19A90] =	vst v0;
	s0 =	simm.s32 $0x1A1A0;
	s26 =	smul.u32 $0xAB, s2  }
0x1e2: {  	[spmem:s22] =	stream.linear.scatter [tilespmem:s0], [sflag:$0x2], $0x1100, $0x200038;
	[tilespmem:$0x1C530] =	vst v63  }
0x1e3: {  	s4 =	sshrl.u32 s26, $0x9  }
0x1e4: {  	s2 =	smul.u32 $0x39, s2;
	s4 =	sand.u32 $0x7F, s4  }
0x1e5: {  	s23 =	smul.u32 $0x56, s4  }
0x1e6: {  	s2 =	sshrl.u32 s2, $0x9  }
0x1e7: {  	s2 =	smul.u32 $0x42, s2;
	s23 =	sshrl.u32 s23, $0x8  }
0x1e8: {  	s24 =	smul.u32 $0x3, s23  }
0x1e9: {  	_ =	strace $0x9000004B  }
0x1ea: {  	_ =	strace $0x8000004C;
	s2 =	sand.u32 $0xFE, s2;
	s24 =	ssub.s32 s4, s24  }
0x1eb: {  	s23 =	sshll.u32 s9, $0x7;
	s4 =	smul.u32 $0x3, s4;
	s24 =	sand.u32 $0xFF, s24  }
0x1ec: {  	v21 =	vld [tilespmem:s23+$0xFF80];
	s2 =	sadd.s32 s24, s2  }
0x1ed: {  	s4 =	ssub.s32 $0x0, s4;
	s2 =	smul.u32 $0x42, s2  }
0x1ee: {  	s4 =	sand.u32 $0xFF, s4  }
0x1ef: {  	s2 =	sadd.s32 s4, s2  }
0x1f0: {  	s26 =	sadd.s32 $0xFFFFEEB9, s2  }
0x1f1: {  	s4 =	simm.s32 $0x10C40;
	v21 =	vadd.s32 s26, v21  }
0x1f2: {  	[tilespmem:s4+$0xFFFFFFC0] =	vst v21  }
0x1f3: {  	v21 =	vld [tilespmem:s23+$0xFF90];
	_ =	sdelay $0x4  }
0x1f4: {  	v21 =	vadd.s32 s26, v21  }
0x1f5: {  	[tilespmem:s4+$0xFFFFFFD0] =	vst v21  }
0x1f6: {  	v21 =	vld [tilespmem:s23+$0xFFA0];
	_ =	sdelay $0x4  }
0x1f7: {  	v21 =	vadd.s32 s26, v21  }
0x1f8: {  	[tilespmem:s4+$0xFFFFFFE0] =	vst v21  }
0x1f9: {  	v21 =	vld [tilespmem:s23+$0xFFB0];
	_ =	sdelay $0x4  }
0x1fa: {  	v21 =	vadd.s32 s26, v21  }
0x1fb: {  	[tilespmem:s4+$0xFFFFFFF0] =	vst v21  }
0x1fc: {  	v21 =	vld [tilespmem:s23+$0xFFC0];
	_ =	sdelay $0x4  }
0x1fd: {  	v21 =	vadd.s32 s26, v21  }
0x1fe: {  	[tilespmem:s4+$0x0] =	vst v21  }
0x1ff: {  	v21 =	vld [tilespmem:s23+$0xFFD0];
	_ =	sdelay $0x4  }
0x200: {  	v21 =	vadd.s32 s26, v21  }
0x201: {  	[tilespmem:s4+$0x10] =	vst v21  }
0x202: {  	v21 =	vld [tilespmem:s23+$0xFFE0];
	_ =	sdelay $0x1  }
0x203: {  	s24 =	simm.s32 $0x1  }
0x204: {  	s31 =	smul.u32 $0xAB, s24;
	s2 =	simm.s32 $0x2  }
.LBB2_13:
0x205: {  	p0 =	sne.s32 s2, $0x1A  }
0x206: {  	s31 =	sshrl.u32 s31, $0x9;
	v21 =	vadd.s32 s26, v21  }
0x207: {  	s31 =	sand.u32 $0x7F, s31;
	[tilespmem:s4+$0x20] =	vst v21  }
0x208: {  	s0 =	smul.u32 $0x56, s31;
	v21 =	vld [tilespmem:s23+$0xFFF0]  }
0x209: {  	s8 =	smul.u32 $0x39, s24  }
0x20a: {  	s0 =	sshrl.u32 s0, $0x8  }
0x20b: {  	s8 =	sshrl.u32 s8, $0x9;
	s0 =	smul.u32 $0x3, s0  }
0x20c: {  	s8 =	smul.u32 $0x42, s8  }
0x20d: {  	s0 =	ssub.s32 s31, s0;
	v21 =	vadd.s32 s26, v21  }
0x20e: {  	s8 =	sand.u32 $0xFE, s8;
	s26 =	smul.u32 $0x3, s31;
	s0 =	sand.u32 $0xFF, s0;
	[tilespmem:s4+$0x30] =	vst v21  }
0x20f: {  	s0 =	sadd.s32 s0, s8;
	v21 =	vld [tilespmem:s23+$0xFF80]  }
0x210: {  	s8 =	ssub.s32 s24, s26;
	s24 =	smov.u32 s2;
	s0 =	smul.u32 $0x42, s0  }
0x211: {  	s8 =	sand.u32 $0xFF, s8  }
0x212: {  	s0 =	sadd.s32 s8, s0  }
0x213: {  	s26 =	sadd.s32 $0xFFFFEEB9, s0  }
0x214: {  	s4 =	sadd.s32 $0x80, s4;
	v21 =	vadd.s32 s26, v21  }
0x215: {  	[tilespmem:s4+$0xFFFFFFC0] =	vst v21  }
0x216: {  	v21 =	vld [tilespmem:s23+$0xFF90];
	_ =	sdelay $0x4  }
0x217: {  	v21 =	vadd.s32 s26, v21  }
0x218: {  	[tilespmem:s4+$0xFFFFFFD0] =	vst v21  }
0x219: {  	v21 =	vld [tilespmem:s23+$0xFFA0];
	_ =	sdelay $0x4  }
0x21a: {  	v21 =	vadd.s32 s26, v21  }
0x21b: {  	[tilespmem:s4+$0xFFFFFFE0] =	vst v21  }
0x21c: {  	v21 =	vld [tilespmem:s23+$0xFFB0];
	_ =	sdelay $0x4  }
0x21d: {  	v21 =	vadd.s32 s26, v21  }
0x21e: {  	[tilespmem:s4+$0xFFFFFFF0] =	vst v21  }
0x21f: {  	v21 =	vld [tilespmem:s23+$0xFFC0];
	_ =	sdelay $0x4  }
0x220: {  	v21 =	vadd.s32 s26, v21  }
0x221: {  	[tilespmem:s4+$0x0] =	vst v21  }
0x222: {  	v21 =	vld [tilespmem:s23+$0xFFD0];
	_ =	sdelay $0x4  }
0x223: {  	v21 =	vadd.s32 s26, v21  }
.Ltmp5:
0x224: {  	[tilespmem:s4+$0x10] =	vst v21;
	(pc) =	sbr.rel @p0 .LBB2_13-.Ltmp5, $2  }
0x225: {  	v21 =	vld [tilespmem:s23+$0xFFE0];
	_ =	sdelay $0x2  }
0x226: {  	s2 =	sadd.s32 $0x1, s2;
	s31 =	smul.u32 $0xAB, s24  }
0x227: {  	_ = 	snop  }
0x228: {  	s0 =	sshrl.u32 s31, $0x9;
	v21 =	vadd.s32 s26, v21  }
0x229: {  	s0 =	sand.u32 $0x7F, s0;
	[tilespmem:s4+$0x20] =	vst v21  }
0x22a: {  	s2 =	smul.u32 $0x56, s0;
	v21 =	vld [tilespmem:s23+$0xFFF0]  }
0x22b: {  	s8 =	smul.u32 $0x39, s24  }
0x22c: {  	s2 =	sshrl.u32 s2, $0x8  }
0x22d: {  	s8 =	sshrl.u32 s8, $0x9;
	s2 =	smul.u32 $0x3, s2  }
0x22e: {  	s8 =	smul.u32 $0x42, s8  }
0x22f: {  	v21 =	vadd.s32 s26, v21;
	s2 =	ssub.s32 s0, s2  }
0x230: {  	s8 =	sand.u32 $0xFE, s8;
	s0 =	smul.u32 $0x3, s0;
	s2 =	sand.u32 $0xFF, s2;
	[tilespmem:s4+$0x30] =	vst v21  }
0x231: {  	s2 =	sadd.s32 s2, s8;
	v21 =	vld [tilespmem:s23+$0xFF80]  }
0x232: {  	s0 =	ssub.s32 s24, s0;
	s2 =	smul.u32 $0x42, s2  }
0x233: {  	s0 =	sand.u32 $0xFF, s0  }
0x234: {  	s0 =	sadd.s32 s0, s2  }
0x235: {  	s0 =	sadd.s32 $0xFFFFEEB9, s0  }
0x236: {  	s31 =	sadd.s32 $0x80, s4;
	v21 =	vadd.s32 s0, v21  }
0x237: {  	[tilespmem:s31+$0xFFFFFFC0] =	vst v21  }
0x238: {  	v21 =	vld [tilespmem:s23+$0xFF90];
	_ =	sdelay $0x4  }
0x239: {  	v21 =	vadd.s32 s0, v21  }
0x23a: {  	[tilespmem:s31+$0xFFFFFFD0] =	vst v21  }
0x23b: {  	v21 =	vld [tilespmem:s23+$0xFFA0];
	_ =	sdelay $0x4  }
0x23c: {  	v21 =	vadd.s32 s0, v21  }
0x23d: {  	[tilespmem:s31+$0xFFFFFFE0] =	vst v21  }
0x23e: {  	v21 =	vld [tilespmem:s23+$0xFFB0];
	_ =	sdelay $0x4  }
0x23f: {  	v21 =	vadd.s32 s0, v21  }
0x240: {  	[tilespmem:s31+$0xFFFFFFF0] =	vst v21  }
0x241: {  	v21 =	vld [tilespmem:s23+$0xFFC0];
	_ =	sdelay $0x4  }
0x242: {  	v21 =	vadd.s32 s0, v21  }
0x243: {  	[tilespmem:s31+$0x0] =	vst v21  }
0x244: {  	v21 =	vld [tilespmem:s23+$0xFFD0];
	_ =	sdelay $0x4  }
0x245: {  	v21 =	vadd.s32 s0, v21  }
0x246: {  	[tilespmem:s31+$0x10] =	vst v21  }
0x247: {  	v21 =	vld [tilespmem:s23+$0xFFE0];
	_ =	sdelay $0x4  }
0x248: {  	v21 =	vadd.s32 s0, v21  }
0x249: {  	[tilespmem:s31+$0x20] =	vst v21  }
0x24a: {  	v21 =	vld [tilespmem:s23+$0xFFF0];
	_ =	sdelay $0x4  }
0x24b: {  	v21 =	vadd.s32 s0, v21  }
0x24c: {  	[tilespmem:s31+$0x30] =	vst v21  }
0x24d: {  	_ =	strace $0x9000004C  }
0x24e: {  	s4 =	simm.s32 $0x11980;
	s2 =	simm.s32 $0x10C00;
	_ =	strace $0x8000004D  }
0x24f: {  	[tilespmem:s4], [sflag:$0x1] =	stream.indirect.gather [spmem:s1], $0x1, s2, s10, $0x2000b8;
	[tilespmem:$0x1C530] =	vst v63  }
0x250: {  	s8 =	simm.s32 $0x10C80;
	s24 =	simm.s32 $0x11A00  }
0x251: {  	[tilespmem:s24], [sflag:$0x1] =	stream.indirect.gather [spmem:s1], $0x1, s8, s10, $0x2000b8;
	[tilespmem:$0x1C530] =	vst v63  }
0x252: {  	s26 =	simm.s32 $0x10D00;
	s31 =	simm.s32 $0x11A80  }
0x253: {  	[tilespmem:s31], [sflag:$0x1] =	stream.indirect.gather [spmem:s1], $0x1, s26, s10, $0x2000b8;
	[tilespmem:$0x1C530] =	vst v63  }
0x254: {  	s2 =	simm.s32 $0x10D80;
	s4 =	simm.s32 $0x11B00  }
0x255: {  	[tilespmem:s4], [sflag:$0x1] =	stream.indirect.gather [spmem:s1], $0x1, s2, s10, $0x2000b8;
	[tilespmem:$0x1C530] =	vst v63  }
0x256: {  	s8 =	simm.s32 $0x10E00;
	s24 =	simm.s32 $0x11B80  }
0x257: {  	[tilespmem:s24], [sflag:$0x1] =	stream.indirect.gather [spmem:s1], $0x1, s8, s10, $0x2000b8;
	[tilespmem:$0x1C530] =	vst v63  }
0x258: {  	s26 =	simm.s32 $0x10E80;
	s31 =	simm.s32 $0x11C00  }
0x259: {  	[tilespmem:s31], [sflag:$0x1] =	stream.indirect.gather [spmem:s1], $0x1, s26, s10, $0x2000b8;
	[tilespmem:$0x1C530] =	vst v63  }
0x25a: {  	s2 =	simm.s32 $0x10F00;
	s4 =	simm.s32 $0x11C80  }
0x25b: {  	[tilespmem:s4], [sflag:$0x1] =	stream.indirect.gather [spmem:s1], $0x1, s2, s10, $0x2000b8;
	[tilespmem:$0x1C530] =	vst v63  }
0x25c: {  	s8 =	simm.s32 $0x10F80;
	s24 =	simm.s32 $0x11D00  }
0x25d: {  	[tilespmem:s24], [sflag:$0x1] =	stream.indirect.gather [spmem:s1], $0x1, s8, s10, $0x2000b8;
	[tilespmem:$0x1C530] =	vst v63  }
0x25e: {  	s26 =	simm.s32 $0x11000;
	s31 =	simm.s32 $0x11D80  }
0x25f: {  	[tilespmem:s31], [sflag:$0x1] =	stream.indirect.gather [spmem:s1], $0x1, s26, s10, $0x2000b8;
	[tilespmem:$0x1C530] =	vst v63  }
0x260: {  	s2 =	simm.s32 $0x11080;
	s4 =	simm.s32 $0x11E00  }
0x261: {  	[tilespmem:s4], [sflag:$0x1] =	stream.indirect.gather [spmem:s1], $0x1, s2, s10, $0x2000b8;
	[tilespmem:$0x1C530] =	vst v63  }
0x262: {  	s8 =	simm.s32 $0x11100;
	s24 =	simm.s32 $0x11E80  }
0x263: {  	[tilespmem:s24], [sflag:$0x1] =	stream.indirect.gather [spmem:s1], $0x1, s8, s10, $0x2000b8;
	[tilespmem:$0x1C530] =	vst v63  }
0x264: {  	s26 =	simm.s32 $0x11180;
	s31 =	simm.s32 $0x11F00  }
0x265: {  	[tilespmem:s31], [sflag:$0x1] =	stream.indirect.gather [spmem:s1], $0x1, s26, s10, $0x2000b8;
	[tilespmem:$0x1C530] =	vst v63  }
0x266: {  	s2 =	simm.s32 $0x11200;
	s4 =	simm.s32 $0x11F80  }
0x267: {  	[tilespmem:s4], [sflag:$0x1] =	stream.indirect.gather [spmem:s1], $0x1, s2, s10, $0x2000b8;
	[tilespmem:$0x1C530] =	vst v63  }
0x268: {  	s8 =	simm.s32 $0x11280;
	s24 =	simm.s32 $0x12000  }
0x269: {  	[tilespmem:s24], [sflag:$0x1] =	stream.indirect.gather [spmem:s1], $0x1, s8, s10, $0x2000b8;
	[tilespmem:$0x1C530] =	vst v63  }
0x26a: {  	s26 =	simm.s32 $0x11300;
	s31 =	simm.s32 $0x12080  }
0x26b: {  	[tilespmem:s31], [sflag:$0x1] =	stream.indirect.gather [spmem:s1], $0x1, s26, s10, $0x2000b8;
	[tilespmem:$0x1C530] =	vst v63  }
0x26c: {  	s2 =	simm.s32 $0x11380;
	s4 =	simm.s32 $0x12100  }
0x26d: {  	[tilespmem:s4], [sflag:$0x1] =	stream.indirect.gather [spmem:s1], $0x1, s2, s10, $0x2000b8;
	[tilespmem:$0x1C530] =	vst v63  }
0x26e: {  	s8 =	simm.s32 $0x11400;
	s24 =	simm.s32 $0x12180  }
0x26f: {  	[tilespmem:s24], [sflag:$0x1] =	stream.indirect.gather [spmem:s1], $0x1, s8, s10, $0x2000b8;
	[tilespmem:$0x1C530] =	vst v63  }
0x270: {  	s26 =	simm.s32 $0x11480;
	s31 =	simm.s32 $0x12200  }
0x271: {  	[tilespmem:s31], [sflag:$0x1] =	stream.indirect.gather [spmem:s1], $0x1, s26, s10, $0x2000b8;
	[tilespmem:$0x1C530] =	vst v63  }
0x272: {  	s2 =	simm.s32 $0x11500;
	s4 =	simm.s32 $0x12280  }
0x273: {  	[tilespmem:s4], [sflag:$0x1] =	stream.indirect.gather [spmem:s1], $0x1, s2, s10, $0x2000b8;
	[tilespmem:$0x1C530] =	vst v63  }
0x274: {  	s8 =	simm.s32 $0x11580;
	s24 =	simm.s32 $0x12300  }
0x275: {  	[tilespmem:s24], [sflag:$0x1] =	stream.indirect.gather [spmem:s1], $0x1, s8, s10, $0x2000b8;
	[tilespmem:$0x1C530] =	vst v63  }
0x276: {  	s26 =	simm.s32 $0x11600;
	s31 =	simm.s32 $0x12380  }
0x277: {  	[tilespmem:s31], [sflag:$0x1] =	stream.indirect.gather [spmem:s1], $0x1, s26, s10, $0x2000b8;
	[tilespmem:$0x1C530] =	vst v63  }
0x278: {  	s2 =	simm.s32 $0x11680;
	s4 =	simm.s32 $0x12400  }
0x279: {  	[tilespmem:s4], [sflag:$0x1] =	stream.indirect.gather [spmem:s1], $0x1, s2, s10, $0x2000b8;
	[tilespmem:$0x1C530] =	vst v63  }
0x27a: {  	s8 =	simm.s32 $0x11700;
	s24 =	simm.s32 $0x12480  }
0x27b: {  	[tilespmem:s24], [sflag:$0x1] =	stream.indirect.gather [spmem:s1], $0x1, s8, s10, $0x2000b8;
	[tilespmem:$0x1C530] =	vst v63  }
0x27c: {  	s26 =	simm.s32 $0x11780;
	s31 =	simm.s32 $0x12500  }
0x27d: {  	[tilespmem:s31], [sflag:$0x1] =	stream.indirect.gather [spmem:s1], $0x1, s26, s10, $0x2000b8;
	[tilespmem:$0x1C530] =	vst v63  }
0x27e: {  	s2 =	simm.s32 $0x11800;
	s4 =	simm.s32 $0x12580  }
0x27f: {  	[tilespmem:s4], [sflag:$0x1] =	stream.indirect.gather [spmem:s1], $0x1, s2, s10, $0x2000b8;
	[tilespmem:$0x1C530] =	vst v63  }
0x280: {  	s8 =	simm.s32 $0x11880;
	s24 =	simm.s32 $0x12600  }
0x281: {  	[tilespmem:s24], [sflag:$0x1] =	stream.indirect.gather [spmem:s1], $0x1, s8, s10, $0x2000b8;
	[tilespmem:$0x1C530] =	vst v63  }
0x282: {  	s26 =	simm.s32 $0x11900;
	s31 =	simm.s32 $0x12680  }
0x283: {  	[tilespmem:s31], [sflag:$0x1] =	stream.indirect.gather [spmem:s1], $0x1, s26, s10, $0x2000b8;
	[tilespmem:$0x1C530] =	vst v63  }
0x284: {  	_ =	swait.ge [sflag:s15], $0x80  }
0x285: {  	[sflag:s15] =	ssyncset.done $0x0  }
0x286: {  	[sflag:s15] =	ssyncadd.s32 $0xFFFFFF80  }
0x287: {  	_ =	swait.ge [sflag:s15], $0x80  }
0x288: {  	[sflag:s15] =	ssyncset.done $0x0  }
0x289: {  	[sflag:s15] =	ssyncadd.s32 $0xFFFFFF80  }
0x28a: {  	_ =	swait.ge [sflag:s15], $0x80  }
0x28b: {  	[sflag:s15] =	ssyncset.done $0x0  }
0x28c: {  	[sflag:s15] =	ssyncadd.s32 $0xFFFFFF80  }
0x28d: {  	_ =	swait.ge [sflag:s15], $0x80  }
0x28e: {  	[sflag:s15] =	ssyncset.done $0x0  }
0x28f: {  	[sflag:s15] =	ssyncadd.s32 $0xFFFFFF80  }
0x290: {  	_ =	swait.ge [sflag:s15], $0x80  }
0x291: {  	[sflag:s15] =	ssyncset.done $0x0  }
0x292: {  	[sflag:s15] =	ssyncadd.s32 $0xFFFFFF80  }
0x293: {  	_ =	swait.ge [sflag:s15], $0x80  }
0x294: {  	[sflag:s15] =	ssyncset.done $0x0  }
0x295: {  	[sflag:s15] =	ssyncadd.s32 $0xFFFFFF80  }
0x296: {  	_ =	swait.ge [sflag:s15], $0x80  }
0x297: {  	[sflag:s15] =	ssyncset.done $0x0  }
0x298: {  	[sflag:s15] =	ssyncadd.s32 $0xFFFFFF80  }
0x299: {  	_ =	swait.ge [sflag:s15], $0x80  }
0x29a: {  	[sflag:s15] =	ssyncset.done $0x0  }
0x29b: {  	[sflag:s15] =	ssyncadd.s32 $0xFFFFFF80  }
0x29c: {  	_ =	swait.ge [sflag:s15], $0x80  }
0x29d: {  	[sflag:s15] =	ssyncset.done $0x0  }
0x29e: {  	[sflag:s15] =	ssyncadd.s32 $0xFFFFFF80  }
0x29f: {  	_ =	swait.ge [sflag:s15], $0x80  }
0x2a0: {  	[sflag:s15] =	ssyncset.done $0x0  }
0x2a1: {  	[sflag:s15] =	ssyncadd.s32 $0xFFFFFF80  }
0x2a2: {  	_ =	swait.ge [sflag:s15], $0x80  }
0x2a3: {  	[sflag:s15] =	ssyncset.done $0x0  }
0x2a4: {  	[sflag:s15] =	ssyncadd.s32 $0xFFFFFF80  }
0x2a5: {  	_ =	swait.ge [sflag:s15], $0x80  }
0x2a6: {  	[sflag:s15] =	ssyncset.done $0x0  }
0x2a7: {  	[sflag:s15] =	ssyncadd.s32 $0xFFFFFF80  }
0x2a8: {  	_ =	swait.ge [sflag:s15], $0x80  }
0x2a9: {  	[sflag:s15] =	ssyncset.done $0x0  }
0x2aa: {  	[sflag:s15] =	ssyncadd.s32 $0xFFFFFF80  }
0x2ab: {  	_ =	swait.ge [sflag:s15], $0x80  }
0x2ac: {  	[sflag:s15] =	ssyncset.done $0x0  }
0x2ad: {  	[sflag:s15] =	ssyncadd.s32 $0xFFFFFF80  }
0x2ae: {  	_ =	swait.ge [sflag:s15], $0x80  }
0x2af: {  	[sflag:s15] =	ssyncset.done $0x0  }
0x2b0: {  	[sflag:s15] =	ssyncadd.s32 $0xFFFFFF80  }
0x2b1: {  	_ =	swait.ge [sflag:s15], $0x80  }
0x2b2: {  	[sflag:s15] =	ssyncset.done $0x0  }
0x2b3: {  	[sflag:s15] =	ssyncadd.s32 $0xFFFFFF80  }
0x2b4: {  	_ =	swait.ge [sflag:s15], $0x80  }
0x2b5: {  	[sflag:s15] =	ssyncset.done $0x0  }
0x2b6: {  	[sflag:s15] =	ssyncadd.s32 $0xFFFFFF80  }
0x2b7: {  	_ =	swait.ge [sflag:s15], $0x80  }
0x2b8: {  	[sflag:s15] =	ssyncset.done $0x0  }
0x2b9: {  	[sflag:s15] =	ssyncadd.s32 $0xFFFFFF80  }
0x2ba: {  	_ =	swait.ge [sflag:s15], $0x80  }
0x2bb: {  	[sflag:s15] =	ssyncset.done $0x0  }
0x2bc: {  	[sflag:s15] =	ssyncadd.s32 $0xFFFFFF80  }
0x2bd: {  	_ =	swait.ge [sflag:s15], $0x80  }
0x2be: {  	[sflag:s15] =	ssyncset.done $0x0  }
0x2bf: {  	[sflag:s15] =	ssyncadd.s32 $0xFFFFFF80  }
0x2c0: {  	_ =	swait.ge [sflag:s15], $0x80  }
0x2c1: {  	[sflag:s15] =	ssyncset.done $0x0  }
0x2c2: {  	[sflag:s15] =	ssyncadd.s32 $0xFFFFFF80  }
0x2c3: {  	_ =	swait.ge [sflag:s15], $0x80  }
0x2c4: {  	[sflag:s15] =	ssyncset.done $0x0  }
0x2c5: {  	[sflag:s15] =	ssyncadd.s32 $0xFFFFFF80  }
0x2c6: {  	_ =	swait.ge [sflag:s15], $0x80  }
0x2c7: {  	[sflag:s15] =	ssyncset.done $0x0  }
0x2c8: {  	[sflag:s15] =	ssyncadd.s32 $0xFFFFFF80  }
0x2c9: {  	_ =	swait.ge [sflag:s15], $0x80  }
0x2ca: {  	[sflag:s15] =	ssyncset.done $0x0  }
0x2cb: {  	[sflag:s15] =	ssyncadd.s32 $0xFFFFFF80  }
0x2cc: {  	_ =	swait.ge [sflag:s15], $0x80  }
0x2cd: {  	[sflag:s15] =	ssyncset.done $0x0  }
0x2ce: {  	[sflag:s15] =	ssyncadd.s32 $0xFFFFFF80  }
0x2cf: {  	_ =	swait.ge [sflag:s15], $0x80  }
0x2d0: {  	[sflag:s15] =	ssyncset.done $0x0  }
0x2d1: {  	[sflag:s15] =	ssyncadd.s32 $0xFFFFFF80  }
0x2d2: {  	_ =	swait.ge [sflag:s15], $0x80  }
0x2d3: {  	[sflag:s15] =	ssyncset.done $0x0  }
0x2d4: {  	[sflag:s15] =	ssyncadd.s32 $0xFFFFFF80  }
0x2d5: {  	_ =	strace $0x9000004D  }
0x2d6: {  	v21 =	vimm.s32 $0x0;
	s4 =	simm.s32 $0x0;
	s24 =	simm.s32 $0x119C0;
	_ =	strace $0x8000004E  }
.LBB2_15:
0x2d7: {  	v22 =	vld [tilespmem:s24+$0xFFFFFFC0];
	_ =	sdelay $0x4  }
0x2d8: {  	vm4 =	vlt.s32 v22, $0x186A0  }
0x2d9: {  	v23 =	vsel vm4, $0x1, v15  }
0x2da: {  	v24 =	vperm.xlane v23, v14  }
0x2db: {  	vm3 =	veq.s32 v1, $0x0  }
0x2dc: {  	v24 =	vsel vm3, $0x0, v24  }
0x2dd: {  	v23 =	vadd.s32 v23, v24  }
0x2de: {  	v24 =	vperm.xlane v23, v16;
	_ =	sdelay $0x1  }
0x2df: {  	v24 =	vsel vm0, $0x0, v24  }
0x2e0: {  	v23 =	vadd.s32 v24, v23  }
0x2e1: {  	v24 =	vperm.xlane v23, v17;
	_ =	sdelay $0x1  }
0x2e2: {  	v24 =	vsel vm1, $0x0, v24  }
0x2e3: {  	v23 =	vadd.s32 v24, v23  }
0x2e4: {  	v24 =	vperm.xlane v23, v18;
	_ =	sdelay $0x1  }
0x2e5: {  	v25 =	vsel vm4, $0xFFFFFFFF, v15;
	v24 =	vsel vm2, $0x0, v24  }
0x2e6: {  	v35 =	vadd.s32 v25, v21;
	v23 =	vadd.s32 v24, v23  }
0x2e7: {  	v24 =	vadd.s32 v23, v35  }
0x2e8: {  	v24 =	vsel vm4, v24, v20;
	_ =	sdelay $0x1  }
0x2e9: {  	v22 =	vmul.u32 $0x1B, v22;
	_ =	sdelay $0x1  }
0x2ea: {  	v22 =	vadd.s32 s4, v22  }
0x2eb: {  	[tilespmem:v24+s21+$0x0] =	vst.idx.msk $0xffff, v22  }
0x2ec: {  	[tilespmem:v24+s7+$0x0] =	vst.idx.msk $0xffff, v2  }
0x2ed: {  	v22 =	vld [tilespmem:s24+$0xFFFFFFD0];
	_ =	sdelay $0x4  }
0x2ee: {  	vm12 =	vlt.s32 v22, $0x186A0  }
0x2ef: {  	v36 =	vsel vm12, $0x1, v15  }
0x2f0: {  	v37 =	vperm.xlane v36, v14;
	_ =	sdelay $0x1  }
0x2f1: {  	v25 =	vsel vm3, $0x0, v37  }
0x2f2: {  	v24 =	vadd.s32 v36, v25  }
0x2f3: {  	v25 =	vperm.xlane v24, v16;
	_ =	sdelay $0x1  }
0x2f4: {  	v25 =	vsel vm0, $0x0, v25  }
0x2f5: {  	v24 =	vadd.s32 v25, v24  }
0x2f6: {  	v25 =	vperm.xlane v24, v17;
	_ =	sdelay $0x1  }
0x2f7: {  	v23 =	vperm.xlane v23, v19;
	v25 =	vsel vm1, $0x0, v25  }
0x2f8: {  	v24 =	vadd.s32 v25, v24  }
0x2f9: {  	v21 =	vadd.s32 v21, v23;
	v23 =	vperm.xlane v24, v18  }
0x2fa: {  	vm5 =	vlt.s32 v21, $0x380  }
0x2fb: {  	v21 =	vnsel vm5, $0x380, v21;
	v38 =	vsel vm12, $0xFFFFFFFF, v15;
	v23 =	vsel vm2, $0x0, v23  }
0x2fc: {  	v39 =	vadd.s32 v38, v21;
	v23 =	vadd.s32 v23, v24  }
0x2fd: {  	v24 =	vadd.s32 v23, v39  }
0x2fe: {  	v24 =	vsel vm12, v24, v20;
	_ =	sdelay $0x1  }
0x2ff: {  	v22 =	vmul.u32 $0x1B, v22;
	_ =	sdelay $0x1  }
0x300: {  	v22 =	vadd.s32 s4, v22  }
0x301: {  	[tilespmem:v24+s21+$0x0] =	vst.idx.msk $0xffff, v22  }
0x302: {  	[tilespmem:v24+s7+$0x0] =	vst.idx.msk $0xffff, v3  }
0x303: {  	v22 =	vld [tilespmem:s24+$0xFFFFFFE0];
	_ =	sdelay $0x4  }
0x304: {  	vm13 =	vlt.s32 v22, $0x186A0  }
0x305: {  	v40 =	vsel vm13, $0x1, v15  }
0x306: {  	v41 =	vperm.xlane v40, v14;
	_ =	sdelay $0x1  }
0x307: {  	v25 =	vsel vm3, $0x0, v41  }
0x308: {  	v24 =	vadd.s32 v40, v25  }
0x309: {  	v25 =	vperm.xlane v24, v16;
	_ =	sdelay $0x1  }
0x30a: {  	v25 =	vsel vm0, $0x0, v25  }
0x30b: {  	v24 =	vadd.s32 v25, v24  }
0x30c: {  	v25 =	vperm.xlane v24, v17;
	_ =	sdelay $0x1  }
0x30d: {  	v23 =	vperm.xlane v23, v19;
	v25 =	vsel vm1, $0x0, v25  }
0x30e: {  	v24 =	vadd.s32 v25, v24  }
0x30f: {  	v21 =	vadd.s32 v21, v23;
	v23 =	vperm.xlane v24, v18  }
0x310: {  	vm14 =	vlt.s32 v21, $0x380  }
0x311: {  	v21 =	vnsel vm14, $0x380, v21;
	v42 =	vsel vm13, $0xFFFFFFFF, v15;
	v23 =	vsel vm2, $0x0, v23  }
0x312: {  	v43 =	vadd.s32 v42, v21;
	v23 =	vadd.s32 v23, v24  }
0x313: {  	v24 =	vadd.s32 v23, v43  }
0x314: {  	v24 =	vsel vm13, v24, v20;
	_ =	sdelay $0x1  }
0x315: {  	v22 =	vmul.u32 $0x1B, v22;
	_ =	sdelay $0x1  }
0x316: {  	v22 =	vadd.s32 s4, v22  }
0x317: {  	[tilespmem:v24+s21+$0x0] =	vst.idx.msk $0xffff, v22  }
0x318: {  	[tilespmem:v24+s7+$0x0] =	vst.idx.msk $0xffff, v4  }
0x319: {  	v22 =	vld [tilespmem:s24+$0xFFFFFFF0];
	_ =	sdelay $0x4  }
0x31a: {  	vm15 =	vlt.s32 v22, $0x186A0  }
0x31b: {  	v44 =	vsel vm15, $0x1, v15  }
0x31c: {  	v45 =	vperm.xlane v44, v14;
	_ =	sdelay $0x1  }
0x31d: {  	v25 =	vsel vm3, $0x0, v45  }
0x31e: {  	v24 =	vadd.s32 v44, v25  }
0x31f: {  	v25 =	vperm.xlane v24, v16;
	_ =	sdelay $0x1  }
0x320: {  	v25 =	vsel vm0, $0x0, v25  }
0x321: {  	v24 =	vadd.s32 v25, v24  }
0x322: {  	v25 =	vperm.xlane v24, v17;
	_ =	sdelay $0x1  }
0x323: {  	v23 =	vperm.xlane v23, v19;
	v25 =	vsel vm1, $0x0, v25  }
0x324: {  	v24 =	vadd.s32 v25, v24  }
0x325: {  	v21 =	vadd.s32 v21, v23;
	v23 =	vperm.xlane v24, v18  }
0x326: {  	vm8 =	vlt.s32 v21, $0x380  }
0x327: {  	v21 =	vnsel vm8, $0x380, v21;
	v46 =	vsel vm15, $0xFFFFFFFF, v15;
	v23 =	vsel vm2, $0x0, v23  }
0x328: {  	v47 =	vadd.s32 v46, v21;
	v23 =	vadd.s32 v23, v24  }
0x329: {  	v24 =	vadd.s32 v23, v47  }
0x32a: {  	v24 =	vsel vm15, v24, v20;
	_ =	sdelay $0x1  }
0x32b: {  	v22 =	vmul.u32 $0x1B, v22;
	_ =	sdelay $0x1  }
0x32c: {  	v22 =	vadd.s32 s4, v22  }
0x32d: {  	[tilespmem:v24+s21+$0x0] =	vst.idx.msk $0xffff, v22  }
0x32e: {  	[tilespmem:v24+s7+$0x0] =	vst.idx.msk $0xffff, v5  }
0x32f: {  	v22 =	vld [tilespmem:s24+$0x0];
	_ =	sdelay $0x4  }
0x330: {  	vm9 =	vlt.s32 v22, $0x186A0  }
0x331: {  	v48 =	vsel vm9, $0x1, v15  }
0x332: {  	v49 =	vperm.xlane v48, v14;
	_ =	sdelay $0x1  }
0x333: {  	v25 =	vsel vm3, $0x0, v49  }
0x334: {  	v24 =	vadd.s32 v48, v25  }
0x335: {  	v25 =	vperm.xlane v24, v16;
	_ =	sdelay $0x1  }
0x336: {  	v25 =	vsel vm0, $0x0, v25  }
0x337: {  	v24 =	vadd.s32 v25, v24  }
0x338: {  	v25 =	vperm.xlane v24, v17;
	_ =	sdelay $0x1  }
0x339: {  	v23 =	vperm.xlane v23, v19;
	v25 =	vsel vm1, $0x0, v25  }
0x33a: {  	v24 =	vadd.s32 v25, v24  }
0x33b: {  	v21 =	vadd.s32 v21, v23;
	v23 =	vperm.xlane v24, v18  }
0x33c: {  	vm10 =	vlt.s32 v21, $0x380  }
0x33d: {  	v21 =	vnsel vm10, $0x380, v21;
	v50 =	vsel vm9, $0xFFFFFFFF, v15;
	v23 =	vsel vm2, $0x0, v23  }
0x33e: {  	v51 =	vadd.s32 v50, v21;
	v23 =	vadd.s32 v23, v24  }
0x33f: {  	v24 =	vadd.s32 v23, v51  }
0x340: {  	v24 =	vsel vm9, v24, v20;
	_ =	sdelay $0x1  }
0x341: {  	v22 =	vmul.u32 $0x1B, v22;
	_ =	sdelay $0x1  }
0x342: {  	v22 =	vadd.s32 s4, v22  }
0x343: {  	[tilespmem:v24+s21+$0x0] =	vst.idx.msk $0xffff, v22  }
0x344: {  	[tilespmem:v24+s7+$0x0] =	vst.idx.msk $0xffff, v6  }
0x345: {  	v22 =	vld [tilespmem:s24+$0x10];
	_ =	sdelay $0x4  }
0x346: {  	vm11 =	vlt.s32 v22, $0x186A0  }
0x347: {  	v52 =	vsel vm11, $0x1, v15  }
0x348: {  	v53 =	vperm.xlane v52, v14;
	_ =	sdelay $0x1  }
0x349: {  	v25 =	vsel vm3, $0x0, v53  }
0x34a: {  	v24 =	vadd.s32 v52, v25  }
0x34b: {  	v25 =	vperm.xlane v24, v16;
	_ =	sdelay $0x1  }
0x34c: {  	v25 =	vsel vm0, $0x0, v25  }
0x34d: {  	v24 =	vadd.s32 v25, v24  }
0x34e: {  	v25 =	vperm.xlane v24, v17;
	_ =	sdelay $0x1  }
0x34f: {  	v23 =	vperm.xlane v23, v19;
	v25 =	vsel vm1, $0x0, v25  }
0x350: {  	v24 =	vadd.s32 v25, v24  }
0x351: {  	v21 =	vadd.s32 v21, v23;
	v23 =	vperm.xlane v24, v18  }
0x352: {  	vm12 =	vlt.s32 v21, $0x380  }
0x353: {  	v21 =	vnsel vm12, $0x380, v21;
	v54 =	vsel vm11, $0xFFFFFFFF, v15;
	v23 =	vsel vm2, $0x0, v23  }
0x354: {  	v55 =	vadd.s32 v54, v21;
	v23 =	vadd.s32 v23, v24  }
0x355: {  	v24 =	vadd.s32 v23, v55  }
0x356: {  	v24 =	vsel vm11, v24, v20;
	_ =	sdelay $0x1  }
0x357: {  	v22 =	vmul.u32 $0x1B, v22;
	_ =	sdelay $0x1  }
0x358: {  	v22 =	vadd.s32 s4, v22  }
0x359: {  	[tilespmem:v24+s21+$0x0] =	vst.idx.msk $0xffff, v22  }
0x35a: {  	[tilespmem:v24+s7+$0x0] =	vst.idx.msk $0xffff, v7  }
0x35b: {  	v22 =	vld [tilespmem:s24+$0x20];
	_ =	sdelay $0x4  }
0x35c: {  	vm13 =	vlt.s32 v22, $0x186A0  }
0x35d: {  	v56 =	vsel vm13, $0x1, v15  }
0x35e: {  	v57 =	vperm.xlane v56, v14;
	_ =	sdelay $0x1  }
0x35f: {  	v25 =	vsel vm3, $0x0, v57  }
0x360: {  	v24 =	vadd.s32 v56, v25  }
0x361: {  	v25 =	vperm.xlane v24, v16;
	_ =	sdelay $0x1  }
0x362: {  	v25 =	vsel vm0, $0x0, v25  }
0x363: {  	v24 =	vadd.s32 v25, v24  }
0x364: {  	v25 =	vperm.xlane v24, v17;
	_ =	sdelay $0x1  }
0x365: {  	v23 =	vperm.xlane v23, v19;
	v25 =	vsel vm1, $0x0, v25  }
0x366: {  	v24 =	vadd.s32 v25, v24  }
0x367: {  	v21 =	vadd.s32 v21, v23;
	v23 =	vperm.xlane v24, v18  }
0x368: {  	vm14 =	vlt.s32 v21, $0x380  }
0x369: {  	v21 =	vnsel vm14, $0x380, v21;
	v58 =	vsel vm13, $0xFFFFFFFF, v15;
	v23 =	vsel vm2, $0x0, v23  }
0x36a: {  	v59 =	vadd.s32 v58, v21;
	v23 =	vadd.s32 v23, v24  }
0x36b: {  	v24 =	vadd.s32 v23, v59  }
0x36c: {  	v24 =	vsel vm13, v24, v20;
	_ =	sdelay $0x1  }
0x36d: {  	v22 =	vmul.u32 $0x1B, v22;
	_ =	sdelay $0x1  }
0x36e: {  	v22 =	vadd.s32 s4, v22  }
0x36f: {  	[tilespmem:v24+s21+$0x0] =	vst.idx.msk $0xffff, v22  }
0x370: {  	[tilespmem:v24+s7+$0x0] =	vst.idx.msk $0xffff, v8  }
0x371: {  	v22 =	vld [tilespmem:s24+$0x30];
	_ =	sdelay $0x4  }
0x372: {  	vm15 =	vlt.s32 v22, $0x186A0  }
0x373: {  	v60 =	vsel vm15, $0x1, v15  }
0x374: {  	v61 =	vperm.xlane v60, v14;
	_ =	sdelay $0x1  }
0x375: {  	v25 =	vsel vm3, $0x0, v61  }
0x376: {  	v24 =	vadd.s32 v60, v25  }
0x377: {  	v25 =	vperm.xlane v24, v16;
	_ =	sdelay $0x1  }
0x378: {  	v25 =	vsel vm0, $0x0, v25  }
0x379: {  	v24 =	vadd.s32 v25, v24  }
0x37a: {  	v25 =	vperm.xlane v24, v17;
	_ =	sdelay $0x1  }
0x37b: {  	v23 =	vperm.xlane v23, v19;
	v25 =	vsel vm1, $0x0, v25  }
0x37c: {  	v24 =	vadd.s32 v25, v24  }
0x37d: {  	v21 =	vadd.s32 v21, v23;
	v23 =	vperm.xlane v24, v18  }
0x37e: {  	vm3 =	vlt.s32 v21, $0x380  }
0x37f: {  	v62 =	vsel vm15, $0xFFFFFFFF, v15;
	v21 =	vnsel vm3, $0x380, v21;
	v23 =	vsel vm2, $0x0, v23  }
0x380: {  	v63 =	vadd.s32 v62, v21;
	v23 =	vadd.s32 v23, v24  }
0x381: {  	v24 =	vadd.s32 v23, v63  }
0x382: {  	v24 =	vsel vm15, v24, v20  }
0x383: {  	p0 =	sne.s32 s4, $0x1A  }
.Ltmp6:
0x384: {  	v22 =	vmul.u32 $0x1B, v22;
	v23 =	vperm.xlane v23, v19;
	(pc) =	sbr.rel @p0 .LBB2_15-.Ltmp6, $4  }
0x385: {  	_ = 	snop  }
0x386: {  	v22 =	vadd.s32 s4, v22;
	v21 =	vadd.s32 v21, v23  }
0x387: {  	vm3 =	vlt.s32 v21, $0x380;
	[tilespmem:v24+s21+$0x0] =	vst.idx.msk $0xffff, v22  }
0x388: {  	s24 =	sadd.s32 $0x80, s24;
	s4 =	sadd.s32 $0x1, s4;
	v21 =	vnsel vm3, $0x380, v21;
	[tilespmem:v24+s7+$0x0] =	vst.idx.msk $0xffff, v9  }
0x389: {  	v21 =	vld [tilespmem:$0x19A90]  }
0x38a: {  	v22 =	vld [tilespmem:$0x19AA0]  }
0x38b: {  	v23 =	vld [tilespmem:$0x19AB0]  }
0x38c: {  	v24 =	vld [tilespmem:$0x19AC0]  }
0x38d: {  	v25 =	vld [tilespmem:$0x19AD0]  }
0x38e: {  	[tilespmem:$0x19E20] =	vst v21;
	v21 =	vld [tilespmem:$0x19AE0]  }
0x38f: {  	v44 =	vld [tilespmem:$0x19B10];
	[tilespmem:$0x19E30] =	vst v22  }
0x390: {  	v45 =	vld [tilespmem:$0x19B20];
	[tilespmem:$0x19E40] =	vst v23  }
0x391: {  	v22 =	vld [tilespmem:$0x19AF0];
	[tilespmem:$0x19E50] =	vst v24  }
0x392: {  	v23 =	vld [tilespmem:$0x19B00];
	[tilespmem:$0x19E60] =	vst v25  }
0x393: {  	[tilespmem:$0x19E70] =	vst v21;
	v21 =	vld [tilespmem:$0x19B30]  }
0x394: {  	v46 =	vld [tilespmem:$0x19B60];
	[tilespmem:$0x19EA0] =	vst v44  }
0x395: {  	v47 =	vld [tilespmem:$0x19B70];
	[tilespmem:$0x19EB0] =	vst v45  }
0x396: {  	[tilespmem:$0x19E80] =	vst v22;
	v22 =	vld [tilespmem:$0x19B40]  }
0x397: {  	[tilespmem:$0x19E90] =	vst v23;
	v23 =	vld [tilespmem:$0x19B50]  }
0x398: {  	[tilespmem:$0x19EC0] =	vst v21;
	v21 =	vld [tilespmem:$0x19B80]  }
0x399: {  	v48 =	vld [tilespmem:$0x19BB0];
	[tilespmem:$0x19EF0] =	vst v46  }
0x39a: {  	v49 =	vld [tilespmem:$0x19BC0];
	[tilespmem:$0x19F00] =	vst v47  }
0x39b: {  	[tilespmem:$0x19ED0] =	vst v22;
	v22 =	vld [tilespmem:$0x19B90]  }
0x39c: {  	[tilespmem:$0x19EE0] =	vst v23;
	v23 =	vld [tilespmem:$0x19BA0]  }
0x39d: {  	[tilespmem:$0x19F10] =	vst v21;
	v21 =	vld [tilespmem:$0x19BD0]  }
0x39e: {  	v50 =	vld [tilespmem:$0x19C00];
	[tilespmem:$0x19F40] =	vst v48  }
0x39f: {  	v51 =	vld [tilespmem:$0x19C10];
	[tilespmem:$0x19F50] =	vst v49  }
0x3a0: {  	[tilespmem:$0x19F20] =	vst v22;
	v22 =	vld [tilespmem:$0x19BE0]  }
0x3a1: {  	[tilespmem:$0x19F30] =	vst v23;
	v23 =	vld [tilespmem:$0x19BF0]  }
0x3a2: {  	[tilespmem:$0x19F60] =	vst v21;
	v21 =	vld [tilespmem:$0x19C20]  }
0x3a3: {  	v52 =	vld [tilespmem:$0x19C50];
	[tilespmem:$0x19F90] =	vst v50  }
0x3a4: {  	v53 =	vld [tilespmem:$0x19C60];
	[tilespmem:$0x19FA0] =	vst v51  }
0x3a5: {  	[tilespmem:$0x19F70] =	vst v22;
	v22 =	vld [tilespmem:$0x19C30]  }
0x3a6: {  	[tilespmem:$0x19F80] =	vst v23;
	v23 =	vld [tilespmem:$0x19C40]  }
0x3a7: {  	[tilespmem:$0x19FB0] =	vst v21;
	v21 =	vld [tilespmem:$0x19C70]  }
0x3a8: {  	v54 =	vld [tilespmem:$0x19CA0];
	[tilespmem:$0x19FE0] =	vst v52  }
0x3a9: {  	v55 =	vld [tilespmem:$0x19CB0];
	[tilespmem:$0x19FF0] =	vst v53  }
0x3aa: {  	[tilespmem:$0x19FC0] =	vst v22;
	v22 =	vld [tilespmem:$0x19C80]  }
0x3ab: {  	[tilespmem:$0x19FD0] =	vst v23;
	v23 =	vld [tilespmem:$0x19C90]  }
0x3ac: {  	[tilespmem:$0x1A000] =	vst v21;
	v21 =	vld [tilespmem:$0x19CC0]  }
0x3ad: {  	v56 =	vld [tilespmem:$0x19CF0];
	[tilespmem:$0x1A030] =	vst v54  }
0x3ae: {  	v57 =	vld [tilespmem:$0x19D00];
	[tilespmem:$0x1A040] =	vst v55  }
0x3af: {  	[tilespmem:$0x1A010] =	vst v22;
	v22 =	vld [tilespmem:$0x19CD0]  }
0x3b0: {  	[tilespmem:$0x1A020] =	vst v23;
	v23 =	vld [tilespmem:$0x19CE0]  }
0x3b1: {  	[tilespmem:$0x1A050] =	vst v21;
	v21 =	vld [tilespmem:$0x19D10]  }
0x3b2: {  	v58 =	vld [tilespmem:$0x19D40];
	[tilespmem:$0x1A080] =	vst v56  }
0x3b3: {  	v59 =	vld [tilespmem:$0x19D50];
	[tilespmem:$0x1A090] =	vst v57  }
0x3b4: {  	[tilespmem:$0x1A060] =	vst v22;
	v22 =	vld [tilespmem:$0x19D20]  }
0x3b5: {  	[tilespmem:$0x1A070] =	vst v23;
	v23 =	vld [tilespmem:$0x19D30]  }
0x3b6: {  	[tilespmem:$0x1A0A0] =	vst v21;
	v21 =	vld [tilespmem:$0x19D60]  }
0x3b7: {  	v60 =	vld [tilespmem:$0x19D90];
	[tilespmem:$0x1A0D0] =	vst v58  }
0x3b8: {  	v61 =	vld [tilespmem:$0x19DA0];
	[tilespmem:$0x1A0E0] =	vst v59  }
0x3b9: {  	[tilespmem:$0x1A0B0] =	vst v22;
	v22 =	vld [tilespmem:$0x19D70]  }
0x3ba: {  	[tilespmem:$0x1A0C0] =	vst v23;
	v23 =	vld [tilespmem:$0x19D80]  }
0x3bb: {  	[tilespmem:$0x1A0F0] =	vst v21;
	v21 =	vld [tilespmem:$0x19DB0]  }
0x3bc: {  	v62 =	vld [tilespmem:$0x19DE0];
	[tilespmem:$0x1A120] =	vst v60  }
0x3bd: {  	v63 =	vld [tilespmem:$0x19DF0];
	[tilespmem:$0x1A130] =	vst v61  }
0x3be: {  	[tilespmem:$0x1A100] =	vst v22;
	v22 =	vld [tilespmem:$0x19DC0]  }
0x3bf: {  	[tilespmem:$0x1A110] =	vst v23;
	v23 =	vld [tilespmem:$0x19DD0]  }
0x3c0: {  	[tilespmem:$0x1A140] =	vst v21;
	v21 =	vld [tilespmem:$0x19E00]  }
0x3c1: {  	[tilespmem:$0x1A170] =	vst v62  }
0x3c2: {  	[tilespmem:$0x1A180] =	vst v63  }
0x3c3: {  	[tilespmem:$0x1A150] =	vst v22  }
0x3c4: {  	[tilespmem:$0x1A160] =	vst v23  }
0x3c5: {  	[tilespmem:$0x1A190] =	vst v21  }
0x3c6: {  	_ =	strace $0x9000004E  }
0x3c7: {  	_ =	strace $0x8000004F  }
0x3c8: {  	[tilespmem:s29], [sflag:$0x1] =	stream.indirect.gather [hbm4b:s5+s20], $0x20, s21, s20, $0x2000b8;
	[tilespmem:$0x1C530] =	vst v63  }
0x3c9: {  	s0 =	simm.s32 $0x19740;
	s2 =	simm.s32 $0x12F00  }
0x3ca: {  	[tilespmem:s2], [sflag:$0x1] =	stream.indirect.gather [hbm4b:s5+s20], $0x20, s0, s20, $0x2000b8;
	[tilespmem:$0x1C530] =	vst v63  }
0x3cb: {  	s24 =	simm.s32 $0x19780  }
0x3cc: {  	[tilespmem:s13], [sflag:$0x1] =	stream.indirect.gather [hbm4b:s5+s20], $0x20, s24, s20, $0x2000b8;
	[tilespmem:$0x1C530] =	vst v63  }
0x3cd: {  	s26 =	simm.s32 $0x197C0;
	s31 =	simm.s32 $0x13F00  }
0x3ce: {  	[tilespmem:s31], [sflag:$0x1] =	stream.indirect.gather [hbm4b:s5+s20], $0x20, s26, s20, $0x2000b8;
	[tilespmem:$0x1C530] =	vst v63  }
0x3cf: {  	s2 =	simm.s32 $0x19800  }
0x3d0: {  	[tilespmem:s17], [sflag:$0x1] =	stream.indirect.gather [hbm4b:s5+s20], $0x20, s2, s20, $0x2000b8;
	[tilespmem:$0x1C530] =	vst v63  }
0x3d1: {  	s4 =	simm.s32 $0x19840;
	s8 =	simm.s32 $0x14F00  }
0x3d2: {  	[tilespmem:s8], [sflag:$0x1] =	stream.indirect.gather [hbm4b:s5+s20], $0x20, s4, s20, $0x2000b8;
	[tilespmem:$0x1C530] =	vst v63  }
0x3d3: {  	s24 =	simm.s32 $0x19880  }
0x3d4: {  	[tilespmem:s19], [sflag:$0x1] =	stream.indirect.gather [hbm4b:s5+s20], $0x20, s24, s20, $0x2000b8;
	[tilespmem:$0x1C530] =	vst v63  }
0x3d5: {  	s26 =	simm.s32 $0x198C0;
	s31 =	simm.s32 $0x15F00  }
0x3d6: {  	[tilespmem:s31], [sflag:$0x1] =	stream.indirect.gather [hbm4b:s5+s20], $0x20, s26, s20, $0x2000b8;
	[tilespmem:$0x1C530] =	vst v63  }
0x3d7: {  	s2 =	simm.s32 $0x19900  }
0x3d8: {  	[tilespmem:s28], [sflag:$0x1] =	stream.indirect.gather [hbm4b:s5+s20], $0x20, s2, s20, $0x2000b8;
	[tilespmem:$0x1C530] =	vst v63  }
0x3d9: {  	s4 =	simm.s32 $0x19940;
	s8 =	simm.s32 $0x16F00  }
0x3da: {  	[tilespmem:s8], [sflag:$0x1] =	stream.indirect.gather [hbm4b:s5+s20], $0x20, s4, s20, $0x2000b8;
	[tilespmem:$0x1C530] =	vst v63  }
0x3db: {  	s24 =	simm.s32 $0x19980  }
0x3dc: {  	[tilespmem:s14], [sflag:$0x1] =	stream.indirect.gather [hbm4b:s5+s20], $0x20, s24, s20, $0x2000b8;
	[tilespmem:$0x1C530] =	vst v63  }
0x3dd: {  	s26 =	simm.s32 $0x199C0;
	s31 =	simm.s32 $0x17F00  }
0x3de: {  	[tilespmem:s31], [sflag:$0x1] =	stream.indirect.gather [hbm4b:s5+s20], $0x20, s26, s20, $0x2000b8;
	[tilespmem:$0x1C530] =	vst v63  }
0x3df: {  	s2 =	simm.s32 $0x19A00  }
0x3e0: {  	[tilespmem:s18], [sflag:$0x1] =	stream.indirect.gather [hbm4b:s5+s20], $0x20, s2, s20, $0x2000b8;
	[tilespmem:$0x1C530] =	vst v63  }
0x3e1: {  	s4 =	simm.s32 $0x19A40;
	s8 =	simm.s32 $0x18F00  }
0x3e2: {  	[tilespmem:s8], [sflag:$0x1] =	stream.indirect.gather [hbm4b:s5+s20], $0x20, s4, s20, $0x2000b8;
	[tilespmem:$0x1C530] =	vst v63  }
0x3e3: {  	_ =	swait.ge [sflag:s15], $0x800  }
0x3e4: {  	[sflag:s15] =	ssyncset.done $0x0  }
0x3e5: {  	[sflag:s15] =	ssyncadd.s32 $0xFFFFF800  }
0x3e6: {  	_ =	swait.ge [sflag:s15], $0x800  }
0x3e7: {  	[sflag:s15] =	ssyncset.done $0x0  }
0x3e8: {  	[sflag:s15] =	ssyncadd.s32 $0xFFFFF800  }
0x3e9: {  	_ =	swait.ge [sflag:s15], $0x800  }
0x3ea: {  	[sflag:s15] =	ssyncset.done $0x0  }
0x3eb: {  	[sflag:s15] =	ssyncadd.s32 $0xFFFFF800  }
0x3ec: {  	_ =	swait.ge [sflag:s15], $0x800  }
0x3ed: {  	[sflag:s15] =	ssyncset.done $0x0  }
0x3ee: {  	[sflag:s15] =	ssyncadd.s32 $0xFFFFF800  }
0x3ef: {  	_ =	swait.ge [sflag:s15], $0x800  }
0x3f0: {  	[sflag:s15] =	ssyncset.done $0x0  }
0x3f1: {  	[sflag:s15] =	ssyncadd.s32 $0xFFFFF800  }
0x3f2: {  	_ =	swait.ge [sflag:s15], $0x800  }
0x3f3: {  	[sflag:s15] =	ssyncset.done $0x0  }
0x3f4: {  	[sflag:s15] =	ssyncadd.s32 $0xFFFFF800  }
0x3f5: {  	_ =	swait.ge [sflag:s15], $0x800  }
0x3f6: {  	[sflag:s15] =	ssyncset.done $0x0  }
0x3f7: {  	[sflag:s15] =	ssyncadd.s32 $0xFFFFF800  }
0x3f8: {  	_ =	swait.ge [sflag:s15], $0x800  }
0x3f9: {  	[sflag:s15] =	ssyncset.done $0x0  }
0x3fa: {  	[sflag:s15] =	ssyncadd.s32 $0xFFFFF800  }
0x3fb: {  	_ =	swait.ge [sflag:s15], $0x800  }
0x3fc: {  	[sflag:s15] =	ssyncset.done $0x0  }
0x3fd: {  	[sflag:s15] =	ssyncadd.s32 $0xFFFFF800  }
0x3fe: {  	_ =	swait.ge [sflag:s15], $0x800  }
0x3ff: {  	[sflag:s15] =	ssyncset.done $0x0  }
0x400: {  	[sflag:s15] =	ssyncadd.s32 $0xFFFFF800  }
0x401: {  	_ =	swait.ge [sflag:s15], $0x800  }
0x402: {  	[sflag:s15] =	ssyncset.done $0x0  }
0x403: {  	[sflag:s15] =	ssyncadd.s32 $0xFFFFF800  }
0x404: {  	_ =	swait.ge [sflag:s15], $0x800  }
0x405: {  	[sflag:s15] =	ssyncset.done $0x0  }
0x406: {  	[sflag:s15] =	ssyncadd.s32 $0xFFFFF800  }
0x407: {  	_ =	swait.ge [sflag:s15], $0x800  }
0x408: {  	[sflag:s15] =	ssyncset.done $0x0  }
0x409: {  	[sflag:s15] =	ssyncadd.s32 $0xFFFFF800  }
0x40a: {  	_ =	swait.ge [sflag:s15], $0x800  }
0x40b: {  	[sflag:s15] =	ssyncset.done $0x0  }
0x40c: {  	[sflag:s15] =	ssyncadd.s32 $0xFFFFF800  }
0x40d: {  	_ =	strace $0x9000004F  }
0x40e: {  	_ =	strace $0x80000050  }
0x40f: {  	_ =	swait.ge [sflag:s25], $0x1100  }
0x410: {  	[sflag:s25] =	ssyncset.done $0x0  }
0x411: {  	s24 =	simm.s32 $0x19E20;
	[sflag:s25] =	ssyncadd.s32 $0xFFFFEF00  }
0x412: {  	[spmem:s3] =	stream.indirect.scatter.add.f32 [tilespmem:s29], [sflag:$0x1], $0x20, s24, s10, $0x2000b8;
	[tilespmem:$0x1C530] =	vst v63  }
0x413: {  	s26 =	simm.s32 $0x19EA0  }
0x414: {  	[spmem:s3] =	stream.indirect.scatter.add.f32 [tilespmem:s13], [sflag:$0x1], $0x20, s26, s10, $0x2000b8;
	[tilespmem:$0x1C530] =	vst v63  }
0x415: {  	s31 =	simm.s32 $0x19F20  }
0x416: {  	[spmem:s3] =	stream.indirect.scatter.add.f32 [tilespmem:s17], [sflag:$0x1], $0x20, s31, s10, $0x2000b8;
	[tilespmem:$0x1C530] =	vst v63  }
0x417: {  	s2 =	simm.s32 $0x19FA0  }
0x418: {  	[spmem:s3] =	stream.indirect.scatter.add.f32 [tilespmem:s19], [sflag:$0x1], $0x20, s2, s10, $0x2000b8;
	[tilespmem:$0x1C530] =	vst v63  }
0x419: {  	s4 =	simm.s32 $0x1A020  }
0x41a: {  	[spmem:s3] =	stream.indirect.scatter.add.f32 [tilespmem:s28], [sflag:$0x1], $0x20, s4, s10, $0x2000b8;
	[tilespmem:$0x1C530] =	vst v63  }
0x41b: {  	s8 =	simm.s32 $0x1A0A0  }
0x41c: {  	[spmem:s3] =	stream.indirect.scatter.add.f32 [tilespmem:s14], [sflag:$0x1], $0x20, s8, s10, $0x2000b8;
	[tilespmem:$0x1C530] =	vst v63  }
0x41d: {  	s24 =	simm.s32 $0x1A120  }
0x41e: {  	[spmem:s3] =	stream.indirect.scatter.add.f32 [tilespmem:s18], [sflag:$0x1], $0x20, s24, s10, $0x2000b8;
	[tilespmem:$0x1C530] =	vst v63  }
0x41f: {  	_ =	swait.ge [sflag:s15], $0x1000  }
0x420: {  	[sflag:s15] =	ssyncset.done $0x0  }
0x421: {  	[sflag:s15] =	ssyncadd.s32 $0xFFFFF000  }
0x422: {  	_ =	swait.ge [sflag:s15], $0x1000  }
0x423: {  	[sflag:s15] =	ssyncset.done $0x0  }
0x424: {  	[sflag:s15] =	ssyncadd.s32 $0xFFFFF000  }
0x425: {  	_ =	swait.ge [sflag:s15], $0x1000  }
0x426: {  	[sflag:s15] =	ssyncset.done $0x0  }
0x427: {  	[sflag:s15] =	ssyncadd.s32 $0xFFFFF000  }
0x428: {  	_ =	swait.ge [sflag:s15], $0x1000  }
0x429: {  	[sflag:s15] =	ssyncset.done $0x0  }
0x42a: {  	[sflag:s15] =	ssyncadd.s32 $0xFFFFF000  }
0x42b: {  	_ =	swait.ge [sflag:s15], $0x1000  }
0x42c: {  	[sflag:s15] =	ssyncset.done $0x0  }
0x42d: {  	[sflag:s15] =	ssyncadd.s32 $0xFFFFF000  }
0x42e: {  	_ =	swait.ge [sflag:s15], $0x1000  }
0x42f: {  	[sflag:s15] =	ssyncset.done $0x0  }
0x430: {  	[sflag:s15] =	ssyncadd.s32 $0xFFFFF000  }
0x431: {  	s9 =	sadd.s32 $0x1, s9;
	_ =	swait.ge [sflag:s15], $0x1000  }
0x432: {  	p0 =	sne.s32 s9, $0x19;
	s26 =	sadd.s32 s16, s23;
	[sflag:s15] =	ssyncset.done $0x0  }
0x433: {  	s0 =	sshll.u32 s26, $0x2;
	s31 =	stileid.u32;
	[sflag:s15] =	ssyncadd.s32 $0xFFFFF000  }
0x434: {  	s0 =	sadd.s32 s6, s0;
	s2 =	sshll.u32 s31, $0x6;
	_ =	strace $0x90000050  }
0x435: {  	s2 =	sor.u32 $0x1C03, s2;
	s4 =	sshrl.u32 s22, $0x3;
	_ =	strace $0x80000051  }
0x436: {  	[hbm:s0], [sflag:s2] =	dma.local [spmem:s4], $0x200  }
.Ltmp7:
0x437: {  	_ = 	snop;
	(pc) =	sbr.rel @p0 .LBB2_10-.Ltmp7, $4  }
0x438: {  	_ =	swait.ge [sflag:s30], $0x200  }
0x439: {  	[sflag:s30] =	ssyncset.done $0x0  }
0x43a: {  	[sflag:s30] =	ssyncadd.s32 $0xFFFFFE00  }
0x43b: {  	_ =	strace $0x90000051  }
0x43c: {  	s23 =	rddreg [dreg:$0x5]  }
0x43d: {  	s0 =	rddreg [dreg:$0x14];
	s23 =	sadd.s32 $0x1, s23  }
0x43e: {  	p0 =	sne.s32 s23, s0  }
.Ltmp8:
0x43f: {  	_ = 	snop;
	(pc) =	sbr.rel @p0 .LBB2_1-.Ltmp8, $1  }
0x440: {  	_ =	sdelay $0x3  }
0x441: {  	_ =	sfence.sel $0x180000  }
0x442: {  	[bflag:$0x0] =	sbarrier.arrive $0xFFFF  }
0x443: {  	_ =	strace $0x90000047  }
0x444: {  	s0 =	stileid.u32;
	[bflag:$0x2] =	sbarrier.arrive $0xFFFF  }
0x445: {  	p0 =	sne.s32 s0, $0x0;
	s0 =	rddreg [dreg:$0x4]  }
0x446: {  	s0 =	sadd.s32 @!p0 $0x100000, s0  }
0x447: {  	[sflag:s0] =	ssyncadd.tile.s32 @!p0 $0x1;
	_ =	shalt  }
.Lfunc_end2:
_tile_overlayer_lowered:
.L_overlay_start_2:
0x448: {  	(tag) =	ssettag $0x2  }
0x449: {  	s0 =	rddreg [dreg:$0x0];
	s2 =	stileid.u32  }
0x44a: {  	s1 =	rddreg [dreg:$0x1];
	p0 =	sne.s32 s2, $0x0  }
0x44b: {  	s3 =	rddreg [dreg:$0x2];
	[bflag:$0x3] =	sbarrier.arrive $0xFFFF;
	s2 =	simm.s32 @!p0 $0x1C03  }
0x44c: {  	[timem:s3], [sflag:s2] =	dma.local @!p0 [hbm:s0], s1  }
0x44d: {  	s0 =	simm.s32 @!p0 $0x3  }
0x44e: {  	_ =	swait.ge @!p0 [sflag:s0], s1  }
0x44f: {  	s1 =	ssub.s32 @!p0 $0x0, s1;
	[sflag:s0] =	ssyncset.done @!p0 $0x0  }
0x450: {  	[sflag:s0] =	ssyncadd.s32 @!p0 s1  }
0x451: {  	[bflag:$0x3] =	sbarrier.arrive $0xFFFF  }
0x452: {  	_ =	shalt  }

</sc_bundles>
